<compile_context>
chip_gen: v7x
topology: tpu7x:2x2x1
jax: 0.10.2.dev20260603
libtpu: 0.0.44.dev20260713+nightly
codegen_flags: <defaults>
</compile_context>

<pallas_src>
import functools

import jax
import jax.numpy as jnp
from jax import lax
from jax.experimental import pallas as pl
from jax.experimental.pallas import tpu as pltpu
from jax.experimental.pallas import tpu_sc as plsc

N = 100000
KVOL = 27
C = 16
KP = 32
BM = 2000
NBLK = N // BM
JBLK = (KP * C) // 128

NP = 102400
GPC = 16
CHUNK = GPC * 128
CPK = NP // CHUNK
NCHUNK = KVOL * CPK
CPC = NCHUNK // 2
ITERS = -(-CPC // 16)
NACC = 100128
PTROWS = NACC // 16
ZROWS = 2048


def _tc_transform(in_feats, W2p):

    def body(x_ref, w_ref, o_ref):
        o_ref[...] = jnp.dot(x_ref[...], w_ref[...],
                             preferred_element_type=jnp.float32
                             ).astype(jnp.bfloat16)[None]

    return pl.pallas_call(
        body,
        grid=(NBLK * JBLK,),
        in_specs=[
            pl.BlockSpec((BM, C), lambda g: (g // JBLK, 0)),
            pl.BlockSpec((C, 128), lambda g: (0, g % JBLK)),
        ],
        out_specs=pl.BlockSpec((1, BM, 128), lambda g: (g % JBLK, g // JBLK, 0)),
        out_shape=jax.ShapeDtypeStruct((JBLK, N, 128), jnp.bfloat16),
    )(in_feats, W2p)


def _sc_gather_scatter(trans_flat, gidx, sidx, zsrc):
    mesh = plsc.VectorSubcoreMesh(core_axis_name="c", subcore_axis_name="s")

    @functools.partial(
        pl.kernel,
        out_type=jax.ShapeDtypeStruct((2, NACC, C), jnp.bfloat16),
        mesh=mesh,
        scratch_types=[
            pltpu.VMEM((GPC, 128), jnp.int32),
            pltpu.VMEM((GPC, 128), jnp.int32),
            pltpu.VMEM((GPC, 128), jnp.int32),
            pltpu.VMEM((GPC, 128), jnp.int32),
            pltpu.VMEM((CHUNK, C), jnp.bfloat16),
            pltpu.VMEM((CHUNK, C), jnp.bfloat16),
            pltpu.VMEM_SHARED((NACC, C), jnp.bfloat16),
            pltpu.SemaphoreType.DMA,
            pltpu.SemaphoreType.DMA,
            pltpu.SemaphoreType.DMA,
            pltpu.SemaphoreType.DMA,
            pltpu.SemaphoreType.DMA,
            pltpu.SemaphoreType.DMA,
        ],
        compiler_params=pltpu.CompilerParams(use_tc_tiling_on_sc=False),
    )
    def sck(trans_hbm, gidx_hbm, sidx_hbm, zsrc_hbm, part_hbm,
            gbufA, gbufB, sbufA, sbufB, rowsA, rowsB,
            acc, isemA, isemB, gsemA, gsemB, ssemA, ssemB):
        cid = lax.axis_index("c")
        sid = lax.axis_index("s")

        zbase = sid * PTROWS
        for zo in range(0, PTROWS - ZROWS + 1, ZROWS):
            pltpu.sync_copy(zsrc_hbm,
                            acc.at[pl.ds(zbase + zo, ZROWS), :])
        ztail = PTROWS % ZROWS
        pltpu.sync_copy(zsrc_hbm.at[pl.ds(0, ztail), :],
                        acc.at[pl.ds(zbase + PTROWS - ztail, ztail), :])
        plsc.subcore_barrier()

        def load_idx(row, gbuf, sbuf, isem):
            return [
                pltpu.async_copy(gidx_hbm.at[pl.ds(row, GPC), :],
                                 gbuf, isem),
                pltpu.async_copy(sidx_hbm.at[pl.ds(row, GPC), :],
                                 sbuf, isem),
            ]

        def fire_gathers(gbuf, rows, gsem):
            return [
                pltpu.async_copy(trans_hbm.at[gbuf.at[j]],
                                 rows.at[pl.ds(j * 128, 128), :], gsem)
                for j in range(GPC)
            ]

        def fire_scatters(rows, sbuf, ssem):
            return [
                pltpu.async_copy(rows.at[pl.ds(j * 128, 128), :],
                                 acc.at[sbuf.at[j]],
                                 ssem, add=True)
                for j in range(GPC)
            ]

        base = cid * CPC

        def pair_body(ii, _):
            rA = sid + 16 * (2 * ii)
            rB = sid + 16 * (2 * ii + 1)
            rowA = (base + rA) * GPC
            rowB = (base + rB) * GPC
            onA = rA < CPC
            onB = rB < CPC
            dIA, dIB, dGA, dGB, dSA, dSB = [], [], [], [], [], []

            @pl.when(onA)
            def _():
                dIA.extend(load_idx(rowA, gbufA, sbufA, isemA))

            @pl.when(onB)
            def _():
                dIB.extend(load_idx(rowB, gbufB, sbufB, isemB))

            @pl.when(onA)
            def _():
                for d in dIA:
                    d.wait()
                dGA.extend(fire_gathers(gbufA, rowsA, gsemA))

            @pl.when(onB)
            def _():
                for d in dIB:
                    d.wait()

            @pl.when(onA)
            def _():
                for d in dGA:
                    d.wait()
                dSA.extend(fire_scatters(rowsA, sbufA, ssemA))

            @pl.when(onB)
            def _():
                dGB.extend(fire_gathers(gbufB, rowsB, gsemB))

            @pl.when(onA)
            def _():
                for d in dSA:
                    d.wait()

            @pl.when(onB)
            def _():
                for d in dGB:
                    d.wait()
                dSB.extend(fire_scatters(rowsB, sbufB, ssemB))
                for d in dSB:
                    d.wait()

            return 0

        lax.fori_loop(0, (ITERS + 1) // 2, pair_body, 0)
        plsc.subcore_barrier()

        pltpu.sync_copy(acc.at[pl.ds(sid * PTROWS, PTROWS), :],
                        part_hbm.at[cid, pl.ds(sid * PTROWS, PTROWS), :])

    return sck(trans_flat, gidx, sidx, zsrc)


def _tc_epilogue(parts_v, in128, b128):

    def body(p_ref, x_ref, b_ref, o_ref):
        p0 = p_ref[0][: N // 8].astype(jnp.float32)
        p1 = p_ref[1][: N // 8].astype(jnp.float32)
        s = p0 + p1 + b_ref[...]
        o_ref[...] = jnp.maximum(s, 0.0) * x_ref[...]

    return pl.pallas_call(
        body,
        grid=(1,),
        in_specs=[
            pl.BlockSpec((2, NACC // 8, 128), lambda i: (0, 0, 0)),
            pl.BlockSpec((N // 8, 128), lambda i: (0, 0)),
            pl.BlockSpec((1, 128), lambda i: (0, 0)),
        ],
        out_specs=pl.BlockSpec((N // 8, 128), lambda i: (0, 0)),
        out_shape=jax.ShapeDtypeStruct((N // 8, 128), jnp.float32),
    )(parts_v, in128, b128)


def kernel(in_feats, in_idx, out_idx, W, b):
    W2 = W.transpose(1, 0, 2).reshape(C, KVOL * C)
    W2p = jnp.pad(W2, ((0, 0), (0, (KP - KVOL) * C)))
    trans128 = _tc_transform(in_feats, W2p)
    koff = jnp.arange(KVOL, dtype=jnp.int32)[:, None]
    gflat = (in_idx << 3) + ((koff >> 3) * (8 * N) + (koff & 7))
    gidx = jnp.pad(gflat, ((0, 0), (0, NP - N))).reshape(NCHUNK * GPC, 128)
    padv = N + (jnp.arange(NP - N, dtype=jnp.int32) % 128)
    sidx = jnp.concatenate(
        [out_idx, jnp.broadcast_to(padv, (KVOL, NP - N))],
        axis=1).reshape(NCHUNK * GPC, 128)
    zsrc = jnp.zeros((ZROWS, C), jnp.bfloat16)
    parts = _sc_gather_scatter(
        trans128.reshape(N * KP * C // 16, C), gidx, sidx, zsrc)
    out128 = _tc_epilogue(parts.reshape(2, NACC // 8, 128),
                          in_feats.reshape(N // 8, 128),
                          jnp.tile(b, 8).reshape(1, 128))
    return out128.reshape(N, C)

# --- scband reference (transcript-rebuilt; emitter-appended) ---
"""Pipeline reference for scband-middle-encoder-9268539425522 (READ-ONLY COPY).

The authoritative reference and input builder live on the scoring server;
editing this copy changes nothing except your own understanding.
"""

import jax, jax.numpy as jnp
import numpy as np

N = 100000
KVOL = 27
CIN = 16
COUT = 16

def setup_inputs(seed: int = 0) -> dict:
    key = jax.random.key(seed)
    k1, k2, k3, k4, k5 = jax.random.split(key, 5)
    in_feats = jax.random.normal(k1, (N, CIN), dtype=jnp.float32)
    # precomputed spconv rulebook: for each of the 27 kernel offsets, a
    # (gather source voxel, scatter destination voxel) index pair list.
    in_idx = jax.random.randint(k2, (KVOL, N), 0, N, dtype=jnp.int32)
    out_idx = jax.random.randint(k3, (KVOL, N), 0, N, dtype=jnp.int32)
    # fused conv+bn weight, reshaped to (kvol, cin, cout) as in fused_weight_bias
    W = jax.random.normal(k4, (KVOL, CIN, COUT), dtype=jnp.float32) * 0.05
    b = jax.random.normal(k5, (COUT,), dtype=jnp.float32) * 0.01
    return {"in_feats": in_feats, "in_idx": in_idx, "out_idx": out_idx, "W": W, "b": b}

def reference(in_feats, in_idx, out_idx, W, b):
    # spconv_mm core: per kernel-offset gather -> small matmul -> scatter-add
    gathered = jnp.take(in_feats, in_idx, axis=0)            # [KVOL, N, CIN]
    contrib = jnp.einsum('knc,kco->kno', gathered, W)        # [KVOL, N, COUT]
    out = jnp.zeros((in_feats.shape[0], W.shape[2]), dtype=in_feats.dtype)
    out = out.at[out_idx.reshape(-1)].add(contrib.reshape(-1, W.shape[2]))
    # fused bias (from folded batchnorm) + activation (InferSpConvModule.act)
    out = jax.nn.relu(out + b)
    # ReconBlock-style gating: elementwise multiply with the block input
    out = out * in_feats
    return out

if __name__ == "__main__":
    import jax
    _d = setup_inputs()
    print(jax.jit(kernel)(*tuple(_d.values())))

</pallas_src>

<mosaic_0001>
#map = affine_map<(d0, d1) -> (0, 0)>
#map1 = affine_map<(d0, d1) -> (0)>
#map2 = affine_map<(d0, d1) -> (0, 0, 0)>
module attributes {stable_mosaic.version = 14 : i64} {
  func.func @_rewritten_body(%arg0: i32, %arg1: i32, %arg2: memref<3200000x16xbf16, #tpu.memory_space<hbm>>, %arg3: memref<21600x128xi32, #tpu.memory_space<hbm>>, %arg4: memref<21600x128xi32, #tpu.memory_space<hbm>>, %arg5: memref<2048x16xbf16, #tpu.memory_space<hbm>>, %arg6: memref<1xi32, #tpu.memory_space<hbm>>, %arg7: memref<1xi32, #tpu.memory_space<hbm>>, %arg8: memref<1xi32, #tpu.memory_space<hbm>>, %arg9: memref<1xi32, #tpu.memory_space<hbm>>, %arg10: memref<1xi32, #tpu.memory_space<hbm>>, %arg11: memref<1xi32, #tpu.memory_space<hbm>>, %arg12: memref<1xi32, #tpu.memory_space<hbm>>, %arg13: memref<1xi32, #tpu.memory_space<hbm>>, %arg14: memref<1xi32, #tpu.memory_space<hbm>>, %arg15: memref<1xi32, #tpu.memory_space<hbm>>, %arg16: memref<1xi32, #tpu.memory_space<hbm>>, %arg17: memref<1xi32, #tpu.memory_space<hbm>>, %arg18: memref<1xi32, #tpu.memory_space<hbm>>, %arg19: memref<1xi32, #tpu.memory_space<hbm>>, %arg20: memref<1xi32, #tpu.memory_space<hbm>>, %arg21: memref<1xi32, #tpu.memory_space<hbm>>, %arg22: memref<1xi32, #tpu.memory_space<hbm>>, %arg23: memref<1xi32, #tpu.memory_space<hbm>>, %arg24: memref<1xi32, #tpu.memory_space<hbm>>, %arg25: memref<1xi32, #tpu.memory_space<hbm>>, %arg26: memref<1xi32, #tpu.memory_space<hbm>>, %arg27: memref<1xi32, #tpu.memory_space<hbm>>, %arg28: memref<1xi32, #tpu.memory_space<hbm>>, %arg29: memref<1xi32, #tpu.memory_space<hbm>>, %arg30: memref<1xi32, #tpu.memory_space<hbm>>, %arg31: memref<1xi32, #tpu.memory_space<hbm>>, %arg32: memref<1xi32, #tpu.memory_space<hbm>>, %arg33: memref<1xi32, #tpu.memory_space<hbm>>, %arg34: memref<1xi32, #tpu.memory_space<hbm>>, %arg35: memref<1xi32, #tpu.memory_space<hbm>>, %arg36: memref<1xi32, #tpu.memory_space<hbm>>, %arg37: memref<1xi32, #tpu.memory_space<hbm>>, %arg38: memref<1xi32, #tpu.memory_space<hbm>>, %arg39: memref<1xi32, #tpu.memory_space<hbm>>, %arg40: memref<1xi32, #tpu.memory_space<hbm>>, %arg41: memref<1xi32, #tpu.memory_space<hbm>>, %arg42: memref<1xi32, #tpu.memory_space<hbm>>, %arg43: memref<1xi32, #tpu.memory_space<hbm>>, %arg44: memref<1xi32, #tpu.memory_space<hbm>>, %arg45: memref<1xi32, #tpu.memory_space<hbm>>, %arg46: memref<1xi32, #tpu.memory_space<hbm>>, %arg47: memref<1xi32, #tpu.memory_space<hbm>>, %arg48: memref<1xi32, #tpu.memory_space<hbm>>, %arg49: memref<1xi32, #tpu.memory_space<hbm>>, %arg50: memref<1xi32, #tpu.memory_space<hbm>>, %arg51: memref<1xi32, #tpu.memory_space<hbm>>, %arg52: memref<1xi32, #tpu.memory_space<hbm>>, %arg53: memref<1xi32, #tpu.memory_space<hbm>>, %arg54: memref<2x100128x16xbf16, #tpu.memory_space<hbm>>, %arg55: memref<16x128xi32, #tpu.memory_space<vmem>>, %arg56: memref<16x128xi32, #tpu.memory_space<vmem>>, %arg57: memref<16x128xi32, #tpu.memory_space<vmem>>, %arg58: memref<16x128xi32, #tpu.memory_space<vmem>>, %arg59: memref<2048x16xbf16, #tpu.memory_space<vmem>>, %arg60: memref<2048x16xbf16, #tpu.memory_space<vmem>>, %arg61: memref<100128x16xbf16, #tpu.memory_space<vmem_shared>>, %arg62: memref<!tpu.dma_semaphore, #tpu.memory_space<semaphore_mem>>, %arg63: memref<!tpu.dma_semaphore, #tpu.memory_space<semaphore_mem>>, %arg64: memref<!tpu.dma_semaphore, #tpu.memory_space<semaphore_mem>>, %arg65: memref<!tpu.dma_semaphore, #tpu.memory_space<semaphore_mem>>, %arg66: memref<!tpu.dma_semaphore, #tpu.memory_space<semaphore_mem>>, %arg67: memref<!tpu.dma_semaphore, #tpu.memory_space<semaphore_mem>>) attributes {dimension_semantics = [#tpu.dimension_semantics<core_parallel>, #tpu.dimension_semantics<subcore_parallel>], iteration_bounds = array<i64: 2, 16>, scalar_prefetch = 0 : i64, scratch_operands = 13 : i64, tpu.core_type = #tpu.core_type<sc_vector_subcore>, window_params = [{transform_indices = #map}, {transform_indices = #map}, {transform_indices = #map}, {transform_indices = #map}, {transform_indices = #map1}, {transform_indices = #map1}, {transform_indices = #map1}, {transform_indices = #map1}, {transform_indices = #map1}, {transform_indices = #map1}, {transform_indices = #map1}, {transform_indices = #map1}, {transform_indices = #map1}, {transform_indices = #map1}, {transform_indices = #map1}, {transform_indices = #map1}, {transform_indices = #map1}, {transform_indices = #map1}, {transform_indices = #map1}, {transform_indices = #map1}, {transform_indices = #map1}, {transform_indices = #map1}, {transform_indices = #map1}, {transform_indices = #map1}, {transform_indices = #map1}, {transform_indices = #map1}, {transform_indices = #map1}, {transform_indices = #map1}, {transform_indices = #map1}, {transform_indices = #map1}, {transform_indices = #map1}, {transform_indices = #map1}, {transform_indices = #map1}, {transform_indices = #map1}, {transform_indices = #map1}, {transform_indices = #map1}, {transform_indices = #map1}, {transform_indices = #map1}, {transform_indices = #map1}, {transform_indices = #map1}, {transform_indices = #map1}, {transform_indices = #map1}, {transform_indices = #map1}, {transform_indices = #map1}, {transform_indices = #map1}, {transform_indices = #map1}, {transform_indices = #map1}, {transform_indices = #map1}, {transform_indices = #map1}, {transform_indices = #map1}, {transform_indices = #map1}, {transform_indices = #map1}, {transform_indices = #map2}]} {
    %empty_ref3A = memref.alloca() : memref<16xi32, #tpu.memory_space<vmem>>
    %empty_ref3A_0 = memref.alloca() : memref<16xi32, #tpu.memory_space<vmem>>
    %empty_ref3A_1 = memref.alloca() : memref<16xi32, #tpu.memory_space<vmem>>
    %empty_ref3A_2 = memref.alloca() : memref<16xi32, #tpu.memory_space<vmem>>
    %empty_ref3A_3 = memref.alloca() : memref<16xi32, #tpu.memory_space<vmem>>
    %empty_ref3A_4 = memref.alloca() : memref<16xi32, #tpu.memory_space<vmem>>
    %empty_ref3A_5 = memref.alloca() : memref<16xi32, #tpu.memory_space<vmem>>
    %empty_ref3A_6 = memref.alloca() : memref<16xi32, #tpu.memory_space<vmem>>
    %empty_ref3A_7 = memref.alloca() : memref<16xi32, #tpu.memory_space<vmem>>
    %empty_ref3A_8 = memref.alloca() : memref<16xi32, #tpu.memory_space<vmem>>
    %empty_ref3A_9 = memref.alloca() : memref<16xi32, #tpu.memory_space<vmem>>
    %empty_ref3A_10 = memref.alloca() : memref<16xi32, #tpu.memory_space<vmem>>
    %empty_ref3A_11 = memref.alloca() : memref<16xi32, #tpu.memory_space<vmem>>
    %empty_ref3A_12 = memref.alloca() : memref<16xi32, #tpu.memory_space<vmem>>
    %empty_ref3A_13 = memref.alloca() : memref<16xi32, #tpu.memory_space<vmem>>
    %empty_ref3A_14 = memref.alloca() : memref<16xi32, #tpu.memory_space<vmem>>
    %empty_ref3A_15 = memref.alloca() : memref<16xi32, #tpu.memory_space<vmem>>
    %empty_ref3A_16 = memref.alloca() : memref<16xi32, #tpu.memory_space<vmem>>
    %empty_ref3A_17 = memref.alloca() : memref<16xi32, #tpu.memory_space<vmem>>
    %empty_ref3A_18 = memref.alloca() : memref<16xi32, #tpu.memory_space<vmem>>
    %empty_ref3A_19 = memref.alloca() : memref<16xi32, #tpu.memory_space<vmem>>
    %empty_ref3A_20 = memref.alloca() : memref<16xi32, #tpu.memory_space<vmem>>
    %empty_ref3A_21 = memref.alloca() : memref<16xi32, #tpu.memory_space<vmem>>
    %empty_ref3A_22 = memref.alloca() : memref<16xi32, #tpu.memory_space<vmem>>
    %empty_ref3A_23 = memref.alloca() : memref<16xi32, #tpu.memory_space<vmem>>
    %empty_ref3A_24 = memref.alloca() : memref<16xi32, #tpu.memory_space<vmem>>
    %empty_ref3A_25 = memref.alloca() : memref<16xi32, #tpu.memory_space<vmem>>
    %empty_ref3A_26 = memref.alloca() : memref<16xi32, #tpu.memory_space<vmem>>
    %empty_ref3A_27 = memref.alloca() : memref<16xi32, #tpu.memory_space<vmem>>
    %empty_ref3A_28 = memref.alloca() : memref<16xi32, #tpu.memory_space<vmem>>
    %empty_ref3A_29 = memref.alloca() : memref<16xi32, #tpu.memory_space<vmem>>
    %empty_ref3A_30 = memref.alloca() : memref<16xi32, #tpu.memory_space<vmem>>
    %empty_ref3A_31 = memref.alloca() : memref<16xi32, #tpu.memory_space<vmem>>
    %empty_ref3A_32 = memref.alloca() : memref<16xi32, #tpu.memory_space<vmem>>
    %empty_ref3A_33 = memref.alloca() : memref<16xi32, #tpu.memory_space<vmem>>
    %empty_ref3A_34 = memref.alloca() : memref<16xi32, #tpu.memory_space<vmem>>
    %empty_ref3A_35 = memref.alloca() : memref<16xi32, #tpu.memory_space<vmem>>
    %empty_ref3A_36 = memref.alloca() : memref<16xi32, #tpu.memory_space<vmem>>
    %empty_ref3A_37 = memref.alloca() : memref<16xi32, #tpu.memory_space<vmem>>
    %empty_ref3A_38 = memref.alloca() : memref<16xi32, #tpu.memory_space<vmem>>
    %empty_ref3A_39 = memref.alloca() : memref<16xi32, #tpu.memory_space<vmem>>
    %empty_ref3A_40 = memref.alloca() : memref<16xi32, #tpu.memory_space<vmem>>
    %empty_ref3A_41 = memref.alloca() : memref<16xi32, #tpu.memory_space<vmem>>
    %empty_ref3A_42 = memref.alloca() : memref<16xi32, #tpu.memory_space<vmem>>
    %empty_ref3A_43 = memref.alloca() : memref<16xi32, #tpu.memory_space<vmem>>
    %empty_ref3A_44 = memref.alloca() : memref<16xi32, #tpu.memory_space<vmem>>
    %empty_ref3A_45 = memref.alloca() : memref<16xi32, #tpu.memory_space<vmem>>
    %empty_ref3A_46 = memref.alloca() : memref<16xi32, #tpu.memory_space<vmem>>
    "tpu.region"() ({
      %run_scoped3A = tpu.sem_alloc : memref<!tpu.dma_semaphore, #tpu.memory_space<semaphore_mem>>
      %dma_start3A = arith.constant 0 : i32
      %dma_start3A_306 = tpu.memref_slice %empty_ref3A[%dma_start3A] : memref<16xi32, #tpu.memory_space<vmem>> -> memref<1xi32, #tpu.memory_space<vmem>>
      %dma_start3A_307 = arith.constant 0 : i32
      %dma_start3A_308 = tpu.memref_slice %empty_ref3A[%dma_start3A_307] : memref<16xi32, #tpu.memory_space<vmem>> -> memref<1xi32, #tpu.memory_space<vmem>>
      tpu.enqueue_dma source(%arg6 : memref<1xi32, #tpu.memory_space<hbm>>) target(%dma_start3A_308 : memref<1xi32, #tpu.memory_space<vmem>>) target_semaphore(%run_scoped3A : memref<!tpu.dma_semaphore, #tpu.memory_space<semaphore_mem>>)
      %dma_start3A_309 = arith.constant 0 : i32
      %dma_start3A_310 = tpu.memref_slice %empty_ref3A_0[%dma_start3A_309] : memref<16xi32, #tpu.memory_space<vmem>> -> memref<1xi32, #tpu.memory_space<vmem>>
      %dma_start3A_311 = arith.constant 0 : i32
      %dma_start3A_312 = tpu.memref_slice %empty_ref3A_0[%dma_start3A_311] : memref<16xi32, #tpu.memory_space<vmem>> -> memref<1xi32, #tpu.memory_space<vmem>>
      tpu.enqueue_dma source(%arg7 : memref<1xi32, #tpu.memory_space<hbm>>) target(%dma_start3A_312 : memref<1xi32, #tpu.memory_space<vmem>>) target_semaphore(%run_scoped3A : memref<!tpu.dma_semaphore, #tpu.memory_space<semaphore_mem>>)
      %dma_start3A_313 = arith.constant 0 : i32
      %dma_start3A_314 = tpu.memref_slice %empty_ref3A_1[%dma_start3A_313] : memref<16xi32, #tpu.memory_space<vmem>> -> memref<1xi32, #tpu.memory_space<vmem>>
      %dma_start3A_315 = arith.constant 0 : i32
      %dma_start3A_316 = tpu.memref_slice %empty_ref3A_1[%dma_start3A_315] : memref<16xi32, #tpu.memory_space<vmem>> -> memref<1xi32, #tpu.memory_space<vmem>>
      tpu.enqueue_dma source(%arg8 : memref<1xi32, #tpu.memory_space<hbm>>) target(%dma_start3A_316 : memref<1xi32, #tpu.memory_space<vmem>>) target_semaphore(%run_scoped3A : memref<!tpu.dma_semaphore, #tpu.memory_space<semaphore_mem>>)
      %dma_start3A_317 = arith.constant 0 : i32
      %dma_start3A_318 = tpu.memref_slice %empty_ref3A_2[%dma_start3A_317] : memref<16xi32, #tpu.memory_space<vmem>> -> memref<1xi32, #tpu.memory_space<vmem>>
      %dma_start3A_319 = arith.constant 0 : i32
      %dma_start3A_320 = tpu.memref_slice %empty_ref3A_2[%dma_start3A_319] : memref<16xi32, #tpu.memory_space<vmem>> -> memref<1xi32, #tpu.memory_space<vmem>>
      tpu.enqueue_dma source(%arg9 : memref<1xi32, #tpu.memory_space<hbm>>) target(%dma_start3A_320 : memref<1xi32, #tpu.memory_space<vmem>>) target_semaphore(%run_scoped3A : memref<!tpu.dma_semaphore, #tpu.memory_space<semaphore_mem>>)
      %dma_start3A_321 = arith.constant 0 : i32
      %dma_start3A_322 = tpu.memref_slice %empty_ref3A_3[%dma_start3A_321] : memref<16xi32, #tpu.memory_space<vmem>> -> memref<1xi32, #tpu.memory_space<vmem>>
      %dma_start3A_323 = arith.constant 0 : i32
      %dma_start3A_324 = tpu.memref_slice %empty_ref3A_3[%dma_start3A_323] : memref<16xi32, #tpu.memory_space<vmem>> -> memref<1xi32, #tpu.memory_space<vmem>>
      tpu.enqueue_dma source(%arg10 : memref<1xi32, #tpu.memory_space<hbm>>) target(%dma_start3A_324 : memref<1xi32, #tpu.memory_space<vmem>>) target_semaphore(%run_scoped3A : memref<!tpu.dma_semaphore, #tpu.memory_space<semaphore_mem>>)
      %dma_start3A_325 = arith.constant 0 : i32
      %dma_start3A_326 = tpu.memref_slice %empty_ref3A_4[%dma_start3A_325] : memref<16xi32, #tpu.memory_space<vmem>> -> memref<1xi32, #tpu.memory_space<vmem>>
      %dma_start3A_327 = arith.constant 0 : i32
      %dma_start3A_328 = tpu.memref_slice %empty_ref3A_4[%dma_start3A_327] : memref<16xi32, #tpu.memory_space<vmem>> -> memref<1xi32, #tpu.memory_space<vmem>>
      tpu.enqueue_dma source(%arg11 : memref<1xi32, #tpu.memory_space<hbm>>) target(%dma_start3A_328 : memref<1xi32, #tpu.memory_space<vmem>>) target_semaphore(%run_scoped3A : memref<!tpu.dma_semaphore, #tpu.memory_space<semaphore_mem>>)
      %dma_start3A_329 = arith.constant 0 : i32
      %dma_start3A_330 = tpu.memref_slice %empty_ref3A_5[%dma_start3A_329] : memref<16xi32, #tpu.memory_space<vmem>> -> memref<1xi32, #tpu.memory_space<vmem>>
      %dma_start3A_331 = arith.constant 0 : i32
      %dma_start3A_332 = tpu.memref_slice %empty_ref3A_5[%dma_start3A_331] : memref<16xi32, #tpu.memory_space<vmem>> -> memref<1xi32, #tpu.memory_space<vmem>>
      tpu.enqueue_dma source(%arg12 : memref<1xi32, #tpu.memory_space<hbm>>) target(%dma_start3A_332 : memref<1xi32, #tpu.memory_space<vmem>>) target_semaphore(%run_scoped3A : memref<!tpu.dma_semaphore, #tpu.memory_space<semaphore_mem>>)
      %dma_start3A_333 = arith.constant 0 : i32
      %dma_start3A_334 = tpu.memref_slice %empty_ref3A_6[%dma_start3A_333] : memref<16xi32, #tpu.memory_space<vmem>> -> memref<1xi32, #tpu.memory_space<vmem>>
      %dma_start3A_335 = arith.constant 0 : i32
      %dma_start3A_336 = tpu.memref_slice %empty_ref3A_6[%dma_start3A_335] : memref<16xi32, #tpu.memory_space<vmem>> -> memref<1xi32, #tpu.memory_space<vmem>>
      tpu.enqueue_dma source(%arg13 : memref<1xi32, #tpu.memory_space<hbm>>) target(%dma_start3A_336 : memref<1xi32, #tpu.memory_space<vmem>>) target_semaphore(%run_scoped3A : memref<!tpu.dma_semaphore, #tpu.memory_space<semaphore_mem>>)
      %dma_start3A_337 = arith.constant 0 : i32
      %dma_start3A_338 = tpu.memref_slice %empty_ref3A_7[%dma_start3A_337] : memref<16xi32, #tpu.memory_space<vmem>> -> memref<1xi32, #tpu.memory_space<vmem>>
      %dma_start3A_339 = arith.constant 0 : i32
      %dma_start3A_340 = tpu.memref_slice %empty_ref3A_7[%dma_start3A_339] : memref<16xi32, #tpu.memory_space<vmem>> -> memref<1xi32, #tpu.memory_space<vmem>>
      tpu.enqueue_dma source(%arg14 : memref<1xi32, #tpu.memory_space<hbm>>) target(%dma_start3A_340 : memref<1xi32, #tpu.memory_space<vmem>>) target_semaphore(%run_scoped3A : memref<!tpu.dma_semaphore, #tpu.memory_space<semaphore_mem>>)
      %dma_start3A_341 = arith.constant 0 : i32
      %dma_start3A_342 = tpu.memref_slice %empty_ref3A_8[%dma_start3A_341] : memref<16xi32, #tpu.memory_space<vmem>> -> memref<1xi32, #tpu.memory_space<vmem>>
      %dma_start3A_343 = arith.constant 0 : i32
      %dma_start3A_344 = tpu.memref_slice %empty_ref3A_8[%dma_start3A_343] : memref<16xi32, #tpu.memory_space<vmem>> -> memref<1xi32, #tpu.memory_space<vmem>>
      tpu.enqueue_dma source(%arg15 : memref<1xi32, #tpu.memory_space<hbm>>) target(%dma_start3A_344 : memref<1xi32, #tpu.memory_space<vmem>>) target_semaphore(%run_scoped3A : memref<!tpu.dma_semaphore, #tpu.memory_space<semaphore_mem>>)
      %dma_start3A_345 = arith.constant 0 : i32
      %dma_start3A_346 = tpu.memref_slice %empty_ref3A_9[%dma_start3A_345] : memref<16xi32, #tpu.memory_space<vmem>> -> memref<1xi32, #tpu.memory_space<vmem>>
      %dma_start3A_347 = arith.constant 0 : i32
      %dma_start3A_348 = tpu.memref_slice %empty_ref3A_9[%dma_start3A_347] : memref<16xi32, #tpu.memory_space<vmem>> -> memref<1xi32, #tpu.memory_space<vmem>>
      tpu.enqueue_dma source(%arg16 : memref<1xi32, #tpu.memory_space<hbm>>) target(%dma_start3A_348 : memref<1xi32, #tpu.memory_space<vmem>>) target_semaphore(%run_scoped3A : memref<!tpu.dma_semaphore, #tpu.memory_space<semaphore_mem>>)
      %dma_start3A_349 = arith.constant 0 : i32
      %dma_start3A_350 = tpu.memref_slice %empty_ref3A_10[%dma_start3A_349] : memref<16xi32, #tpu.memory_space<vmem>> -> memref<1xi32, #tpu.memory_space<vmem>>
      %dma_start3A_351 = arith.constant 0 : i32
      %dma_start3A_352 = tpu.memref_slice %empty_ref3A_10[%dma_start3A_351] : memref<16xi32, #tpu.memory_space<vmem>> -> memref<1xi32, #tpu.memory_space<vmem>>
      tpu.enqueue_dma source(%arg17 : memref<1xi32, #tpu.memory_space<hbm>>) target(%dma_start3A_352 : memref<1xi32, #tpu.memory_space<vmem>>) target_semaphore(%run_scoped3A : memref<!tpu.dma_semaphore, #tpu.memory_space<semaphore_mem>>)
      %dma_start3A_353 = arith.constant 0 : i32
      %dma_start3A_354 = tpu.memref_slice %empty_ref3A_11[%dma_start3A_353] : memref<16xi32, #tpu.memory_space<vmem>> -> memref<1xi32, #tpu.memory_space<vmem>>
      %dma_start3A_355 = arith.constant 0 : i32
      %dma_start3A_356 = tpu.memref_slice %empty_ref3A_11[%dma_start3A_355] : memref<16xi32, #tpu.memory_space<vmem>> -> memref<1xi32, #tpu.memory_space<vmem>>
      tpu.enqueue_dma source(%arg18 : memref<1xi32, #tpu.memory_space<hbm>>) target(%dma_start3A_356 : memref<1xi32, #tpu.memory_space<vmem>>) target_semaphore(%run_scoped3A : memref<!tpu.dma_semaphore, #tpu.memory_space<semaphore_mem>>)
      %dma_start3A_357 = arith.constant 0 : i32
      %dma_start3A_358 = tpu.memref_slice %empty_ref3A_12[%dma_start3A_357] : memref<16xi32, #tpu.memory_space<vmem>> -> memref<1xi32, #tpu.memory_space<vmem>>
      %dma_start3A_359 = arith.constant 0 : i32
      %dma_start3A_360 = tpu.memref_slice %empty_ref3A_12[%dma_start3A_359] : memref<16xi32, #tpu.memory_space<vmem>> -> memref<1xi32, #tpu.memory_space<vmem>>
      tpu.enqueue_dma source(%arg19 : memref<1xi32, #tpu.memory_space<hbm>>) target(%dma_start3A_360 : memref<1xi32, #tpu.memory_space<vmem>>) target_semaphore(%run_scoped3A : memref<!tpu.dma_semaphore, #tpu.memory_space<semaphore_mem>>)
      %dma_start3A_361 = arith.constant 0 : i32
      %dma_start3A_362 = tpu.memref_slice %empty_ref3A_13[%dma_start3A_361] : memref<16xi32, #tpu.memory_space<vmem>> -> memref<1xi32, #tpu.memory_space<vmem>>
      %dma_start3A_363 = arith.constant 0 : i32
      %dma_start3A_364 = tpu.memref_slice %empty_ref3A_13[%dma_start3A_363] : memref<16xi32, #tpu.memory_space<vmem>> -> memref<1xi32, #tpu.memory_space<vmem>>
      tpu.enqueue_dma source(%arg20 : memref<1xi32, #tpu.memory_space<hbm>>) target(%dma_start3A_364 : memref<1xi32, #tpu.memory_space<vmem>>) target_semaphore(%run_scoped3A : memref<!tpu.dma_semaphore, #tpu.memory_space<semaphore_mem>>)
      %dma_start3A_365 = arith.constant 0 : i32
      %dma_start3A_366 = tpu.memref_slice %empty_ref3A_14[%dma_start3A_365] : memref<16xi32, #tpu.memory_space<vmem>> -> memref<1xi32, #tpu.memory_space<vmem>>
      %dma_start3A_367 = arith.constant 0 : i32
      %dma_start3A_368 = tpu.memref_slice %empty_ref3A_14[%dma_start3A_367] : memref<16xi32, #tpu.memory_space<vmem>> -> memref<1xi32, #tpu.memory_space<vmem>>
      tpu.enqueue_dma source(%arg21 : memref<1xi32, #tpu.memory_space<hbm>>) target(%dma_start3A_368 : memref<1xi32, #tpu.memory_space<vmem>>) target_semaphore(%run_scoped3A : memref<!tpu.dma_semaphore, #tpu.memory_space<semaphore_mem>>)
      %dma_start3A_369 = arith.constant 0 : i32
      %dma_start3A_370 = tpu.memref_slice %empty_ref3A_15[%dma_start3A_369] : memref<16xi32, #tpu.memory_space<vmem>> -> memref<1xi32, #tpu.memory_space<vmem>>
      %dma_start3A_371 = arith.constant 0 : i32
      %dma_start3A_372 = tpu.memref_slice %empty_ref3A_15[%dma_start3A_371] : memref<16xi32, #tpu.memory_space<vmem>> -> memref<1xi32, #tpu.memory_space<vmem>>
      tpu.enqueue_dma source(%arg22 : memref<1xi32, #tpu.memory_space<hbm>>) target(%dma_start3A_372 : memref<1xi32, #tpu.memory_space<vmem>>) target_semaphore(%run_scoped3A : memref<!tpu.dma_semaphore, #tpu.memory_space<semaphore_mem>>)
      %dma_start3A_373 = arith.constant 0 : i32
      %dma_start3A_374 = tpu.memref_slice %empty_ref3A_16[%dma_start3A_373] : memref<16xi32, #tpu.memory_space<vmem>> -> memref<1xi32, #tpu.memory_space<vmem>>
      %dma_start3A_375 = arith.constant 0 : i32
      %dma_start3A_376 = tpu.memref_slice %empty_ref3A_16[%dma_start3A_375] : memref<16xi32, #tpu.memory_space<vmem>> -> memref<1xi32, #tpu.memory_space<vmem>>
      tpu.enqueue_dma source(%arg23 : memref<1xi32, #tpu.memory_space<hbm>>) target(%dma_start3A_376 : memref<1xi32, #tpu.memory_space<vmem>>) target_semaphore(%run_scoped3A : memref<!tpu.dma_semaphore, #tpu.memory_space<semaphore_mem>>)
      %dma_start3A_377 = arith.constant 0 : i32
      %dma_start3A_378 = tpu.memref_slice %empty_ref3A_17[%dma_start3A_377] : memref<16xi32, #tpu.memory_space<vmem>> -> memref<1xi32, #tpu.memory_space<vmem>>
      %dma_start3A_379 = arith.constant 0 : i32
      %dma_start3A_380 = tpu.memref_slice %empty_ref3A_17[%dma_start3A_379] : memref<16xi32, #tpu.memory_space<vmem>> -> memref<1xi32, #tpu.memory_space<vmem>>
      tpu.enqueue_dma source(%arg24 : memref<1xi32, #tpu.memory_space<hbm>>) target(%dma_start3A_380 : memref<1xi32, #tpu.memory_space<vmem>>) target_semaphore(%run_scoped3A : memref<!tpu.dma_semaphore, #tpu.memory_space<semaphore_mem>>)
      %dma_start3A_381 = arith.constant 0 : i32
      %dma_start3A_382 = tpu.memref_slice %empty_ref3A_18[%dma_start3A_381] : memref<16xi32, #tpu.memory_space<vmem>> -> memref<1xi32, #tpu.memory_space<vmem>>
      %dma_start3A_383 = arith.constant 0 : i32
      %dma_start3A_384 = tpu.memref_slice %empty_ref3A_18[%dma_start3A_383] : memref<16xi32, #tpu.memory_space<vmem>> -> memref<1xi32, #tpu.memory_space<vmem>>
      tpu.enqueue_dma source(%arg25 : memref<1xi32, #tpu.memory_space<hbm>>) target(%dma_start3A_384 : memref<1xi32, #tpu.memory_space<vmem>>) target_semaphore(%run_scoped3A : memref<!tpu.dma_semaphore, #tpu.memory_space<semaphore_mem>>)
      %dma_start3A_385 = arith.constant 0 : i32
      %dma_start3A_386 = tpu.memref_slice %empty_ref3A_19[%dma_start3A_385] : memref<16xi32, #tpu.memory_space<vmem>> -> memref<1xi32, #tpu.memory_space<vmem>>
      %dma_start3A_387 = arith.constant 0 : i32
      %dma_start3A_388 = tpu.memref_slice %empty_ref3A_19[%dma_start3A_387] : memref<16xi32, #tpu.memory_space<vmem>> -> memref<1xi32, #tpu.memory_space<vmem>>
      tpu.enqueue_dma source(%arg26 : memref<1xi32, #tpu.memory_space<hbm>>) target(%dma_start3A_388 : memref<1xi32, #tpu.memory_space<vmem>>) target_semaphore(%run_scoped3A : memref<!tpu.dma_semaphore, #tpu.memory_space<semaphore_mem>>)
      %dma_start3A_389 = arith.constant 0 : i32
      %dma_start3A_390 = tpu.memref_slice %empty_ref3A_20[%dma_start3A_389] : memref<16xi32, #tpu.memory_space<vmem>> -> memref<1xi32, #tpu.memory_space<vmem>>
      %dma_start3A_391 = arith.constant 0 : i32
      %dma_start3A_392 = tpu.memref_slice %empty_ref3A_20[%dma_start3A_391] : memref<16xi32, #tpu.memory_space<vmem>> -> memref<1xi32, #tpu.memory_space<vmem>>
      tpu.enqueue_dma source(%arg27 : memref<1xi32, #tpu.memory_space<hbm>>) target(%dma_start3A_392 : memref<1xi32, #tpu.memory_space<vmem>>) target_semaphore(%run_scoped3A : memref<!tpu.dma_semaphore, #tpu.memory_space<semaphore_mem>>)
      %dma_start3A_393 = arith.constant 0 : i32
      %dma_start3A_394 = tpu.memref_slice %empty_ref3A_21[%dma_start3A_393] : memref<16xi32, #tpu.memory_space<vmem>> -> memref<1xi32, #tpu.memory_space<vmem>>
      %dma_start3A_395 = arith.constant 0 : i32
      %dma_start3A_396 = tpu.memref_slice %empty_ref3A_21[%dma_start3A_395] : memref<16xi32, #tpu.memory_space<vmem>> -> memref<1xi32, #tpu.memory_space<vmem>>
      tpu.enqueue_dma source(%arg28 : memref<1xi32, #tpu.memory_space<hbm>>) target(%dma_start3A_396 : memref<1xi32, #tpu.memory_space<vmem>>) target_semaphore(%run_scoped3A : memref<!tpu.dma_semaphore, #tpu.memory_space<semaphore_mem>>)
      %dma_start3A_397 = arith.constant 0 : i32
      %dma_start3A_398 = tpu.memref_slice %empty_ref3A_22[%dma_start3A_397] : memref<16xi32, #tpu.memory_space<vmem>> -> memref<1xi32, #tpu.memory_space<vmem>>
      %dma_start3A_399 = arith.constant 0 : i32
      %dma_start3A_400 = tpu.memref_slice %empty_ref3A_22[%dma_start3A_399] : memref<16xi32, #tpu.memory_space<vmem>> -> memref<1xi32, #tpu.memory_space<vmem>>
      tpu.enqueue_dma source(%arg29 : memref<1xi32, #tpu.memory_space<hbm>>) target(%dma_start3A_400 : memref<1xi32, #tpu.memory_space<vmem>>) target_semaphore(%run_scoped3A : memref<!tpu.dma_semaphore, #tpu.memory_space<semaphore_mem>>)
      %dma_start3A_401 = arith.constant 0 : i32
      %dma_start3A_402 = tpu.memref_slice %empty_ref3A_23[%dma_start3A_401] : memref<16xi32, #tpu.memory_space<vmem>> -> memref<1xi32, #tpu.memory_space<vmem>>
      %dma_start3A_403 = arith.constant 0 : i32
      %dma_start3A_404 = tpu.memref_slice %empty_ref3A_23[%dma_start3A_403] : memref<16xi32, #tpu.memory_space<vmem>> -> memref<1xi32, #tpu.memory_space<vmem>>
      tpu.enqueue_dma source(%arg30 : memref<1xi32, #tpu.memory_space<hbm>>) target(%dma_start3A_404 : memref<1xi32, #tpu.memory_space<vmem>>) target_semaphore(%run_scoped3A : memref<!tpu.dma_semaphore, #tpu.memory_space<semaphore_mem>>)
      %dma_start3A_405 = arith.constant 0 : i32
      %dma_start3A_406 = tpu.memref_slice %empty_ref3A_24[%dma_start3A_405] : memref<16xi32, #tpu.memory_space<vmem>> -> memref<1xi32, #tpu.memory_space<vmem>>
      %dma_start3A_407 = arith.constant 0 : i32
      %dma_start3A_408 = tpu.memref_slice %empty_ref3A_24[%dma_start3A_407] : memref<16xi32, #tpu.memory_space<vmem>> -> memref<1xi32, #tpu.memory_space<vmem>>
      tpu.enqueue_dma source(%arg31 : memref<1xi32, #tpu.memory_space<hbm>>) target(%dma_start3A_408 : memref<1xi32, #tpu.memory_space<vmem>>) target_semaphore(%run_scoped3A : memref<!tpu.dma_semaphore, #tpu.memory_space<semaphore_mem>>)
      %dma_start3A_409 = arith.constant 0 : i32
      %dma_start3A_410 = tpu.memref_slice %empty_ref3A_25[%dma_start3A_409] : memref<16xi32, #tpu.memory_space<vmem>> -> memref<1xi32, #tpu.memory_space<vmem>>
      %dma_start3A_411 = arith.constant 0 : i32
      %dma_start3A_412 = tpu.memref_slice %empty_ref3A_25[%dma_start3A_411] : memref<16xi32, #tpu.memory_space<vmem>> -> memref<1xi32, #tpu.memory_space<vmem>>
      tpu.enqueue_dma source(%arg32 : memref<1xi32, #tpu.memory_space<hbm>>) target(%dma_start3A_412 : memref<1xi32, #tpu.memory_space<vmem>>) target_semaphore(%run_scoped3A : memref<!tpu.dma_semaphore, #tpu.memory_space<semaphore_mem>>)
      %dma_start3A_413 = arith.constant 0 : i32
      %dma_start3A_414 = tpu.memref_slice %empty_ref3A_26[%dma_start3A_413] : memref<16xi32, #tpu.memory_space<vmem>> -> memref<1xi32, #tpu.memory_space<vmem>>
      %dma_start3A_415 = arith.constant 0 : i32
      %dma_start3A_416 = tpu.memref_slice %empty_ref3A_26[%dma_start3A_415] : memref<16xi32, #tpu.memory_space<vmem>> -> memref<1xi32, #tpu.memory_space<vmem>>
      tpu.enqueue_dma source(%arg33 : memref<1xi32, #tpu.memory_space<hbm>>) target(%dma_start3A_416 : memref<1xi32, #tpu.memory_space<vmem>>) target_semaphore(%run_scoped3A : memref<!tpu.dma_semaphore, #tpu.memory_space<semaphore_mem>>)
      %dma_start3A_417 = arith.constant 0 : i32
      %dma_start3A_418 = tpu.memref_slice %empty_ref3A_27[%dma_start3A_417] : memref<16xi32, #tpu.memory_space<vmem>> -> memref<1xi32, #tpu.memory_space<vmem>>
      %dma_start3A_419 = arith.constant 0 : i32
      %dma_start3A_420 = tpu.memref_slice %empty_ref3A_27[%dma_start3A_419] : memref<16xi32, #tpu.memory_space<vmem>> -> memref<1xi32, #tpu.memory_space<vmem>>
      tpu.enqueue_dma source(%arg34 : memref<1xi32, #tpu.memory_space<hbm>>) target(%dma_start3A_420 : memref<1xi32, #tpu.memory_space<vmem>>) target_semaphore(%run_scoped3A : memref<!tpu.dma_semaphore, #tpu.memory_space<semaphore_mem>>)
      %dma_start3A_421 = arith.constant 0 : i32
      %dma_start3A_422 = tpu.memref_slice %empty_ref3A_28[%dma_start3A_421] : memref<16xi32, #tpu.memory_space<vmem>> -> memref<1xi32, #tpu.memory_space<vmem>>
      %dma_start3A_423 = arith.constant 0 : i32
      %dma_start3A_424 = tpu.memref_slice %empty_ref3A_28[%dma_start3A_423] : memref<16xi32, #tpu.memory_space<vmem>> -> memref<1xi32, #tpu.memory_space<vmem>>
      tpu.enqueue_dma source(%arg35 : memref<1xi32, #tpu.memory_space<hbm>>) target(%dma_start3A_424 : memref<1xi32, #tpu.memory_space<vmem>>) target_semaphore(%run_scoped3A : memref<!tpu.dma_semaphore, #tpu.memory_space<semaphore_mem>>)
      %dma_start3A_425 = arith.constant 0 : i32
      %dma_start3A_426 = tpu.memref_slice %empty_ref3A_29[%dma_start3A_425] : memref<16xi32, #tpu.memory_space<vmem>> -> memref<1xi32, #tpu.memory_space<vmem>>
      %dma_start3A_427 = arith.constant 0 : i32
      %dma_start3A_428 = tpu.memref_slice %empty_ref3A_29[%dma_start3A_427] : memref<16xi32, #tpu.memory_space<vmem>> -> memref<1xi32, #tpu.memory_space<vmem>>
      tpu.enqueue_dma source(%arg36 : memref<1xi32, #tpu.memory_space<hbm>>) target(%dma_start3A_428 : memref<1xi32, #tpu.memory_space<vmem>>) target_semaphore(%run_scoped3A : memref<!tpu.dma_semaphore, #tpu.memory_space<semaphore_mem>>)
      %dma_start3A_429 = arith.constant 0 : i32
      %dma_start3A_430 = tpu.memref_slice %empty_ref3A_30[%dma_start3A_429] : memref<16xi32, #tpu.memory_space<vmem>> -> memref<1xi32, #tpu.memory_space<vmem>>
      %dma_start3A_431 = arith.constant 0 : i32
      %dma_start3A_432 = tpu.memref_slice %empty_ref3A_30[%dma_start3A_431] : memref<16xi32, #tpu.memory_space<vmem>> -> memref<1xi32, #tpu.memory_space<vmem>>
      tpu.enqueue_dma source(%arg37 : memref<1xi32, #tpu.memory_space<hbm>>) target(%dma_start3A_432 : memref<1xi32, #tpu.memory_space<vmem>>) target_semaphore(%run_scoped3A : memref<!tpu.dma_semaphore, #tpu.memory_space<semaphore_mem>>)
      %dma_start3A_433 = arith.constant 0 : i32
      %dma_start3A_434 = tpu.memref_slice %empty_ref3A_31[%dma_start3A_433] : memref<16xi32, #tpu.memory_space<vmem>> -> memref<1xi32, #tpu.memory_space<vmem>>
      %dma_start3A_435 = arith.constant 0 : i32
      %dma_start3A_436 = tpu.memref_slice %empty_ref3A_31[%dma_start3A_435] : memref<16xi32, #tpu.memory_space<vmem>> -> memref<1xi32, #tpu.memory_space<vmem>>
      tpu.enqueue_dma source(%arg38 : memref<1xi32, #tpu.memory_space<hbm>>) target(%dma_start3A_436 : memref<1xi32, #tpu.memory_space<vmem>>) target_semaphore(%run_scoped3A : memref<!tpu.dma_semaphore, #tpu.memory_space<semaphore_mem>>)
      %dma_start3A_437 = arith.constant 0 : i32
      %dma_start3A_438 = tpu.memref_slice %empty_ref3A_32[%dma_start3A_437] : memref<16xi32, #tpu.memory_space<vmem>> -> memref<1xi32, #tpu.memory_space<vmem>>
      %dma_start3A_439 = arith.constant 0 : i32
      %dma_start3A_440 = tpu.memref_slice %empty_ref3A_32[%dma_start3A_439] : memref<16xi32, #tpu.memory_space<vmem>> -> memref<1xi32, #tpu.memory_space<vmem>>
      tpu.enqueue_dma source(%arg39 : memref<1xi32, #tpu.memory_space<hbm>>) target(%dma_start3A_440 : memref<1xi32, #tpu.memory_space<vmem>>) target_semaphore(%run_scoped3A : memref<!tpu.dma_semaphore, #tpu.memory_space<semaphore_mem>>)
      %dma_start3A_441 = arith.constant 0 : i32
      %dma_start3A_442 = tpu.memref_slice %empty_ref3A_33[%dma_start3A_441] : memref<16xi32, #tpu.memory_space<vmem>> -> memref<1xi32, #tpu.memory_space<vmem>>
      %dma_start3A_443 = arith.constant 0 : i32
      %dma_start3A_444 = tpu.memref_slice %empty_ref3A_33[%dma_start3A_443] : memref<16xi32, #tpu.memory_space<vmem>> -> memref<1xi32, #tpu.memory_space<vmem>>
      tpu.enqueue_dma source(%arg40 : memref<1xi32, #tpu.memory_space<hbm>>) target(%dma_start3A_444 : memref<1xi32, #tpu.memory_space<vmem>>) target_semaphore(%run_scoped3A : memref<!tpu.dma_semaphore, #tpu.memory_space<semaphore_mem>>)
      %dma_start3A_445 = arith.constant 0 : i32
      %dma_start3A_446 = tpu.memref_slice %empty_ref3A_34[%dma_start3A_445] : memref<16xi32, #tpu.memory_space<vmem>> -> memref<1xi32, #tpu.memory_space<vmem>>
      %dma_start3A_447 = arith.constant 0 : i32
      %dma_start3A_448 = tpu.memref_slice %empty_ref3A_34[%dma_start3A_447] : memref<16xi32, #tpu.memory_space<vmem>> -> memref<1xi32, #tpu.memory_space<vmem>>
      tpu.enqueue_dma source(%arg41 : memref<1xi32, #tpu.memory_space<hbm>>) target(%dma_start3A_448 : memref<1xi32, #tpu.memory_space<vmem>>) target_semaphore(%run_scoped3A : memref<!tpu.dma_semaphore, #tpu.memory_space<semaphore_mem>>)
      %dma_start3A_449 = arith.constant 0 : i32
      %dma_start3A_450 = tpu.memref_slice %empty_ref3A_35[%dma_start3A_449] : memref<16xi32, #tpu.memory_space<vmem>> -> memref<1xi32, #tpu.memory_space<vmem>>
      %dma_start3A_451 = arith.constant 0 : i32
      %dma_start3A_452 = tpu.memref_slice %empty_ref3A_35[%dma_start3A_451] : memref<16xi32, #tpu.memory_space<vmem>> -> memref<1xi32, #tpu.memory_space<vmem>>
      tpu.enqueue_dma source(%arg42 : memref<1xi32, #tpu.memory_space<hbm>>) target(%dma_start3A_452 : memref<1xi32, #tpu.memory_space<vmem>>) target_semaphore(%run_scoped3A : memref<!tpu.dma_semaphore, #tpu.memory_space<semaphore_mem>>)
      %dma_start3A_453 = arith.constant 0 : i32
      %dma_start3A_454 = tpu.memref_slice %empty_ref3A_36[%dma_start3A_453] : memref<16xi32, #tpu.memory_space<vmem>> -> memref<1xi32, #tpu.memory_space<vmem>>
      %dma_start3A_455 = arith.constant 0 : i32
      %dma_start3A_456 = tpu.memref_slice %empty_ref3A_36[%dma_start3A_455] : memref<16xi32, #tpu.memory_space<vmem>> -> memref<1xi32, #tpu.memory_space<vmem>>
      tpu.enqueue_dma source(%arg43 : memref<1xi32, #tpu.memory_space<hbm>>) target(%dma_start3A_456 : memref<1xi32, #tpu.memory_space<vmem>>) target_semaphore(%run_scoped3A : memref<!tpu.dma_semaphore, #tpu.memory_space<semaphore_mem>>)
      %dma_start3A_457 = arith.constant 0 : i32
      %dma_start3A_458 = tpu.memref_slice %empty_ref3A_37[%dma_start3A_457] : memref<16xi32, #tpu.memory_space<vmem>> -> memref<1xi32, #tpu.memory_space<vmem>>
      %dma_start3A_459 = arith.constant 0 : i32
      %dma_start3A_460 = tpu.memref_slice %empty_ref3A_37[%dma_start3A_459] : memref<16xi32, #tpu.memory_space<vmem>> -> memref<1xi32, #tpu.memory_space<vmem>>
      tpu.enqueue_dma source(%arg44 : memref<1xi32, #tpu.memory_space<hbm>>) target(%dma_start3A_460 : memref<1xi32, #tpu.memory_space<vmem>>) target_semaphore(%run_scoped3A : memref<!tpu.dma_semaphore, #tpu.memory_space<semaphore_mem>>)
      %dma_start3A_461 = arith.constant 0 : i32
      %dma_start3A_462 = tpu.memref_slice %empty_ref3A_38[%dma_start3A_461] : memref<16xi32, #tpu.memory_space<vmem>> -> memref<1xi32, #tpu.memory_space<vmem>>
      %dma_start3A_463 = arith.constant 0 : i32
      %dma_start3A_464 = tpu.memref_slice %empty_ref3A_38[%dma_start3A_463] : memref<16xi32, #tpu.memory_space<vmem>> -> memref<1xi32, #tpu.memory_space<vmem>>
      tpu.enqueue_dma source(%arg45 : memref<1xi32, #tpu.memory_space<hbm>>) target(%dma_start3A_464 : memref<1xi32, #tpu.memory_space<vmem>>) target_semaphore(%run_scoped3A : memref<!tpu.dma_semaphore, #tpu.memory_space<semaphore_mem>>)
      %dma_start3A_465 = arith.constant 0 : i32
      %dma_start3A_466 = tpu.memref_slice %empty_ref3A_39[%dma_start3A_465] : memref<16xi32, #tpu.memory_space<vmem>> -> memref<1xi32, #tpu.memory_space<vmem>>
      %dma_start3A_467 = arith.constant 0 : i32
      %dma_start3A_468 = tpu.memref_slice %empty_ref3A_39[%dma_start3A_467] : memref<16xi32, #tpu.memory_space<vmem>> -> memref<1xi32, #tpu.memory_space<vmem>>
      tpu.enqueue_dma source(%arg46 : memref<1xi32, #tpu.memory_space<hbm>>) target(%dma_start3A_468 : memref<1xi32, #tpu.memory_space<vmem>>) target_semaphore(%run_scoped3A : memref<!tpu.dma_semaphore, #tpu.memory_space<semaphore_mem>>)
      %dma_start3A_469 = arith.constant 0 : i32
      %dma_start3A_470 = tpu.memref_slice %empty_ref3A_40[%dma_start3A_469] : memref<16xi32, #tpu.memory_space<vmem>> -> memref<1xi32, #tpu.memory_space<vmem>>
      %dma_start3A_471 = arith.constant 0 : i32
      %dma_start3A_472 = tpu.memref_slice %empty_ref3A_40[%dma_start3A_471] : memref<16xi32, #tpu.memory_space<vmem>> -> memref<1xi32, #tpu.memory_space<vmem>>
      tpu.enqueue_dma source(%arg47 : memref<1xi32, #tpu.memory_space<hbm>>) target(%dma_start3A_472 : memref<1xi32, #tpu.memory_space<vmem>>) target_semaphore(%run_scoped3A : memref<!tpu.dma_semaphore, #tpu.memory_space<semaphore_mem>>)
      %dma_start3A_473 = arith.constant 0 : i32
      %dma_start3A_474 = tpu.memref_slice %empty_ref3A_41[%dma_start3A_473] : memref<16xi32, #tpu.memory_space<vmem>> -> memref<1xi32, #tpu.memory_space<vmem>>
      %dma_start3A_475 = arith.constant 0 : i32
      %dma_start3A_476 = tpu.memref_slice %empty_ref3A_41[%dma_start3A_475] : memref<16xi32, #tpu.memory_space<vmem>> -> memref<1xi32, #tpu.memory_space<vmem>>
      tpu.enqueue_dma source(%arg48 : memref<1xi32, #tpu.memory_space<hbm>>) target(%dma_start3A_476 : memref<1xi32, #tpu.memory_space<vmem>>) target_semaphore(%run_scoped3A : memref<!tpu.dma_semaphore, #tpu.memory_space<semaphore_mem>>)
      %dma_start3A_477 = arith.constant 0 : i32
      %dma_start3A_478 = tpu.memref_slice %empty_ref3A_42[%dma_start3A_477] : memref<16xi32, #tpu.memory_space<vmem>> -> memref<1xi32, #tpu.memory_space<vmem>>
      %dma_start3A_479 = arith.constant 0 : i32
      %dma_start3A_480 = tpu.memref_slice %empty_ref3A_42[%dma_start3A_479] : memref<16xi32, #tpu.memory_space<vmem>> -> memref<1xi32, #tpu.memory_space<vmem>>
      tpu.enqueue_dma source(%arg49 : memref<1xi32, #tpu.memory_space<hbm>>) target(%dma_start3A_480 : memref<1xi32, #tpu.memory_space<vmem>>) target_semaphore(%run_scoped3A : memref<!tpu.dma_semaphore, #tpu.memory_space<semaphore_mem>>)
      %dma_start3A_481 = arith.constant 0 : i32
      %dma_start3A_482 = tpu.memref_slice %empty_ref3A_43[%dma_start3A_481] : memref<16xi32, #tpu.memory_space<vmem>> -> memref<1xi32, #tpu.memory_space<vmem>>
      %dma_start3A_483 = arith.constant 0 : i32
      %dma_start3A_484 = tpu.memref_slice %empty_ref3A_43[%dma_start3A_483] : memref<16xi32, #tpu.memory_space<vmem>> -> memref<1xi32, #tpu.memory_space<vmem>>
      tpu.enqueue_dma source(%arg50 : memref<1xi32, #tpu.memory_space<hbm>>) target(%dma_start3A_484 : memref<1xi32, #tpu.memory_space<vmem>>) target_semaphore(%run_scoped3A : memref<!tpu.dma_semaphore, #tpu.memory_space<semaphore_mem>>)
      %dma_start3A_485 = arith.constant 0 : i32
      %dma_start3A_486 = tpu.memref_slice %empty_ref3A_44[%dma_start3A_485] : memref<16xi32, #tpu.memory_space<vmem>> -> memref<1xi32, #tpu.memory_space<vmem>>
      %dma_start3A_487 = arith.constant 0 : i32
      %dma_start3A_488 = tpu.memref_slice %empty_ref3A_44[%dma_start3A_487] : memref<16xi32, #tpu.memory_space<vmem>> -> memref<1xi32, #tpu.memory_space<vmem>>
      tpu.enqueue_dma source(%arg51 : memref<1xi32, #tpu.memory_space<hbm>>) target(%dma_start3A_488 : memref<1xi32, #tpu.memory_space<vmem>>) target_semaphore(%run_scoped3A : memref<!tpu.dma_semaphore, #tpu.memory_space<semaphore_mem>>)
      %dma_start3A_489 = arith.constant 0 : i32
      %dma_start3A_490 = tpu.memref_slice %empty_ref3A_45[%dma_start3A_489] : memref<16xi32, #tpu.memory_space<vmem>> -> memref<1xi32, #tpu.memory_space<vmem>>
      %dma_start3A_491 = arith.constant 0 : i32
      %dma_start3A_492 = tpu.memref_slice %empty_ref3A_45[%dma_start3A_491] : memref<16xi32, #tpu.memory_space<vmem>> -> memref<1xi32, #tpu.memory_space<vmem>>
      tpu.enqueue_dma source(%arg52 : memref<1xi32, #tpu.memory_space<hbm>>) target(%dma_start3A_492 : memref<1xi32, #tpu.memory_space<vmem>>) target_semaphore(%run_scoped3A : memref<!tpu.dma_semaphore, #tpu.memory_space<semaphore_mem>>)
      %dma_start3A_493 = arith.constant 0 : i32
      %dma_start3A_494 = tpu.memref_slice %empty_ref3A_46[%dma_start3A_493] : memref<16xi32, #tpu.memory_space<vmem>> -> memref<1xi32, #tpu.memory_space<vmem>>
      %dma_start3A_495 = arith.constant 0 : i32
      %dma_start3A_496 = tpu.memref_slice %empty_ref3A_46[%dma_start3A_495] : memref<16xi32, #tpu.memory_space<vmem>> -> memref<1xi32, #tpu.memory_space<vmem>>
      tpu.enqueue_dma source(%arg53 : memref<1xi32, #tpu.memory_space<hbm>>) target(%dma_start3A_496 : memref<1xi32, #tpu.memory_space<vmem>>) target_semaphore(%run_scoped3A : memref<!tpu.dma_semaphore, #tpu.memory_space<semaphore_mem>>)
      %dma_wait3A = arith.constant 0 : i32
      %dma_wait3A_497 = tpu.memref_slice %empty_ref3A[%dma_wait3A] : memref<16xi32, #tpu.memory_space<vmem>> -> memref<1xi32, #tpu.memory_space<vmem>>
      %dma_wait3A_498 = arith.constant 0 : i32
      %dma_wait3A_499 = tpu.memref_slice %empty_ref3A[%dma_wait3A_498] : memref<16xi32, #tpu.memory_space<vmem>> -> memref<1xi32, #tpu.memory_space<vmem>>
      tpu.wait_dma2 semaphore(%run_scoped3A : memref<!tpu.dma_semaphore, #tpu.memory_space<semaphore_mem>>) src(%arg6 : memref<1xi32, #tpu.memory_space<hbm>>) dst(%dma_wait3A_499 : memref<1xi32, #tpu.memory_space<vmem>>)
      %dma_wait3A_500 = arith.constant 0 : i32
      %dma_wait3A_501 = tpu.memref_slice %empty_ref3A_0[%dma_wait3A_500] : memref<16xi32, #tpu.memory_space<vmem>> -> memref<1xi32, #tpu.memory_space<vmem>>
      %dma_wait3A_502 = arith.constant 0 : i32
      %dma_wait3A_503 = tpu.memref_slice %empty_ref3A_0[%dma_wait3A_502] : memref<16xi32, #tpu.memory_space<vmem>> -> memref<1xi32, #tpu.memory_space<vmem>>
      tpu.wait_dma2 semaphore(%run_scoped3A : memref<!tpu.dma_semaphore, #tpu.memory_space<semaphore_mem>>) src(%arg7 : memref<1xi32, #tpu.memory_space<hbm>>) dst(%dma_wait3A_503 : memref<1xi32, #tpu.memory_space<vmem>>)
      %dma_wait3A_504 = arith.constant 0 : i32
      %dma_wait3A_505 = tpu.memref_slice %empty_ref3A_1[%dma_wait3A_504] : memref<16xi32, #tpu.memory_space<vmem>> -> memref<1xi32, #tpu.memory_space<vmem>>
      %dma_wait3A_506 = arith.constant 0 : i32
      %dma_wait3A_507 = tpu.memref_slice %empty_ref3A_1[%dma_wait3A_506] : memref<16xi32, #tpu.memory_space<vmem>> -> memref<1xi32, #tpu.memory_space<vmem>>
      tpu.wait_dma2 semaphore(%run_scoped3A : memref<!tpu.dma_semaphore, #tpu.memory_space<semaphore_mem>>) src(%arg8 : memref<1xi32, #tpu.memory_space<hbm>>) dst(%dma_wait3A_507 : memref<1xi32, #tpu.memory_space<vmem>>)
      %dma_wait3A_508 = arith.constant 0 : i32
      %dma_wait3A_509 = tpu.memref_slice %empty_ref3A_2[%dma_wait3A_508] : memref<16xi32, #tpu.memory_space<vmem>> -> memref<1xi32, #tpu.memory_space<vmem>>
      %dma_wait3A_510 = arith.constant 0 : i32
      %dma_wait3A_511 = tpu.memref_slice %empty_ref3A_2[%dma_wait3A_510] : memref<16xi32, #tpu.memory_space<vmem>> -> memref<1xi32, #tpu.memory_space<vmem>>
      tpu.wait_dma2 semaphore(%run_scoped3A : memref<!tpu.dma_semaphore, #tpu.memory_space<semaphore_mem>>) src(%arg9 : memref<1xi32, #tpu.memory_space<hbm>>) dst(%dma_wait3A_511 : memref<1xi32, #tpu.memory_space<vmem>>)
      %dma_wait3A_512 = arith.constant 0 : i32
      %dma_wait3A_513 = tpu.memref_slice %empty_ref3A_3[%dma_wait3A_512] : memref<16xi32, #tpu.memory_space<vmem>> -> memref<1xi32, #tpu.memory_space<vmem>>
      %dma_wait3A_514 = arith.constant 0 : i32
      %dma_wait3A_515 = tpu.memref_slice %empty_ref3A_3[%dma_wait3A_514] : memref<16xi32, #tpu.memory_space<vmem>> -> memref<1xi32, #tpu.memory_space<vmem>>
      tpu.wait_dma2 semaphore(%run_scoped3A : memref<!tpu.dma_semaphore, #tpu.memory_space<semaphore_mem>>) src(%arg10 : memref<1xi32, #tpu.memory_space<hbm>>) dst(%dma_wait3A_515 : memref<1xi32, #tpu.memory_space<vmem>>)
      %dma_wait3A_516 = arith.constant 0 : i32
      %dma_wait3A_517 = tpu.memref_slice %empty_ref3A_4[%dma_wait3A_516] : memref<16xi32, #tpu.memory_space<vmem>> -> memref<1xi32, #tpu.memory_space<vmem>>
      %dma_wait3A_518 = arith.constant 0 : i32
      %dma_wait3A_519 = tpu.memref_slice %empty_ref3A_4[%dma_wait3A_518] : memref<16xi32, #tpu.memory_space<vmem>> -> memref<1xi32, #tpu.memory_space<vmem>>
      tpu.wait_dma2 semaphore(%run_scoped3A : memref<!tpu.dma_semaphore, #tpu.memory_space<semaphore_mem>>) src(%arg11 : memref<1xi32, #tpu.memory_space<hbm>>) dst(%dma_wait3A_519 : memref<1xi32, #tpu.memory_space<vmem>>)
      %dma_wait3A_520 = arith.constant 0 : i32
      %dma_wait3A_521 = tpu.memref_slice %empty_ref3A_5[%dma_wait3A_520] : memref<16xi32, #tpu.memory_space<vmem>> -> memref<1xi32, #tpu.memory_space<vmem>>
      %dma_wait3A_522 = arith.constant 0 : i32
      %dma_wait3A_523 = tpu.memref_slice %empty_ref3A_5[%dma_wait3A_522] : memref<16xi32, #tpu.memory_space<vmem>> -> memref<1xi32, #tpu.memory_space<vmem>>
      tpu.wait_dma2 semaphore(%run_scoped3A : memref<!tpu.dma_semaphore, #tpu.memory_space<semaphore_mem>>) src(%arg12 : memref<1xi32, #tpu.memory_space<hbm>>) dst(%dma_wait3A_523 : memref<1xi32, #tpu.memory_space<vmem>>)
      %dma_wait3A_524 = arith.constant 0 : i32
      %dma_wait3A_525 = tpu.memref_slice %empty_ref3A_6[%dma_wait3A_524] : memref<16xi32, #tpu.memory_space<vmem>> -> memref<1xi32, #tpu.memory_space<vmem>>
      %dma_wait3A_526 = arith.constant 0 : i32
      %dma_wait3A_527 = tpu.memref_slice %empty_ref3A_6[%dma_wait3A_526] : memref<16xi32, #tpu.memory_space<vmem>> -> memref<1xi32, #tpu.memory_space<vmem>>
      tpu.wait_dma2 semaphore(%run_scoped3A : memref<!tpu.dma_semaphore, #tpu.memory_space<semaphore_mem>>) src(%arg13 : memref<1xi32, #tpu.memory_space<hbm>>) dst(%dma_wait3A_527 : memref<1xi32, #tpu.memory_space<vmem>>)
      %dma_wait3A_528 = arith.constant 0 : i32
      %dma_wait3A_529 = tpu.memref_slice %empty_ref3A_7[%dma_wait3A_528] : memref<16xi32, #tpu.memory_space<vmem>> -> memref<1xi32, #tpu.memory_space<vmem>>
      %dma_wait3A_530 = arith.constant 0 : i32
      %dma_wait3A_531 = tpu.memref_slice %empty_ref3A_7[%dma_wait3A_530] : memref<16xi32, #tpu.memory_space<vmem>> -> memref<1xi32, #tpu.memory_space<vmem>>
      tpu.wait_dma2 semaphore(%run_scoped3A : memref<!tpu.dma_semaphore, #tpu.memory_space<semaphore_mem>>) src(%arg14 : memref<1xi32, #tpu.memory_space<hbm>>) dst(%dma_wait3A_531 : memref<1xi32, #tpu.memory_space<vmem>>)
      %dma_wait3A_532 = arith.constant 0 : i32
      %dma_wait3A_533 = tpu.memref_slice %empty_ref3A_8[%dma_wait3A_532] : memref<16xi32, #tpu.memory_space<vmem>> -> memref<1xi32, #tpu.memory_space<vmem>>
      %dma_wait3A_534 = arith.constant 0 : i32
      %dma_wait3A_535 = tpu.memref_slice %empty_ref3A_8[%dma_wait3A_534] : memref<16xi32, #tpu.memory_space<vmem>> -> memref<1xi32, #tpu.memory_space<vmem>>
      tpu.wait_dma2 semaphore(%run_scoped3A : memref<!tpu.dma_semaphore, #tpu.memory_space<semaphore_mem>>) src(%arg15 : memref<1xi32, #tpu.memory_space<hbm>>) dst(%dma_wait3A_535 : memref<1xi32, #tpu.memory_space<vmem>>)
      %dma_wait3A_536 = arith.constant 0 : i32
      %dma_wait3A_537 = tpu.memref_slice %empty_ref3A_9[%dma_wait3A_536] : memref<16xi32, #tpu.memory_space<vmem>> -> memref<1xi32, #tpu.memory_space<vmem>>
      %dma_wait3A_538 = arith.constant 0 : i32
      %dma_wait3A_539 = tpu.memref_slice %empty_ref3A_9[%dma_wait3A_538] : memref<16xi32, #tpu.memory_space<vmem>> -> memref<1xi32, #tpu.memory_space<vmem>>
      tpu.wait_dma2 semaphore(%run_scoped3A : memref<!tpu.dma_semaphore, #tpu.memory_space<semaphore_mem>>) src(%arg16 : memref<1xi32, #tpu.memory_space<hbm>>) dst(%dma_wait3A_539 : memref<1xi32, #tpu.memory_space<vmem>>)
      %dma_wait3A_540 = arith.constant 0 : i32
      %dma_wait3A_541 = tpu.memref_slice %empty_ref3A_10[%dma_wait3A_540] : memref<16xi32, #tpu.memory_space<vmem>> -> memref<1xi32, #tpu.memory_space<vmem>>
      %dma_wait3A_542 = arith.constant 0 : i32
      %dma_wait3A_543 = tpu.memref_slice %empty_ref3A_10[%dma_wait3A_542] : memref<16xi32, #tpu.memory_space<vmem>> -> memref<1xi32, #tpu.memory_space<vmem>>
      tpu.wait_dma2 semaphore(%run_scoped3A : memref<!tpu.dma_semaphore, #tpu.memory_space<semaphore_mem>>) src(%arg17 : memref<1xi32, #tpu.memory_space<hbm>>) dst(%dma_wait3A_543 : memref<1xi32, #tpu.memory_space<vmem>>)
      %dma_wait3A_544 = arith.constant 0 : i32
      %dma_wait3A_545 = tpu.memref_slice %empty_ref3A_11[%dma_wait3A_544] : memref<16xi32, #tpu.memory_space<vmem>> -> memref<1xi32, #tpu.memory_space<vmem>>
      %dma_wait3A_546 = arith.constant 0 : i32
      %dma_wait3A_547 = tpu.memref_slice %empty_ref3A_11[%dma_wait3A_546] : memref<16xi32, #tpu.memory_space<vmem>> -> memref<1xi32, #tpu.memory_space<vmem>>
      tpu.wait_dma2 semaphore(%run_scoped3A : memref<!tpu.dma_semaphore, #tpu.memory_space<semaphore_mem>>) src(%arg18 : memref<1xi32, #tpu.memory_space<hbm>>) dst(%dma_wait3A_547 : memref<1xi32, #tpu.memory_space<vmem>>)
      %dma_wait3A_548 = arith.constant 0 : i32
      %dma_wait3A_549 = tpu.memref_slice %empty_ref3A_12[%dma_wait3A_548] : memref<16xi32, #tpu.memory_space<vmem>> -> memref<1xi32, #tpu.memory_space<vmem>>
      %dma_wait3A_550 = arith.constant 0 : i32
      %dma_wait3A_551 = tpu.memref_slice %empty_ref3A_12[%dma_wait3A_550] : memref<16xi32, #tpu.memory_space<vmem>> -> memref<1xi32, #tpu.memory_space<vmem>>
      tpu.wait_dma2 semaphore(%run_scoped3A : memref<!tpu.dma_semaphore, #tpu.memory_space<semaphore_mem>>) src(%arg19 : memref<1xi32, #tpu.memory_space<hbm>>) dst(%dma_wait3A_551 : memref<1xi32, #tpu.memory_space<vmem>>)
      %dma_wait3A_552 = arith.constant 0 : i32
      %dma_wait3A_553 = tpu.memref_slice %empty_ref3A_13[%dma_wait3A_552] : memref<16xi32, #tpu.memory_space<vmem>> -> memref<1xi32, #tpu.memory_space<vmem>>
      %dma_wait3A_554 = arith.constant 0 : i32
      %dma_wait3A_555 = tpu.memref_slice %empty_ref3A_13[%dma_wait3A_554] : memref<16xi32, #tpu.memory_space<vmem>> -> memref<1xi32, #tpu.memory_space<vmem>>
      tpu.wait_dma2 semaphore(%run_scoped3A : memref<!tpu.dma_semaphore, #tpu.memory_space<semaphore_mem>>) src(%arg20 : memref<1xi32, #tpu.memory_space<hbm>>) dst(%dma_wait3A_555 : memref<1xi32, #tpu.memory_space<vmem>>)
      %dma_wait3A_556 = arith.constant 0 : i32
      %dma_wait3A_557 = tpu.memref_slice %empty_ref3A_14[%dma_wait3A_556] : memref<16xi32, #tpu.memory_space<vmem>> -> memref<1xi32, #tpu.memory_space<vmem>>
      %dma_wait3A_558 = arith.constant 0 : i32
      %dma_wait3A_559 = tpu.memref_slice %empty_ref3A_14[%dma_wait3A_558] : memref<16xi32, #tpu.memory_space<vmem>> -> memref<1xi32, #tpu.memory_space<vmem>>
      tpu.wait_dma2 semaphore(%run_scoped3A : memref<!tpu.dma_semaphore, #tpu.memory_space<semaphore_mem>>) src(%arg21 : memref<1xi32, #tpu.memory_space<hbm>>) dst(%dma_wait3A_559 : memref<1xi32, #tpu.memory_space<vmem>>)
      %dma_wait3A_560 = arith.constant 0 : i32
      %dma_wait3A_561 = tpu.memref_slice %empty_ref3A_15[%dma_wait3A_560] : memref<16xi32, #tpu.memory_space<vmem>> -> memref<1xi32, #tpu.memory_space<vmem>>
      %dma_wait3A_562 = arith.constant 0 : i32
      %dma_wait3A_563 = tpu.memref_slice %empty_ref3A_15[%dma_wait3A_562] : memref<16xi32, #tpu.memory_space<vmem>> -> memref<1xi32, #tpu.memory_space<vmem>>
      tpu.wait_dma2 semaphore(%run_scoped3A : memref<!tpu.dma_semaphore, #tpu.memory_space<semaphore_mem>>) src(%arg22 : memref<1xi32, #tpu.memory_space<hbm>>) dst(%dma_wait3A_563 : memref<1xi32, #tpu.memory_space<vmem>>)
      %dma_wait3A_564 = arith.constant 0 : i32
      %dma_wait3A_565 = tpu.memref_slice %empty_ref3A_16[%dma_wait3A_564] : memref<16xi32, #tpu.memory_space<vmem>> -> memref<1xi32, #tpu.memory_space<vmem>>
      %dma_wait3A_566 = arith.constant 0 : i32
      %dma_wait3A_567 = tpu.memref_slice %empty_ref3A_16[%dma_wait3A_566] : memref<16xi32, #tpu.memory_space<vmem>> -> memref<1xi32, #tpu.memory_space<vmem>>
      tpu.wait_dma2 semaphore(%run_scoped3A : memref<!tpu.dma_semaphore, #tpu.memory_space<semaphore_mem>>) src(%arg23 : memref<1xi32, #tpu.memory_space<hbm>>) dst(%dma_wait3A_567 : memref<1xi32, #tpu.memory_space<vmem>>)
      %dma_wait3A_568 = arith.constant 0 : i32
      %dma_wait3A_569 = tpu.memref_slice %empty_ref3A_17[%dma_wait3A_568] : memref<16xi32, #tpu.memory_space<vmem>> -> memref<1xi32, #tpu.memory_space<vmem>>
      %dma_wait3A_570 = arith.constant 0 : i32
      %dma_wait3A_571 = tpu.memref_slice %empty_ref3A_17[%dma_wait3A_570] : memref<16xi32, #tpu.memory_space<vmem>> -> memref<1xi32, #tpu.memory_space<vmem>>
      tpu.wait_dma2 semaphore(%run_scoped3A : memref<!tpu.dma_semaphore, #tpu.memory_space<semaphore_mem>>) src(%arg24 : memref<1xi32, #tpu.memory_space<hbm>>) dst(%dma_wait3A_571 : memref<1xi32, #tpu.memory_space<vmem>>)
      %dma_wait3A_572 = arith.constant 0 : i32
      %dma_wait3A_573 = tpu.memref_slice %empty_ref3A_18[%dma_wait3A_572] : memref<16xi32, #tpu.memory_space<vmem>> -> memref<1xi32, #tpu.memory_space<vmem>>
      %dma_wait3A_574 = arith.constant 0 : i32
      %dma_wait3A_575 = tpu.memref_slice %empty_ref3A_18[%dma_wait3A_574] : memref<16xi32, #tpu.memory_space<vmem>> -> memref<1xi32, #tpu.memory_space<vmem>>
      tpu.wait_dma2 semaphore(%run_scoped3A : memref<!tpu.dma_semaphore, #tpu.memory_space<semaphore_mem>>) src(%arg25 : memref<1xi32, #tpu.memory_space<hbm>>) dst(%dma_wait3A_575 : memref<1xi32, #tpu.memory_space<vmem>>)
      %dma_wait3A_576 = arith.constant 0 : i32
      %dma_wait3A_577 = tpu.memref_slice %empty_ref3A_19[%dma_wait3A_576] : memref<16xi32, #tpu.memory_space<vmem>> -> memref<1xi32, #tpu.memory_space<vmem>>
      %dma_wait3A_578 = arith.constant 0 : i32
      %dma_wait3A_579 = tpu.memref_slice %empty_ref3A_19[%dma_wait3A_578] : memref<16xi32, #tpu.memory_space<vmem>> -> memref<1xi32, #tpu.memory_space<vmem>>
      tpu.wait_dma2 semaphore(%run_scoped3A : memref<!tpu.dma_semaphore, #tpu.memory_space<semaphore_mem>>) src(%arg26 : memref<1xi32, #tpu.memory_space<hbm>>) dst(%dma_wait3A_579 : memref<1xi32, #tpu.memory_space<vmem>>)
      %dma_wait3A_580 = arith.constant 0 : i32
      %dma_wait3A_581 = tpu.memref_slice %empty_ref3A_20[%dma_wait3A_580] : memref<16xi32, #tpu.memory_space<vmem>> -> memref<1xi32, #tpu.memory_space<vmem>>
      %dma_wait3A_582 = arith.constant 0 : i32
      %dma_wait3A_583 = tpu.memref_slice %empty_ref3A_20[%dma_wait3A_582] : memref<16xi32, #tpu.memory_space<vmem>> -> memref<1xi32, #tpu.memory_space<vmem>>
      tpu.wait_dma2 semaphore(%run_scoped3A : memref<!tpu.dma_semaphore, #tpu.memory_space<semaphore_mem>>) src(%arg27 : memref<1xi32, #tpu.memory_space<hbm>>) dst(%dma_wait3A_583 : memref<1xi32, #tpu.memory_space<vmem>>)
      %dma_wait3A_584 = arith.constant 0 : i32
      %dma_wait3A_585 = tpu.memref_slice %empty_ref3A_21[%dma_wait3A_584] : memref<16xi32, #tpu.memory_space<vmem>> -> memref<1xi32, #tpu.memory_space<vmem>>
      %dma_wait3A_586 = arith.constant 0 : i32
      %dma_wait3A_587 = tpu.memref_slice %empty_ref3A_21[%dma_wait3A_586] : memref<16xi32, #tpu.memory_space<vmem>> -> memref<1xi32, #tpu.memory_space<vmem>>
      tpu.wait_dma2 semaphore(%run_scoped3A : memref<!tpu.dma_semaphore, #tpu.memory_space<semaphore_mem>>) src(%arg28 : memref<1xi32, #tpu.memory_space<hbm>>) dst(%dma_wait3A_587 : memref<1xi32, #tpu.memory_space<vmem>>)
      %dma_wait3A_588 = arith.constant 0 : i32
      %dma_wait3A_589 = tpu.memref_slice %empty_ref3A_22[%dma_wait3A_588] : memref<16xi32, #tpu.memory_space<vmem>> -> memref<1xi32, #tpu.memory_space<vmem>>
      %dma_wait3A_590 = arith.constant 0 : i32
      %dma_wait3A_591 = tpu.memref_slice %empty_ref3A_22[%dma_wait3A_590] : memref<16xi32, #tpu.memory_space<vmem>> -> memref<1xi32, #tpu.memory_space<vmem>>
      tpu.wait_dma2 semaphore(%run_scoped3A : memref<!tpu.dma_semaphore, #tpu.memory_space<semaphore_mem>>) src(%arg29 : memref<1xi32, #tpu.memory_space<hbm>>) dst(%dma_wait3A_591 : memref<1xi32, #tpu.memory_space<vmem>>)
      %dma_wait3A_592 = arith.constant 0 : i32
      %dma_wait3A_593 = tpu.memref_slice %empty_ref3A_23[%dma_wait3A_592] : memref<16xi32, #tpu.memory_space<vmem>> -> memref<1xi32, #tpu.memory_space<vmem>>
      %dma_wait3A_594 = arith.constant 0 : i32
      %dma_wait3A_595 = tpu.memref_slice %empty_ref3A_23[%dma_wait3A_594] : memref<16xi32, #tpu.memory_space<vmem>> -> memref<1xi32, #tpu.memory_space<vmem>>
      tpu.wait_dma2 semaphore(%run_scoped3A : memref<!tpu.dma_semaphore, #tpu.memory_space<semaphore_mem>>) src(%arg30 : memref<1xi32, #tpu.memory_space<hbm>>) dst(%dma_wait3A_595 : memref<1xi32, #tpu.memory_space<vmem>>)
      %dma_wait3A_596 = arith.constant 0 : i32
      %dma_wait3A_597 = tpu.memref_slice %empty_ref3A_24[%dma_wait3A_596] : memref<16xi32, #tpu.memory_space<vmem>> -> memref<1xi32, #tpu.memory_space<vmem>>
      %dma_wait3A_598 = arith.constant 0 : i32
      %dma_wait3A_599 = tpu.memref_slice %empty_ref3A_24[%dma_wait3A_598] : memref<16xi32, #tpu.memory_space<vmem>> -> memref<1xi32, #tpu.memory_space<vmem>>
      tpu.wait_dma2 semaphore(%run_scoped3A : memref<!tpu.dma_semaphore, #tpu.memory_space<semaphore_mem>>) src(%arg31 : memref<1xi32, #tpu.memory_space<hbm>>) dst(%dma_wait3A_599 : memref<1xi32, #tpu.memory_space<vmem>>)
      %dma_wait3A_600 = arith.constant 0 : i32
      %dma_wait3A_601 = tpu.memref_slice %empty_ref3A_25[%dma_wait3A_600] : memref<16xi32, #tpu.memory_space<vmem>> -> memref<1xi32, #tpu.memory_space<vmem>>
      %dma_wait3A_602 = arith.constant 0 : i32
      %dma_wait3A_603 = tpu.memref_slice %empty_ref3A_25[%dma_wait3A_602] : memref<16xi32, #tpu.memory_space<vmem>> -> memref<1xi32, #tpu.memory_space<vmem>>
      tpu.wait_dma2 semaphore(%run_scoped3A : memref<!tpu.dma_semaphore, #tpu.memory_space<semaphore_mem>>) src(%arg32 : memref<1xi32, #tpu.memory_space<hbm>>) dst(%dma_wait3A_603 : memref<1xi32, #tpu.memory_space<vmem>>)
      %dma_wait3A_604 = arith.constant 0 : i32
      %dma_wait3A_605 = tpu.memref_slice %empty_ref3A_26[%dma_wait3A_604] : memref<16xi32, #tpu.memory_space<vmem>> -> memref<1xi32, #tpu.memory_space<vmem>>
      %dma_wait3A_606 = arith.constant 0 : i32
      %dma_wait3A_607 = tpu.memref_slice %empty_ref3A_26[%dma_wait3A_606] : memref<16xi32, #tpu.memory_space<vmem>> -> memref<1xi32, #tpu.memory_space<vmem>>
      tpu.wait_dma2 semaphore(%run_scoped3A : memref<!tpu.dma_semaphore, #tpu.memory_space<semaphore_mem>>) src(%arg33 : memref<1xi32, #tpu.memory_space<hbm>>) dst(%dma_wait3A_607 : memref<1xi32, #tpu.memory_space<vmem>>)
      %dma_wait3A_608 = arith.constant 0 : i32
      %dma_wait3A_609 = tpu.memref_slice %empty_ref3A_27[%dma_wait3A_608] : memref<16xi32, #tpu.memory_space<vmem>> -> memref<1xi32, #tpu.memory_space<vmem>>
      %dma_wait3A_610 = arith.constant 0 : i32
      %dma_wait3A_611 = tpu.memref_slice %empty_ref3A_27[%dma_wait3A_610] : memref<16xi32, #tpu.memory_space<vmem>> -> memref<1xi32, #tpu.memory_space<vmem>>
      tpu.wait_dma2 semaphore(%run_scoped3A : memref<!tpu.dma_semaphore, #tpu.memory_space<semaphore_mem>>) src(%arg34 : memref<1xi32, #tpu.memory_space<hbm>>) dst(%dma_wait3A_611 : memref<1xi32, #tpu.memory_space<vmem>>)
      %dma_wait3A_612 = arith.constant 0 : i32
      %dma_wait3A_613 = tpu.memref_slice %empty_ref3A_28[%dma_wait3A_612] : memref<16xi32, #tpu.memory_space<vmem>> -> memref<1xi32, #tpu.memory_space<vmem>>
      %dma_wait3A_614 = arith.constant 0 : i32
      %dma_wait3A_615 = tpu.memref_slice %empty_ref3A_28[%dma_wait3A_614] : memref<16xi32, #tpu.memory_space<vmem>> -> memref<1xi32, #tpu.memory_space<vmem>>
      tpu.wait_dma2 semaphore(%run_scoped3A : memref<!tpu.dma_semaphore, #tpu.memory_space<semaphore_mem>>) src(%arg35 : memref<1xi32, #tpu.memory_space<hbm>>) dst(%dma_wait3A_615 : memref<1xi32, #tpu.memory_space<vmem>>)
      %dma_wait3A_616 = arith.constant 0 : i32
      %dma_wait3A_617 = tpu.memref_slice %empty_ref3A_29[%dma_wait3A_616] : memref<16xi32, #tpu.memory_space<vmem>> -> memref<1xi32, #tpu.memory_space<vmem>>
      %dma_wait3A_618 = arith.constant 0 : i32
      %dma_wait3A_619 = tpu.memref_slice %empty_ref3A_29[%dma_wait3A_618] : memref<16xi32, #tpu.memory_space<vmem>> -> memref<1xi32, #tpu.memory_space<vmem>>
      tpu.wait_dma2 semaphore(%run_scoped3A : memref<!tpu.dma_semaphore, #tpu.memory_space<semaphore_mem>>) src(%arg36 : memref<1xi32, #tpu.memory_space<hbm>>) dst(%dma_wait3A_619 : memref<1xi32, #tpu.memory_space<vmem>>)
      %dma_wait3A_620 = arith.constant 0 : i32
      %dma_wait3A_621 = tpu.memref_slice %empty_ref3A_30[%dma_wait3A_620] : memref<16xi32, #tpu.memory_space<vmem>> -> memref<1xi32, #tpu.memory_space<vmem>>
      %dma_wait3A_622 = arith.constant 0 : i32
      %dma_wait3A_623 = tpu.memref_slice %empty_ref3A_30[%dma_wait3A_622] : memref<16xi32, #tpu.memory_space<vmem>> -> memref<1xi32, #tpu.memory_space<vmem>>
      tpu.wait_dma2 semaphore(%run_scoped3A : memref<!tpu.dma_semaphore, #tpu.memory_space<semaphore_mem>>) src(%arg37 : memref<1xi32, #tpu.memory_space<hbm>>) dst(%dma_wait3A_623 : memref<1xi32, #tpu.memory_space<vmem>>)
      %dma_wait3A_624 = arith.constant 0 : i32
      %dma_wait3A_625 = tpu.memref_slice %empty_ref3A_31[%dma_wait3A_624] : memref<16xi32, #tpu.memory_space<vmem>> -> memref<1xi32, #tpu.memory_space<vmem>>
      %dma_wait3A_626 = arith.constant 0 : i32
      %dma_wait3A_627 = tpu.memref_slice %empty_ref3A_31[%dma_wait3A_626] : memref<16xi32, #tpu.memory_space<vmem>> -> memref<1xi32, #tpu.memory_space<vmem>>
      tpu.wait_dma2 semaphore(%run_scoped3A : memref<!tpu.dma_semaphore, #tpu.memory_space<semaphore_mem>>) src(%arg38 : memref<1xi32, #tpu.memory_space<hbm>>) dst(%dma_wait3A_627 : memref<1xi32, #tpu.memory_space<vmem>>)
      %dma_wait3A_628 = arith.constant 0 : i32
      %dma_wait3A_629 = tpu.memref_slice %empty_ref3A_32[%dma_wait3A_628] : memref<16xi32, #tpu.memory_space<vmem>> -> memref<1xi32, #tpu.memory_space<vmem>>
      %dma_wait3A_630 = arith.constant 0 : i32
      %dma_wait3A_631 = tpu.memref_slice %empty_ref3A_32[%dma_wait3A_630] : memref<16xi32, #tpu.memory_space<vmem>> -> memref<1xi32, #tpu.memory_space<vmem>>
      tpu.wait_dma2 semaphore(%run_scoped3A : memref<!tpu.dma_semaphore, #tpu.memory_space<semaphore_mem>>) src(%arg39 : memref<1xi32, #tpu.memory_space<hbm>>) dst(%dma_wait3A_631 : memref<1xi32, #tpu.memory_space<vmem>>)
      %dma_wait3A_632 = arith.constant 0 : i32
      %dma_wait3A_633 = tpu.memref_slice %empty_ref3A_33[%dma_wait3A_632] : memref<16xi32, #tpu.memory_space<vmem>> -> memref<1xi32, #tpu.memory_space<vmem>>
      %dma_wait3A_634 = arith.constant 0 : i32
      %dma_wait3A_635 = tpu.memref_slice %empty_ref3A_33[%dma_wait3A_634] : memref<16xi32, #tpu.memory_space<vmem>> -> memref<1xi32, #tpu.memory_space<vmem>>
      tpu.wait_dma2 semaphore(%run_scoped3A : memref<!tpu.dma_semaphore, #tpu.memory_space<semaphore_mem>>) src(%arg40 : memref<1xi32, #tpu.memory_space<hbm>>) dst(%dma_wait3A_635 : memref<1xi32, #tpu.memory_space<vmem>>)
      %dma_wait3A_636 = arith.constant 0 : i32
      %dma_wait3A_637 = tpu.memref_slice %empty_ref3A_34[%dma_wait3A_636] : memref<16xi32, #tpu.memory_space<vmem>> -> memref<1xi32, #tpu.memory_space<vmem>>
      %dma_wait3A_638 = arith.constant 0 : i32
      %dma_wait3A_639 = tpu.memref_slice %empty_ref3A_34[%dma_wait3A_638] : memref<16xi32, #tpu.memory_space<vmem>> -> memref<1xi32, #tpu.memory_space<vmem>>
      tpu.wait_dma2 semaphore(%run_scoped3A : memref<!tpu.dma_semaphore, #tpu.memory_space<semaphore_mem>>) src(%arg41 : memref<1xi32, #tpu.memory_space<hbm>>) dst(%dma_wait3A_639 : memref<1xi32, #tpu.memory_space<vmem>>)
      %dma_wait3A_640 = arith.constant 0 : i32
      %dma_wait3A_641 = tpu.memref_slice %empty_ref3A_35[%dma_wait3A_640] : memref<16xi32, #tpu.memory_space<vmem>> -> memref<1xi32, #tpu.memory_space<vmem>>
      %dma_wait3A_642 = arith.constant 0 : i32
      %dma_wait3A_643 = tpu.memref_slice %empty_ref3A_35[%dma_wait3A_642] : memref<16xi32, #tpu.memory_space<vmem>> -> memref<1xi32, #tpu.memory_space<vmem>>
      tpu.wait_dma2 semaphore(%run_scoped3A : memref<!tpu.dma_semaphore, #tpu.memory_space<semaphore_mem>>) src(%arg42 : memref<1xi32, #tpu.memory_space<hbm>>) dst(%dma_wait3A_643 : memref<1xi32, #tpu.memory_space<vmem>>)
      %dma_wait3A_644 = arith.constant 0 : i32
      %dma_wait3A_645 = tpu.memref_slice %empty_ref3A_36[%dma_wait3A_644] : memref<16xi32, #tpu.memory_space<vmem>> -> memref<1xi32, #tpu.memory_space<vmem>>
      %dma_wait3A_646 = arith.constant 0 : i32
      %dma_wait3A_647 = tpu.memref_slice %empty_ref3A_36[%dma_wait3A_646] : memref<16xi32, #tpu.memory_space<vmem>> -> memref<1xi32, #tpu.memory_space<vmem>>
      tpu.wait_dma2 semaphore(%run_scoped3A : memref<!tpu.dma_semaphore, #tpu.memory_space<semaphore_mem>>) src(%arg43 : memref<1xi32, #tpu.memory_space<hbm>>) dst(%dma_wait3A_647 : memref<1xi32, #tpu.memory_space<vmem>>)
      %dma_wait3A_648 = arith.constant 0 : i32
      %dma_wait3A_649 = tpu.memref_slice %empty_ref3A_37[%dma_wait3A_648] : memref<16xi32, #tpu.memory_space<vmem>> -> memref<1xi32, #tpu.memory_space<vmem>>
      %dma_wait3A_650 = arith.constant 0 : i32
      %dma_wait3A_651 = tpu.memref_slice %empty_ref3A_37[%dma_wait3A_650] : memref<16xi32, #tpu.memory_space<vmem>> -> memref<1xi32, #tpu.memory_space<vmem>>
      tpu.wait_dma2 semaphore(%run_scoped3A : memref<!tpu.dma_semaphore, #tpu.memory_space<semaphore_mem>>) src(%arg44 : memref<1xi32, #tpu.memory_space<hbm>>) dst(%dma_wait3A_651 : memref<1xi32, #tpu.memory_space<vmem>>)
      %dma_wait3A_652 = arith.constant 0 : i32
      %dma_wait3A_653 = tpu.memref_slice %empty_ref3A_38[%dma_wait3A_652] : memref<16xi32, #tpu.memory_space<vmem>> -> memref<1xi32, #tpu.memory_space<vmem>>
      %dma_wait3A_654 = arith.constant 0 : i32
      %dma_wait3A_655 = tpu.memref_slice %empty_ref3A_38[%dma_wait3A_654] : memref<16xi32, #tpu.memory_space<vmem>> -> memref<1xi32, #tpu.memory_space<vmem>>
      tpu.wait_dma2 semaphore(%run_scoped3A : memref<!tpu.dma_semaphore, #tpu.memory_space<semaphore_mem>>) src(%arg45 : memref<1xi32, #tpu.memory_space<hbm>>) dst(%dma_wait3A_655 : memref<1xi32, #tpu.memory_space<vmem>>)
      %dma_wait3A_656 = arith.constant 0 : i32
      %dma_wait3A_657 = tpu.memref_slice %empty_ref3A_39[%dma_wait3A_656] : memref<16xi32, #tpu.memory_space<vmem>> -> memref<1xi32, #tpu.memory_space<vmem>>
      %dma_wait3A_658 = arith.constant 0 : i32
      %dma_wait3A_659 = tpu.memref_slice %empty_ref3A_39[%dma_wait3A_658] : memref<16xi32, #tpu.memory_space<vmem>> -> memref<1xi32, #tpu.memory_space<vmem>>
      tpu.wait_dma2 semaphore(%run_scoped3A : memref<!tpu.dma_semaphore, #tpu.memory_space<semaphore_mem>>) src(%arg46 : memref<1xi32, #tpu.memory_space<hbm>>) dst(%dma_wait3A_659 : memref<1xi32, #tpu.memory_space<vmem>>)
      %dma_wait3A_660 = arith.constant 0 : i32
      %dma_wait3A_661 = tpu.memref_slice %empty_ref3A_40[%dma_wait3A_660] : memref<16xi32, #tpu.memory_space<vmem>> -> memref<1xi32, #tpu.memory_space<vmem>>
      %dma_wait3A_662 = arith.constant 0 : i32
      %dma_wait3A_663 = tpu.memref_slice %empty_ref3A_40[%dma_wait3A_662] : memref<16xi32, #tpu.memory_space<vmem>> -> memref<1xi32, #tpu.memory_space<vmem>>
      tpu.wait_dma2 semaphore(%run_scoped3A : memref<!tpu.dma_semaphore, #tpu.memory_space<semaphore_mem>>) src(%arg47 : memref<1xi32, #tpu.memory_space<hbm>>) dst(%dma_wait3A_663 : memref<1xi32, #tpu.memory_space<vmem>>)
      %dma_wait3A_664 = arith.constant 0 : i32
      %dma_wait3A_665 = tpu.memref_slice %empty_ref3A_41[%dma_wait3A_664] : memref<16xi32, #tpu.memory_space<vmem>> -> memref<1xi32, #tpu.memory_space<vmem>>
      %dma_wait3A_666 = arith.constant 0 : i32
      %dma_wait3A_667 = tpu.memref_slice %empty_ref3A_41[%dma_wait3A_666] : memref<16xi32, #tpu.memory_space<vmem>> -> memref<1xi32, #tpu.memory_space<vmem>>
      tpu.wait_dma2 semaphore(%run_scoped3A : memref<!tpu.dma_semaphore, #tpu.memory_space<semaphore_mem>>) src(%arg48 : memref<1xi32, #tpu.memory_space<hbm>>) dst(%dma_wait3A_667 : memref<1xi32, #tpu.memory_space<vmem>>)
      %dma_wait3A_668 = arith.constant 0 : i32
      %dma_wait3A_669 = tpu.memref_slice %empty_ref3A_42[%dma_wait3A_668] : memref<16xi32, #tpu.memory_space<vmem>> -> memref<1xi32, #tpu.memory_space<vmem>>
      %dma_wait3A_670 = arith.constant 0 : i32
      %dma_wait3A_671 = tpu.memref_slice %empty_ref3A_42[%dma_wait3A_670] : memref<16xi32, #tpu.memory_space<vmem>> -> memref<1xi32, #tpu.memory_space<vmem>>
      tpu.wait_dma2 semaphore(%run_scoped3A : memref<!tpu.dma_semaphore, #tpu.memory_space<semaphore_mem>>) src(%arg49 : memref<1xi32, #tpu.memory_space<hbm>>) dst(%dma_wait3A_671 : memref<1xi32, #tpu.memory_space<vmem>>)
      %dma_wait3A_672 = arith.constant 0 : i32
      %dma_wait3A_673 = tpu.memref_slice %empty_ref3A_43[%dma_wait3A_672] : memref<16xi32, #tpu.memory_space<vmem>> -> memref<1xi32, #tpu.memory_space<vmem>>
      %dma_wait3A_674 = arith.constant 0 : i32
      %dma_wait3A_675 = tpu.memref_slice %empty_ref3A_43[%dma_wait3A_674] : memref<16xi32, #tpu.memory_space<vmem>> -> memref<1xi32, #tpu.memory_space<vmem>>
      tpu.wait_dma2 semaphore(%run_scoped3A : memref<!tpu.dma_semaphore, #tpu.memory_space<semaphore_mem>>) src(%arg50 : memref<1xi32, #tpu.memory_space<hbm>>) dst(%dma_wait3A_675 : memref<1xi32, #tpu.memory_space<vmem>>)
      %dma_wait3A_676 = arith.constant 0 : i32
      %dma_wait3A_677 = tpu.memref_slice %empty_ref3A_44[%dma_wait3A_676] : memref<16xi32, #tpu.memory_space<vmem>> -> memref<1xi32, #tpu.memory_space<vmem>>
      %dma_wait3A_678 = arith.constant 0 : i32
      %dma_wait3A_679 = tpu.memref_slice %empty_ref3A_44[%dma_wait3A_678] : memref<16xi32, #tpu.memory_space<vmem>> -> memref<1xi32, #tpu.memory_space<vmem>>
      tpu.wait_dma2 semaphore(%run_scoped3A : memref<!tpu.dma_semaphore, #tpu.memory_space<semaphore_mem>>) src(%arg51 : memref<1xi32, #tpu.memory_space<hbm>>) dst(%dma_wait3A_679 : memref<1xi32, #tpu.memory_space<vmem>>)
      %dma_wait3A_680 = arith.constant 0 : i32
      %dma_wait3A_681 = tpu.memref_slice %empty_ref3A_45[%dma_wait3A_680] : memref<16xi32, #tpu.memory_space<vmem>> -> memref<1xi32, #tpu.memory_space<vmem>>
      %dma_wait3A_682 = arith.constant 0 : i32
      %dma_wait3A_683 = tpu.memref_slice %empty_ref3A_45[%dma_wait3A_682] : memref<16xi32, #tpu.memory_space<vmem>> -> memref<1xi32, #tpu.memory_space<vmem>>
      tpu.wait_dma2 semaphore(%run_scoped3A : memref<!tpu.dma_semaphore, #tpu.memory_space<semaphore_mem>>) src(%arg52 : memref<1xi32, #tpu.memory_space<hbm>>) dst(%dma_wait3A_683 : memref<1xi32, #tpu.memory_space<vmem>>)
      %dma_wait3A_684 = arith.constant 0 : i32
      %dma_wait3A_685 = tpu.memref_slice %empty_ref3A_46[%dma_wait3A_684] : memref<16xi32, #tpu.memory_space<vmem>> -> memref<1xi32, #tpu.memory_space<vmem>>
      %dma_wait3A_686 = arith.constant 0 : i32
      %dma_wait3A_687 = tpu.memref_slice %empty_ref3A_46[%dma_wait3A_686] : memref<16xi32, #tpu.memory_space<vmem>> -> memref<1xi32, #tpu.memory_space<vmem>>
      tpu.wait_dma2 semaphore(%run_scoped3A : memref<!tpu.dma_semaphore, #tpu.memory_space<semaphore_mem>>) src(%arg53 : memref<1xi32, #tpu.memory_space<hbm>>) dst(%dma_wait3A_687 : memref<1xi32, #tpu.memory_space<vmem>>)
      tpu.yield
    }) : () -> ()
    %get3A = arith.constant 0 : index
    %get3A_47 = tpu.vector_load %empty_ref3A[%get3A] {strides = array<i32>} : memref<16xi32, #tpu.memory_space<vmem>>, vector<16xi32>,
    %get3A_48 = vector.shape_cast %get3A_47 : vector<16xi32> to vector<16xi32>
    %slice3A = vector.extract_strided_slice %get3A_48 {offsets = [0], sizes = [1], strides = [1]} : vector<16xi32> to vector<1xi32>
    %squeeze3A = vector.extract %slice3A[0] : i32 from vector<1xi32>
    %get3A_49 = arith.constant 0 : index
    %get3A_50 = tpu.vector_load %empty_ref3A_0[%get3A_49] {strides = array<i32>} : memref<16xi32, #tpu.memory_space<vmem>>, vector<16xi32>,
    %get3A_51 = vector.shape_cast %get3A_50 : vector<16xi32> to vector<16xi32>
    %slice3A_52 = vector.extract_strided_slice %get3A_51 {offsets = [0], sizes = [1], strides = [1]} : vector<16xi32> to vector<1xi32>
    %squeeze3A_53 = vector.extract %slice3A_52[0] : i32 from vector<1xi32>
    %get3A_54 = arith.constant 0 : index
    %get3A_55 = tpu.vector_load %empty_ref3A_1[%get3A_54] {strides = array<i32>} : memref<16xi32, #tpu.memory_space<vmem>>, vector<16xi32>,
    %get3A_56 = vector.shape_cast %get3A_55 : vector<16xi32> to vector<16xi32>
    %slice3A_57 = vector.extract_strided_slice %get3A_56 {offsets = [0], sizes = [1], strides = [1]} : vector<16xi32> to vector<1xi32>
    %squeeze3A_58 = vector.extract %slice3A_57[0] : i32 from vector<1xi32>
    %get3A_59 = arith.constant 0 : index
    %get3A_60 = tpu.vector_load %empty_ref3A_2[%get3A_59] {strides = array<i32>} : memref<16xi32, #tpu.memory_space<vmem>>, vector<16xi32>,
    %get3A_61 = vector.shape_cast %get3A_60 : vector<16xi32> to vector<16xi32>
    %slice3A_62 = vector.extract_strided_slice %get3A_61 {offsets = [0], sizes = [1], strides = [1]} : vector<16xi32> to vector<1xi32>
    %squeeze3A_63 = vector.extract %slice3A_62[0] : i32 from vector<1xi32>
    %get3A_64 = arith.constant 0 : index
    %get3A_65 = tpu.vector_load %empty_ref3A_3[%get3A_64] {strides = array<i32>} : memref<16xi32, #tpu.memory_space<vmem>>, vector<16xi32>,
    %get3A_66 = vector.shape_cast %get3A_65 : vector<16xi32> to vector<16xi32>
    %slice3A_67 = vector.extract_strided_slice %get3A_66 {offsets = [0], sizes = [1], strides = [1]} : vector<16xi32> to vector<1xi32>
    %squeeze3A_68 = vector.extract %slice3A_67[0] : i32 from vector<1xi32>
    %get3A_69 = arith.constant 0 : index
    %get3A_70 = tpu.vector_load %empty_ref3A_4[%get3A_69] {strides = array<i32>} : memref<16xi32, #tpu.memory_space<vmem>>, vector<16xi32>,
    %get3A_71 = vector.shape_cast %get3A_70 : vector<16xi32> to vector<16xi32>
    %slice3A_72 = vector.extract_strided_slice %get3A_71 {offsets = [0], sizes = [1], strides = [1]} : vector<16xi32> to vector<1xi32>
    %squeeze3A_73 = vector.extract %slice3A_72[0] : i32 from vector<1xi32>
    %get3A_74 = arith.constant 0 : index
    %get3A_75 = tpu.vector_load %empty_ref3A_5[%get3A_74] {strides = array<i32>} : memref<16xi32, #tpu.memory_space<vmem>>, vector<16xi32>,
    %get3A_76 = vector.shape_cast %get3A_75 : vector<16xi32> to vector<16xi32>
    %slice3A_77 = vector.extract_strided_slice %get3A_76 {offsets = [0], sizes = [1], strides = [1]} : vector<16xi32> to vector<1xi32>
    %squeeze3A_78 = vector.extract %slice3A_77[0] : i32 from vector<1xi32>
    %get3A_79 = arith.constant 0 : index
    %get3A_80 = tpu.vector_load %empty_ref3A_6[%get3A_79] {strides = array<i32>} : memref<16xi32, #tpu.memory_space<vmem>>, vector<16xi32>,
    %get3A_81 = vector.shape_cast %get3A_80 : vector<16xi32> to vector<16xi32>
    %slice3A_82 = vector.extract_strided_slice %get3A_81 {offsets = [0], sizes = [1], strides = [1]} : vector<16xi32> to vector<1xi32>
    %squeeze3A_83 = vector.extract %slice3A_82[0] : i32 from vector<1xi32>
    %get3A_84 = arith.constant 0 : index
    %get3A_85 = tpu.vector_load %empty_ref3A_7[%get3A_84] {strides = array<i32>} : memref<16xi32, #tpu.memory_space<vmem>>, vector<16xi32>,
    %get3A_86 = vector.shape_cast %get3A_85 : vector<16xi32> to vector<16xi32>
    %slice3A_87 = vector.extract_strided_slice %get3A_86 {offsets = [0], sizes = [1], strides = [1]} : vector<16xi32> to vector<1xi32>
    %squeeze3A_88 = vector.extract %slice3A_87[0] : i32 from vector<1xi32>
    %get3A_89 = arith.constant 0 : index
    %get3A_90 = tpu.vector_load %empty_ref3A_8[%get3A_89] {strides = array<i32>} : memref<16xi32, #tpu.memory_space<vmem>>, vector<16xi32>,
    %get3A_91 = vector.shape_cast %get3A_90 : vector<16xi32> to vector<16xi32>
    %slice3A_92 = vector.extract_strided_slice %get3A_91 {offsets = [0], sizes = [1], strides = [1]} : vector<16xi32> to vector<1xi32>
    %squeeze3A_93 = vector.extract %slice3A_92[0] : i32 from vector<1xi32>
    %get3A_94 = arith.constant 0 : index
    %get3A_95 = tpu.vector_load %empty_ref3A_9[%get3A_94] {strides = array<i32>} : memref<16xi32, #tpu.memory_space<vmem>>, vector<16xi32>,
    %get3A_96 = vector.shape_cast %get3A_95 : vector<16xi32> to vector<16xi32>
    %slice3A_97 = vector.extract_strided_slice %get3A_96 {offsets = [0], sizes = [1], strides = [1]} : vector<16xi32> to vector<1xi32>
    %squeeze3A_98 = vector.extract %slice3A_97[0] : i32 from vector<1xi32>
    %get3A_99 = arith.constant 0 : index
    %get3A_100 = tpu.vector_load %empty_ref3A_10[%get3A_99] {strides = array<i32>} : memref<16xi32, #tpu.memory_space<vmem>>, vector<16xi32>,
    %get3A_101 = vector.shape_cast %get3A_100 : vector<16xi32> to vector<16xi32>
    %slice3A_102 = vector.extract_strided_slice %get3A_101 {offsets = [0], sizes = [1], strides = [1]} : vector<16xi32> to vector<1xi32>
    %squeeze3A_103 = vector.extract %slice3A_102[0] : i32 from vector<1xi32>
    %get3A_104 = arith.constant 0 : index
    %get3A_105 = tpu.vector_load %empty_ref3A_11[%get3A_104] {strides = array<i32>} : memref<16xi32, #tpu.memory_space<vmem>>, vector<16xi32>,
    %get3A_106 = vector.shape_cast %get3A_105 : vector<16xi32> to vector<16xi32>
    %slice3A_107 = vector.extract_strided_slice %get3A_106 {offsets = [0], sizes = [1], strides = [1]} : vector<16xi32> to vector<1xi32>
    %squeeze3A_108 = vector.extract %slice3A_107[0] : i32 from vector<1xi32>
    %get3A_109 = arith.constant 0 : index
    %get3A_110 = tpu.vector_load %empty_ref3A_12[%get3A_109] {strides = array<i32>} : memref<16xi32, #tpu.memory_space<vmem>>, vector<16xi32>,
    %get3A_111 = vector.shape_cast %get3A_110 : vector<16xi32> to vector<16xi32>
    %slice3A_112 = vector.extract_strided_slice %get3A_111 {offsets = [0], sizes = [1], strides = [1]} : vector<16xi32> to vector<1xi32>
    %squeeze3A_113 = vector.extract %slice3A_112[0] : i32 from vector<1xi32>
    %get3A_114 = arith.constant 0 : index
    %get3A_115 = tpu.vector_load %empty_ref3A_13[%get3A_114] {strides = array<i32>} : memref<16xi32, #tpu.memory_space<vmem>>, vector<16xi32>,
    %get3A_116 = vector.shape_cast %get3A_115 : vector<16xi32> to vector<16xi32>
    %slice3A_117 = vector.extract_strided_slice %get3A_116 {offsets = [0], sizes = [1], strides = [1]} : vector<16xi32> to vector<1xi32>
    %squeeze3A_118 = vector.extract %slice3A_117[0] : i32 from vector<1xi32>
    %get3A_119 = arith.constant 0 : index
    %get3A_120 = tpu.vector_load %empty_ref3A_14[%get3A_119] {strides = array<i32>} : memref<16xi32, #tpu.memory_space<vmem>>, vector<16xi32>,
    %get3A_121 = vector.shape_cast %get3A_120 : vector<16xi32> to vector<16xi32>
    %slice3A_122 = vector.extract_strided_slice %get3A_121 {offsets = [0], sizes = [1], strides = [1]} : vector<16xi32> to vector<1xi32>
    %squeeze3A_123 = vector.extract %slice3A_122[0] : i32 from vector<1xi32>
    %get3A_124 = arith.constant 0 : index
    %get3A_125 = tpu.vector_load %empty_ref3A_15[%get3A_124] {strides = array<i32>} : memref<16xi32, #tpu.memory_space<vmem>>, vector<16xi32>,
    %get3A_126 = vector.shape_cast %get3A_125 : vector<16xi32> to vector<16xi32>
    %slice3A_127 = vector.extract_strided_slice %get3A_126 {offsets = [0], sizes = [1], strides = [1]} : vector<16xi32> to vector<1xi32>
    %squeeze3A_128 = vector.extract %slice3A_127[0] : i32 from vector<1xi32>
    %get3A_129 = arith.constant 0 : index
    %get3A_130 = tpu.vector_load %empty_ref3A_16[%get3A_129] {strides = array<i32>} : memref<16xi32, #tpu.memory_space<vmem>>, vector<16xi32>,
    %get3A_131 = vector.shape_cast %get3A_130 : vector<16xi32> to vector<16xi32>
    %slice3A_132 = vector.extract_strided_slice %get3A_131 {offsets = [0], sizes = [1], strides = [1]} : vector<16xi32> to vector<1xi32>
    %squeeze3A_133 = vector.extract %slice3A_132[0] : i32 from vector<1xi32>
    %get3A_134 = arith.constant 0 : index
    %get3A_135 = tpu.vector_load %empty_ref3A_17[%get3A_134] {strides = array<i32>} : memref<16xi32, #tpu.memory_space<vmem>>, vector<16xi32>,
    %get3A_136 = vector.shape_cast %get3A_135 : vector<16xi32> to vector<16xi32>
    %slice3A_137 = vector.extract_strided_slice %get3A_136 {offsets = [0], sizes = [1], strides = [1]} : vector<16xi32> to vector<1xi32>
    %squeeze3A_138 = vector.extract %slice3A_137[0] : i32 from vector<1xi32>
    %get3A_139 = arith.constant 0 : index
    %get3A_140 = tpu.vector_load %empty_ref3A_18[%get3A_139] {strides = array<i32>} : memref<16xi32, #tpu.memory_space<vmem>>, vector<16xi32>,
    %get3A_141 = vector.shape_cast %get3A_140 : vector<16xi32> to vector<16xi32>
    %slice3A_142 = vector.extract_strided_slice %get3A_141 {offsets = [0], sizes = [1], strides = [1]} : vector<16xi32> to vector<1xi32>
    %squeeze3A_143 = vector.extract %slice3A_142[0] : i32 from vector<1xi32>
    %get3A_144 = arith.constant 0 : index
    %get3A_145 = tpu.vector_load %empty_ref3A_19[%get3A_144] {strides = array<i32>} : memref<16xi32, #tpu.memory_space<vmem>>, vector<16xi32>,
    %get3A_146 = vector.shape_cast %get3A_145 : vector<16xi32> to vector<16xi32>
    %slice3A_147 = vector.extract_strided_slice %get3A_146 {offsets = [0], sizes = [1], strides = [1]} : vector<16xi32> to vector<1xi32>
    %squeeze3A_148 = vector.extract %slice3A_147[0] : i32 from vector<1xi32>
    %get3A_149 = arith.constant 0 : index
    %get3A_150 = tpu.vector_load %empty_ref3A_20[%get3A_149] {strides = array<i32>} : memref<16xi32, #tpu.memory_space<vmem>>, vector<16xi32>,
    %get3A_151 = vector.shape_cast %get3A_150 : vector<16xi32> to vector<16xi32>
    %slice3A_152 = vector.extract_strided_slice %get3A_151 {offsets = [0], sizes = [1], strides = [1]} : vector<16xi32> to vector<1xi32>
    %squeeze3A_153 = vector.extract %slice3A_152[0] : i32 from vector<1xi32>
    %get3A_154 = arith.constant 0 : index
    %get3A_155 = tpu.vector_load %empty_ref3A_21[%get3A_154] {strides = array<i32>} : memref<16xi32, #tpu.memory_space<vmem>>, vector<16xi32>,
    %get3A_156 = vector.shape_cast %get3A_155 : vector<16xi32> to vector<16xi32>
    %slice3A_157 = vector.extract_strided_slice %get3A_156 {offsets = [0], sizes = [1], strides = [1]} : vector<16xi32> to vector<1xi32>
    %squeeze3A_158 = vector.extract %slice3A_157[0] : i32 from vector<1xi32>
    %get3A_159 = arith.constant 0 : index
    %get3A_160 = tpu.vector_load %empty_ref3A_22[%get3A_159] {strides = array<i32>} : memref<16xi32, #tpu.memory_space<vmem>>, vector<16xi32>,
    %get3A_161 = vector.shape_cast %get3A_160 : vector<16xi32> to vector<16xi32>
    %slice3A_162 = vector.extract_strided_slice %get3A_161 {offsets = [0], sizes = [1], strides = [1]} : vector<16xi32> to vector<1xi32>
    %squeeze3A_163 = vector.extract %slice3A_162[0] : i32 from vector<1xi32>
    %get3A_164 = arith.constant 0 : index
    %get3A_165 = tpu.vector_load %empty_ref3A_23[%get3A_164] {strides = array<i32>} : memref<16xi32, #tpu.memory_space<vmem>>, vector<16xi32>,
    %get3A_166 = vector.shape_cast %get3A_165 : vector<16xi32> to vector<16xi32>
    %slice3A_167 = vector.extract_strided_slice %get3A_166 {offsets = [0], sizes = [1], strides = [1]} : vector<16xi32> to vector<1xi32>
    %squeeze3A_168 = vector.extract %slice3A_167[0] : i32 from vector<1xi32>
    %get3A_169 = arith.constant 0 : index
    %get3A_170 = tpu.vector_load %empty_ref3A_24[%get3A_169] {strides = array<i32>} : memref<16xi32, #tpu.memory_space<vmem>>, vector<16xi32>,
    %get3A_171 = vector.shape_cast %get3A_170 : vector<16xi32> to vector<16xi32>
    %slice3A_172 = vector.extract_strided_slice %get3A_171 {offsets = [0], sizes = [1], strides = [1]} : vector<16xi32> to vector<1xi32>
    %squeeze3A_173 = vector.extract %slice3A_172[0] : i32 from vector<1xi32>
    %get3A_174 = arith.constant 0 : index
    %get3A_175 = tpu.vector_load %empty_ref3A_25[%get3A_174] {strides = array<i32>} : memref<16xi32, #tpu.memory_space<vmem>>, vector<16xi32>,
    %get3A_176 = vector.shape_cast %get3A_175 : vector<16xi32> to vector<16xi32>
    %slice3A_177 = vector.extract_strided_slice %get3A_176 {offsets = [0], sizes = [1], strides = [1]} : vector<16xi32> to vector<1xi32>
    %squeeze3A_178 = vector.extract %slice3A_177[0] : i32 from vector<1xi32>
    %get3A_179 = arith.constant 0 : index
    %get3A_180 = tpu.vector_load %empty_ref3A_26[%get3A_179] {strides = array<i32>} : memref<16xi32, #tpu.memory_space<vmem>>, vector<16xi32>,
    %get3A_181 = vector.shape_cast %get3A_180 : vector<16xi32> to vector<16xi32>
    %slice3A_182 = vector.extract_strided_slice %get3A_181 {offsets = [0], sizes = [1], strides = [1]} : vector<16xi32> to vector<1xi32>
    %squeeze3A_183 = vector.extract %slice3A_182[0] : i32 from vector<1xi32>
    %get3A_184 = arith.constant 0 : index
    %get3A_185 = tpu.vector_load %empty_ref3A_27[%get3A_184] {strides = array<i32>} : memref<16xi32, #tpu.memory_space<vmem>>, vector<16xi32>,
    %get3A_186 = vector.shape_cast %get3A_185 : vector<16xi32> to vector<16xi32>
    %slice3A_187 = vector.extract_strided_slice %get3A_186 {offsets = [0], sizes = [1], strides = [1]} : vector<16xi32> to vector<1xi32>
    %squeeze3A_188 = vector.extract %slice3A_187[0] : i32 from vector<1xi32>
    %get3A_189 = arith.constant 0 : index
    %get3A_190 = tpu.vector_load %empty_ref3A_28[%get3A_189] {strides = array<i32>} : memref<16xi32, #tpu.memory_space<vmem>>, vector<16xi32>,
    %get3A_191 = vector.shape_cast %get3A_190 : vector<16xi32> to vector<16xi32>
    %slice3A_192 = vector.extract_strided_slice %get3A_191 {offsets = [0], sizes = [1], strides = [1]} : vector<16xi32> to vector<1xi32>
    %squeeze3A_193 = vector.extract %slice3A_192[0] : i32 from vector<1xi32>
    %get3A_194 = arith.constant 0 : index
    %get3A_195 = tpu.vector_load %empty_ref3A_29[%get3A_194] {strides = array<i32>} : memref<16xi32, #tpu.memory_space<vmem>>, vector<16xi32>,
    %get3A_196 = vector.shape_cast %get3A_195 : vector<16xi32> to vector<16xi32>
    %slice3A_197 = vector.extract_strided_slice %get3A_196 {offsets = [0], sizes = [1], strides = [1]} : vector<16xi32> to vector<1xi32>
    %squeeze3A_198 = vector.extract %slice3A_197[0] : i32 from vector<1xi32>
    %get3A_199 = arith.constant 0 : index
    %get3A_200 = tpu.vector_load %empty_ref3A_30[%get3A_199] {strides = array<i32>} : memref<16xi32, #tpu.memory_space<vmem>>, vector<16xi32>,
    %get3A_201 = vector.shape_cast %get3A_200 : vector<16xi32> to vector<16xi32>
    %slice3A_202 = vector.extract_strided_slice %get3A_201 {offsets = [0], sizes = [1], strides = [1]} : vector<16xi32> to vector<1xi32>
    %squeeze3A_203 = vector.extract %slice3A_202[0] : i32 from vector<1xi32>
    %get3A_204 = arith.constant 0 : index
    %get3A_205 = tpu.vector_load %empty_ref3A_31[%get3A_204] {strides = array<i32>} : memref<16xi32, #tpu.memory_space<vmem>>, vector<16xi32>,
    %get3A_206 = vector.shape_cast %get3A_205 : vector<16xi32> to vector<16xi32>
    %slice3A_207 = vector.extract_strided_slice %get3A_206 {offsets = [0], sizes = [1], strides = [1]} : vector<16xi32> to vector<1xi32>
    %squeeze3A_208 = vector.extract %slice3A_207[0] : i32 from vector<1xi32>
    %get3A_209 = arith.constant 0 : index
    %get3A_210 = tpu.vector_load %empty_ref3A_32[%get3A_209] {strides = array<i32>} : memref<16xi32, #tpu.memory_space<vmem>>, vector<16xi32>,
    %get3A_211 = vector.shape_cast %get3A_210 : vector<16xi32> to vector<16xi32>
    %slice3A_212 = vector.extract_strided_slice %get3A_211 {offsets = [0], sizes = [1], strides = [1]} : vector<16xi32> to vector<1xi32>
    %squeeze3A_213 = vector.extract %slice3A_212[0] : i32 from vector<1xi32>
    %get3A_214 = arith.constant 0 : index
    %get3A_215 = tpu.vector_load %empty_ref3A_33[%get3A_214] {strides = array<i32>} : memref<16xi32, #tpu.memory_space<vmem>>, vector<16xi32>,
    %get3A_216 = vector.shape_cast %get3A_215 : vector<16xi32> to vector<16xi32>
    %slice3A_217 = vector.extract_strided_slice %get3A_216 {offsets = [0], sizes = [1], strides = [1]} : vector<16xi32> to vector<1xi32>
    %squeeze3A_218 = vector.extract %slice3A_217[0] : i32 from vector<1xi32>
    %get3A_219 = arith.constant 0 : index
    %get3A_220 = tpu.vector_load %empty_ref3A_34[%get3A_219] {strides = array<i32>} : memref<16xi32, #tpu.memory_space<vmem>>, vector<16xi32>,
    %get3A_221 = vector.shape_cast %get3A_220 : vector<16xi32> to vector<16xi32>
    %slice3A_222 = vector.extract_strided_slice %get3A_221 {offsets = [0], sizes = [1], strides = [1]} : vector<16xi32> to vector<1xi32>
    %squeeze3A_223 = vector.extract %slice3A_222[0] : i32 from vector<1xi32>
    %get3A_224 = arith.constant 0 : index
    %get3A_225 = tpu.vector_load %empty_ref3A_35[%get3A_224] {strides = array<i32>} : memref<16xi32, #tpu.memory_space<vmem>>, vector<16xi32>,
    %get3A_226 = vector.shape_cast %get3A_225 : vector<16xi32> to vector<16xi32>
    %slice3A_227 = vector.extract_strided_slice %get3A_226 {offsets = [0], sizes = [1], strides = [1]} : vector<16xi32> to vector<1xi32>
    %squeeze3A_228 = vector.extract %slice3A_227[0] : i32 from vector<1xi32>
    %get3A_229 = arith.constant 0 : index
    %get3A_230 = tpu.vector_load %empty_ref3A_36[%get3A_229] {strides = array<i32>} : memref<16xi32, #tpu.memory_space<vmem>>, vector<16xi32>,
    %get3A_231 = vector.shape_cast %get3A_230 : vector<16xi32> to vector<16xi32>
    %slice3A_232 = vector.extract_strided_slice %get3A_231 {offsets = [0], sizes = [1], strides = [1]} : vector<16xi32> to vector<1xi32>
    %squeeze3A_233 = vector.extract %slice3A_232[0] : i32 from vector<1xi32>
    %get3A_234 = arith.constant 0 : index
    %get3A_235 = tpu.vector_load %empty_ref3A_37[%get3A_234] {strides = array<i32>} : memref<16xi32, #tpu.memory_space<vmem>>, vector<16xi32>,
    %get3A_236 = vector.shape_cast %get3A_235 : vector<16xi32> to vector<16xi32>
    %slice3A_237 = vector.extract_strided_slice %get3A_236 {offsets = [0], sizes = [1], strides = [1]} : vector<16xi32> to vector<1xi32>
    %squeeze3A_238 = vector.extract %slice3A_237[0] : i32 from vector<1xi32>
    %get3A_239 = arith.constant 0 : index
    %get3A_240 = tpu.vector_load %empty_ref3A_38[%get3A_239] {strides = array<i32>} : memref<16xi32, #tpu.memory_space<vmem>>, vector<16xi32>,
    %get3A_241 = vector.shape_cast %get3A_240 : vector<16xi32> to vector<16xi32>
    %slice3A_242 = vector.extract_strided_slice %get3A_241 {offsets = [0], sizes = [1], strides = [1]} : vector<16xi32> to vector<1xi32>
    %squeeze3A_243 = vector.extract %slice3A_242[0] : i32 from vector<1xi32>
    %get3A_244 = arith.constant 0 : index
    %get3A_245 = tpu.vector_load %empty_ref3A_39[%get3A_244] {strides = array<i32>} : memref<16xi32, #tpu.memory_space<vmem>>, vector<16xi32>,
    %get3A_246 = vector.shape_cast %get3A_245 : vector<16xi32> to vector<16xi32>
    %slice3A_247 = vector.extract_strided_slice %get3A_246 {offsets = [0], sizes = [1], strides = [1]} : vector<16xi32> to vector<1xi32>
    %squeeze3A_248 = vector.extract %slice3A_247[0] : i32 from vector<1xi32>
    %get3A_249 = arith.constant 0 : index
    %get3A_250 = tpu.vector_load %empty_ref3A_40[%get3A_249] {strides = array<i32>} : memref<16xi32, #tpu.memory_space<vmem>>, vector<16xi32>,
    %get3A_251 = vector.shape_cast %get3A_250 : vector<16xi32> to vector<16xi32>
    %slice3A_252 = vector.extract_strided_slice %get3A_251 {offsets = [0], sizes = [1], strides = [1]} : vector<16xi32> to vector<1xi32>
    %squeeze3A_253 = vector.extract %slice3A_252[0] : i32 from vector<1xi32>
    %get3A_254 = arith.constant 0 : index
    %get3A_255 = tpu.vector_load %empty_ref3A_41[%get3A_254] {strides = array<i32>} : memref<16xi32, #tpu.memory_space<vmem>>, vector<16xi32>,
    %get3A_256 = vector.shape_cast %get3A_255 : vector<16xi32> to vector<16xi32>
    %slice3A_257 = vector.extract_strided_slice %get3A_256 {offsets = [0], sizes = [1], strides = [1]} : vector<16xi32> to vector<1xi32>
    %squeeze3A_258 = vector.extract %slice3A_257[0] : i32 from vector<1xi32>
    %get3A_259 = arith.constant 0 : index
    %get3A_260 = tpu.vector_load %empty_ref3A_42[%get3A_259] {strides = array<i32>} : memref<16xi32, #tpu.memory_space<vmem>>, vector<16xi32>,
    %get3A_261 = vector.shape_cast %get3A_260 : vector<16xi32> to vector<16xi32>
    %slice3A_262 = vector.extract_strided_slice %get3A_261 {offsets = [0], sizes = [1], strides = [1]} : vector<16xi32> to vector<1xi32>
    %squeeze3A_263 = vector.extract %slice3A_262[0] : i32 from vector<1xi32>
    %get3A_264 = arith.constant 0 : index
    %get3A_265 = tpu.vector_load %empty_ref3A_43[%get3A_264] {strides = array<i32>} : memref<16xi32, #tpu.memory_space<vmem>>, vector<16xi32>,
    %get3A_266 = vector.shape_cast %get3A_265 : vector<16xi32> to vector<16xi32>
    %slice3A_267 = vector.extract_strided_slice %get3A_266 {offsets = [0], sizes = [1], strides = [1]} : vector<16xi32> to vector<1xi32>
    %squeeze3A_268 = vector.extract %slice3A_267[0] : i32 from vector<1xi32>
    %get3A_269 = arith.constant 0 : index
    %get3A_270 = tpu.vector_load %empty_ref3A_44[%get3A_269] {strides = array<i32>} : memref<16xi32, #tpu.memory_space<vmem>>, vector<16xi32>,
    %get3A_271 = vector.shape_cast %get3A_270 : vector<16xi32> to vector<16xi32>
    %slice3A_272 = vector.extract_strided_slice %get3A_271 {offsets = [0], sizes = [1], strides = [1]} : vector<16xi32> to vector<1xi32>
    %squeeze3A_273 = vector.extract %slice3A_272[0] : i32 from vector<1xi32>
    %get3A_274 = arith.constant 0 : index
    %get3A_275 = tpu.vector_load %empty_ref3A_45[%get3A_274] {strides = array<i32>} : memref<16xi32, #tpu.memory_space<vmem>>, vector<16xi32>,
    %get3A_276 = vector.shape_cast %get3A_275 : vector<16xi32> to vector<16xi32>
    %slice3A_277 = vector.extract_strided_slice %get3A_276 {offsets = [0], sizes = [1], strides = [1]} : vector<16xi32> to vector<1xi32>
    %squeeze3A_278 = vector.extract %slice3A_277[0] : i32 from vector<1xi32>
    %get3A_279 = arith.constant 0 : index
    %get3A_280 = tpu.vector_load %empty_ref3A_46[%get3A_279] {strides = array<i32>} : memref<16xi32, #tpu.memory_space<vmem>>, vector<16xi32>,
    %get3A_281 = vector.shape_cast %get3A_280 : vector<16xi32> to vector<16xi32>
    %slice3A_282 = vector.extract_strided_slice %get3A_281 {offsets = [0], sizes = [1], strides = [1]} : vector<16xi32> to vector<1xi32>
    %squeeze3A_283 = vector.extract %slice3A_282[0] : i32 from vector<1xi32>
    %mul3A = arith.constant 6258 : i32
    %mul3A_284 = arith.muli %arg1, %mul3A : i32
    %add3A = arith.constant 0 : i32
    %add3A_285 = arith.addi %mul3A_284, %add3A : i32
    "tpu.region"() ({
      %run_scoped3A = tpu.sem_alloc : memref<!tpu.dma_semaphore, #tpu.memory_space<semaphore_mem>>
      %dma_start3A = arith.constant 0 : i32
      %dma_start3A_306 = tpu.memref_slice %arg61[%add3A_285, %dma_start3A] : memref<100128x16xbf16, #tpu.memory_space<vmem_shared>> -> memref<2048x16xbf16, #tpu.memory_space<vmem_shared>>
      tpu.enqueue_dma source(%arg5 : memref<2048x16xbf16, #tpu.memory_space<hbm>>) target(%dma_start3A_306 : memref<2048x16xbf16, #tpu.memory_space<vmem_shared>>) target_semaphore(%run_scoped3A : memref<!tpu.dma_semaphore, #tpu.memory_space<semaphore_mem>>)
      %dma_wait3A = arith.constant 0 : i32
      %dma_wait3A_307 = tpu.memref_slice %arg61[%add3A_285, %dma_wait3A] : memref<100128x16xbf16, #tpu.memory_space<vmem_shared>> -> memref<2048x16xbf16, #tpu.memory_space<vmem_shared>>
      tpu.wait_dma2 semaphore(%run_scoped3A : memref<!tpu.dma_semaphore, #tpu.memory_space<semaphore_mem>>) src(%arg5 : memref<2048x16xbf16, #tpu.memory_space<hbm>>) dst(%dma_wait3A_307 : memref<2048x16xbf16, #tpu.memory_space<vmem_shared>>)
      tpu.yield
    }) : () -> ()
    %add3A_286 = arith.constant 2048 : i32
    %add3A_287 = arith.addi %mul3A_284, %add3A_286 : i32
    "tpu.region"() ({
      %run_scoped3A = tpu.sem_alloc : memref<!tpu.dma_semaphore, #tpu.memory_space<semaphore_mem>>
      %dma_start3A = arith.constant 0 : i32
      %dma_start3A_306 = tpu.memref_slice %arg61[%add3A_287, %dma_start3A] : memref<100128x16xbf16, #tpu.memory_space<vmem_shared>> -> memref<2048x16xbf16, #tpu.memory_space<vmem_shared>>
      tpu.enqueue_dma source(%arg5 : memref<2048x16xbf16, #tpu.memory_space<hbm>>) target(%dma_start3A_306 : memref<2048x16xbf16, #tpu.memory_space<vmem_shared>>) target_semaphore(%run_scoped3A : memref<!tpu.dma_semaphore, #tpu.memory_space<semaphore_mem>>)
      %dma_wait3A = arith.constant 0 : i32
      %dma_wait3A_307 = tpu.memref_slice %arg61[%add3A_287, %dma_wait3A] : memref<100128x16xbf16, #tpu.memory_space<vmem_shared>> -> memref<2048x16xbf16, #tpu.memory_space<vmem_shared>>
      tpu.wait_dma2 semaphore(%run_scoped3A : memref<!tpu.dma_semaphore, #tpu.memory_space<semaphore_mem>>) src(%arg5 : memref<2048x16xbf16, #tpu.memory_space<hbm>>) dst(%dma_wait3A_307 : memref<2048x16xbf16, #tpu.memory_space<vmem_shared>>)
      tpu.yield
    }) : () -> ()
    %add3A_288 = arith.constant 4096 : i32
    %add3A_289 = arith.addi %mul3A_284, %add3A_288 : i32
    "tpu.region"() ({
      %run_scoped3A = tpu.sem_alloc : memref<!tpu.dma_semaphore, #tpu.memory_space<semaphore_mem>>
      %dma_start3A = arith.constant 0 : i32
      %dma_start3A_306 = tpu.memref_slice %arg61[%add3A_289, %dma_start3A] : memref<100128x16xbf16, #tpu.memory_space<vmem_shared>> -> memref<2048x16xbf16, #tpu.memory_space<vmem_shared>>
      tpu.enqueue_dma source(%arg5 : memref<2048x16xbf16, #tpu.memory_space<hbm>>) target(%dma_start3A_306 : memref<2048x16xbf16, #tpu.memory_space<vmem_shared>>) target_semaphore(%run_scoped3A : memref<!tpu.dma_semaphore, #tpu.memory_space<semaphore_mem>>)
      %dma_wait3A = arith.constant 0 : i32
      %dma_wait3A_307 = tpu.memref_slice %arg61[%add3A_289, %dma_wait3A] : memref<100128x16xbf16, #tpu.memory_space<vmem_shared>> -> memref<2048x16xbf16, #tpu.memory_space<vmem_shared>>
      tpu.wait_dma2 semaphore(%run_scoped3A : memref<!tpu.dma_semaphore, #tpu.memory_space<semaphore_mem>>) src(%arg5 : memref<2048x16xbf16, #tpu.memory_space<hbm>>) dst(%dma_wait3A_307 : memref<2048x16xbf16, #tpu.memory_space<vmem_shared>>)
      tpu.yield
    }) : () -> ()
    %add3A_290 = arith.constant 6258 : i32
    %add3A_291 = arith.addi %mul3A_284, %add3A_290 : i32
    %sub3A = arith.constant 114 : i32
    %sub3A_292 = arith.subi %add3A_291, %sub3A : i32
    "tpu.region"() ({
      %run_scoped3A = tpu.sem_alloc : memref<!tpu.dma_semaphore, #tpu.memory_space<semaphore_mem>>
      %dma_start3A = arith.constant 0 : i32
      %dma_start3A_306 = tpu.memref_slice %arg61[%sub3A_292, %dma_start3A] : memref<100128x16xbf16, #tpu.memory_space<vmem_shared>> -> memref<114x16xbf16, #tpu.memory_space<vmem_shared>>
      %dma_start3A_307 = arith.constant 0 : i32
      %dma_start3A_308 = arith.constant 0 : i32
      %dma_start3A_309 = tpu.memref_slice %arg5[%dma_start3A_307, %dma_start3A_308] : memref<2048x16xbf16, #tpu.memory_space<hbm>> -> memref<114x16xbf16, #tpu.memory_space<hbm>>
      tpu.enqueue_dma source(%dma_start3A_309 : memref<114x16xbf16, #tpu.memory_space<hbm>>) target(%dma_start3A_306 : memref<114x16xbf16, #tpu.memory_space<vmem_shared>>) target_semaphore(%run_scoped3A : memref<!tpu.dma_semaphore, #tpu.memory_space<semaphore_mem>>)
      %dma_wait3A = arith.constant 0 : i32
      %dma_wait3A_310 = tpu.memref_slice %arg61[%sub3A_292, %dma_wait3A] : memref<100128x16xbf16, #tpu.memory_space<vmem_shared>> -> memref<114x16xbf16, #tpu.memory_space<vmem_shared>>
      %dma_wait3A_311 = arith.constant 0 : i32
      %dma_wait3A_312 = arith.constant 0 : i32
      %dma_wait3A_313 = tpu.memref_slice %arg5[%dma_wait3A_311, %dma_wait3A_312] : memref<2048x16xbf16, #tpu.memory_space<hbm>> -> memref<114x16xbf16, #tpu.memory_space<hbm>>
      tpu.wait_dma2 semaphore(%run_scoped3A : memref<!tpu.dma_semaphore, #tpu.memory_space<semaphore_mem>>) src(%dma_wait3A_313 : memref<114x16xbf16, #tpu.memory_space<hbm>>) dst(%dma_wait3A_310 : memref<114x16xbf16, #tpu.memory_space<vmem_shared>>)
      tpu.yield
    }) : () -> ()
    %barrier3A = arith.constant 0 : index
    tpu.barrier barrier_id(%barrier3A)
    %mul3A_293 = arith.constant 675 : i32
    %mul3A_294 = arith.muli %arg0, %mul3A_293 : i32
    %scan3A = arith.constant 0 : i32
    %scan3A_295 = arith.constant 0 : i32
    %scan3A_296 = arith.constant 22 : i32
    %scan3A_297 = arith.addi %scan3A_295, %scan3A_296 : i32
    %scan3A_298 = arith.constant 1 : i32
    %scan3A_299 = scf.for %scan3A_306 = %scan3A_295 to %scan3A_297 step %scan3A_298 iter_args(%scan3A_307 = %scan3A) -> (i32)  : i32 {
      %mul3A_308 = arith.constant 2 : i32
      %mul3A_309 = arith.muli %mul3A_308, %scan3A_306 : i32
      %mul3A_310 = arith.constant 16 : i32
      %mul3A_311 = arith.muli %mul3A_310, %mul3A_309 : i32
      %add3A_312 = arith.addi %arg1, %mul3A_311 : i32
      %mul3A_313 = arith.constant 2 : i32
      %mul3A_314 = arith.muli %mul3A_313, %scan3A_306 : i32
      %add3A_315 = arith.constant 1 : i32
      %add3A_316 = arith.addi %mul3A_314, %add3A_315 : i32
      %mul3A_317 = arith.constant 16 : i32
      %mul3A_318 = arith.muli %mul3A_317, %add3A_316 : i32
      %add3A_319 = arith.addi %arg1, %mul3A_318 : i32
      %add3A_320 = arith.addi %mul3A_294, %add3A_312 : i32
      %mul3A_321 = arith.constant 16 : i32
      %mul3A_322 = arith.muli %add3A_320, %mul3A_321 : i32
      %add3A_323 = arith.addi %mul3A_294, %add3A_319 : i32
      %mul3A_324 = arith.constant 16 : i32
      %mul3A_325 = arith.muli %add3A_323, %mul3A_324 : i32
      %lt3A = arith.constant 675 : i32
      %lt3A_326 = arith.cmpi slt, %add3A_312, %lt3A : i32
      %lt3A_327 = arith.constant 675 : i32
      %lt3A_328 = arith.cmpi slt, %add3A_319, %lt3A_327 : i32
      %convert_element_type3A = arith.extui %lt3A_326 : i1 to i32
      %cond3A = arith.constant 0 : i32
      %cond3A_329 = arith.cmpi ne, %convert_element_type3A, %cond3A : i32
      scf.if %cond3A_329 {
        %dma_start3A = arith.constant 0 : i32
        %dma_start3A_352 = tpu.memref_slice %arg3[%mul3A_322, %dma_start3A] : memref<21600x128xi32, #tpu.memory_space<hbm>> -> memref<16x128xi32, #tpu.memory_space<hbm>>
        %dma_start3A_353 = arith.constant 0 : i32
        %dma_start3A_354 = tpu.memref_slice %arg3[%mul3A_322, %dma_start3A_353] : memref<21600x128xi32, #tpu.memory_space<hbm>> -> memref<16x128xi32, #tpu.memory_space<hbm>>
        tpu.enqueue_dma source(%dma_start3A_354 : memref<16x128xi32, #tpu.memory_space<hbm>>) target(%arg55 : memref<16x128xi32, #tpu.memory_space<vmem>>) target_semaphore(%arg62 : memref<!tpu.dma_semaphore, #tpu.memory_space<semaphore_mem>>)
        %dma_start3A_355 = arith.constant 0 : i32
        %dma_start3A_356 = tpu.memref_slice %arg4[%mul3A_322, %dma_start3A_355] : memref<21600x128xi32, #tpu.memory_space<hbm>> -> memref<16x128xi32, #tpu.memory_space<hbm>>
        %dma_start3A_357 = arith.constant 0 : i32
        %dma_start3A_358 = tpu.memref_slice %arg4[%mul3A_322, %dma_start3A_357] : memref<21600x128xi32, #tpu.memory_space<hbm>> -> memref<16x128xi32, #tpu.memory_space<hbm>>
        tpu.enqueue_dma source(%dma_start3A_358 : memref<16x128xi32, #tpu.memory_space<hbm>>) target(%arg57 : memref<16x128xi32, #tpu.memory_space<vmem>>) target_semaphore(%arg62 : memref<!tpu.dma_semaphore, #tpu.memory_space<semaphore_mem>>)
      } else {
      }
      %convert_element_type3A_330 = arith.extui %lt3A_328 : i1 to i32
      %cond3A_331 = arith.constant 0 : i32
      %cond3A_332 = arith.cmpi ne, %convert_element_type3A_330, %cond3A_331 : i32
      scf.if %cond3A_332 {
        %dma_start3A = arith.constant 0 : i32
        %dma_start3A_352 = tpu.memref_slice %arg3[%mul3A_325, %dma_start3A] : memref<21600x128xi32, #tpu.memory_space<hbm>> -> memref<16x128xi32, #tpu.memory_space<hbm>>
        %dma_start3A_353 = arith.constant 0 : i32
        %dma_start3A_354 = tpu.memref_slice %arg3[%mul3A_325, %dma_start3A_353] : memref<21600x128xi32, #tpu.memory_space<hbm>> -> memref<16x128xi32, #tpu.memory_space<hbm>>
        tpu.enqueue_dma source(%dma_start3A_354 : memref<16x128xi32, #tpu.memory_space<hbm>>) target(%arg56 : memref<16x128xi32, #tpu.memory_space<vmem>>) target_semaphore(%arg63 : memref<!tpu.dma_semaphore, #tpu.memory_space<semaphore_mem>>)
        %dma_start3A_355 = arith.constant 0 : i32
        %dma_start3A_356 = tpu.memref_slice %arg4[%mul3A_325, %dma_start3A_355] : memref<21600x128xi32, #tpu.memory_space<hbm>> -> memref<16x128xi32, #tpu.memory_space<hbm>>
        %dma_start3A_357 = arith.constant 0 : i32
        %dma_start3A_358 = tpu.memref_slice %arg4[%mul3A_325, %dma_start3A_357] : memref<21600x128xi32, #tpu.memory_space<hbm>> -> memref<16x128xi32, #tpu.memory_space<hbm>>
        tpu.enqueue_dma source(%dma_start3A_358 : memref<16x128xi32, #tpu.memory_space<hbm>>) target(%arg58 : memref<16x128xi32, #tpu.memory_space<vmem>>) target_semaphore(%arg63 : memref<!tpu.dma_semaphore, #tpu.memory_space<semaphore_mem>>)
      } else {
      }
      %convert_element_type3A_333 = arith.extui %lt3A_326 : i1 to i32
      %cond3A_334 = arith.constant 0 : i32
      %cond3A_335 = arith.cmpi ne, %convert_element_type3A_333, %cond3A_334 : i32
      scf.if %cond3A_335 {
        %dma_wait3A = arith.constant 0 : i32
        %dma_wait3A_352 = tpu.memref_slice %arg3[%mul3A_322, %dma_wait3A] : memref<21600x128xi32, #tpu.memory_space<hbm>> -> memref<16x128xi32, #tpu.memory_space<hbm>>
        %dma_wait3A_353 = arith.constant 0 : i32
        %dma_wait3A_354 = tpu.memref_slice %arg3[%mul3A_322, %dma_wait3A_353] : memref<21600x128xi32, #tpu.memory_space<hbm>> -> memref<16x128xi32, #tpu.memory_space<hbm>>
        tpu.wait_dma2 semaphore(%arg62 : memref<!tpu.dma_semaphore, #tpu.memory_space<semaphore_mem>>) src(%dma_wait3A_354 : memref<16x128xi32, #tpu.memory_space<hbm>>) dst(%arg55 : memref<16x128xi32, #tpu.memory_space<vmem>>)
        %dma_wait3A_355 = arith.constant 0 : i32
        %dma_wait3A_356 = tpu.memref_slice %arg4[%mul3A_322, %dma_wait3A_355] : memref<21600x128xi32, #tpu.memory_space<hbm>> -> memref<16x128xi32, #tpu.memory_space<hbm>>
        %dma_wait3A_357 = arith.constant 0 : i32
        %dma_wait3A_358 = tpu.memref_slice %arg4[%mul3A_322, %dma_wait3A_357] : memref<21600x128xi32, #tpu.memory_space<hbm>> -> memref<16x128xi32, #tpu.memory_space<hbm>>
        tpu.wait_dma2 semaphore(%arg62 : memref<!tpu.dma_semaphore, #tpu.memory_space<semaphore_mem>>) src(%dma_wait3A_358 : memref<16x128xi32, #tpu.memory_space<hbm>>) dst(%arg57 : memref<16x128xi32, #tpu.memory_space<vmem>>)
        %dma_start3A = arith.constant 0 : i32
        %dma_start3A_359 = arith.constant 0 : i32
        %dma_start3A_360 = arith.constant 0 : i32
        %dma_start3A_361 = tpu.memref_slice %arg59[%dma_start3A_359, %dma_start3A_360] : memref<2048x16xbf16, #tpu.memory_space<vmem>> -> memref<128x16xbf16, #tpu.memory_space<vmem>>
        %dma_start3A_362 = arith.constant 0 : i32
        %dma_start3A_363 = tpu.memref_slice %arg55[%dma_start3A, %dma_start3A_362] : memref<16x128xi32, #tpu.memory_space<vmem>> -> memref<1x128xi32, #tpu.memory_space<vmem>>
        %dma_start3A_364 = tpu.memref_squeeze %dma_start3A_363 : memref<1x128xi32, #tpu.memory_space<vmem>> -> memref<128xi32, #tpu.memory_space<vmem>>
        %dma_start3A_365 = arith.constant 0 : i32
        %dma_start3A_366 = arith.constant 0 : i32
        %dma_start3A_367 = tpu.memref_slice %arg2[%dma_start3A_365, %dma_start3A_366] : memref<3200000x16xbf16, #tpu.memory_space<hbm>> -> memref<3200000x16xbf16, #tpu.memory_space<hbm>>
        tpu.enqueue_indirect_dma source(%dma_start3A_367 : memref<3200000x16xbf16, #tpu.memory_space<hbm>>) target(%dma_start3A_361 : memref<128x16xbf16, #tpu.memory_space<vmem>>) offsets(%dma_start3A_364 : memref<128xi32, #tpu.memory_space<vmem>>) semaphore(%arg64 : memref<!tpu.dma_semaphore, #tpu.memory_space<semaphore_mem>>)
        %dma_start3A_368 = arith.constant 1 : i32
        %dma_start3A_369 = arith.constant 128 : i32
        %dma_start3A_370 = arith.constant 0 : i32
        %dma_start3A_371 = tpu.memref_slice %arg59[%dma_start3A_369, %dma_start3A_370] : memref<2048x16xbf16, #tpu.memory_space<vmem>> -> memref<128x16xbf16, #tpu.memory_space<vmem>>
        %dma_start3A_372 = arith.constant 0 : i32
        %dma_start3A_373 = tpu.memref_slice %arg55[%dma_start3A_368, %dma_start3A_372] : memref<16x128xi32, #tpu.memory_space<vmem>> -> memref<1x128xi32, #tpu.memory_space<vmem>>
        %dma_start3A_374 = tpu.memref_squeeze %dma_start3A_373 : memref<1x128xi32, #tpu.memory_space<vmem>> -> memref<128xi32, #tpu.memory_space<vmem>>
        %dma_start3A_375 = arith.constant 0 : i32
        %dma_start3A_376 = arith.constant 0 : i32
        %dma_start3A_377 = tpu.memref_slice %arg2[%dma_start3A_375, %dma_start3A_376] : memref<3200000x16xbf16, #tpu.memory_space<hbm>> -> memref<3200000x16xbf16, #tpu.memory_space<hbm>>
        tpu.enqueue_indirect_dma source(%dma_start3A_377 : memref<3200000x16xbf16, #tpu.memory_space<hbm>>) target(%dma_start3A_371 : memref<128x16xbf16, #tpu.memory_space<vmem>>) offsets(%dma_start3A_374 : memref<128xi32, #tpu.memory_space<vmem>>) semaphore(%arg64 : memref<!tpu.dma_semaphore, #tpu.memory_space<semaphore_mem>>)
        %dma_start3A_378 = arith.constant 2 : i32
        %dma_start3A_379 = arith.constant 256 : i32
        %dma_start3A_380 = arith.constant 0 : i32
        %dma_start3A_381 = tpu.memref_slice %arg59[%dma_start3A_379, %dma_start3A_380] : memref<2048x16xbf16, #tpu.memory_space<vmem>> -> memref<128x16xbf16, #tpu.memory_space<vmem>>
        %dma_start3A_382 = arith.constant 0 : i32
        %dma_start3A_383 = tpu.memref_slice %arg55[%dma_start3A_378, %dma_start3A_382] : memref<16x128xi32, #tpu.memory_space<vmem>> -> memref<1x128xi32, #tpu.memory_space<vmem>>
        %dma_start3A_384 = tpu.memref_squeeze %dma_start3A_383 : memref<1x128xi32, #tpu.memory_space<vmem>> -> memref<128xi32, #tpu.memory_space<vmem>>
        %dma_start3A_385 = arith.constant 0 : i32
        %dma_start3A_386 = arith.constant 0 : i32
        %dma_start3A_387 = tpu.memref_slice %arg2[%dma_start3A_385, %dma_start3A_386] : memref<3200000x16xbf16, #tpu.memory_space<hbm>> -> memref<3200000x16xbf16, #tpu.memory_space<hbm>>
        tpu.enqueue_indirect_dma source(%dma_start3A_387 : memref<3200000x16xbf16, #tpu.memory_space<hbm>>) target(%dma_start3A_381 : memref<128x16xbf16, #tpu.memory_space<vmem>>) offsets(%dma_start3A_384 : memref<128xi32, #tpu.memory_space<vmem>>) semaphore(%arg64 : memref<!tpu.dma_semaphore, #tpu.memory_space<semaphore_mem>>)
        %dma_start3A_388 = arith.constant 3 : i32
        %dma_start3A_389 = arith.constant 384 : i32
        %dma_start3A_390 = arith.constant 0 : i32
        %dma_start3A_391 = tpu.memref_slice %arg59[%dma_start3A_389, %dma_start3A_390] : memref<2048x16xbf16, #tpu.memory_space<vmem>> -> memref<128x16xbf16, #tpu.memory_space<vmem>>
        %dma_start3A_392 = arith.constant 0 : i32
        %dma_start3A_393 = tpu.memref_slice %arg55[%dma_start3A_388, %dma_start3A_392] : memref<16x128xi32, #tpu.memory_space<vmem>> -> memref<1x128xi32, #tpu.memory_space<vmem>>
        %dma_start3A_394 = tpu.memref_squeeze %dma_start3A_393 : memref<1x128xi32, #tpu.memory_space<vmem>> -> memref<128xi32, #tpu.memory_space<vmem>>
        %dma_start3A_395 = arith.constant 0 : i32
        %dma_start3A_396 = arith.constant 0 : i32
        %dma_start3A_397 = tpu.memref_slice %arg2[%dma_start3A_395, %dma_start3A_396] : memref<3200000x16xbf16, #tpu.memory_space<hbm>> -> memref<3200000x16xbf16, #tpu.memory_space<hbm>>
        tpu.enqueue_indirect_dma source(%dma_start3A_397 : memref<3200000x16xbf16, #tpu.memory_space<hbm>>) target(%dma_start3A_391 : memref<128x16xbf16, #tpu.memory_space<vmem>>) offsets(%dma_start3A_394 : memref<128xi32, #tpu.memory_space<vmem>>) semaphore(%arg64 : memref<!tpu.dma_semaphore, #tpu.memory_space<semaphore_mem>>)
        %dma_start3A_398 = arith.constant 4 : i32
        %dma_start3A_399 = arith.constant 512 : i32
        %dma_start3A_400 = arith.constant 0 : i32
        %dma_start3A_401 = tpu.memref_slice %arg59[%dma_start3A_399, %dma_start3A_400] : memref<2048x16xbf16, #tpu.memory_space<vmem>> -> memref<128x16xbf16, #tpu.memory_space<vmem>>
        %dma_start3A_402 = arith.constant 0 : i32
        %dma_start3A_403 = tpu.memref_slice %arg55[%dma_start3A_398, %dma_start3A_402] : memref<16x128xi32, #tpu.memory_space<vmem>> -> memref<1x128xi32, #tpu.memory_space<vmem>>
        %dma_start3A_404 = tpu.memref_squeeze %dma_start3A_403 : memref<1x128xi32, #tpu.memory_space<vmem>> -> memref<128xi32, #tpu.memory_space<vmem>>
        %dma_start3A_405 = arith.constant 0 : i32
        %dma_start3A_406 = arith.constant 0 : i32
        %dma_start3A_407 = tpu.memref_slice %arg2[%dma_start3A_405, %dma_start3A_406] : memref<3200000x16xbf16, #tpu.memory_space<hbm>> -> memref<3200000x16xbf16, #tpu.memory_space<hbm>>
        tpu.enqueue_indirect_dma source(%dma_start3A_407 : memref<3200000x16xbf16, #tpu.memory_space<hbm>>) target(%dma_start3A_401 : memref<128x16xbf16, #tpu.memory_space<vmem>>) offsets(%dma_start3A_404 : memref<128xi32, #tpu.memory_space<vmem>>) semaphore(%arg64 : memref<!tpu.dma_semaphore, #tpu.memory_space<semaphore_mem>>)
        %dma_start3A_408 = arith.constant 5 : i32
        %dma_start3A_409 = arith.constant 640 : i32
        %dma_start3A_410 = arith.constant 0 : i32
        %dma_start3A_411 = tpu.memref_slice %arg59[%dma_start3A_409, %dma_start3A_410] : memref<2048x16xbf16, #tpu.memory_space<vmem>> -> memref<128x16xbf16, #tpu.memory_space<vmem>>
        %dma_start3A_412 = arith.constant 0 : i32
        %dma_start3A_413 = tpu.memref_slice %arg55[%dma_start3A_408, %dma_start3A_412] : memref<16x128xi32, #tpu.memory_space<vmem>> -> memref<1x128xi32, #tpu.memory_space<vmem>>
        %dma_start3A_414 = tpu.memref_squeeze %dma_start3A_413 : memref<1x128xi32, #tpu.memory_space<vmem>> -> memref<128xi32, #tpu.memory_space<vmem>>
        %dma_start3A_415 = arith.constant 0 : i32
        %dma_start3A_416 = arith.constant 0 : i32
        %dma_start3A_417 = tpu.memref_slice %arg2[%dma_start3A_415, %dma_start3A_416] : memref<3200000x16xbf16, #tpu.memory_space<hbm>> -> memref<3200000x16xbf16, #tpu.memory_space<hbm>>
        tpu.enqueue_indirect_dma source(%dma_start3A_417 : memref<3200000x16xbf16, #tpu.memory_space<hbm>>) target(%dma_start3A_411 : memref<128x16xbf16, #tpu.memory_space<vmem>>) offsets(%dma_start3A_414 : memref<128xi32, #tpu.memory_space<vmem>>) semaphore(%arg64 : memref<!tpu.dma_semaphore, #tpu.memory_space<semaphore_mem>>)
        %dma_start3A_418 = arith.constant 6 : i32
        %dma_start3A_419 = arith.constant 768 : i32
        %dma_start3A_420 = arith.constant 0 : i32
        %dma_start3A_421 = tpu.memref_slice %arg59[%dma_start3A_419, %dma_start3A_420] : memref<2048x16xbf16, #tpu.memory_space<vmem>> -> memref<128x16xbf16, #tpu.memory_space<vmem>>
        %dma_start3A_422 = arith.constant 0 : i32
        %dma_start3A_423 = tpu.memref_slice %arg55[%dma_start3A_418, %dma_start3A_422] : memref<16x128xi32, #tpu.memory_space<vmem>> -> memref<1x128xi32, #tpu.memory_space<vmem>>
        %dma_start3A_424 = tpu.memref_squeeze %dma_start3A_423 : memref<1x128xi32, #tpu.memory_space<vmem>> -> memref<128xi32, #tpu.memory_space<vmem>>
        %dma_start3A_425 = arith.constant 0 : i32
        %dma_start3A_426 = arith.constant 0 : i32
        %dma_start3A_427 = tpu.memref_slice %arg2[%dma_start3A_425, %dma_start3A_426] : memref<3200000x16xbf16, #tpu.memory_space<hbm>> -> memref<3200000x16xbf16, #tpu.memory_space<hbm>>
        tpu.enqueue_indirect_dma source(%dma_start3A_427 : memref<3200000x16xbf16, #tpu.memory_space<hbm>>) target(%dma_start3A_421 : memref<128x16xbf16, #tpu.memory_space<vmem>>) offsets(%dma_start3A_424 : memref<128xi32, #tpu.memory_space<vmem>>) semaphore(%arg64 : memref<!tpu.dma_semaphore, #tpu.memory_space<semaphore_mem>>)
        %dma_start3A_428 = arith.constant 7 : i32
        %dma_start3A_429 = arith.constant 896 : i32
        %dma_start3A_430 = arith.constant 0 : i32
        %dma_start3A_431 = tpu.memref_slice %arg59[%dma_start3A_429, %dma_start3A_430] : memref<2048x16xbf16, #tpu.memory_space<vmem>> -> memref<128x16xbf16, #tpu.memory_space<vmem>>
        %dma_start3A_432 = arith.constant 0 : i32
        %dma_start3A_433 = tpu.memref_slice %arg55[%dma_start3A_428, %dma_start3A_432] : memref<16x128xi32, #tpu.memory_space<vmem>> -> memref<1x128xi32, #tpu.memory_space<vmem>>
        %dma_start3A_434 = tpu.memref_squeeze %dma_start3A_433 : memref<1x128xi32, #tpu.memory_space<vmem>> -> memref<128xi32, #tpu.memory_space<vmem>>
        %dma_start3A_435 = arith.constant 0 : i32
        %dma_start3A_436 = arith.constant 0 : i32
        %dma_start3A_437 = tpu.memref_slice %arg2[%dma_start3A_435, %dma_start3A_436] : memref<3200000x16xbf16, #tpu.memory_space<hbm>> -> memref<3200000x16xbf16, #tpu.memory_space<hbm>>
        tpu.enqueue_indirect_dma source(%dma_start3A_437 : memref<3200000x16xbf16, #tpu.memory_space<hbm>>) target(%dma_start3A_431 : memref<128x16xbf16, #tpu.memory_space<vmem>>) offsets(%dma_start3A_434 : memref<128xi32, #tpu.memory_space<vmem>>) semaphore(%arg64 : memref<!tpu.dma_semaphore, #tpu.memory_space<semaphore_mem>>)
        %dma_start3A_438 = arith.constant 8 : i32
        %dma_start3A_439 = arith.constant 1024 : i32
        %dma_start3A_440 = arith.constant 0 : i32
        %dma_start3A_441 = tpu.memref_slice %arg59[%dma_start3A_439, %dma_start3A_440] : memref<2048x16xbf16, #tpu.memory_space<vmem>> -> memref<128x16xbf16, #tpu.memory_space<vmem>>
        %dma_start3A_442 = arith.constant 0 : i32
        %dma_start3A_443 = tpu.memref_slice %arg55[%dma_start3A_438, %dma_start3A_442] : memref<16x128xi32, #tpu.memory_space<vmem>> -> memref<1x128xi32, #tpu.memory_space<vmem>>
        %dma_start3A_444 = tpu.memref_squeeze %dma_start3A_443 : memref<1x128xi32, #tpu.memory_space<vmem>> -> memref<128xi32, #tpu.memory_space<vmem>>
        %dma_start3A_445 = arith.constant 0 : i32
        %dma_start3A_446 = arith.constant 0 : i32
        %dma_start3A_447 = tpu.memref_slice %arg2[%dma_start3A_445, %dma_start3A_446] : memref<3200000x16xbf16, #tpu.memory_space<hbm>> -> memref<3200000x16xbf16, #tpu.memory_space<hbm>>
        tpu.enqueue_indirect_dma source(%dma_start3A_447 : memref<3200000x16xbf16, #tpu.memory_space<hbm>>) target(%dma_start3A_441 : memref<128x16xbf16, #tpu.memory_space<vmem>>) offsets(%dma_start3A_444 : memref<128xi32, #tpu.memory_space<vmem>>) semaphore(%arg64 : memref<!tpu.dma_semaphore, #tpu.memory_space<semaphore_mem>>)
        %dma_start3A_448 = arith.constant 9 : i32
        %dma_start3A_449 = arith.constant 1152 : i32
        %dma_start3A_450 = arith.constant 0 : i32
        %dma_start3A_451 = tpu.memref_slice %arg59[%dma_start3A_449, %dma_start3A_450] : memref<2048x16xbf16, #tpu.memory_space<vmem>> -> memref<128x16xbf16, #tpu.memory_space<vmem>>
        %dma_start3A_452 = arith.constant 0 : i32
        %dma_start3A_453 = tpu.memref_slice %arg55[%dma_start3A_448, %dma_start3A_452] : memref<16x128xi32, #tpu.memory_space<vmem>> -> memref<1x128xi32, #tpu.memory_space<vmem>>
        %dma_start3A_454 = tpu.memref_squeeze %dma_start3A_453 : memref<1x128xi32, #tpu.memory_space<vmem>> -> memref<128xi32, #tpu.memory_space<vmem>>
        %dma_start3A_455 = arith.constant 0 : i32
        %dma_start3A_456 = arith.constant 0 : i32
        %dma_start3A_457 = tpu.memref_slice %arg2[%dma_start3A_455, %dma_start3A_456] : memref<3200000x16xbf16, #tpu.memory_space<hbm>> -> memref<3200000x16xbf16, #tpu.memory_space<hbm>>
        tpu.enqueue_indirect_dma source(%dma_start3A_457 : memref<3200000x16xbf16, #tpu.memory_space<hbm>>) target(%dma_start3A_451 : memref<128x16xbf16, #tpu.memory_space<vmem>>) offsets(%dma_start3A_454 : memref<128xi32, #tpu.memory_space<vmem>>) semaphore(%arg64 : memref<!tpu.dma_semaphore, #tpu.memory_space<semaphore_mem>>)
        %dma_start3A_458 = arith.constant 10 : i32
        %dma_start3A_459 = arith.constant 1280 : i32
        %dma_start3A_460 = arith.constant 0 : i32
        %dma_start3A_461 = tpu.memref_slice %arg59[%dma_start3A_459, %dma_start3A_460] : memref<2048x16xbf16, #tpu.memory_space<vmem>> -> memref<128x16xbf16, #tpu.memory_space<vmem>>
        %dma_start3A_462 = arith.constant 0 : i32
        %dma_start3A_463 = tpu.memref_slice %arg55[%dma_start3A_458, %dma_start3A_462] : memref<16x128xi32, #tpu.memory_space<vmem>> -> memref<1x128xi32, #tpu.memory_space<vmem>>
        %dma_start3A_464 = tpu.memref_squeeze %dma_start3A_463 : memref<1x128xi32, #tpu.memory_space<vmem>> -> memref<128xi32, #tpu.memory_space<vmem>>
        %dma_start3A_465 = arith.constant 0 : i32
        %dma_start3A_466 = arith.constant 0 : i32
        %dma_start3A_467 = tpu.memref_slice %arg2[%dma_start3A_465, %dma_start3A_466] : memref<3200000x16xbf16, #tpu.memory_space<hbm>> -> memref<3200000x16xbf16, #tpu.memory_space<hbm>>
        tpu.enqueue_indirect_dma source(%dma_start3A_467 : memref<3200000x16xbf16, #tpu.memory_space<hbm>>) target(%dma_start3A_461 : memref<128x16xbf16, #tpu.memory_space<vmem>>) offsets(%dma_start3A_464 : memref<128xi32, #tpu.memory_space<vmem>>) semaphore(%arg64 : memref<!tpu.dma_semaphore, #tpu.memory_space<semaphore_mem>>)
        %dma_start3A_468 = arith.constant 11 : i32
        %dma_start3A_469 = arith.constant 1408 : i32
        %dma_start3A_470 = arith.constant 0 : i32
        %dma_start3A_471 = tpu.memref_slice %arg59[%dma_start3A_469, %dma_start3A_470] : memref<2048x16xbf16, #tpu.memory_space<vmem>> -> memref<128x16xbf16, #tpu.memory_space<vmem>>
        %dma_start3A_472 = arith.constant 0 : i32
        %dma_start3A_473 = tpu.memref_slice %arg55[%dma_start3A_468, %dma_start3A_472] : memref<16x128xi32, #tpu.memory_space<vmem>> -> memref<1x128xi32, #tpu.memory_space<vmem>>
        %dma_start3A_474 = tpu.memref_squeeze %dma_start3A_473 : memref<1x128xi32, #tpu.memory_space<vmem>> -> memref<128xi32, #tpu.memory_space<vmem>>
        %dma_start3A_475 = arith.constant 0 : i32
        %dma_start3A_476 = arith.constant 0 : i32
        %dma_start3A_477 = tpu.memref_slice %arg2[%dma_start3A_475, %dma_start3A_476] : memref<3200000x16xbf16, #tpu.memory_space<hbm>> -> memref<3200000x16xbf16, #tpu.memory_space<hbm>>
        tpu.enqueue_indirect_dma source(%dma_start3A_477 : memref<3200000x16xbf16, #tpu.memory_space<hbm>>) target(%dma_start3A_471 : memref<128x16xbf16, #tpu.memory_space<vmem>>) offsets(%dma_start3A_474 : memref<128xi32, #tpu.memory_space<vmem>>) semaphore(%arg64 : memref<!tpu.dma_semaphore, #tpu.memory_space<semaphore_mem>>)
        %dma_start3A_478 = arith.constant 12 : i32
        %dma_start3A_479 = arith.constant 1536 : i32
        %dma_start3A_480 = arith.constant 0 : i32
        %dma_start3A_481 = tpu.memref_slice %arg59[%dma_start3A_479, %dma_start3A_480] : memref<2048x16xbf16, #tpu.memory_space<vmem>> -> memref<128x16xbf16, #tpu.memory_space<vmem>>
        %dma_start3A_482 = arith.constant 0 : i32
        %dma_start3A_483 = tpu.memref_slice %arg55[%dma_start3A_478, %dma_start3A_482] : memref<16x128xi32, #tpu.memory_space<vmem>> -> memref<1x128xi32, #tpu.memory_space<vmem>>
        %dma_start3A_484 = tpu.memref_squeeze %dma_start3A_483 : memref<1x128xi32, #tpu.memory_space<vmem>> -> memref<128xi32, #tpu.memory_space<vmem>>
        %dma_start3A_485 = arith.constant 0 : i32
        %dma_start3A_486 = arith.constant 0 : i32
        %dma_start3A_487 = tpu.memref_slice %arg2[%dma_start3A_485, %dma_start3A_486] : memref<3200000x16xbf16, #tpu.memory_space<hbm>> -> memref<3200000x16xbf16, #tpu.memory_space<hbm>>
        tpu.enqueue_indirect_dma source(%dma_start3A_487 : memref<3200000x16xbf16, #tpu.memory_space<hbm>>) target(%dma_start3A_481 : memref<128x16xbf16, #tpu.memory_space<vmem>>) offsets(%dma_start3A_484 : memref<128xi32, #tpu.memory_space<vmem>>) semaphore(%arg64 : memref<!tpu.dma_semaphore, #tpu.memory_space<semaphore_mem>>)
        %dma_start3A_488 = arith.constant 13 : i32
        %dma_start3A_489 = arith.constant 1664 : i32
        %dma_start3A_490 = arith.constant 0 : i32
        %dma_start3A_491 = tpu.memref_slice %arg59[%dma_start3A_489, %dma_start3A_490] : memref<2048x16xbf16, #tpu.memory_space<vmem>> -> memref<128x16xbf16, #tpu.memory_space<vmem>>
        %dma_start3A_492 = arith.constant 0 : i32
        %dma_start3A_493 = tpu.memref_slice %arg55[%dma_start3A_488, %dma_start3A_492] : memref<16x128xi32, #tpu.memory_space<vmem>> -> memref<1x128xi32, #tpu.memory_space<vmem>>
        %dma_start3A_494 = tpu.memref_squeeze %dma_start3A_493 : memref<1x128xi32, #tpu.memory_space<vmem>> -> memref<128xi32, #tpu.memory_space<vmem>>
        %dma_start3A_495 = arith.constant 0 : i32
        %dma_start3A_496 = arith.constant 0 : i32
        %dma_start3A_497 = tpu.memref_slice %arg2[%dma_start3A_495, %dma_start3A_496] : memref<3200000x16xbf16, #tpu.memory_space<hbm>> -> memref<3200000x16xbf16, #tpu.memory_space<hbm>>
        tpu.enqueue_indirect_dma source(%dma_start3A_497 : memref<3200000x16xbf16, #tpu.memory_space<hbm>>) target(%dma_start3A_491 : memref<128x16xbf16, #tpu.memory_space<vmem>>) offsets(%dma_start3A_494 : memref<128xi32, #tpu.memory_space<vmem>>) semaphore(%arg64 : memref<!tpu.dma_semaphore, #tpu.memory_space<semaphore_mem>>)
        %dma_start3A_498 = arith.constant 14 : i32
        %dma_start3A_499 = arith.constant 1792 : i32
        %dma_start3A_500 = arith.constant 0 : i32
        %dma_start3A_501 = tpu.memref_slice %arg59[%dma_start3A_499, %dma_start3A_500] : memref<2048x16xbf16, #tpu.memory_space<vmem>> -> memref<128x16xbf16, #tpu.memory_space<vmem>>
        %dma_start3A_502 = arith.constant 0 : i32
        %dma_start3A_503 = tpu.memref_slice %arg55[%dma_start3A_498, %dma_start3A_502] : memref<16x128xi32, #tpu.memory_space<vmem>> -> memref<1x128xi32, #tpu.memory_space<vmem>>
        %dma_start3A_504 = tpu.memref_squeeze %dma_start3A_503 : memref<1x128xi32, #tpu.memory_space<vmem>> -> memref<128xi32, #tpu.memory_space<vmem>>
        %dma_start3A_505 = arith.constant 0 : i32
        %dma_start3A_506 = arith.constant 0 : i32
        %dma_start3A_507 = tpu.memref_slice %arg2[%dma_start3A_505, %dma_start3A_506] : memref<3200000x16xbf16, #tpu.memory_space<hbm>> -> memref<3200000x16xbf16, #tpu.memory_space<hbm>>
        tpu.enqueue_indirect_dma source(%dma_start3A_507 : memref<3200000x16xbf16, #tpu.memory_space<hbm>>) target(%dma_start3A_501 : memref<128x16xbf16, #tpu.memory_space<vmem>>) offsets(%dma_start3A_504 : memref<128xi32, #tpu.memory_space<vmem>>) semaphore(%arg64 : memref<!tpu.dma_semaphore, #tpu.memory_space<semaphore_mem>>)
        %dma_start3A_508 = arith.constant 15 : i32
        %dma_start3A_509 = arith.constant 1920 : i32
        %dma_start3A_510 = arith.constant 0 : i32
        %dma_start3A_511 = tpu.memref_slice %arg59[%dma_start3A_509, %dma_start3A_510] : memref<2048x16xbf16, #tpu.memory_space<vmem>> -> memref<128x16xbf16, #tpu.memory_space<vmem>>
        %dma_start3A_512 = arith.constant 0 : i32
        %dma_start3A_513 = tpu.memref_slice %arg55[%dma_start3A_508, %dma_start3A_512] : memref<16x128xi32, #tpu.memory_space<vmem>> -> memref<1x128xi32, #tpu.memory_space<vmem>>
        %dma_start3A_514 = tpu.memref_squeeze %dma_start3A_513 : memref<1x128xi32, #tpu.memory_space<vmem>> -> memref<128xi32, #tpu.memory_space<vmem>>
        %dma_start3A_515 = arith.constant 0 : i32
        %dma_start3A_516 = arith.constant 0 : i32
        %dma_start3A_517 = tpu.memref_slice %arg2[%dma_start3A_515, %dma_start3A_516] : memref<3200000x16xbf16, #tpu.memory_space<hbm>> -> memref<3200000x16xbf16, #tpu.memory_space<hbm>>
        tpu.enqueue_indirect_dma source(%dma_start3A_517 : memref<3200000x16xbf16, #tpu.memory_space<hbm>>) target(%dma_start3A_511 : memref<128x16xbf16, #tpu.memory_space<vmem>>) offsets(%dma_start3A_514 : memref<128xi32, #tpu.memory_space<vmem>>) semaphore(%arg64 : memref<!tpu.dma_semaphore, #tpu.memory_space<semaphore_mem>>)
      } else {
      }
      %convert_element_type3A_336 = arith.extui %lt3A_328 : i1 to i32
      %cond3A_337 = arith.constant 0 : i32
      %cond3A_338 = arith.cmpi ne, %convert_element_type3A_336, %cond3A_337 : i32
      scf.if %cond3A_338 {
        %dma_wait3A = arith.constant 0 : i32
        %dma_wait3A_352 = tpu.memref_slice %arg3[%mul3A_325, %dma_wait3A] : memref<21600x128xi32, #tpu.memory_space<hbm>> -> memref<16x128xi32, #tpu.memory_space<hbm>>
        %dma_wait3A_353 = arith.constant 0 : i32
        %dma_wait3A_354 = tpu.memref_slice %arg3[%mul3A_325, %dma_wait3A_353] : memref<21600x128xi32, #tpu.memory_space<hbm>> -> memref<16x128xi32, #tpu.memory_space<hbm>>
        tpu.wait_dma2 semaphore(%arg63 : memref<!tpu.dma_semaphore, #tpu.memory_space<semaphore_mem>>) src(%dma_wait3A_354 : memref<16x128xi32, #tpu.memory_space<hbm>>) dst(%arg56 : memref<16x128xi32, #tpu.memory_space<vmem>>)
        %dma_wait3A_355 = arith.constant 0 : i32
        %dma_wait3A_356 = tpu.memref_slice %arg4[%mul3A_325, %dma_wait3A_355] : memref<21600x128xi32, #tpu.memory_space<hbm>> -> memref<16x128xi32, #tpu.memory_space<hbm>>
        %dma_wait3A_357 = arith.constant 0 : i32
        %dma_wait3A_358 = tpu.memref_slice %arg4[%mul3A_325, %dma_wait3A_357] : memref<21600x128xi32, #tpu.memory_space<hbm>> -> memref<16x128xi32, #tpu.memory_space<hbm>>
        tpu.wait_dma2 semaphore(%arg63 : memref<!tpu.dma_semaphore, #tpu.memory_space<semaphore_mem>>) src(%dma_wait3A_358 : memref<16x128xi32, #tpu.memory_space<hbm>>) dst(%arg58 : memref<16x128xi32, #tpu.memory_space<vmem>>)
      } else {
      }
      %convert_element_type3A_339 = arith.extui %lt3A_326 : i1 to i32
      %cond3A_340 = arith.constant 0 : i32
      %cond3A_341 = arith.cmpi ne, %convert_element_type3A_339, %cond3A_340 : i32
      scf.if %cond3A_341 {
        %dma_wait3A = arith.constant 0 : i32
        %dma_wait3A_352 = arith.constant 0 : i32
        %dma_wait3A_353 = tpu.memref_slice %arg59[%dma_wait3A, %dma_wait3A_352] : memref<2048x16xbf16, #tpu.memory_space<vmem>> -> memref<128x16xbf16, #tpu.memory_space<vmem>>
        %dma_wait3A_354 = arith.constant 0 : i32
        %dma_wait3A_355 = tpu.memref_slice %arg55[%squeeze3A, %dma_wait3A_354] : memref<16x128xi32, #tpu.memory_space<vmem>> -> memref<1x128xi32, #tpu.memory_space<vmem>>
        %dma_wait3A_356 = tpu.memref_squeeze %dma_wait3A_355 : memref<1x128xi32, #tpu.memory_space<vmem>> -> memref<128xi32, #tpu.memory_space<vmem>>
        %dma_wait3A_357 = arith.constant 0 : i32
        %dma_wait3A_358 = arith.constant 0 : i32
        %dma_wait3A_359 = tpu.memref_slice %arg2[%dma_wait3A_357, %dma_wait3A_358] : memref<3200000x16xbf16, #tpu.memory_space<hbm>> -> memref<3200000x16xbf16, #tpu.memory_space<hbm>>
        tpu.wait_indirect_dma semaphore(%arg64 : memref<!tpu.dma_semaphore, #tpu.memory_space<semaphore_mem>>) src(%dma_wait3A_359 : memref<3200000x16xbf16, #tpu.memory_space<hbm>>) dst(%dma_wait3A_353 : memref<128x16xbf16, #tpu.memory_space<vmem>>)
        %dma_wait3A_360 = arith.constant 128 : i32
        %dma_wait3A_361 = arith.constant 0 : i32
        %dma_wait3A_362 = tpu.memref_slice %arg59[%dma_wait3A_360, %dma_wait3A_361] : memref<2048x16xbf16, #tpu.memory_space<vmem>> -> memref<128x16xbf16, #tpu.memory_space<vmem>>
        %dma_wait3A_363 = arith.constant 0 : i32
        %dma_wait3A_364 = tpu.memref_slice %arg55[%squeeze3A_53, %dma_wait3A_363] : memref<16x128xi32, #tpu.memory_space<vmem>> -> memref<1x128xi32, #tpu.memory_space<vmem>>
        %dma_wait3A_365 = tpu.memref_squeeze %dma_wait3A_364 : memref<1x128xi32, #tpu.memory_space<vmem>> -> memref<128xi32, #tpu.memory_space<vmem>>
        %dma_wait3A_366 = arith.constant 0 : i32
        %dma_wait3A_367 = arith.constant 0 : i32
        %dma_wait3A_368 = tpu.memref_slice %arg2[%dma_wait3A_366, %dma_wait3A_367] : memref<3200000x16xbf16, #tpu.memory_space<hbm>> -> memref<3200000x16xbf16, #tpu.memory_space<hbm>>
        tpu.wait_indirect_dma semaphore(%arg64 : memref<!tpu.dma_semaphore, #tpu.memory_space<semaphore_mem>>) src(%dma_wait3A_368 : memref<3200000x16xbf16, #tpu.memory_space<hbm>>) dst(%dma_wait3A_362 : memref<128x16xbf16, #tpu.memory_space<vmem>>)
        %dma_wait3A_369 = arith.constant 256 : i32
        %dma_wait3A_370 = arith.constant 0 : i32
        %dma_wait3A_371 = tpu.memref_slice %arg59[%dma_wait3A_369, %dma_wait3A_370] : memref<2048x16xbf16, #tpu.memory_space<vmem>> -> memref<128x16xbf16, #tpu.memory_space<vmem>>
        %dma_wait3A_372 = arith.constant 0 : i32
        %dma_wait3A_373 = tpu.memref_slice %arg55[%squeeze3A_58, %dma_wait3A_372] : memref<16x128xi32, #tpu.memory_space<vmem>> -> memref<1x128xi32, #tpu.memory_space<vmem>>
        %dma_wait3A_374 = tpu.memref_squeeze %dma_wait3A_373 : memref<1x128xi32, #tpu.memory_space<vmem>> -> memref<128xi32, #tpu.memory_space<vmem>>
        %dma_wait3A_375 = arith.constant 0 : i32
        %dma_wait3A_376 = arith.constant 0 : i32
        %dma_wait3A_377 = tpu.memref_slice %arg2[%dma_wait3A_375, %dma_wait3A_376] : memref<3200000x16xbf16, #tpu.memory_space<hbm>> -> memref<3200000x16xbf16, #tpu.memory_space<hbm>>
        tpu.wait_indirect_dma semaphore(%arg64 : memref<!tpu.dma_semaphore, #tpu.memory_space<semaphore_mem>>) src(%dma_wait3A_377 : memref<3200000x16xbf16, #tpu.memory_space<hbm>>) dst(%dma_wait3A_371 : memref<128x16xbf16, #tpu.memory_space<vmem>>)
        %dma_wait3A_378 = arith.constant 384 : i32
        %dma_wait3A_379 = arith.constant 0 : i32
        %dma_wait3A_380 = tpu.memref_slice %arg59[%dma_wait3A_378, %dma_wait3A_379] : memref<2048x16xbf16, #tpu.memory_space<vmem>> -> memref<128x16xbf16, #tpu.memory_space<vmem>>
        %dma_wait3A_381 = arith.constant 0 : i32
        %dma_wait3A_382 = tpu.memref_slice %arg55[%squeeze3A_63, %dma_wait3A_381] : memref<16x128xi32, #tpu.memory_space<vmem>> -> memref<1x128xi32, #tpu.memory_space<vmem>>
        %dma_wait3A_383 = tpu.memref_squeeze %dma_wait3A_382 : memref<1x128xi32, #tpu.memory_space<vmem>> -> memref<128xi32, #tpu.memory_space<vmem>>
        %dma_wait3A_384 = arith.constant 0 : i32
        %dma_wait3A_385 = arith.constant 0 : i32
        %dma_wait3A_386 = tpu.memref_slice %arg2[%dma_wait3A_384, %dma_wait3A_385] : memref<3200000x16xbf16, #tpu.memory_space<hbm>> -> memref<3200000x16xbf16, #tpu.memory_space<hbm>>
        tpu.wait_indirect_dma semaphore(%arg64 : memref<!tpu.dma_semaphore, #tpu.memory_space<semaphore_mem>>) src(%dma_wait3A_386 : memref<3200000x16xbf16, #tpu.memory_space<hbm>>) dst(%dma_wait3A_380 : memref<128x16xbf16, #tpu.memory_space<vmem>>)
        %dma_wait3A_387 = arith.constant 512 : i32
        %dma_wait3A_388 = arith.constant 0 : i32
        %dma_wait3A_389 = tpu.memref_slice %arg59[%dma_wait3A_387, %dma_wait3A_388] : memref<2048x16xbf16, #tpu.memory_space<vmem>> -> memref<128x16xbf16, #tpu.memory_space<vmem>>
        %dma_wait3A_390 = arith.constant 0 : i32
        %dma_wait3A_391 = tpu.memref_slice %arg55[%squeeze3A_68, %dma_wait3A_390] : memref<16x128xi32, #tpu.memory_space<vmem>> -> memref<1x128xi32, #tpu.memory_space<vmem>>
        %dma_wait3A_392 = tpu.memref_squeeze %dma_wait3A_391 : memref<1x128xi32, #tpu.memory_space<vmem>> -> memref<128xi32, #tpu.memory_space<vmem>>
        %dma_wait3A_393 = arith.constant 0 : i32
        %dma_wait3A_394 = arith.constant 0 : i32
        %dma_wait3A_395 = tpu.memref_slice %arg2[%dma_wait3A_393, %dma_wait3A_394] : memref<3200000x16xbf16, #tpu.memory_space<hbm>> -> memref<3200000x16xbf16, #tpu.memory_space<hbm>>
        tpu.wait_indirect_dma semaphore(%arg64 : memref<!tpu.dma_semaphore, #tpu.memory_space<semaphore_mem>>) src(%dma_wait3A_395 : memref<3200000x16xbf16, #tpu.memory_space<hbm>>) dst(%dma_wait3A_389 : memref<128x16xbf16, #tpu.memory_space<vmem>>)
        %dma_wait3A_396 = arith.constant 640 : i32
        %dma_wait3A_397 = arith.constant 0 : i32
        %dma_wait3A_398 = tpu.memref_slice %arg59[%dma_wait3A_396, %dma_wait3A_397] : memref<2048x16xbf16, #tpu.memory_space<vmem>> -> memref<128x16xbf16, #tpu.memory_space<vmem>>
        %dma_wait3A_399 = arith.constant 0 : i32
        %dma_wait3A_400 = tpu.memref_slice %arg55[%squeeze3A_73, %dma_wait3A_399] : memref<16x128xi32, #tpu.memory_space<vmem>> -> memref<1x128xi32, #tpu.memory_space<vmem>>
        %dma_wait3A_401 = tpu.memref_squeeze %dma_wait3A_400 : memref<1x128xi32, #tpu.memory_space<vmem>> -> memref<128xi32, #tpu.memory_space<vmem>>
        %dma_wait3A_402 = arith.constant 0 : i32
        %dma_wait3A_403 = arith.constant 0 : i32
        %dma_wait3A_404 = tpu.memref_slice %arg2[%dma_wait3A_402, %dma_wait3A_403] : memref<3200000x16xbf16, #tpu.memory_space<hbm>> -> memref<3200000x16xbf16, #tpu.memory_space<hbm>>
        tpu.wait_indirect_dma semaphore(%arg64 : memref<!tpu.dma_semaphore, #tpu.memory_space<semaphore_mem>>) src(%dma_wait3A_404 : memref<3200000x16xbf16, #tpu.memory_space<hbm>>) dst(%dma_wait3A_398 : memref<128x16xbf16, #tpu.memory_space<vmem>>)
        %dma_wait3A_405 = arith.constant 768 : i32
        %dma_wait3A_406 = arith.constant 0 : i32
        %dma_wait3A_407 = tpu.memref_slice %arg59[%dma_wait3A_405, %dma_wait3A_406] : memref<2048x16xbf16, #tpu.memory_space<vmem>> -> memref<128x16xbf16, #tpu.memory_space<vmem>>
        %dma_wait3A_408 = arith.constant 0 : i32
        %dma_wait3A_409 = tpu.memref_slice %arg55[%squeeze3A_78, %dma_wait3A_408] : memref<16x128xi32, #tpu.memory_space<vmem>> -> memref<1x128xi32, #tpu.memory_space<vmem>>
        %dma_wait3A_410 = tpu.memref_squeeze %dma_wait3A_409 : memref<1x128xi32, #tpu.memory_space<vmem>> -> memref<128xi32, #tpu.memory_space<vmem>>
        %dma_wait3A_411 = arith.constant 0 : i32
        %dma_wait3A_412 = arith.constant 0 : i32
        %dma_wait3A_413 = tpu.memref_slice %arg2[%dma_wait3A_411, %dma_wait3A_412] : memref<3200000x16xbf16, #tpu.memory_space<hbm>> -> memref<3200000x16xbf16, #tpu.memory_space<hbm>>
        tpu.wait_indirect_dma semaphore(%arg64 : memref<!tpu.dma_semaphore, #tpu.memory_space<semaphore_mem>>) src(%dma_wait3A_413 : memref<3200000x16xbf16, #tpu.memory_space<hbm>>) dst(%dma_wait3A_407 : memref<128x16xbf16, #tpu.memory_space<vmem>>)
        %dma_wait3A_414 = arith.constant 896 : i32
        %dma_wait3A_415 = arith.constant 0 : i32
        %dma_wait3A_416 = tpu.memref_slice %arg59[%dma_wait3A_414, %dma_wait3A_415] : memref<2048x16xbf16, #tpu.memory_space<vmem>> -> memref<128x16xbf16, #tpu.memory_space<vmem>>
        %dma_wait3A_417 = arith.constant 0 : i32
        %dma_wait3A_418 = tpu.memref_slice %arg55[%squeeze3A_83, %dma_wait3A_417] : memref<16x128xi32, #tpu.memory_space<vmem>> -> memref<1x128xi32, #tpu.memory_space<vmem>>
        %dma_wait3A_419 = tpu.memref_squeeze %dma_wait3A_418 : memref<1x128xi32, #tpu.memory_space<vmem>> -> memref<128xi32, #tpu.memory_space<vmem>>
        %dma_wait3A_420 = arith.constant 0 : i32
        %dma_wait3A_421 = arith.constant 0 : i32
        %dma_wait3A_422 = tpu.memref_slice %arg2[%dma_wait3A_420, %dma_wait3A_421] : memref<3200000x16xbf16, #tpu.memory_space<hbm>> -> memref<3200000x16xbf16, #tpu.memory_space<hbm>>
        tpu.wait_indirect_dma semaphore(%arg64 : memref<!tpu.dma_semaphore, #tpu.memory_space<semaphore_mem>>) src(%dma_wait3A_422 : memref<3200000x16xbf16, #tpu.memory_space<hbm>>) dst(%dma_wait3A_416 : memref<128x16xbf16, #tpu.memory_space<vmem>>)
        %dma_wait3A_423 = arith.constant 1024 : i32
        %dma_wait3A_424 = arith.constant 0 : i32
        %dma_wait3A_425 = tpu.memref_slice %arg59[%dma_wait3A_423, %dma_wait3A_424] : memref<2048x16xbf16, #tpu.memory_space<vmem>> -> memref<128x16xbf16, #tpu.memory_space<vmem>>
        %dma_wait3A_426 = arith.constant 0 : i32
        %dma_wait3A_427 = tpu.memref_slice %arg55[%squeeze3A_88, %dma_wait3A_426] : memref<16x128xi32, #tpu.memory_space<vmem>> -> memref<1x128xi32, #tpu.memory_space<vmem>>
        %dma_wait3A_428 = tpu.memref_squeeze %dma_wait3A_427 : memref<1x128xi32, #tpu.memory_space<vmem>> -> memref<128xi32, #tpu.memory_space<vmem>>
        %dma_wait3A_429 = arith.constant 0 : i32
        %dma_wait3A_430 = arith.constant 0 : i32
        %dma_wait3A_431 = tpu.memref_slice %arg2[%dma_wait3A_429, %dma_wait3A_430] : memref<3200000x16xbf16, #tpu.memory_space<hbm>> -> memref<3200000x16xbf16, #tpu.memory_space<hbm>>
        tpu.wait_indirect_dma semaphore(%arg64 : memref<!tpu.dma_semaphore, #tpu.memory_space<semaphore_mem>>) src(%dma_wait3A_431 : memref<3200000x16xbf16, #tpu.memory_space<hbm>>) dst(%dma_wait3A_425 : memref<128x16xbf16, #tpu.memory_space<vmem>>)
        %dma_wait3A_432 = arith.constant 1152 : i32
        %dma_wait3A_433 = arith.constant 0 : i32
        %dma_wait3A_434 = tpu.memref_slice %arg59[%dma_wait3A_432, %dma_wait3A_433] : memref<2048x16xbf16, #tpu.memory_space<vmem>> -> memref<128x16xbf16, #tpu.memory_space<vmem>>
        %dma_wait3A_435 = arith.constant 0 : i32
        %dma_wait3A_436 = tpu.memref_slice %arg55[%squeeze3A_93, %dma_wait3A_435] : memref<16x128xi32, #tpu.memory_space<vmem>> -> memref<1x128xi32, #tpu.memory_space<vmem>>
        %dma_wait3A_437 = tpu.memref_squeeze %dma_wait3A_436 : memref<1x128xi32, #tpu.memory_space<vmem>> -> memref<128xi32, #tpu.memory_space<vmem>>
        %dma_wait3A_438 = arith.constant 0 : i32
        %dma_wait3A_439 = arith.constant 0 : i32
        %dma_wait3A_440 = tpu.memref_slice %arg2[%dma_wait3A_438, %dma_wait3A_439] : memref<3200000x16xbf16, #tpu.memory_space<hbm>> -> memref<3200000x16xbf16, #tpu.memory_space<hbm>>
        tpu.wait_indirect_dma semaphore(%arg64 : memref<!tpu.dma_semaphore, #tpu.memory_space<semaphore_mem>>) src(%dma_wait3A_440 : memref<3200000x16xbf16, #tpu.memory_space<hbm>>) dst(%dma_wait3A_434 : memref<128x16xbf16, #tpu.memory_space<vmem>>)
        %dma_wait3A_441 = arith.constant 1280 : i32
        %dma_wait3A_442 = arith.constant 0 : i32
        %dma_wait3A_443 = tpu.memref_slice %arg59[%dma_wait3A_441, %dma_wait3A_442] : memref<2048x16xbf16, #tpu.memory_space<vmem>> -> memref<128x16xbf16, #tpu.memory_space<vmem>>
        %dma_wait3A_444 = arith.constant 0 : i32
        %dma_wait3A_445 = tpu.memref_slice %arg55[%squeeze3A_98, %dma_wait3A_444] : memref<16x128xi32, #tpu.memory_space<vmem>> -> memref<1x128xi32, #tpu.memory_space<vmem>>
        %dma_wait3A_446 = tpu.memref_squeeze %dma_wait3A_445 : memref<1x128xi32, #tpu.memory_space<vmem>> -> memref<128xi32, #tpu.memory_space<vmem>>
        %dma_wait3A_447 = arith.constant 0 : i32
        %dma_wait3A_448 = arith.constant 0 : i32
        %dma_wait3A_449 = tpu.memref_slice %arg2[%dma_wait3A_447, %dma_wait3A_448] : memref<3200000x16xbf16, #tpu.memory_space<hbm>> -> memref<3200000x16xbf16, #tpu.memory_space<hbm>>
        tpu.wait_indirect_dma semaphore(%arg64 : memref<!tpu.dma_semaphore, #tpu.memory_space<semaphore_mem>>) src(%dma_wait3A_449 : memref<3200000x16xbf16, #tpu.memory_space<hbm>>) dst(%dma_wait3A_443 : memref<128x16xbf16, #tpu.memory_space<vmem>>)
        %dma_wait3A_450 = arith.constant 1408 : i32
        %dma_wait3A_451 = arith.constant 0 : i32
        %dma_wait3A_452 = tpu.memref_slice %arg59[%dma_wait3A_450, %dma_wait3A_451] : memref<2048x16xbf16, #tpu.memory_space<vmem>> -> memref<128x16xbf16, #tpu.memory_space<vmem>>
        %dma_wait3A_453 = arith.constant 0 : i32
        %dma_wait3A_454 = tpu.memref_slice %arg55[%squeeze3A_103, %dma_wait3A_453] : memref<16x128xi32, #tpu.memory_space<vmem>> -> memref<1x128xi32, #tpu.memory_space<vmem>>
        %dma_wait3A_455 = tpu.memref_squeeze %dma_wait3A_454 : memref<1x128xi32, #tpu.memory_space<vmem>> -> memref<128xi32, #tpu.memory_space<vmem>>
        %dma_wait3A_456 = arith.constant 0 : i32
        %dma_wait3A_457 = arith.constant 0 : i32
        %dma_wait3A_458 = tpu.memref_slice %arg2[%dma_wait3A_456, %dma_wait3A_457] : memref<3200000x16xbf16, #tpu.memory_space<hbm>> -> memref<3200000x16xbf16, #tpu.memory_space<hbm>>
        tpu.wait_indirect_dma semaphore(%arg64 : memref<!tpu.dma_semaphore, #tpu.memory_space<semaphore_mem>>) src(%dma_wait3A_458 : memref<3200000x16xbf16, #tpu.memory_space<hbm>>) dst(%dma_wait3A_452 : memref<128x16xbf16, #tpu.memory_space<vmem>>)
        %dma_wait3A_459 = arith.constant 1536 : i32
        %dma_wait3A_460 = arith.constant 0 : i32
        %dma_wait3A_461 = tpu.memref_slice %arg59[%dma_wait3A_459, %dma_wait3A_460] : memref<2048x16xbf16, #tpu.memory_space<vmem>> -> memref<128x16xbf16, #tpu.memory_space<vmem>>
        %dma_wait3A_462 = arith.constant 0 : i32
        %dma_wait3A_463 = tpu.memref_slice %arg55[%squeeze3A_108, %dma_wait3A_462] : memref<16x128xi32, #tpu.memory_space<vmem>> -> memref<1x128xi32, #tpu.memory_space<vmem>>
        %dma_wait3A_464 = tpu.memref_squeeze %dma_wait3A_463 : memref<1x128xi32, #tpu.memory_space<vmem>> -> memref<128xi32, #tpu.memory_space<vmem>>
        %dma_wait3A_465 = arith.constant 0 : i32
        %dma_wait3A_466 = arith.constant 0 : i32
        %dma_wait3A_467 = tpu.memref_slice %arg2[%dma_wait3A_465, %dma_wait3A_466] : memref<3200000x16xbf16, #tpu.memory_space<hbm>> -> memref<3200000x16xbf16, #tpu.memory_space<hbm>>
        tpu.wait_indirect_dma semaphore(%arg64 : memref<!tpu.dma_semaphore, #tpu.memory_space<semaphore_mem>>) src(%dma_wait3A_467 : memref<3200000x16xbf16, #tpu.memory_space<hbm>>) dst(%dma_wait3A_461 : memref<128x16xbf16, #tpu.memory_space<vmem>>)
        %dma_wait3A_468 = arith.constant 1664 : i32
        %dma_wait3A_469 = arith.constant 0 : i32
        %dma_wait3A_470 = tpu.memref_slice %arg59[%dma_wait3A_468, %dma_wait3A_469] : memref<2048x16xbf16, #tpu.memory_space<vmem>> -> memref<128x16xbf16, #tpu.memory_space<vmem>>
        %dma_wait3A_471 = arith.constant 0 : i32
        %dma_wait3A_472 = tpu.memref_slice %arg55[%squeeze3A_113, %dma_wait3A_471] : memref<16x128xi32, #tpu.memory_space<vmem>> -> memref<1x128xi32, #tpu.memory_space<vmem>>
        %dma_wait3A_473 = tpu.memref_squeeze %dma_wait3A_472 : memref<1x128xi32, #tpu.memory_space<vmem>> -> memref<128xi32, #tpu.memory_space<vmem>>
        %dma_wait3A_474 = arith.constant 0 : i32
        %dma_wait3A_475 = arith.constant 0 : i32
        %dma_wait3A_476 = tpu.memref_slice %arg2[%dma_wait3A_474, %dma_wait3A_475] : memref<3200000x16xbf16, #tpu.memory_space<hbm>> -> memref<3200000x16xbf16, #tpu.memory_space<hbm>>
        tpu.wait_indirect_dma semaphore(%arg64 : memref<!tpu.dma_semaphore, #tpu.memory_space<semaphore_mem>>) src(%dma_wait3A_476 : memref<3200000x16xbf16, #tpu.memory_space<hbm>>) dst(%dma_wait3A_470 : memref<128x16xbf16, #tpu.memory_space<vmem>>)
        %dma_wait3A_477 = arith.constant 1792 : i32
        %dma_wait3A_478 = arith.constant 0 : i32
        %dma_wait3A_479 = tpu.memref_slice %arg59[%dma_wait3A_477, %dma_wait3A_478] : memref<2048x16xbf16, #tpu.memory_space<vmem>> -> memref<128x16xbf16, #tpu.memory_space<vmem>>
        %dma_wait3A_480 = arith.constant 0 : i32
        %dma_wait3A_481 = tpu.memref_slice %arg55[%squeeze3A_118, %dma_wait3A_480] : memref<16x128xi32, #tpu.memory_space<vmem>> -> memref<1x128xi32, #tpu.memory_space<vmem>>
        %dma_wait3A_482 = tpu.memref_squeeze %dma_wait3A_481 : memref<1x128xi32, #tpu.memory_space<vmem>> -> memref<128xi32, #tpu.memory_space<vmem>>
        %dma_wait3A_483 = arith.constant 0 : i32
        %dma_wait3A_484 = arith.constant 0 : i32
        %dma_wait3A_485 = tpu.memref_slice %arg2[%dma_wait3A_483, %dma_wait3A_484] : memref<3200000x16xbf16, #tpu.memory_space<hbm>> -> memref<3200000x16xbf16, #tpu.memory_space<hbm>>
        tpu.wait_indirect_dma semaphore(%arg64 : memref<!tpu.dma_semaphore, #tpu.memory_space<semaphore_mem>>) src(%dma_wait3A_485 : memref<3200000x16xbf16, #tpu.memory_space<hbm>>) dst(%dma_wait3A_479 : memref<128x16xbf16, #tpu.memory_space<vmem>>)
        %dma_wait3A_486 = arith.constant 1920 : i32
        %dma_wait3A_487 = arith.constant 0 : i32
        %dma_wait3A_488 = tpu.memref_slice %arg59[%dma_wait3A_486, %dma_wait3A_487] : memref<2048x16xbf16, #tpu.memory_space<vmem>> -> memref<128x16xbf16, #tpu.memory_space<vmem>>
        %dma_wait3A_489 = arith.constant 0 : i32
        %dma_wait3A_490 = tpu.memref_slice %arg55[%squeeze3A_123, %dma_wait3A_489] : memref<16x128xi32, #tpu.memory_space<vmem>> -> memref<1x128xi32, #tpu.memory_space<vmem>>
        %dma_wait3A_491 = tpu.memref_squeeze %dma_wait3A_490 : memref<1x128xi32, #tpu.memory_space<vmem>> -> memref<128xi32, #tpu.memory_space<vmem>>
        %dma_wait3A_492 = arith.constant 0 : i32
        %dma_wait3A_493 = arith.constant 0 : i32
        %dma_wait3A_494 = tpu.memref_slice %arg2[%dma_wait3A_492, %dma_wait3A_493] : memref<3200000x16xbf16, #tpu.memory_space<hbm>> -> memref<3200000x16xbf16, #tpu.memory_space<hbm>>
        tpu.wait_indirect_dma semaphore(%arg64 : memref<!tpu.dma_semaphore, #tpu.memory_space<semaphore_mem>>) src(%dma_wait3A_494 : memref<3200000x16xbf16, #tpu.memory_space<hbm>>) dst(%dma_wait3A_488 : memref<128x16xbf16, #tpu.memory_space<vmem>>)
        %dma_start3A = arith.constant 0 : i32
        %dma_start3A_495 = arith.constant 0 : i32
        %dma_start3A_496 = arith.constant 0 : i32
        %dma_start3A_497 = tpu.memref_slice %arg59[%dma_start3A_495, %dma_start3A_496] : memref<2048x16xbf16, #tpu.memory_space<vmem>> -> memref<128x16xbf16, #tpu.memory_space<vmem>>
        %dma_start3A_498 = arith.constant 0 : i32
        %dma_start3A_499 = tpu.memref_slice %arg57[%dma_start3A, %dma_start3A_498] : memref<16x128xi32, #tpu.memory_space<vmem>> -> memref<1x128xi32, #tpu.memory_space<vmem>>
        %dma_start3A_500 = tpu.memref_squeeze %dma_start3A_499 : memref<1x128xi32, #tpu.memory_space<vmem>> -> memref<128xi32, #tpu.memory_space<vmem>>
        %dma_start3A_501 = arith.constant 0 : i32
        %dma_start3A_502 = arith.constant 0 : i32
        %dma_start3A_503 = tpu.memref_slice %arg61[%dma_start3A_501, %dma_start3A_502] : memref<100128x16xbf16, #tpu.memory_space<vmem_shared>> -> memref<100128x16xbf16, #tpu.memory_space<vmem_shared>>
        tpu.enqueue_indirect_dma source(%dma_start3A_497 : memref<128x16xbf16, #tpu.memory_space<vmem>>) target(%dma_start3A_503 : memref<100128x16xbf16, #tpu.memory_space<vmem_shared>>) offsets(%dma_start3A_500 : memref<128xi32, #tpu.memory_space<vmem>>) semaphore(%arg66 : memref<!tpu.dma_semaphore, #tpu.memory_space<semaphore_mem>>) {add = true}
        %dma_start3A_504 = arith.constant 1 : i32
        %dma_start3A_505 = arith.constant 128 : i32
        %dma_start3A_506 = arith.constant 0 : i32
        %dma_start3A_507 = tpu.memref_slice %arg59[%dma_start3A_505, %dma_start3A_506] : memref<2048x16xbf16, #tpu.memory_space<vmem>> -> memref<128x16xbf16, #tpu.memory_space<vmem>>
        %dma_start3A_508 = arith.constant 0 : i32
        %dma_start3A_509 = tpu.memref_slice %arg57[%dma_start3A_504, %dma_start3A_508] : memref<16x128xi32, #tpu.memory_space<vmem>> -> memref<1x128xi32, #tpu.memory_space<vmem>>
        %dma_start3A_510 = tpu.memref_squeeze %dma_start3A_509 : memref<1x128xi32, #tpu.memory_space<vmem>> -> memref<128xi32, #tpu.memory_space<vmem>>
        %dma_start3A_511 = arith.constant 0 : i32
        %dma_start3A_512 = arith.constant 0 : i32
        %dma_start3A_513 = tpu.memref_slice %arg61[%dma_start3A_511, %dma_start3A_512] : memref<100128x16xbf16, #tpu.memory_space<vmem_shared>> -> memref<100128x16xbf16, #tpu.memory_space<vmem_shared>>
        tpu.enqueue_indirect_dma source(%dma_start3A_507 : memref<128x16xbf16, #tpu.memory_space<vmem>>) target(%dma_start3A_513 : memref<100128x16xbf16, #tpu.memory_space<vmem_shared>>) offsets(%dma_start3A_510 : memref<128xi32, #tpu.memory_space<vmem>>) semaphore(%arg66 : memref<!tpu.dma_semaphore, #tpu.memory_space<semaphore_mem>>) {add = true}
        %dma_start3A_514 = arith.constant 2 : i32
        %dma_start3A_515 = arith.constant 256 : i32
        %dma_start3A_516 = arith.constant 0 : i32
        %dma_start3A_517 = tpu.memref_slice %arg59[%dma_start3A_515, %dma_start3A_516] : memref<2048x16xbf16, #tpu.memory_space<vmem>> -> memref<128x16xbf16, #tpu.memory_space<vmem>>
        %dma_start3A_518 = arith.constant 0 : i32
        %dma_start3A_519 = tpu.memref_slice %arg57[%dma_start3A_514, %dma_start3A_518] : memref<16x128xi32, #tpu.memory_space<vmem>> -> memref<1x128xi32, #tpu.memory_space<vmem>>
        %dma_start3A_520 = tpu.memref_squeeze %dma_start3A_519 : memref<1x128xi32, #tpu.memory_space<vmem>> -> memref<128xi32, #tpu.memory_space<vmem>>
        %dma_start3A_521 = arith.constant 0 : i32
        %dma_start3A_522 = arith.constant 0 : i32
        %dma_start3A_523 = tpu.memref_slice %arg61[%dma_start3A_521, %dma_start3A_522] : memref<100128x16xbf16, #tpu.memory_space<vmem_shared>> -> memref<100128x16xbf16, #tpu.memory_space<vmem_shared>>
        tpu.enqueue_indirect_dma source(%dma_start3A_517 : memref<128x16xbf16, #tpu.memory_space<vmem>>) target(%dma_start3A_523 : memref<100128x16xbf16, #tpu.memory_space<vmem_shared>>) offsets(%dma_start3A_520 : memref<128xi32, #tpu.memory_space<vmem>>) semaphore(%arg66 : memref<!tpu.dma_semaphore, #tpu.memory_space<semaphore_mem>>) {add = true}
        %dma_start3A_524 = arith.constant 3 : i32
        %dma_start3A_525 = arith.constant 384 : i32
        %dma_start3A_526 = arith.constant 0 : i32
        %dma_start3A_527 = tpu.memref_slice %arg59[%dma_start3A_525, %dma_start3A_526] : memref<2048x16xbf16, #tpu.memory_space<vmem>> -> memref<128x16xbf16, #tpu.memory_space<vmem>>
        %dma_start3A_528 = arith.constant 0 : i32
        %dma_start3A_529 = tpu.memref_slice %arg57[%dma_start3A_524, %dma_start3A_528] : memref<16x128xi32, #tpu.memory_space<vmem>> -> memref<1x128xi32, #tpu.memory_space<vmem>>
        %dma_start3A_530 = tpu.memref_squeeze %dma_start3A_529 : memref<1x128xi32, #tpu.memory_space<vmem>> -> memref<128xi32, #tpu.memory_space<vmem>>
        %dma_start3A_531 = arith.constant 0 : i32
        %dma_start3A_532 = arith.constant 0 : i32
        %dma_start3A_533 = tpu.memref_slice %arg61[%dma_start3A_531, %dma_start3A_532] : memref<100128x16xbf16, #tpu.memory_space<vmem_shared>> -> memref<100128x16xbf16, #tpu.memory_space<vmem_shared>>
        tpu.enqueue_indirect_dma source(%dma_start3A_527 : memref<128x16xbf16, #tpu.memory_space<vmem>>) target(%dma_start3A_533 : memref<100128x16xbf16, #tpu.memory_space<vmem_shared>>) offsets(%dma_start3A_530 : memref<128xi32, #tpu.memory_space<vmem>>) semaphore(%arg66 : memref<!tpu.dma_semaphore, #tpu.memory_space<semaphore_mem>>) {add = true}
        %dma_start3A_534 = arith.constant 4 : i32
        %dma_start3A_535 = arith.constant 512 : i32
        %dma_start3A_536 = arith.constant 0 : i32
        %dma_start3A_537 = tpu.memref_slice %arg59[%dma_start3A_535, %dma_start3A_536] : memref<2048x16xbf16, #tpu.memory_space<vmem>> -> memref<128x16xbf16, #tpu.memory_space<vmem>>
        %dma_start3A_538 = arith.constant 0 : i32
        %dma_start3A_539 = tpu.memref_slice %arg57[%dma_start3A_534, %dma_start3A_538] : memref<16x128xi32, #tpu.memory_space<vmem>> -> memref<1x128xi32, #tpu.memory_space<vmem>>
        %dma_start3A_540 = tpu.memref_squeeze %dma_start3A_539 : memref<1x128xi32, #tpu.memory_space<vmem>> -> memref<128xi32, #tpu.memory_space<vmem>>
        %dma_start3A_541 = arith.constant 0 : i32
        %dma_start3A_542 = arith.constant 0 : i32
        %dma_start3A_543 = tpu.memref_slice %arg61[%dma_start3A_541, %dma_start3A_542] : memref<100128x16xbf16, #tpu.memory_space<vmem_shared>> -> memref<100128x16xbf16, #tpu.memory_space<vmem_shared>>
        tpu.enqueue_indirect_dma source(%dma_start3A_537 : memref<128x16xbf16, #tpu.memory_space<vmem>>) target(%dma_start3A_543 : memref<100128x16xbf16, #tpu.memory_space<vmem_shared>>) offsets(%dma_start3A_540 : memref<128xi32, #tpu.memory_space<vmem>>) semaphore(%arg66 : memref<!tpu.dma_semaphore, #tpu.memory_space<semaphore_mem>>) {add = true}
        %dma_start3A_544 = arith.constant 5 : i32
        %dma_start3A_545 = arith.constant 640 : i32
        %dma_start3A_546 = arith.constant 0 : i32
        %dma_start3A_547 = tpu.memref_slice %arg59[%dma_start3A_545, %dma_start3A_546] : memref<2048x16xbf16, #tpu.memory_space<vmem>> -> memref<128x16xbf16, #tpu.memory_space<vmem>>
        %dma_start3A_548 = arith.constant 0 : i32
        %dma_start3A_549 = tpu.memref_slice %arg57[%dma_start3A_544, %dma_start3A_548] : memref<16x128xi32, #tpu.memory_space<vmem>> -> memref<1x128xi32, #tpu.memory_space<vmem>>
        %dma_start3A_550 = tpu.memref_squeeze %dma_start3A_549 : memref<1x128xi32, #tpu.memory_space<vmem>> -> memref<128xi32, #tpu.memory_space<vmem>>
        %dma_start3A_551 = arith.constant 0 : i32
        %dma_start3A_552 = arith.constant 0 : i32
        %dma_start3A_553 = tpu.memref_slice %arg61[%dma_start3A_551, %dma_start3A_552] : memref<100128x16xbf16, #tpu.memory_space<vmem_shared>> -> memref<100128x16xbf16, #tpu.memory_space<vmem_shared>>
        tpu.enqueue_indirect_dma source(%dma_start3A_547 : memref<128x16xbf16, #tpu.memory_space<vmem>>) target(%dma_start3A_553 : memref<100128x16xbf16, #tpu.memory_space<vmem_shared>>) offsets(%dma_start3A_550 : memref<128xi32, #tpu.memory_space<vmem>>) semaphore(%arg66 : memref<!tpu.dma_semaphore, #tpu.memory_space<semaphore_mem>>) {add = true}
        %dma_start3A_554 = arith.constant 6 : i32
        %dma_start3A_555 = arith.constant 768 : i32
        %dma_start3A_556 = arith.constant 0 : i32
        %dma_start3A_557 = tpu.memref_slice %arg59[%dma_start3A_555, %dma_start3A_556] : memref<2048x16xbf16, #tpu.memory_space<vmem>> -> memref<128x16xbf16, #tpu.memory_space<vmem>>
        %dma_start3A_558 = arith.constant 0 : i32
        %dma_start3A_559 = tpu.memref_slice %arg57[%dma_start3A_554, %dma_start3A_558] : memref<16x128xi32, #tpu.memory_space<vmem>> -> memref<1x128xi32, #tpu.memory_space<vmem>>
        %dma_start3A_560 = tpu.memref_squeeze %dma_start3A_559 : memref<1x128xi32, #tpu.memory_space<vmem>> -> memref<128xi32, #tpu.memory_space<vmem>>
        %dma_start3A_561 = arith.constant 0 : i32
        %dma_start3A_562 = arith.constant 0 : i32
        %dma_start3A_563 = tpu.memref_slice %arg61[%dma_start3A_561, %dma_start3A_562] : memref<100128x16xbf16, #tpu.memory_space<vmem_shared>> -> memref<100128x16xbf16, #tpu.memory_space<vmem_shared>>
        tpu.enqueue_indirect_dma source(%dma_start3A_557 : memref<128x16xbf16, #tpu.memory_space<vmem>>) target(%dma_start3A_563 : memref<100128x16xbf16, #tpu.memory_space<vmem_shared>>) offsets(%dma_start3A_560 : memref<128xi32, #tpu.memory_space<vmem>>) semaphore(%arg66 : memref<!tpu.dma_semaphore, #tpu.memory_space<semaphore_mem>>) {add = true}
        %dma_start3A_564 = arith.constant 7 : i32
        %dma_start3A_565 = arith.constant 896 : i32
        %dma_start3A_566 = arith.constant 0 : i32
        %dma_start3A_567 = tpu.memref_slice %arg59[%dma_start3A_565, %dma_start3A_566] : memref<2048x16xbf16, #tpu.memory_space<vmem>> -> memref<128x16xbf16, #tpu.memory_space<vmem>>
        %dma_start3A_568 = arith.constant 0 : i32
        %dma_start3A_569 = tpu.memref_slice %arg57[%dma_start3A_564, %dma_start3A_568] : memref<16x128xi32, #tpu.memory_space<vmem>> -> memref<1x128xi32, #tpu.memory_space<vmem>>
        %dma_start3A_570 = tpu.memref_squeeze %dma_start3A_569 : memref<1x128xi32, #tpu.memory_space<vmem>> -> memref<128xi32, #tpu.memory_space<vmem>>
        %dma_start3A_571 = arith.constant 0 : i32
        %dma_start3A_572 = arith.constant 0 : i32
        %dma_start3A_573 = tpu.memref_slice %arg61[%dma_start3A_571, %dma_start3A_572] : memref<100128x16xbf16, #tpu.memory_space<vmem_shared>> -> memref<100128x16xbf16, #tpu.memory_space<vmem_shared>>
        tpu.enqueue_indirect_dma source(%dma_start3A_567 : memref<128x16xbf16, #tpu.memory_space<vmem>>) target(%dma_start3A_573 : memref<100128x16xbf16, #tpu.memory_space<vmem_shared>>) offsets(%dma_start3A_570 : memref<128xi32, #tpu.memory_space<vmem>>) semaphore(%arg66 : memref<!tpu.dma_semaphore, #tpu.memory_space<semaphore_mem>>) {add = true}
        %dma_start3A_574 = arith.constant 8 : i32
        %dma_start3A_575 = arith.constant 1024 : i32
        %dma_start3A_576 = arith.constant 0 : i32
        %dma_start3A_577 = tpu.memref_slice %arg59[%dma_start3A_575, %dma_start3A_576] : memref<2048x16xbf16, #tpu.memory_space<vmem>> -> memref<128x16xbf16, #tpu.memory_space<vmem>>
        %dma_start3A_578 = arith.constant 0 : i32
        %dma_start3A_579 = tpu.memref_slice %arg57[%dma_start3A_574, %dma_start3A_578] : memref<16x128xi32, #tpu.memory_space<vmem>> -> memref<1x128xi32, #tpu.memory_space<vmem>>
        %dma_start3A_580 = tpu.memref_squeeze %dma_start3A_579 : memref<1x128xi32, #tpu.memory_space<vmem>> -> memref<128xi32, #tpu.memory_space<vmem>>
        %dma_start3A_581 = arith.constant 0 : i32
        %dma_start3A_582 = arith.constant 0 : i32
        %dma_start3A_583 = tpu.memref_slice %arg61[%dma_start3A_581, %dma_start3A_582] : memref<100128x16xbf16, #tpu.memory_space<vmem_shared>> -> memref<100128x16xbf16, #tpu.memory_space<vmem_shared>>
        tpu.enqueue_indirect_dma source(%dma_start3A_577 : memref<128x16xbf16, #tpu.memory_space<vmem>>) target(%dma_start3A_583 : memref<100128x16xbf16, #tpu.memory_space<vmem_shared>>) offsets(%dma_start3A_580 : memref<128xi32, #tpu.memory_space<vmem>>) semaphore(%arg66 : memref<!tpu.dma_semaphore, #tpu.memory_space<semaphore_mem>>) {add = true}
        %dma_start3A_584 = arith.constant 9 : i32
        %dma_start3A_585 = arith.constant 1152 : i32
        %dma_start3A_586 = arith.constant 0 : i32
        %dma_start3A_587 = tpu.memref_slice %arg59[%dma_start3A_585, %dma_start3A_586] : memref<2048x16xbf16, #tpu.memory_space<vmem>> -> memref<128x16xbf16, #tpu.memory_space<vmem>>
        %dma_start3A_588 = arith.constant 0 : i32
        %dma_start3A_589 = tpu.memref_slice %arg57[%dma_start3A_584, %dma_start3A_588] : memref<16x128xi32, #tpu.memory_space<vmem>> -> memref<1x128xi32, #tpu.memory_space<vmem>>
        %dma_start3A_590 = tpu.memref_squeeze %dma_start3A_589 : memref<1x128xi32, #tpu.memory_space<vmem>> -> memref<128xi32, #tpu.memory_space<vmem>>
        %dma_start3A_591 = arith.constant 0 : i32
        %dma_start3A_592 = arith.constant 0 : i32
        %dma_start3A_593 = tpu.memref_slice %arg61[%dma_start3A_591, %dma_start3A_592] : memref<100128x16xbf16, #tpu.memory_space<vmem_shared>> -> memref<100128x16xbf16, #tpu.memory_space<vmem_shared>>
        tpu.enqueue_indirect_dma source(%dma_start3A_587 : memref<128x16xbf16, #tpu.memory_space<vmem>>) target(%dma_start3A_593 : memref<100128x16xbf16, #tpu.memory_space<vmem_shared>>) offsets(%dma_start3A_590 : memref<128xi32, #tpu.memory_space<vmem>>) semaphore(%arg66 : memref<!tpu.dma_semaphore, #tpu.memory_space<semaphore_mem>>) {add = true}
        %dma_start3A_594 = arith.constant 10 : i32
        %dma_start3A_595 = arith.constant 1280 : i32
        %dma_start3A_596 = arith.constant 0 : i32
        %dma_start3A_597 = tpu.memref_slice %arg59[%dma_start3A_595, %dma_start3A_596] : memref<2048x16xbf16, #tpu.memory_space<vmem>> -> memref<128x16xbf16, #tpu.memory_space<vmem>>
        %dma_start3A_598 = arith.constant 0 : i32
        %dma_start3A_599 = tpu.memref_slice %arg57[%dma_start3A_594, %dma_start3A_598] : memref<16x128xi32, #tpu.memory_space<vmem>> -> memref<1x128xi32, #tpu.memory_space<vmem>>
        %dma_start3A_600 = tpu.memref_squeeze %dma_start3A_599 : memref<1x128xi32, #tpu.memory_space<vmem>> -> memref<128xi32, #tpu.memory_space<vmem>>
        %dma_start3A_601 = arith.constant 0 : i32
        %dma_start3A_602 = arith.constant 0 : i32
        %dma_start3A_603 = tpu.memref_slice %arg61[%dma_start3A_601, %dma_start3A_602] : memref<100128x16xbf16, #tpu.memory_space<vmem_shared>> -> memref<100128x16xbf16, #tpu.memory_space<vmem_shared>>
        tpu.enqueue_indirect_dma source(%dma_start3A_597 : memref<128x16xbf16, #tpu.memory_space<vmem>>) target(%dma_start3A_603 : memref<100128x16xbf16, #tpu.memory_space<vmem_shared>>) offsets(%dma_start3A_600 : memref<128xi32, #tpu.memory_space<vmem>>) semaphore(%arg66 : memref<!tpu.dma_semaphore, #tpu.memory_space<semaphore_mem>>) {add = true}
        %dma_start3A_604 = arith.constant 11 : i32
        %dma_start3A_605 = arith.constant 1408 : i32
        %dma_start3A_606 = arith.constant 0 : i32
        %dma_start3A_607 = tpu.memref_slice %arg59[%dma_start3A_605, %dma_start3A_606] : memref<2048x16xbf16, #tpu.memory_space<vmem>> -> memref<128x16xbf16, #tpu.memory_space<vmem>>
        %dma_start3A_608 = arith.constant 0 : i32
        %dma_start3A_609 = tpu.memref_slice %arg57[%dma_start3A_604, %dma_start3A_608] : memref<16x128xi32, #tpu.memory_space<vmem>> -> memref<1x128xi32, #tpu.memory_space<vmem>>
        %dma_start3A_610 = tpu.memref_squeeze %dma_start3A_609 : memref<1x128xi32, #tpu.memory_space<vmem>> -> memref<128xi32, #tpu.memory_space<vmem>>
        %dma_start3A_611 = arith.constant 0 : i32
        %dma_start3A_612 = arith.constant 0 : i32
        %dma_start3A_613 = tpu.memref_slice %arg61[%dma_start3A_611, %dma_start3A_612] : memref<100128x16xbf16, #tpu.memory_space<vmem_shared>> -> memref<100128x16xbf16, #tpu.memory_space<vmem_shared>>
        tpu.enqueue_indirect_dma source(%dma_start3A_607 : memref<128x16xbf16, #tpu.memory_space<vmem>>) target(%dma_start3A_613 : memref<100128x16xbf16, #tpu.memory_space<vmem_shared>>) offsets(%dma_start3A_610 : memref<128xi32, #tpu.memory_space<vmem>>) semaphore(%arg66 : memref<!tpu.dma_semaphore, #tpu.memory_space<semaphore_mem>>) {add = true}
        %dma_start3A_614 = arith.constant 12 : i32
        %dma_start3A_615 = arith.constant 1536 : i32
        %dma_start3A_616 = arith.constant 0 : i32
        %dma_start3A_617 = tpu.memref_slice %arg59[%dma_start3A_615, %dma_start3A_616] : memref<2048x16xbf16, #tpu.memory_space<vmem>> -> memref<128x16xbf16, #tpu.memory_space<vmem>>
        %dma_start3A_618 = arith.constant 0 : i32
        %dma_start3A_619 = tpu.memref_slice %arg57[%dma_start3A_614, %dma_start3A_618] : memref<16x128xi32, #tpu.memory_space<vmem>> -> memref<1x128xi32, #tpu.memory_space<vmem>>
        %dma_start3A_620 = tpu.memref_squeeze %dma_start3A_619 : memref<1x128xi32, #tpu.memory_space<vmem>> -> memref<128xi32, #tpu.memory_space<vmem>>
        %dma_start3A_621 = arith.constant 0 : i32
        %dma_start3A_622 = arith.constant 0 : i32
        %dma_start3A_623 = tpu.memref_slice %arg61[%dma_start3A_621, %dma_start3A_622] : memref<100128x16xbf16, #tpu.memory_space<vmem_shared>> -> memref<100128x16xbf16, #tpu.memory_space<vmem_shared>>
        tpu.enqueue_indirect_dma source(%dma_start3A_617 : memref<128x16xbf16, #tpu.memory_space<vmem>>) target(%dma_start3A_623 : memref<100128x16xbf16, #tpu.memory_space<vmem_shared>>) offsets(%dma_start3A_620 : memref<128xi32, #tpu.memory_space<vmem>>) semaphore(%arg66 : memref<!tpu.dma_semaphore, #tpu.memory_space<semaphore_mem>>) {add = true}
        %dma_start3A_624 = arith.constant 13 : i32
        %dma_start3A_625 = arith.constant 1664 : i32
        %dma_start3A_626 = arith.constant 0 : i32
        %dma_start3A_627 = tpu.memref_slice %arg59[%dma_start3A_625, %dma_start3A_626] : memref<2048x16xbf16, #tpu.memory_space<vmem>> -> memref<128x16xbf16, #tpu.memory_space<vmem>>
        %dma_start3A_628 = arith.constant 0 : i32
        %dma_start3A_629 = tpu.memref_slice %arg57[%dma_start3A_624, %dma_start3A_628] : memref<16x128xi32, #tpu.memory_space<vmem>> -> memref<1x128xi32, #tpu.memory_space<vmem>>
        %dma_start3A_630 = tpu.memref_squeeze %dma_start3A_629 : memref<1x128xi32, #tpu.memory_space<vmem>> -> memref<128xi32, #tpu.memory_space<vmem>>
        %dma_start3A_631 = arith.constant 0 : i32
        %dma_start3A_632 = arith.constant 0 : i32
        %dma_start3A_633 = tpu.memref_slice %arg61[%dma_start3A_631, %dma_start3A_632] : memref<100128x16xbf16, #tpu.memory_space<vmem_shared>> -> memref<100128x16xbf16, #tpu.memory_space<vmem_shared>>
        tpu.enqueue_indirect_dma source(%dma_start3A_627 : memref<128x16xbf16, #tpu.memory_space<vmem>>) target(%dma_start3A_633 : memref<100128x16xbf16, #tpu.memory_space<vmem_shared>>) offsets(%dma_start3A_630 : memref<128xi32, #tpu.memory_space<vmem>>) semaphore(%arg66 : memref<!tpu.dma_semaphore, #tpu.memory_space<semaphore_mem>>) {add = true}
        %dma_start3A_634 = arith.constant 14 : i32
        %dma_start3A_635 = arith.constant 1792 : i32
        %dma_start3A_636 = arith.constant 0 : i32
        %dma_start3A_637 = tpu.memref_slice %arg59[%dma_start3A_635, %dma_start3A_636] : memref<2048x16xbf16, #tpu.memory_space<vmem>> -> memref<128x16xbf16, #tpu.memory_space<vmem>>
        %dma_start3A_638 = arith.constant 0 : i32
        %dma_start3A_639 = tpu.memref_slice %arg57[%dma_start3A_634, %dma_start3A_638] : memref<16x128xi32, #tpu.memory_space<vmem>> -> memref<1x128xi32, #tpu.memory_space<vmem>>
        %dma_start3A_640 = tpu.memref_squeeze %dma_start3A_639 : memref<1x128xi32, #tpu.memory_space<vmem>> -> memref<128xi32, #tpu.memory_space<vmem>>
        %dma_start3A_641 = arith.constant 0 : i32
        %dma_start3A_642 = arith.constant 0 : i32
        %dma_start3A_643 = tpu.memref_slice %arg61[%dma_start3A_641, %dma_start3A_642] : memref<100128x16xbf16, #tpu.memory_space<vmem_shared>> -> memref<100128x16xbf16, #tpu.memory_space<vmem_shared>>
        tpu.enqueue_indirect_dma source(%dma_start3A_637 : memref<128x16xbf16, #tpu.memory_space<vmem>>) target(%dma_start3A_643 : memref<100128x16xbf16, #tpu.memory_space<vmem_shared>>) offsets(%dma_start3A_640 : memref<128xi32, #tpu.memory_space<vmem>>) semaphore(%arg66 : memref<!tpu.dma_semaphore, #tpu.memory_space<semaphore_mem>>) {add = true}
        %dma_start3A_644 = arith.constant 15 : i32
        %dma_start3A_645 = arith.constant 1920 : i32
        %dma_start3A_646 = arith.constant 0 : i32
        %dma_start3A_647 = tpu.memref_slice %arg59[%dma_start3A_645, %dma_start3A_646] : memref<2048x16xbf16, #tpu.memory_space<vmem>> -> memref<128x16xbf16, #tpu.memory_space<vmem>>
        %dma_start3A_648 = arith.constant 0 : i32
        %dma_start3A_649 = tpu.memref_slice %arg57[%dma_start3A_644, %dma_start3A_648] : memref<16x128xi32, #tpu.memory_space<vmem>> -> memref<1x128xi32, #tpu.memory_space<vmem>>
        %dma_start3A_650 = tpu.memref_squeeze %dma_start3A_649 : memref<1x128xi32, #tpu.memory_space<vmem>> -> memref<128xi32, #tpu.memory_space<vmem>>
        %dma_start3A_651 = arith.constant 0 : i32
        %dma_start3A_652 = arith.constant 0 : i32
        %dma_start3A_653 = tpu.memref_slice %arg61[%dma_start3A_651, %dma_start3A_652] : memref<100128x16xbf16, #tpu.memory_space<vmem_shared>> -> memref<100128x16xbf16, #tpu.memory_space<vmem_shared>>
        tpu.enqueue_indirect_dma source(%dma_start3A_647 : memref<128x16xbf16, #tpu.memory_space<vmem>>) target(%dma_start3A_653 : memref<100128x16xbf16, #tpu.memory_space<vmem_shared>>) offsets(%dma_start3A_650 : memref<128xi32, #tpu.memory_space<vmem>>) semaphore(%arg66 : memref<!tpu.dma_semaphore, #tpu.memory_space<semaphore_mem>>) {add = true}
      } else {
      }
      %convert_element_type3A_342 = arith.extui %lt3A_328 : i1 to i32
      %cond3A_343 = arith.constant 0 : i32
      %cond3A_344 = arith.cmpi ne, %convert_element_type3A_342, %cond3A_343 : i32
      scf.if %cond3A_344 {
        %dma_start3A = arith.constant 0 : i32
        %dma_start3A_352 = arith.constant 0 : i32
        %dma_start3A_353 = arith.constant 0 : i32
        %dma_start3A_354 = tpu.memref_slice %arg60[%dma_start3A_352, %dma_start3A_353] : memref<2048x16xbf16, #tpu.memory_space<vmem>> -> memref<128x16xbf16, #tpu.memory_space<vmem>>
        %dma_start3A_355 = arith.constant 0 : i32
        %dma_start3A_356 = tpu.memref_slice %arg56[%dma_start3A, %dma_start3A_355] : memref<16x128xi32, #tpu.memory_space<vmem>> -> memref<1x128xi32, #tpu.memory_space<vmem>>
        %dma_start3A_357 = tpu.memref_squeeze %dma_start3A_356 : memref<1x128xi32, #tpu.memory_space<vmem>> -> memref<128xi32, #tpu.memory_space<vmem>>
        %dma_start3A_358 = arith.constant 0 : i32
        %dma_start3A_359 = arith.constant 0 : i32
        %dma_start3A_360 = tpu.memref_slice %arg2[%dma_start3A_358, %dma_start3A_359] : memref<3200000x16xbf16, #tpu.memory_space<hbm>> -> memref<3200000x16xbf16, #tpu.memory_space<hbm>>
        tpu.enqueue_indirect_dma source(%dma_start3A_360 : memref<3200000x16xbf16, #tpu.memory_space<hbm>>) target(%dma_start3A_354 : memref<128x16xbf16, #tpu.memory_space<vmem>>) offsets(%dma_start3A_357 : memref<128xi32, #tpu.memory_space<vmem>>) semaphore(%arg65 : memref<!tpu.dma_semaphore, #tpu.memory_space<semaphore_mem>>)
        %dma_start3A_361 = arith.constant 1 : i32
        %dma_start3A_362 = arith.constant 128 : i32
        %dma_start3A_363 = arith.constant 0 : i32
        %dma_start3A_364 = tpu.memref_slice %arg60[%dma_start3A_362, %dma_start3A_363] : memref<2048x16xbf16, #tpu.memory_space<vmem>> -> memref<128x16xbf16, #tpu.memory_space<vmem>>
        %dma_start3A_365 = arith.constant 0 : i32
        %dma_start3A_366 = tpu.memref_slice %arg56[%dma_start3A_361, %dma_start3A_365] : memref<16x128xi32, #tpu.memory_space<vmem>> -> memref<1x128xi32, #tpu.memory_space<vmem>>
        %dma_start3A_367 = tpu.memref_squeeze %dma_start3A_366 : memref<1x128xi32, #tpu.memory_space<vmem>> -> memref<128xi32, #tpu.memory_space<vmem>>
        %dma_start3A_368 = arith.constant 0 : i32
        %dma_start3A_369 = arith.constant 0 : i32
        %dma_start3A_370 = tpu.memref_slice %arg2[%dma_start3A_368, %dma_start3A_369] : memref<3200000x16xbf16, #tpu.memory_space<hbm>> -> memref<3200000x16xbf16, #tpu.memory_space<hbm>>
        tpu.enqueue_indirect_dma source(%dma_start3A_370 : memref<3200000x16xbf16, #tpu.memory_space<hbm>>) target(%dma_start3A_364 : memref<128x16xbf16, #tpu.memory_space<vmem>>) offsets(%dma_start3A_367 : memref<128xi32, #tpu.memory_space<vmem>>) semaphore(%arg65 : memref<!tpu.dma_semaphore, #tpu.memory_space<semaphore_mem>>)
        %dma_start3A_371 = arith.constant 2 : i32
        %dma_start3A_372 = arith.constant 256 : i32
        %dma_start3A_373 = arith.constant 0 : i32
        %dma_start3A_374 = tpu.memref_slice %arg60[%dma_start3A_372, %dma_start3A_373] : memref<2048x16xbf16, #tpu.memory_space<vmem>> -> memref<128x16xbf16, #tpu.memory_space<vmem>>
        %dma_start3A_375 = arith.constant 0 : i32
        %dma_start3A_376 = tpu.memref_slice %arg56[%dma_start3A_371, %dma_start3A_375] : memref<16x128xi32, #tpu.memory_space<vmem>> -> memref<1x128xi32, #tpu.memory_space<vmem>>
        %dma_start3A_377 = tpu.memref_squeeze %dma_start3A_376 : memref<1x128xi32, #tpu.memory_space<vmem>> -> memref<128xi32, #tpu.memory_space<vmem>>
        %dma_start3A_378 = arith.constant 0 : i32
        %dma_start3A_379 = arith.constant 0 : i32
        %dma_start3A_380 = tpu.memref_slice %arg2[%dma_start3A_378, %dma_start3A_379] : memref<3200000x16xbf16, #tpu.memory_space<hbm>> -> memref<3200000x16xbf16, #tpu.memory_space<hbm>>
        tpu.enqueue_indirect_dma source(%dma_start3A_380 : memref<3200000x16xbf16, #tpu.memory_space<hbm>>) target(%dma_start3A_374 : memref<128x16xbf16, #tpu.memory_space<vmem>>) offsets(%dma_start3A_377 : memref<128xi32, #tpu.memory_space<vmem>>) semaphore(%arg65 : memref<!tpu.dma_semaphore, #tpu.memory_space<semaphore_mem>>)
        %dma_start3A_381 = arith.constant 3 : i32
        %dma_start3A_382 = arith.constant 384 : i32
        %dma_start3A_383 = arith.constant 0 : i32
        %dma_start3A_384 = tpu.memref_slice %arg60[%dma_start3A_382, %dma_start3A_383] : memref<2048x16xbf16, #tpu.memory_space<vmem>> -> memref<128x16xbf16, #tpu.memory_space<vmem>>
        %dma_start3A_385 = arith.constant 0 : i32
        %dma_start3A_386 = tpu.memref_slice %arg56[%dma_start3A_381, %dma_start3A_385] : memref<16x128xi32, #tpu.memory_space<vmem>> -> memref<1x128xi32, #tpu.memory_space<vmem>>
        %dma_start3A_387 = tpu.memref_squeeze %dma_start3A_386 : memref<1x128xi32, #tpu.memory_space<vmem>> -> memref<128xi32, #tpu.memory_space<vmem>>
        %dma_start3A_388 = arith.constant 0 : i32
        %dma_start3A_389 = arith.constant 0 : i32
        %dma_start3A_390 = tpu.memref_slice %arg2[%dma_start3A_388, %dma_start3A_389] : memref<3200000x16xbf16, #tpu.memory_space<hbm>> -> memref<3200000x16xbf16, #tpu.memory_space<hbm>>
        tpu.enqueue_indirect_dma source(%dma_start3A_390 : memref<3200000x16xbf16, #tpu.memory_space<hbm>>) target(%dma_start3A_384 : memref<128x16xbf16, #tpu.memory_space<vmem>>) offsets(%dma_start3A_387 : memref<128xi32, #tpu.memory_space<vmem>>) semaphore(%arg65 : memref<!tpu.dma_semaphore, #tpu.memory_space<semaphore_mem>>)
        %dma_start3A_391 = arith.constant 4 : i32
        %dma_start3A_392 = arith.constant 512 : i32
        %dma_start3A_393 = arith.constant 0 : i32
        %dma_start3A_394 = tpu.memref_slice %arg60[%dma_start3A_392, %dma_start3A_393] : memref<2048x16xbf16, #tpu.memory_space<vmem>> -> memref<128x16xbf16, #tpu.memory_space<vmem>>
        %dma_start3A_395 = arith.constant 0 : i32
        %dma_start3A_396 = tpu.memref_slice %arg56[%dma_start3A_391, %dma_start3A_395] : memref<16x128xi32, #tpu.memory_space<vmem>> -> memref<1x128xi32, #tpu.memory_space<vmem>>
        %dma_start3A_397 = tpu.memref_squeeze %dma_start3A_396 : memref<1x128xi32, #tpu.memory_space<vmem>> -> memref<128xi32, #tpu.memory_space<vmem>>
        %dma_start3A_398 = arith.constant 0 : i32
        %dma_start3A_399 = arith.constant 0 : i32
        %dma_start3A_400 = tpu.memref_slice %arg2[%dma_start3A_398, %dma_start3A_399] : memref<3200000x16xbf16, #tpu.memory_space<hbm>> -> memref<3200000x16xbf16, #tpu.memory_space<hbm>>
        tpu.enqueue_indirect_dma source(%dma_start3A_400 : memref<3200000x16xbf16, #tpu.memory_space<hbm>>) target(%dma_start3A_394 : memref<128x16xbf16, #tpu.memory_space<vmem>>) offsets(%dma_start3A_397 : memref<128xi32, #tpu.memory_space<vmem>>) semaphore(%arg65 : memref<!tpu.dma_semaphore, #tpu.memory_space<semaphore_mem>>)
        %dma_start3A_401 = arith.constant 5 : i32
        %dma_start3A_402 = arith.constant 640 : i32
        %dma_start3A_403 = arith.constant 0 : i32
        %dma_start3A_404 = tpu.memref_slice %arg60[%dma_start3A_402, %dma_start3A_403] : memref<2048x16xbf16, #tpu.memory_space<vmem>> -> memref<128x16xbf16, #tpu.memory_space<vmem>>
        %dma_start3A_405 = arith.constant 0 : i32
        %dma_start3A_406 = tpu.memref_slice %arg56[%dma_start3A_401, %dma_start3A_405] : memref<16x128xi32, #tpu.memory_space<vmem>> -> memref<1x128xi32, #tpu.memory_space<vmem>>
        %dma_start3A_407 = tpu.memref_squeeze %dma_start3A_406 : memref<1x128xi32, #tpu.memory_space<vmem>> -> memref<128xi32, #tpu.memory_space<vmem>>
        %dma_start3A_408 = arith.constant 0 : i32
        %dma_start3A_409 = arith.constant 0 : i32
        %dma_start3A_410 = tpu.memref_slice %arg2[%dma_start3A_408, %dma_start3A_409] : memref<3200000x16xbf16, #tpu.memory_space<hbm>> -> memref<3200000x16xbf16, #tpu.memory_space<hbm>>
        tpu.enqueue_indirect_dma source(%dma_start3A_410 : memref<3200000x16xbf16, #tpu.memory_space<hbm>>) target(%dma_start3A_404 : memref<128x16xbf16, #tpu.memory_space<vmem>>) offsets(%dma_start3A_407 : memref<128xi32, #tpu.memory_space<vmem>>) semaphore(%arg65 : memref<!tpu.dma_semaphore, #tpu.memory_space<semaphore_mem>>)
        %dma_start3A_411 = arith.constant 6 : i32
        %dma_start3A_412 = arith.constant 768 : i32
        %dma_start3A_413 = arith.constant 0 : i32
        %dma_start3A_414 = tpu.memref_slice %arg60[%dma_start3A_412, %dma_start3A_413] : memref<2048x16xbf16, #tpu.memory_space<vmem>> -> memref<128x16xbf16, #tpu.memory_space<vmem>>
        %dma_start3A_415 = arith.constant 0 : i32
        %dma_start3A_416 = tpu.memref_slice %arg56[%dma_start3A_411, %dma_start3A_415] : memref<16x128xi32, #tpu.memory_space<vmem>> -> memref<1x128xi32, #tpu.memory_space<vmem>>
        %dma_start3A_417 = tpu.memref_squeeze %dma_start3A_416 : memref<1x128xi32, #tpu.memory_space<vmem>> -> memref<128xi32, #tpu.memory_space<vmem>>
        %dma_start3A_418 = arith.constant 0 : i32
        %dma_start3A_419 = arith.constant 0 : i32
        %dma_start3A_420 = tpu.memref_slice %arg2[%dma_start3A_418, %dma_start3A_419] : memref<3200000x16xbf16, #tpu.memory_space<hbm>> -> memref<3200000x16xbf16, #tpu.memory_space<hbm>>
        tpu.enqueue_indirect_dma source(%dma_start3A_420 : memref<3200000x16xbf16, #tpu.memory_space<hbm>>) target(%dma_start3A_414 : memref<128x16xbf16, #tpu.memory_space<vmem>>) offsets(%dma_start3A_417 : memref<128xi32, #tpu.memory_space<vmem>>) semaphore(%arg65 : memref<!tpu.dma_semaphore, #tpu.memory_space<semaphore_mem>>)
        %dma_start3A_421 = arith.constant 7 : i32
        %dma_start3A_422 = arith.constant 896 : i32
        %dma_start3A_423 = arith.constant 0 : i32
        %dma_start3A_424 = tpu.memref_slice %arg60[%dma_start3A_422, %dma_start3A_423] : memref<2048x16xbf16, #tpu.memory_space<vmem>> -> memref<128x16xbf16, #tpu.memory_space<vmem>>
        %dma_start3A_425 = arith.constant 0 : i32
        %dma_start3A_426 = tpu.memref_slice %arg56[%dma_start3A_421, %dma_start3A_425] : memref<16x128xi32, #tpu.memory_space<vmem>> -> memref<1x128xi32, #tpu.memory_space<vmem>>
        %dma_start3A_427 = tpu.memref_squeeze %dma_start3A_426 : memref<1x128xi32, #tpu.memory_space<vmem>> -> memref<128xi32, #tpu.memory_space<vmem>>
        %dma_start3A_428 = arith.constant 0 : i32
        %dma_start3A_429 = arith.constant 0 : i32
        %dma_start3A_430 = tpu.memref_slice %arg2[%dma_start3A_428, %dma_start3A_429] : memref<3200000x16xbf16, #tpu.memory_space<hbm>> -> memref<3200000x16xbf16, #tpu.memory_space<hbm>>
        tpu.enqueue_indirect_dma source(%dma_start3A_430 : memref<3200000x16xbf16, #tpu.memory_space<hbm>>) target(%dma_start3A_424 : memref<128x16xbf16, #tpu.memory_space<vmem>>) offsets(%dma_start3A_427 : memref<128xi32, #tpu.memory_space<vmem>>) semaphore(%arg65 : memref<!tpu.dma_semaphore, #tpu.memory_space<semaphore_mem>>)
        %dma_start3A_431 = arith.constant 8 : i32
        %dma_start3A_432 = arith.constant 1024 : i32
        %dma_start3A_433 = arith.constant 0 : i32
        %dma_start3A_434 = tpu.memref_slice %arg60[%dma_start3A_432, %dma_start3A_433] : memref<2048x16xbf16, #tpu.memory_space<vmem>> -> memref<128x16xbf16, #tpu.memory_space<vmem>>
        %dma_start3A_435 = arith.constant 0 : i32
        %dma_start3A_436 = tpu.memref_slice %arg56[%dma_start3A_431, %dma_start3A_435] : memref<16x128xi32, #tpu.memory_space<vmem>> -> memref<1x128xi32, #tpu.memory_space<vmem>>
        %dma_start3A_437 = tpu.memref_squeeze %dma_start3A_436 : memref<1x128xi32, #tpu.memory_space<vmem>> -> memref<128xi32, #tpu.memory_space<vmem>>
        %dma_start3A_438 = arith.constant 0 : i32
        %dma_start3A_439 = arith.constant 0 : i32
        %dma_start3A_440 = tpu.memref_slice %arg2[%dma_start3A_438, %dma_start3A_439] : memref<3200000x16xbf16, #tpu.memory_space<hbm>> -> memref<3200000x16xbf16, #tpu.memory_space<hbm>>
        tpu.enqueue_indirect_dma source(%dma_start3A_440 : memref<3200000x16xbf16, #tpu.memory_space<hbm>>) target(%dma_start3A_434 : memref<128x16xbf16, #tpu.memory_space<vmem>>) offsets(%dma_start3A_437 : memref<128xi32, #tpu.memory_space<vmem>>) semaphore(%arg65 : memref<!tpu.dma_semaphore, #tpu.memory_space<semaphore_mem>>)
        %dma_start3A_441 = arith.constant 9 : i32
        %dma_start3A_442 = arith.constant 1152 : i32
        %dma_start3A_443 = arith.constant 0 : i32
        %dma_start3A_444 = tpu.memref_slice %arg60[%dma_start3A_442, %dma_start3A_443] : memref<2048x16xbf16, #tpu.memory_space<vmem>> -> memref<128x16xbf16, #tpu.memory_space<vmem>>
        %dma_start3A_445 = arith.constant 0 : i32
        %dma_start3A_446 = tpu.memref_slice %arg56[%dma_start3A_441, %dma_start3A_445] : memref<16x128xi32, #tpu.memory_space<vmem>> -> memref<1x128xi32, #tpu.memory_space<vmem>>
        %dma_start3A_447 = tpu.memref_squeeze %dma_start3A_446 : memref<1x128xi32, #tpu.memory_space<vmem>> -> memref<128xi32, #tpu.memory_space<vmem>>
        %dma_start3A_448 = arith.constant 0 : i32
        %dma_start3A_449 = arith.constant 0 : i32
        %dma_start3A_450 = tpu.memref_slice %arg2[%dma_start3A_448, %dma_start3A_449] : memref<3200000x16xbf16, #tpu.memory_space<hbm>> -> memref<3200000x16xbf16, #tpu.memory_space<hbm>>
        tpu.enqueue_indirect_dma source(%dma_start3A_450 : memref<3200000x16xbf16, #tpu.memory_space<hbm>>) target(%dma_start3A_444 : memref<128x16xbf16, #tpu.memory_space<vmem>>) offsets(%dma_start3A_447 : memref<128xi32, #tpu.memory_space<vmem>>) semaphore(%arg65 : memref<!tpu.dma_semaphore, #tpu.memory_space<semaphore_mem>>)
        %dma_start3A_451 = arith.constant 10 : i32
        %dma_start3A_452 = arith.constant 1280 : i32
        %dma_start3A_453 = arith.constant 0 : i32
        %dma_start3A_454 = tpu.memref_slice %arg60[%dma_start3A_452, %dma_start3A_453] : memref<2048x16xbf16, #tpu.memory_space<vmem>> -> memref<128x16xbf16, #tpu.memory_space<vmem>>
        %dma_start3A_455 = arith.constant 0 : i32
        %dma_start3A_456 = tpu.memref_slice %arg56[%dma_start3A_451, %dma_start3A_455] : memref<16x128xi32, #tpu.memory_space<vmem>> -> memref<1x128xi32, #tpu.memory_space<vmem>>
        %dma_start3A_457 = tpu.memref_squeeze %dma_start3A_456 : memref<1x128xi32, #tpu.memory_space<vmem>> -> memref<128xi32, #tpu.memory_space<vmem>>
        %dma_start3A_458 = arith.constant 0 : i32
        %dma_start3A_459 = arith.constant 0 : i32
        %dma_start3A_460 = tpu.memref_slice %arg2[%dma_start3A_458, %dma_start3A_459] : memref<3200000x16xbf16, #tpu.memory_space<hbm>> -> memref<3200000x16xbf16, #tpu.memory_space<hbm>>
        tpu.enqueue_indirect_dma source(%dma_start3A_460 : memref<3200000x16xbf16, #tpu.memory_space<hbm>>) target(%dma_start3A_454 : memref<128x16xbf16, #tpu.memory_space<vmem>>) offsets(%dma_start3A_457 : memref<128xi32, #tpu.memory_space<vmem>>) semaphore(%arg65 : memref<!tpu.dma_semaphore, #tpu.memory_space<semaphore_mem>>)
        %dma_start3A_461 = arith.constant 11 : i32
        %dma_start3A_462 = arith.constant 1408 : i32
        %dma_start3A_463 = arith.constant 0 : i32
        %dma_start3A_464 = tpu.memref_slice %arg60[%dma_start3A_462, %dma_start3A_463] : memref<2048x16xbf16, #tpu.memory_space<vmem>> -> memref<128x16xbf16, #tpu.memory_space<vmem>>
        %dma_start3A_465 = arith.constant 0 : i32
        %dma_start3A_466 = tpu.memref_slice %arg56[%dma_start3A_461, %dma_start3A_465] : memref<16x128xi32, #tpu.memory_space<vmem>> -> memref<1x128xi32, #tpu.memory_space<vmem>>
        %dma_start3A_467 = tpu.memref_squeeze %dma_start3A_466 : memref<1x128xi32, #tpu.memory_space<vmem>> -> memref<128xi32, #tpu.memory_space<vmem>>
        %dma_start3A_468 = arith.constant 0 : i32
        %dma_start3A_469 = arith.constant 0 : i32
        %dma_start3A_470 = tpu.memref_slice %arg2[%dma_start3A_468, %dma_start3A_469] : memref<3200000x16xbf16, #tpu.memory_space<hbm>> -> memref<3200000x16xbf16, #tpu.memory_space<hbm>>
        tpu.enqueue_indirect_dma source(%dma_start3A_470 : memref<3200000x16xbf16, #tpu.memory_space<hbm>>) target(%dma_start3A_464 : memref<128x16xbf16, #tpu.memory_space<vmem>>) offsets(%dma_start3A_467 : memref<128xi32, #tpu.memory_space<vmem>>) semaphore(%arg65 : memref<!tpu.dma_semaphore, #tpu.memory_space<semaphore_mem>>)
        %dma_start3A_471 = arith.constant 12 : i32
        %dma_start3A_472 = arith.constant 1536 : i32
        %dma_start3A_473 = arith.constant 0 : i32
        %dma_start3A_474 = tpu.memref_slice %arg60[%dma_start3A_472, %dma_start3A_473] : memref<2048x16xbf16, #tpu.memory_space<vmem>> -> memref<128x16xbf16, #tpu.memory_space<vmem>>
        %dma_start3A_475 = arith.constant 0 : i32
        %dma_start3A_476 = tpu.memref_slice %arg56[%dma_start3A_471, %dma_start3A_475] : memref<16x128xi32, #tpu.memory_space<vmem>> -> memref<1x128xi32, #tpu.memory_space<vmem>>
        %dma_start3A_477 = tpu.memref_squeeze %dma_start3A_476 : memref<1x128xi32, #tpu.memory_space<vmem>> -> memref<128xi32, #tpu.memory_space<vmem>>
        %dma_start3A_478 = arith.constant 0 : i32
        %dma_start3A_479 = arith.constant 0 : i32
        %dma_start3A_480 = tpu.memref_slice %arg2[%dma_start3A_478, %dma_start3A_479] : memref<3200000x16xbf16, #tpu.memory_space<hbm>> -> memref<3200000x16xbf16, #tpu.memory_space<hbm>>
        tpu.enqueue_indirect_dma source(%dma_start3A_480 : memref<3200000x16xbf16, #tpu.memory_space<hbm>>) target(%dma_start3A_474 : memref<128x16xbf16, #tpu.memory_space<vmem>>) offsets(%dma_start3A_477 : memref<128xi32, #tpu.memory_space<vmem>>) semaphore(%arg65 : memref<!tpu.dma_semaphore, #tpu.memory_space<semaphore_mem>>)
        %dma_start3A_481 = arith.constant 13 : i32
        %dma_start3A_482 = arith.constant 1664 : i32
        %dma_start3A_483 = arith.constant 0 : i32
        %dma_start3A_484 = tpu.memref_slice %arg60[%dma_start3A_482, %dma_start3A_483] : memref<2048x16xbf16, #tpu.memory_space<vmem>> -> memref<128x16xbf16, #tpu.memory_space<vmem>>
        %dma_start3A_485 = arith.constant 0 : i32
        %dma_start3A_486 = tpu.memref_slice %arg56[%dma_start3A_481, %dma_start3A_485] : memref<16x128xi32, #tpu.memory_space<vmem>> -> memref<1x128xi32, #tpu.memory_space<vmem>>
        %dma_start3A_487 = tpu.memref_squeeze %dma_start3A_486 : memref<1x128xi32, #tpu.memory_space<vmem>> -> memref<128xi32, #tpu.memory_space<vmem>>
        %dma_start3A_488 = arith.constant 0 : i32
        %dma_start3A_489 = arith.constant 0 : i32
        %dma_start3A_490 = tpu.memref_slice %arg2[%dma_start3A_488, %dma_start3A_489] : memref<3200000x16xbf16, #tpu.memory_space<hbm>> -> memref<3200000x16xbf16, #tpu.memory_space<hbm>>
        tpu.enqueue_indirect_dma source(%dma_start3A_490 : memref<3200000x16xbf16, #tpu.memory_space<hbm>>) target(%dma_start3A_484 : memref<128x16xbf16, #tpu.memory_space<vmem>>) offsets(%dma_start3A_487 : memref<128xi32, #tpu.memory_space<vmem>>) semaphore(%arg65 : memref<!tpu.dma_semaphore, #tpu.memory_space<semaphore_mem>>)
        %dma_start3A_491 = arith.constant 14 : i32
        %dma_start3A_492 = arith.constant 1792 : i32
        %dma_start3A_493 = arith.constant 0 : i32
        %dma_start3A_494 = tpu.memref_slice %arg60[%dma_start3A_492, %dma_start3A_493] : memref<2048x16xbf16, #tpu.memory_space<vmem>> -> memref<128x16xbf16, #tpu.memory_space<vmem>>
        %dma_start3A_495 = arith.constant 0 : i32
        %dma_start3A_496 = tpu.memref_slice %arg56[%dma_start3A_491, %dma_start3A_495] : memref<16x128xi32, #tpu.memory_space<vmem>> -> memref<1x128xi32, #tpu.memory_space<vmem>>
        %dma_start3A_497 = tpu.memref_squeeze %dma_start3A_496 : memref<1x128xi32, #tpu.memory_space<vmem>> -> memref<128xi32, #tpu.memory_space<vmem>>
        %dma_start3A_498 = arith.constant 0 : i32
        %dma_start3A_499 = arith.constant 0 : i32
        %dma_start3A_500 = tpu.memref_slice %arg2[%dma_start3A_498, %dma_start3A_499] : memref<3200000x16xbf16, #tpu.memory_space<hbm>> -> memref<3200000x16xbf16, #tpu.memory_space<hbm>>
        tpu.enqueue_indirect_dma source(%dma_start3A_500 : memref<3200000x16xbf16, #tpu.memory_space<hbm>>) target(%dma_start3A_494 : memref<128x16xbf16, #tpu.memory_space<vmem>>) offsets(%dma_start3A_497 : memref<128xi32, #tpu.memory_space<vmem>>) semaphore(%arg65 : memref<!tpu.dma_semaphore, #tpu.memory_space<semaphore_mem>>)
        %dma_start3A_501 = arith.constant 15 : i32
        %dma_start3A_502 = arith.constant 1920 : i32
        %dma_start3A_503 = arith.constant 0 : i32
        %dma_start3A_504 = tpu.memref_slice %arg60[%dma_start3A_502, %dma_start3A_503] : memref<2048x16xbf16, #tpu.memory_space<vmem>> -> memref<128x16xbf16, #tpu.memory_space<vmem>>
        %dma_start3A_505 = arith.constant 0 : i32
        %dma_start3A_506 = tpu.memref_slice %arg56[%dma_start3A_501, %dma_start3A_505] : memref<16x128xi32, #tpu.memory_space<vmem>> -> memref<1x128xi32, #tpu.memory_space<vmem>>
        %dma_start3A_507 = tpu.memref_squeeze %dma_start3A_506 : memref<1x128xi32, #tpu.memory_space<vmem>> -> memref<128xi32, #tpu.memory_space<vmem>>
        %dma_start3A_508 = arith.constant 0 : i32
        %dma_start3A_509 = arith.constant 0 : i32
        %dma_start3A_510 = tpu.memref_slice %arg2[%dma_start3A_508, %dma_start3A_509] : memref<3200000x16xbf16, #tpu.memory_space<hbm>> -> memref<3200000x16xbf16, #tpu.memory_space<hbm>>
        tpu.enqueue_indirect_dma source(%dma_start3A_510 : memref<3200000x16xbf16, #tpu.memory_space<hbm>>) target(%dma_start3A_504 : memref<128x16xbf16, #tpu.memory_space<vmem>>) offsets(%dma_start3A_507 : memref<128xi32, #tpu.memory_space<vmem>>) semaphore(%arg65 : memref<!tpu.dma_semaphore, #tpu.memory_space<semaphore_mem>>)
      } else {
      }
      %convert_element_type3A_345 = arith.extui %lt3A_326 : i1 to i32
      %cond3A_346 = arith.constant 0 : i32
      %cond3A_347 = arith.cmpi ne, %convert_element_type3A_345, %cond3A_346 : i32
      scf.if %cond3A_347 {
        %dma_wait3A = arith.constant 0 : i32
        %dma_wait3A_352 = arith.constant 0 : i32
        %dma_wait3A_353 = tpu.memref_slice %arg59[%dma_wait3A, %dma_wait3A_352] : memref<2048x16xbf16, #tpu.memory_space<vmem>> -> memref<128x16xbf16, #tpu.memory_space<vmem>>
        %dma_wait3A_354 = arith.constant 0 : i32
        %dma_wait3A_355 = tpu.memref_slice %arg57[%squeeze3A_128, %dma_wait3A_354] : memref<16x128xi32, #tpu.memory_space<vmem>> -> memref<1x128xi32, #tpu.memory_space<vmem>>
        %dma_wait3A_356 = tpu.memref_squeeze %dma_wait3A_355 : memref<1x128xi32, #tpu.memory_space<vmem>> -> memref<128xi32, #tpu.memory_space<vmem>>
        %dma_wait3A_357 = arith.constant 0 : i32
        %dma_wait3A_358 = arith.constant 0 : i32
        %dma_wait3A_359 = tpu.memref_slice %arg61[%dma_wait3A_357, %dma_wait3A_358] : memref<100128x16xbf16, #tpu.memory_space<vmem_shared>> -> memref<100128x16xbf16, #tpu.memory_space<vmem_shared>>
        tpu.wait_indirect_dma semaphore(%arg66 : memref<!tpu.dma_semaphore, #tpu.memory_space<semaphore_mem>>) src(%dma_wait3A_353 : memref<128x16xbf16, #tpu.memory_space<vmem>>) dst(%dma_wait3A_359 : memref<100128x16xbf16, #tpu.memory_space<vmem_shared>>)
        %dma_wait3A_360 = arith.constant 128 : i32
        %dma_wait3A_361 = arith.constant 0 : i32
        %dma_wait3A_362 = tpu.memref_slice %arg59[%dma_wait3A_360, %dma_wait3A_361] : memref<2048x16xbf16, #tpu.memory_space<vmem>> -> memref<128x16xbf16, #tpu.memory_space<vmem>>
        %dma_wait3A_363 = arith.constant 0 : i32
        %dma_wait3A_364 = tpu.memref_slice %arg57[%squeeze3A_133, %dma_wait3A_363] : memref<16x128xi32, #tpu.memory_space<vmem>> -> memref<1x128xi32, #tpu.memory_space<vmem>>
        %dma_wait3A_365 = tpu.memref_squeeze %dma_wait3A_364 : memref<1x128xi32, #tpu.memory_space<vmem>> -> memref<128xi32, #tpu.memory_space<vmem>>
        %dma_wait3A_366 = arith.constant 0 : i32
        %dma_wait3A_367 = arith.constant 0 : i32
        %dma_wait3A_368 = tpu.memref_slice %arg61[%dma_wait3A_366, %dma_wait3A_367] : memref<100128x16xbf16, #tpu.memory_space<vmem_shared>> -> memref<100128x16xbf16, #tpu.memory_space<vmem_shared>>
        tpu.wait_indirect_dma semaphore(%arg66 : memref<!tpu.dma_semaphore, #tpu.memory_space<semaphore_mem>>) src(%dma_wait3A_362 : memref<128x16xbf16, #tpu.memory_space<vmem>>) dst(%dma_wait3A_368 : memref<100128x16xbf16, #tpu.memory_space<vmem_shared>>)
        %dma_wait3A_369 = arith.constant 256 : i32
        %dma_wait3A_370 = arith.constant 0 : i32
        %dma_wait3A_371 = tpu.memref_slice %arg59[%dma_wait3A_369, %dma_wait3A_370] : memref<2048x16xbf16, #tpu.memory_space<vmem>> -> memref<128x16xbf16, #tpu.memory_space<vmem>>
        %dma_wait3A_372 = arith.constant 0 : i32
        %dma_wait3A_373 = tpu.memref_slice %arg57[%squeeze3A_138, %dma_wait3A_372] : memref<16x128xi32, #tpu.memory_space<vmem>> -> memref<1x128xi32, #tpu.memory_space<vmem>>
        %dma_wait3A_374 = tpu.memref_squeeze %dma_wait3A_373 : memref<1x128xi32, #tpu.memory_space<vmem>> -> memref<128xi32, #tpu.memory_space<vmem>>
        %dma_wait3A_375 = arith.constant 0 : i32
        %dma_wait3A_376 = arith.constant 0 : i32
        %dma_wait3A_377 = tpu.memref_slice %arg61[%dma_wait3A_375, %dma_wait3A_376] : memref<100128x16xbf16, #tpu.memory_space<vmem_shared>> -> memref<100128x16xbf16, #tpu.memory_space<vmem_shared>>
        tpu.wait_indirect_dma semaphore(%arg66 : memref<!tpu.dma_semaphore, #tpu.memory_space<semaphore_mem>>) src(%dma_wait3A_371 : memref<128x16xbf16, #tpu.memory_space<vmem>>) dst(%dma_wait3A_377 : memref<100128x16xbf16, #tpu.memory_space<vmem_shared>>)
        %dma_wait3A_378 = arith.constant 384 : i32
        %dma_wait3A_379 = arith.constant 0 : i32
        %dma_wait3A_380 = tpu.memref_slice %arg59[%dma_wait3A_378, %dma_wait3A_379] : memref<2048x16xbf16, #tpu.memory_space<vmem>> -> memref<128x16xbf16, #tpu.memory_space<vmem>>
        %dma_wait3A_381 = arith.constant 0 : i32
        %dma_wait3A_382 = tpu.memref_slice %arg57[%squeeze3A_143, %dma_wait3A_381] : memref<16x128xi32, #tpu.memory_space<vmem>> -> memref<1x128xi32, #tpu.memory_space<vmem>>
        %dma_wait3A_383 = tpu.memref_squeeze %dma_wait3A_382 : memref<1x128xi32, #tpu.memory_space<vmem>> -> memref<128xi32, #tpu.memory_space<vmem>>
        %dma_wait3A_384 = arith.constant 0 : i32
        %dma_wait3A_385 = arith.constant 0 : i32
        %dma_wait3A_386 = tpu.memref_slice %arg61[%dma_wait3A_384, %dma_wait3A_385] : memref<100128x16xbf16, #tpu.memory_space<vmem_shared>> -> memref<100128x16xbf16, #tpu.memory_space<vmem_shared>>
        tpu.wait_indirect_dma semaphore(%arg66 : memref<!tpu.dma_semaphore, #tpu.memory_space<semaphore_mem>>) src(%dma_wait3A_380 : memref<128x16xbf16, #tpu.memory_space<vmem>>) dst(%dma_wait3A_386 : memref<100128x16xbf16, #tpu.memory_space<vmem_shared>>)
        %dma_wait3A_387 = arith.constant 512 : i32
        %dma_wait3A_388 = arith.constant 0 : i32
        %dma_wait3A_389 = tpu.memref_slice %arg59[%dma_wait3A_387, %dma_wait3A_388] : memref<2048x16xbf16, #tpu.memory_space<vmem>> -> memref<128x16xbf16, #tpu.memory_space<vmem>>
        %dma_wait3A_390 = arith.constant 0 : i32
        %dma_wait3A_391 = tpu.memref_slice %arg57[%squeeze3A_148, %dma_wait3A_390] : memref<16x128xi32, #tpu.memory_space<vmem>> -> memref<1x128xi32, #tpu.memory_space<vmem>>
        %dma_wait3A_392 = tpu.memref_squeeze %dma_wait3A_391 : memref<1x128xi32, #tpu.memory_space<vmem>> -> memref<128xi32, #tpu.memory_space<vmem>>
        %dma_wait3A_393 = arith.constant 0 : i32
        %dma_wait3A_394 = arith.constant 0 : i32
        %dma_wait3A_395 = tpu.memref_slice %arg61[%dma_wait3A_393, %dma_wait3A_394] : memref<100128x16xbf16, #tpu.memory_space<vmem_shared>> -> memref<100128x16xbf16, #tpu.memory_space<vmem_shared>>
        tpu.wait_indirect_dma semaphore(%arg66 : memref<!tpu.dma_semaphore, #tpu.memory_space<semaphore_mem>>) src(%dma_wait3A_389 : memref<128x16xbf16, #tpu.memory_space<vmem>>) dst(%dma_wait3A_395 : memref<100128x16xbf16, #tpu.memory_space<vmem_shared>>)
        %dma_wait3A_396 = arith.constant 640 : i32
        %dma_wait3A_397 = arith.constant 0 : i32
        %dma_wait3A_398 = tpu.memref_slice %arg59[%dma_wait3A_396, %dma_wait3A_397] : memref<2048x16xbf16, #tpu.memory_space<vmem>> -> memref<128x16xbf16, #tpu.memory_space<vmem>>
        %dma_wait3A_399 = arith.constant 0 : i32
        %dma_wait3A_400 = tpu.memref_slice %arg57[%squeeze3A_153, %dma_wait3A_399] : memref<16x128xi32, #tpu.memory_space<vmem>> -> memref<1x128xi32, #tpu.memory_space<vmem>>
        %dma_wait3A_401 = tpu.memref_squeeze %dma_wait3A_400 : memref<1x128xi32, #tpu.memory_space<vmem>> -> memref<128xi32, #tpu.memory_space<vmem>>
        %dma_wait3A_402 = arith.constant 0 : i32
        %dma_wait3A_403 = arith.constant 0 : i32
        %dma_wait3A_404 = tpu.memref_slice %arg61[%dma_wait3A_402, %dma_wait3A_403] : memref<100128x16xbf16, #tpu.memory_space<vmem_shared>> -> memref<100128x16xbf16, #tpu.memory_space<vmem_shared>>
        tpu.wait_indirect_dma semaphore(%arg66 : memref<!tpu.dma_semaphore, #tpu.memory_space<semaphore_mem>>) src(%dma_wait3A_398 : memref<128x16xbf16, #tpu.memory_space<vmem>>) dst(%dma_wait3A_404 : memref<100128x16xbf16, #tpu.memory_space<vmem_shared>>)
        %dma_wait3A_405 = arith.constant 768 : i32
        %dma_wait3A_406 = arith.constant 0 : i32
        %dma_wait3A_407 = tpu.memref_slice %arg59[%dma_wait3A_405, %dma_wait3A_406] : memref<2048x16xbf16, #tpu.memory_space<vmem>> -> memref<128x16xbf16, #tpu.memory_space<vmem>>
        %dma_wait3A_408 = arith.constant 0 : i32
        %dma_wait3A_409 = tpu.memref_slice %arg57[%squeeze3A_158, %dma_wait3A_408] : memref<16x128xi32, #tpu.memory_space<vmem>> -> memref<1x128xi32, #tpu.memory_space<vmem>>
        %dma_wait3A_410 = tpu.memref_squeeze %dma_wait3A_409 : memref<1x128xi32, #tpu.memory_space<vmem>> -> memref<128xi32, #tpu.memory_space<vmem>>
        %dma_wait3A_411 = arith.constant 0 : i32
        %dma_wait3A_412 = arith.constant 0 : i32
        %dma_wait3A_413 = tpu.memref_slice %arg61[%dma_wait3A_411, %dma_wait3A_412] : memref<100128x16xbf16, #tpu.memory_space<vmem_shared>> -> memref<100128x16xbf16, #tpu.memory_space<vmem_shared>>
        tpu.wait_indirect_dma semaphore(%arg66 : memref<!tpu.dma_semaphore, #tpu.memory_space<semaphore_mem>>) src(%dma_wait3A_407 : memref<128x16xbf16, #tpu.memory_space<vmem>>) dst(%dma_wait3A_413 : memref<100128x16xbf16, #tpu.memory_space<vmem_shared>>)
        %dma_wait3A_414 = arith.constant 896 : i32
        %dma_wait3A_415 = arith.constant 0 : i32
        %dma_wait3A_416 = tpu.memref_slice %arg59[%dma_wait3A_414, %dma_wait3A_415] : memref<2048x16xbf16, #tpu.memory_space<vmem>> -> memref<128x16xbf16, #tpu.memory_space<vmem>>
        %dma_wait3A_417 = arith.constant 0 : i32
        %dma_wait3A_418 = tpu.memref_slice %arg57[%squeeze3A_163, %dma_wait3A_417] : memref<16x128xi32, #tpu.memory_space<vmem>> -> memref<1x128xi32, #tpu.memory_space<vmem>>
        %dma_wait3A_419 = tpu.memref_squeeze %dma_wait3A_418 : memref<1x128xi32, #tpu.memory_space<vmem>> -> memref<128xi32, #tpu.memory_space<vmem>>
        %dma_wait3A_420 = arith.constant 0 : i32
        %dma_wait3A_421 = arith.constant 0 : i32
        %dma_wait3A_422 = tpu.memref_slice %arg61[%dma_wait3A_420, %dma_wait3A_421] : memref<100128x16xbf16, #tpu.memory_space<vmem_shared>> -> memref<100128x16xbf16, #tpu.memory_space<vmem_shared>>
        tpu.wait_indirect_dma semaphore(%arg66 : memref<!tpu.dma_semaphore, #tpu.memory_space<semaphore_mem>>) src(%dma_wait3A_416 : memref<128x16xbf16, #tpu.memory_space<vmem>>) dst(%dma_wait3A_422 : memref<100128x16xbf16, #tpu.memory_space<vmem_shared>>)
        %dma_wait3A_423 = arith.constant 1024 : i32
        %dma_wait3A_424 = arith.constant 0 : i32
        %dma_wait3A_425 = tpu.memref_slice %arg59[%dma_wait3A_423, %dma_wait3A_424] : memref<2048x16xbf16, #tpu.memory_space<vmem>> -> memref<128x16xbf16, #tpu.memory_space<vmem>>
        %dma_wait3A_426 = arith.constant 0 : i32
        %dma_wait3A_427 = tpu.memref_slice %arg57[%squeeze3A_168, %dma_wait3A_426] : memref<16x128xi32, #tpu.memory_space<vmem>> -> memref<1x128xi32, #tpu.memory_space<vmem>>
        %dma_wait3A_428 = tpu.memref_squeeze %dma_wait3A_427 : memref<1x128xi32, #tpu.memory_space<vmem>> -> memref<128xi32, #tpu.memory_space<vmem>>
        %dma_wait3A_429 = arith.constant 0 : i32
        %dma_wait3A_430 = arith.constant 0 : i32
        %dma_wait3A_431 = tpu.memref_slice %arg61[%dma_wait3A_429, %dma_wait3A_430] : memref<100128x16xbf16, #tpu.memory_space<vmem_shared>> -> memref<100128x16xbf16, #tpu.memory_space<vmem_shared>>
        tpu.wait_indirect_dma semaphore(%arg66 : memref<!tpu.dma_semaphore, #tpu.memory_space<semaphore_mem>>) src(%dma_wait3A_425 : memref<128x16xbf16, #tpu.memory_space<vmem>>) dst(%dma_wait3A_431 : memref<100128x16xbf16, #tpu.memory_space<vmem_shared>>)
        %dma_wait3A_432 = arith.constant 1152 : i32
        %dma_wait3A_433 = arith.constant 0 : i32
        %dma_wait3A_434 = tpu.memref_slice %arg59[%dma_wait3A_432, %dma_wait3A_433] : memref<2048x16xbf16, #tpu.memory_space<vmem>> -> memref<128x16xbf16, #tpu.memory_space<vmem>>
        %dma_wait3A_435 = arith.constant 0 : i32
        %dma_wait3A_436 = tpu.memref_slice %arg57[%squeeze3A_173, %dma_wait3A_435] : memref<16x128xi32, #tpu.memory_space<vmem>> -> memref<1x128xi32, #tpu.memory_space<vmem>>
        %dma_wait3A_437 = tpu.memref_squeeze %dma_wait3A_436 : memref<1x128xi32, #tpu.memory_space<vmem>> -> memref<128xi32, #tpu.memory_space<vmem>>
        %dma_wait3A_438 = arith.constant 0 : i32
        %dma_wait3A_439 = arith.constant 0 : i32
        %dma_wait3A_440 = tpu.memref_slice %arg61[%dma_wait3A_438, %dma_wait3A_439] : memref<100128x16xbf16, #tpu.memory_space<vmem_shared>> -> memref<100128x16xbf16, #tpu.memory_space<vmem_shared>>
        tpu.wait_indirect_dma semaphore(%arg66 : memref<!tpu.dma_semaphore, #tpu.memory_space<semaphore_mem>>) src(%dma_wait3A_434 : memref<128x16xbf16, #tpu.memory_space<vmem>>) dst(%dma_wait3A_440 : memref<100128x16xbf16, #tpu.memory_space<vmem_shared>>)
        %dma_wait3A_441 = arith.constant 1280 : i32
        %dma_wait3A_442 = arith.constant 0 : i32
        %dma_wait3A_443 = tpu.memref_slice %arg59[%dma_wait3A_441, %dma_wait3A_442] : memref<2048x16xbf16, #tpu.memory_space<vmem>> -> memref<128x16xbf16, #tpu.memory_space<vmem>>
        %dma_wait3A_444 = arith.constant 0 : i32
        %dma_wait3A_445 = tpu.memref_slice %arg57[%squeeze3A_178, %dma_wait3A_444] : memref<16x128xi32, #tpu.memory_space<vmem>> -> memref<1x128xi32, #tpu.memory_space<vmem>>
        %dma_wait3A_446 = tpu.memref_squeeze %dma_wait3A_445 : memref<1x128xi32, #tpu.memory_space<vmem>> -> memref<128xi32, #tpu.memory_space<vmem>>
        %dma_wait3A_447 = arith.constant 0 : i32
        %dma_wait3A_448 = arith.constant 0 : i32
        %dma_wait3A_449 = tpu.memref_slice %arg61[%dma_wait3A_447, %dma_wait3A_448] : memref<100128x16xbf16, #tpu.memory_space<vmem_shared>> -> memref<100128x16xbf16, #tpu.memory_space<vmem_shared>>
        tpu.wait_indirect_dma semaphore(%arg66 : memref<!tpu.dma_semaphore, #tpu.memory_space<semaphore_mem>>) src(%dma_wait3A_443 : memref<128x16xbf16, #tpu.memory_space<vmem>>) dst(%dma_wait3A_449 : memref<100128x16xbf16, #tpu.memory_space<vmem_shared>>)
        %dma_wait3A_450 = arith.constant 1408 : i32
        %dma_wait3A_451 = arith.constant 0 : i32
        %dma_wait3A_452 = tpu.memref_slice %arg59[%dma_wait3A_450, %dma_wait3A_451] : memref<2048x16xbf16, #tpu.memory_space<vmem>> -> memref<128x16xbf16, #tpu.memory_space<vmem>>
        %dma_wait3A_453 = arith.constant 0 : i32
        %dma_wait3A_454 = tpu.memref_slice %arg57[%squeeze3A_183, %dma_wait3A_453] : memref<16x128xi32, #tpu.memory_space<vmem>> -> memref<1x128xi32, #tpu.memory_space<vmem>>
        %dma_wait3A_455 = tpu.memref_squeeze %dma_wait3A_454 : memref<1x128xi32, #tpu.memory_space<vmem>> -> memref<128xi32, #tpu.memory_space<vmem>>
        %dma_wait3A_456 = arith.constant 0 : i32
        %dma_wait3A_457 = arith.constant 0 : i32
        %dma_wait3A_458 = tpu.memref_slice %arg61[%dma_wait3A_456, %dma_wait3A_457] : memref<100128x16xbf16, #tpu.memory_space<vmem_shared>> -> memref<100128x16xbf16, #tpu.memory_space<vmem_shared>>
        tpu.wait_indirect_dma semaphore(%arg66 : memref<!tpu.dma_semaphore, #tpu.memory_space<semaphore_mem>>) src(%dma_wait3A_452 : memref<128x16xbf16, #tpu.memory_space<vmem>>) dst(%dma_wait3A_458 : memref<100128x16xbf16, #tpu.memory_space<vmem_shared>>)
        %dma_wait3A_459 = arith.constant 1536 : i32
        %dma_wait3A_460 = arith.constant 0 : i32
        %dma_wait3A_461 = tpu.memref_slice %arg59[%dma_wait3A_459, %dma_wait3A_460] : memref<2048x16xbf16, #tpu.memory_space<vmem>> -> memref<128x16xbf16, #tpu.memory_space<vmem>>
        %dma_wait3A_462 = arith.constant 0 : i32
        %dma_wait3A_463 = tpu.memref_slice %arg57[%squeeze3A_188, %dma_wait3A_462] : memref<16x128xi32, #tpu.memory_space<vmem>> -> memref<1x128xi32, #tpu.memory_space<vmem>>
        %dma_wait3A_464 = tpu.memref_squeeze %dma_wait3A_463 : memref<1x128xi32, #tpu.memory_space<vmem>> -> memref<128xi32, #tpu.memory_space<vmem>>
        %dma_wait3A_465 = arith.constant 0 : i32
        %dma_wait3A_466 = arith.constant 0 : i32
        %dma_wait3A_467 = tpu.memref_slice %arg61[%dma_wait3A_465, %dma_wait3A_466] : memref<100128x16xbf16, #tpu.memory_space<vmem_shared>> -> memref<100128x16xbf16, #tpu.memory_space<vmem_shared>>
        tpu.wait_indirect_dma semaphore(%arg66 : memref<!tpu.dma_semaphore, #tpu.memory_space<semaphore_mem>>) src(%dma_wait3A_461 : memref<128x16xbf16, #tpu.memory_space<vmem>>) dst(%dma_wait3A_467 : memref<100128x16xbf16, #tpu.memory_space<vmem_shared>>)
        %dma_wait3A_468 = arith.constant 1664 : i32
        %dma_wait3A_469 = arith.constant 0 : i32
        %dma_wait3A_470 = tpu.memref_slice %arg59[%dma_wait3A_468, %dma_wait3A_469] : memref<2048x16xbf16, #tpu.memory_space<vmem>> -> memref<128x16xbf16, #tpu.memory_space<vmem>>
        %dma_wait3A_471 = arith.constant 0 : i32
        %dma_wait3A_472 = tpu.memref_slice %arg57[%squeeze3A_193, %dma_wait3A_471] : memref<16x128xi32, #tpu.memory_space<vmem>> -> memref<1x128xi32, #tpu.memory_space<vmem>>
        %dma_wait3A_473 = tpu.memref_squeeze %dma_wait3A_472 : memref<1x128xi32, #tpu.memory_space<vmem>> -> memref<128xi32, #tpu.memory_space<vmem>>
        %dma_wait3A_474 = arith.constant 0 : i32
        %dma_wait3A_475 = arith.constant 0 : i32
        %dma_wait3A_476 = tpu.memref_slice %arg61[%dma_wait3A_474, %dma_wait3A_475] : memref<100128x16xbf16, #tpu.memory_space<vmem_shared>> -> memref<100128x16xbf16, #tpu.memory_space<vmem_shared>>
        tpu.wait_indirect_dma semaphore(%arg66 : memref<!tpu.dma_semaphore, #tpu.memory_space<semaphore_mem>>) src(%dma_wait3A_470 : memref<128x16xbf16, #tpu.memory_space<vmem>>) dst(%dma_wait3A_476 : memref<100128x16xbf16, #tpu.memory_space<vmem_shared>>)
        %dma_wait3A_477 = arith.constant 1792 : i32
        %dma_wait3A_478 = arith.constant 0 : i32
        %dma_wait3A_479 = tpu.memref_slice %arg59[%dma_wait3A_477, %dma_wait3A_478] : memref<2048x16xbf16, #tpu.memory_space<vmem>> -> memref<128x16xbf16, #tpu.memory_space<vmem>>
        %dma_wait3A_480 = arith.constant 0 : i32
        %dma_wait3A_481 = tpu.memref_slice %arg57[%squeeze3A_198, %dma_wait3A_480] : memref<16x128xi32, #tpu.memory_space<vmem>> -> memref<1x128xi32, #tpu.memory_space<vmem>>
        %dma_wait3A_482 = tpu.memref_squeeze %dma_wait3A_481 : memref<1x128xi32, #tpu.memory_space<vmem>> -> memref<128xi32, #tpu.memory_space<vmem>>
        %dma_wait3A_483 = arith.constant 0 : i32
        %dma_wait3A_484 = arith.constant 0 : i32
        %dma_wait3A_485 = tpu.memref_slice %arg61[%dma_wait3A_483, %dma_wait3A_484] : memref<100128x16xbf16, #tpu.memory_space<vmem_shared>> -> memref<100128x16xbf16, #tpu.memory_space<vmem_shared>>
        tpu.wait_indirect_dma semaphore(%arg66 : memref<!tpu.dma_semaphore, #tpu.memory_space<semaphore_mem>>) src(%dma_wait3A_479 : memref<128x16xbf16, #tpu.memory_space<vmem>>) dst(%dma_wait3A_485 : memref<100128x16xbf16, #tpu.memory_space<vmem_shared>>)
        %dma_wait3A_486 = arith.constant 1920 : i32
        %dma_wait3A_487 = arith.constant 0 : i32
        %dma_wait3A_488 = tpu.memref_slice %arg59[%dma_wait3A_486, %dma_wait3A_487] : memref<2048x16xbf16, #tpu.memory_space<vmem>> -> memref<128x16xbf16, #tpu.memory_space<vmem>>
        %dma_wait3A_489 = arith.constant 0 : i32
        %dma_wait3A_490 = tpu.memref_slice %arg57[%squeeze3A_203, %dma_wait3A_489] : memref<16x128xi32, #tpu.memory_space<vmem>> -> memref<1x128xi32, #tpu.memory_space<vmem>>
        %dma_wait3A_491 = tpu.memref_squeeze %dma_wait3A_490 : memref<1x128xi32, #tpu.memory_space<vmem>> -> memref<128xi32, #tpu.memory_space<vmem>>
        %dma_wait3A_492 = arith.constant 0 : i32
        %dma_wait3A_493 = arith.constant 0 : i32
        %dma_wait3A_494 = tpu.memref_slice %arg61[%dma_wait3A_492, %dma_wait3A_493] : memref<100128x16xbf16, #tpu.memory_space<vmem_shared>> -> memref<100128x16xbf16, #tpu.memory_space<vmem_shared>>
        tpu.wait_indirect_dma semaphore(%arg66 : memref<!tpu.dma_semaphore, #tpu.memory_space<semaphore_mem>>) src(%dma_wait3A_488 : memref<128x16xbf16, #tpu.memory_space<vmem>>) dst(%dma_wait3A_494 : memref<100128x16xbf16, #tpu.memory_space<vmem_shared>>)
      } else {
      }
      %convert_element_type3A_348 = arith.extui %lt3A_328 : i1 to i32
      %cond3A_349 = arith.constant 0 : i32
      %cond3A_350 = arith.cmpi ne, %convert_element_type3A_348, %cond3A_349 : i32
      scf.if %cond3A_350 {
        %dma_wait3A = arith.constant 0 : i32
        %dma_wait3A_352 = arith.constant 0 : i32
        %dma_wait3A_353 = tpu.memref_slice %arg60[%dma_wait3A, %dma_wait3A_352] : memref<2048x16xbf16, #tpu.memory_space<vmem>> -> memref<128x16xbf16, #tpu.memory_space<vmem>>
        %dma_wait3A_354 = arith.constant 0 : i32
        %dma_wait3A_355 = tpu.memref_slice %arg56[%squeeze3A_208, %dma_wait3A_354] : memref<16x128xi32, #tpu.memory_space<vmem>> -> memref<1x128xi32, #tpu.memory_space<vmem>>
        %dma_wait3A_356 = tpu.memref_squeeze %dma_wait3A_355 : memref<1x128xi32, #tpu.memory_space<vmem>> -> memref<128xi32, #tpu.memory_space<vmem>>
        %dma_wait3A_357 = arith.constant 0 : i32
        %dma_wait3A_358 = arith.constant 0 : i32
        %dma_wait3A_359 = tpu.memref_slice %arg2[%dma_wait3A_357, %dma_wait3A_358] : memref<3200000x16xbf16, #tpu.memory_space<hbm>> -> memref<3200000x16xbf16, #tpu.memory_space<hbm>>
        tpu.wait_indirect_dma semaphore(%arg65 : memref<!tpu.dma_semaphore, #tpu.memory_space<semaphore_mem>>) src(%dma_wait3A_359 : memref<3200000x16xbf16, #tpu.memory_space<hbm>>) dst(%dma_wait3A_353 : memref<128x16xbf16, #tpu.memory_space<vmem>>)
        %dma_wait3A_360 = arith.constant 128 : i32
        %dma_wait3A_361 = arith.constant 0 : i32
        %dma_wait3A_362 = tpu.memref_slice %arg60[%dma_wait3A_360, %dma_wait3A_361] : memref<2048x16xbf16, #tpu.memory_space<vmem>> -> memref<128x16xbf16, #tpu.memory_space<vmem>>
        %dma_wait3A_363 = arith.constant 0 : i32
        %dma_wait3A_364 = tpu.memref_slice %arg56[%squeeze3A_213, %dma_wait3A_363] : memref<16x128xi32, #tpu.memory_space<vmem>> -> memref<1x128xi32, #tpu.memory_space<vmem>>
        %dma_wait3A_365 = tpu.memref_squeeze %dma_wait3A_364 : memref<1x128xi32, #tpu.memory_space<vmem>> -> memref<128xi32, #tpu.memory_space<vmem>>
        %dma_wait3A_366 = arith.constant 0 : i32
        %dma_wait3A_367 = arith.constant 0 : i32
        %dma_wait3A_368 = tpu.memref_slice %arg2[%dma_wait3A_366, %dma_wait3A_367] : memref<3200000x16xbf16, #tpu.memory_space<hbm>> -> memref<3200000x16xbf16, #tpu.memory_space<hbm>>
        tpu.wait_indirect_dma semaphore(%arg65 : memref<!tpu.dma_semaphore, #tpu.memory_space<semaphore_mem>>) src(%dma_wait3A_368 : memref<3200000x16xbf16, #tpu.memory_space<hbm>>) dst(%dma_wait3A_362 : memref<128x16xbf16, #tpu.memory_space<vmem>>)
        %dma_wait3A_369 = arith.constant 256 : i32
        %dma_wait3A_370 = arith.constant 0 : i32
        %dma_wait3A_371 = tpu.memref_slice %arg60[%dma_wait3A_369, %dma_wait3A_370] : memref<2048x16xbf16, #tpu.memory_space<vmem>> -> memref<128x16xbf16, #tpu.memory_space<vmem>>
        %dma_wait3A_372 = arith.constant 0 : i32
        %dma_wait3A_373 = tpu.memref_slice %arg56[%squeeze3A_218, %dma_wait3A_372] : memref<16x128xi32, #tpu.memory_space<vmem>> -> memref<1x128xi32, #tpu.memory_space<vmem>>
        %dma_wait3A_374 = tpu.memref_squeeze %dma_wait3A_373 : memref<1x128xi32, #tpu.memory_space<vmem>> -> memref<128xi32, #tpu.memory_space<vmem>>
        %dma_wait3A_375 = arith.constant 0 : i32
        %dma_wait3A_376 = arith.constant 0 : i32
        %dma_wait3A_377 = tpu.memref_slice %arg2[%dma_wait3A_375, %dma_wait3A_376] : memref<3200000x16xbf16, #tpu.memory_space<hbm>> -> memref<3200000x16xbf16, #tpu.memory_space<hbm>>
        tpu.wait_indirect_dma semaphore(%arg65 : memref<!tpu.dma_semaphore, #tpu.memory_space<semaphore_mem>>) src(%dma_wait3A_377 : memref<3200000x16xbf16, #tpu.memory_space<hbm>>) dst(%dma_wait3A_371 : memref<128x16xbf16, #tpu.memory_space<vmem>>)
        %dma_wait3A_378 = arith.constant 384 : i32
        %dma_wait3A_379 = arith.constant 0 : i32
        %dma_wait3A_380 = tpu.memref_slice %arg60[%dma_wait3A_378, %dma_wait3A_379] : memref<2048x16xbf16, #tpu.memory_space<vmem>> -> memref<128x16xbf16, #tpu.memory_space<vmem>>
        %dma_wait3A_381 = arith.constant 0 : i32
        %dma_wait3A_382 = tpu.memref_slice %arg56[%squeeze3A_223, %dma_wait3A_381] : memref<16x128xi32, #tpu.memory_space<vmem>> -> memref<1x128xi32, #tpu.memory_space<vmem>>
        %dma_wait3A_383 = tpu.memref_squeeze %dma_wait3A_382 : memref<1x128xi32, #tpu.memory_space<vmem>> -> memref<128xi32, #tpu.memory_space<vmem>>
        %dma_wait3A_384 = arith.constant 0 : i32
        %dma_wait3A_385 = arith.constant 0 : i32
        %dma_wait3A_386 = tpu.memref_slice %arg2[%dma_wait3A_384, %dma_wait3A_385] : memref<3200000x16xbf16, #tpu.memory_space<hbm>> -> memref<3200000x16xbf16, #tpu.memory_space<hbm>>
        tpu.wait_indirect_dma semaphore(%arg65 : memref<!tpu.dma_semaphore, #tpu.memory_space<semaphore_mem>>) src(%dma_wait3A_386 : memref<3200000x16xbf16, #tpu.memory_space<hbm>>) dst(%dma_wait3A_380 : memref<128x16xbf16, #tpu.memory_space<vmem>>)
        %dma_wait3A_387 = arith.constant 512 : i32
        %dma_wait3A_388 = arith.constant 0 : i32
        %dma_wait3A_389 = tpu.memref_slice %arg60[%dma_wait3A_387, %dma_wait3A_388] : memref<2048x16xbf16, #tpu.memory_space<vmem>> -> memref<128x16xbf16, #tpu.memory_space<vmem>>
        %dma_wait3A_390 = arith.constant 0 : i32
        %dma_wait3A_391 = tpu.memref_slice %arg56[%squeeze3A_228, %dma_wait3A_390] : memref<16x128xi32, #tpu.memory_space<vmem>> -> memref<1x128xi32, #tpu.memory_space<vmem>>
        %dma_wait3A_392 = tpu.memref_squeeze %dma_wait3A_391 : memref<1x128xi32, #tpu.memory_space<vmem>> -> memref<128xi32, #tpu.memory_space<vmem>>
        %dma_wait3A_393 = arith.constant 0 : i32
        %dma_wait3A_394 = arith.constant 0 : i32
        %dma_wait3A_395 = tpu.memref_slice %arg2[%dma_wait3A_393, %dma_wait3A_394] : memref<3200000x16xbf16, #tpu.memory_space<hbm>> -> memref<3200000x16xbf16, #tpu.memory_space<hbm>>
        tpu.wait_indirect_dma semaphore(%arg65 : memref<!tpu.dma_semaphore, #tpu.memory_space<semaphore_mem>>) src(%dma_wait3A_395 : memref<3200000x16xbf16, #tpu.memory_space<hbm>>) dst(%dma_wait3A_389 : memref<128x16xbf16, #tpu.memory_space<vmem>>)
        %dma_wait3A_396 = arith.constant 640 : i32
        %dma_wait3A_397 = arith.constant 0 : i32
        %dma_wait3A_398 = tpu.memref_slice %arg60[%dma_wait3A_396, %dma_wait3A_397] : memref<2048x16xbf16, #tpu.memory_space<vmem>> -> memref<128x16xbf16, #tpu.memory_space<vmem>>
        %dma_wait3A_399 = arith.constant 0 : i32
        %dma_wait3A_400 = tpu.memref_slice %arg56[%squeeze3A_233, %dma_wait3A_399] : memref<16x128xi32, #tpu.memory_space<vmem>> -> memref<1x128xi32, #tpu.memory_space<vmem>>
        %dma_wait3A_401 = tpu.memref_squeeze %dma_wait3A_400 : memref<1x128xi32, #tpu.memory_space<vmem>> -> memref<128xi32, #tpu.memory_space<vmem>>
        %dma_wait3A_402 = arith.constant 0 : i32
        %dma_wait3A_403 = arith.constant 0 : i32
        %dma_wait3A_404 = tpu.memref_slice %arg2[%dma_wait3A_402, %dma_wait3A_403] : memref<3200000x16xbf16, #tpu.memory_space<hbm>> -> memref<3200000x16xbf16, #tpu.memory_space<hbm>>
        tpu.wait_indirect_dma semaphore(%arg65 : memref<!tpu.dma_semaphore, #tpu.memory_space<semaphore_mem>>) src(%dma_wait3A_404 : memref<3200000x16xbf16, #tpu.memory_space<hbm>>) dst(%dma_wait3A_398 : memref<128x16xbf16, #tpu.memory_space<vmem>>)
        %dma_wait3A_405 = arith.constant 768 : i32
        %dma_wait3A_406 = arith.constant 0 : i32
        %dma_wait3A_407 = tpu.memref_slice %arg60[%dma_wait3A_405, %dma_wait3A_406] : memref<2048x16xbf16, #tpu.memory_space<vmem>> -> memref<128x16xbf16, #tpu.memory_space<vmem>>
        %dma_wait3A_408 = arith.constant 0 : i32
        %dma_wait3A_409 = tpu.memref_slice %arg56[%squeeze3A_238, %dma_wait3A_408] : memref<16x128xi32, #tpu.memory_space<vmem>> -> memref<1x128xi32, #tpu.memory_space<vmem>>
        %dma_wait3A_410 = tpu.memref_squeeze %dma_wait3A_409 : memref<1x128xi32, #tpu.memory_space<vmem>> -> memref<128xi32, #tpu.memory_space<vmem>>
        %dma_wait3A_411 = arith.constant 0 : i32
        %dma_wait3A_412 = arith.constant 0 : i32
        %dma_wait3A_413 = tpu.memref_slice %arg2[%dma_wait3A_411, %dma_wait3A_412] : memref<3200000x16xbf16, #tpu.memory_space<hbm>> -> memref<3200000x16xbf16, #tpu.memory_space<hbm>>
        tpu.wait_indirect_dma semaphore(%arg65 : memref<!tpu.dma_semaphore, #tpu.memory_space<semaphore_mem>>) src(%dma_wait3A_413 : memref<3200000x16xbf16, #tpu.memory_space<hbm>>) dst(%dma_wait3A_407 : memref<128x16xbf16, #tpu.memory_space<vmem>>)
        %dma_wait3A_414 = arith.constant 896 : i32
        %dma_wait3A_415 = arith.constant 0 : i32
        %dma_wait3A_416 = tpu.memref_slice %arg60[%dma_wait3A_414, %dma_wait3A_415] : memref<2048x16xbf16, #tpu.memory_space<vmem>> -> memref<128x16xbf16, #tpu.memory_space<vmem>>
        %dma_wait3A_417 = arith.constant 0 : i32
        %dma_wait3A_418 = tpu.memref_slice %arg56[%squeeze3A_243, %dma_wait3A_417] : memref<16x128xi32, #tpu.memory_space<vmem>> -> memref<1x128xi32, #tpu.memory_space<vmem>>
        %dma_wait3A_419 = tpu.memref_squeeze %dma_wait3A_418 : memref<1x128xi32, #tpu.memory_space<vmem>> -> memref<128xi32, #tpu.memory_space<vmem>>
        %dma_wait3A_420 = arith.constant 0 : i32
        %dma_wait3A_421 = arith.constant 0 : i32
        %dma_wait3A_422 = tpu.memref_slice %arg2[%dma_wait3A_420, %dma_wait3A_421] : memref<3200000x16xbf16, #tpu.memory_space<hbm>> -> memref<3200000x16xbf16, #tpu.memory_space<hbm>>
        tpu.wait_indirect_dma semaphore(%arg65 : memref<!tpu.dma_semaphore, #tpu.memory_space<semaphore_mem>>) src(%dma_wait3A_422 : memref<3200000x16xbf16, #tpu.memory_space<hbm>>) dst(%dma_wait3A_416 : memref<128x16xbf16, #tpu.memory_space<vmem>>)
        %dma_wait3A_423 = arith.constant 1024 : i32
        %dma_wait3A_424 = arith.constant 0 : i32
        %dma_wait3A_425 = tpu.memref_slice %arg60[%dma_wait3A_423, %dma_wait3A_424] : memref<2048x16xbf16, #tpu.memory_space<vmem>> -> memref<128x16xbf16, #tpu.memory_space<vmem>>
        %dma_wait3A_426 = arith.constant 0 : i32
        %dma_wait3A_427 = tpu.memref_slice %arg56[%squeeze3A_248, %dma_wait3A_426] : memref<16x128xi32, #tpu.memory_space<vmem>> -> memref<1x128xi32, #tpu.memory_space<vmem>>
        %dma_wait3A_428 = tpu.memref_squeeze %dma_wait3A_427 : memref<1x128xi32, #tpu.memory_space<vmem>> -> memref<128xi32, #tpu.memory_space<vmem>>
        %dma_wait3A_429 = arith.constant 0 : i32
        %dma_wait3A_430 = arith.constant 0 : i32
        %dma_wait3A_431 = tpu.memref_slice %arg2[%dma_wait3A_429, %dma_wait3A_430] : memref<3200000x16xbf16, #tpu.memory_space<hbm>> -> memref<3200000x16xbf16, #tpu.memory_space<hbm>>
        tpu.wait_indirect_dma semaphore(%arg65 : memref<!tpu.dma_semaphore, #tpu.memory_space<semaphore_mem>>) src(%dma_wait3A_431 : memref<3200000x16xbf16, #tpu.memory_space<hbm>>) dst(%dma_wait3A_425 : memref<128x16xbf16, #tpu.memory_space<vmem>>)
        %dma_wait3A_432 = arith.constant 1152 : i32
        %dma_wait3A_433 = arith.constant 0 : i32
        %dma_wait3A_434 = tpu.memref_slice %arg60[%dma_wait3A_432, %dma_wait3A_433] : memref<2048x16xbf16, #tpu.memory_space<vmem>> -> memref<128x16xbf16, #tpu.memory_space<vmem>>
        %dma_wait3A_435 = arith.constant 0 : i32
        %dma_wait3A_436 = tpu.memref_slice %arg56[%squeeze3A_253, %dma_wait3A_435] : memref<16x128xi32, #tpu.memory_space<vmem>> -> memref<1x128xi32, #tpu.memory_space<vmem>>
        %dma_wait3A_437 = tpu.memref_squeeze %dma_wait3A_436 : memref<1x128xi32, #tpu.memory_space<vmem>> -> memref<128xi32, #tpu.memory_space<vmem>>
        %dma_wait3A_438 = arith.constant 0 : i32
        %dma_wait3A_439 = arith.constant 0 : i32
        %dma_wait3A_440 = tpu.memref_slice %arg2[%dma_wait3A_438, %dma_wait3A_439] : memref<3200000x16xbf16, #tpu.memory_space<hbm>> -> memref<3200000x16xbf16, #tpu.memory_space<hbm>>
        tpu.wait_indirect_dma semaphore(%arg65 : memref<!tpu.dma_semaphore, #tpu.memory_space<semaphore_mem>>) src(%dma_wait3A_440 : memref<3200000x16xbf16, #tpu.memory_space<hbm>>) dst(%dma_wait3A_434 : memref<128x16xbf16, #tpu.memory_space<vmem>>)
        %dma_wait3A_441 = arith.constant 1280 : i32
        %dma_wait3A_442 = arith.constant 0 : i32
        %dma_wait3A_443 = tpu.memref_slice %arg60[%dma_wait3A_441, %dma_wait3A_442] : memref<2048x16xbf16, #tpu.memory_space<vmem>> -> memref<128x16xbf16, #tpu.memory_space<vmem>>
        %dma_wait3A_444 = arith.constant 0 : i32
        %dma_wait3A_445 = tpu.memref_slice %arg56[%squeeze3A_258, %dma_wait3A_444] : memref<16x128xi32, #tpu.memory_space<vmem>> -> memref<1x128xi32, #tpu.memory_space<vmem>>
        %dma_wait3A_446 = tpu.memref_squeeze %dma_wait3A_445 : memref<1x128xi32, #tpu.memory_space<vmem>> -> memref<128xi32, #tpu.memory_space<vmem>>
        %dma_wait3A_447 = arith.constant 0 : i32
        %dma_wait3A_448 = arith.constant 0 : i32
        %dma_wait3A_449 = tpu.memref_slice %arg2[%dma_wait3A_447, %dma_wait3A_448] : memref<3200000x16xbf16, #tpu.memory_space<hbm>> -> memref<3200000x16xbf16, #tpu.memory_space<hbm>>
        tpu.wait_indirect_dma semaphore(%arg65 : memref<!tpu.dma_semaphore, #tpu.memory_space<semaphore_mem>>) src(%dma_wait3A_449 : memref<3200000x16xbf16, #tpu.memory_space<hbm>>) dst(%dma_wait3A_443 : memref<128x16xbf16, #tpu.memory_space<vmem>>)
        %dma_wait3A_450 = arith.constant 1408 : i32
        %dma_wait3A_451 = arith.constant 0 : i32
        %dma_wait3A_452 = tpu.memref_slice %arg60[%dma_wait3A_450, %dma_wait3A_451] : memref<2048x16xbf16, #tpu.memory_space<vmem>> -> memref<128x16xbf16, #tpu.memory_space<vmem>>
        %dma_wait3A_453 = arith.constant 0 : i32
        %dma_wait3A_454 = tpu.memref_slice %arg56[%squeeze3A_263, %dma_wait3A_453] : memref<16x128xi32, #tpu.memory_space<vmem>> -> memref<1x128xi32, #tpu.memory_space<vmem>>
        %dma_wait3A_455 = tpu.memref_squeeze %dma_wait3A_454 : memref<1x128xi32, #tpu.memory_space<vmem>> -> memref<128xi32, #tpu.memory_space<vmem>>
        %dma_wait3A_456 = arith.constant 0 : i32
        %dma_wait3A_457 = arith.constant 0 : i32
        %dma_wait3A_458 = tpu.memref_slice %arg2[%dma_wait3A_456, %dma_wait3A_457] : memref<3200000x16xbf16, #tpu.memory_space<hbm>> -> memref<3200000x16xbf16, #tpu.memory_space<hbm>>
        tpu.wait_indirect_dma semaphore(%arg65 : memref<!tpu.dma_semaphore, #tpu.memory_space<semaphore_mem>>) src(%dma_wait3A_458 : memref<3200000x16xbf16, #tpu.memory_space<hbm>>) dst(%dma_wait3A_452 : memref<128x16xbf16, #tpu.memory_space<vmem>>)
        %dma_wait3A_459 = arith.constant 1536 : i32
        %dma_wait3A_460 = arith.constant 0 : i32
        %dma_wait3A_461 = tpu.memref_slice %arg60[%dma_wait3A_459, %dma_wait3A_460] : memref<2048x16xbf16, #tpu.memory_space<vmem>> -> memref<128x16xbf16, #tpu.memory_space<vmem>>
        %dma_wait3A_462 = arith.constant 0 : i32
        %dma_wait3A_463 = tpu.memref_slice %arg56[%squeeze3A_268, %dma_wait3A_462] : memref<16x128xi32, #tpu.memory_space<vmem>> -> memref<1x128xi32, #tpu.memory_space<vmem>>
        %dma_wait3A_464 = tpu.memref_squeeze %dma_wait3A_463 : memref<1x128xi32, #tpu.memory_space<vmem>> -> memref<128xi32, #tpu.memory_space<vmem>>
        %dma_wait3A_465 = arith.constant 0 : i32
        %dma_wait3A_466 = arith.constant 0 : i32
        %dma_wait3A_467 = tpu.memref_slice %arg2[%dma_wait3A_465, %dma_wait3A_466] : memref<3200000x16xbf16, #tpu.memory_space<hbm>> -> memref<3200000x16xbf16, #tpu.memory_space<hbm>>
        tpu.wait_indirect_dma semaphore(%arg65 : memref<!tpu.dma_semaphore, #tpu.memory_space<semaphore_mem>>) src(%dma_wait3A_467 : memref<3200000x16xbf16, #tpu.memory_space<hbm>>) dst(%dma_wait3A_461 : memref<128x16xbf16, #tpu.memory_space<vmem>>)
        %dma_wait3A_468 = arith.constant 1664 : i32
        %dma_wait3A_469 = arith.constant 0 : i32
        %dma_wait3A_470 = tpu.memref_slice %arg60[%dma_wait3A_468, %dma_wait3A_469] : memref<2048x16xbf16, #tpu.memory_space<vmem>> -> memref<128x16xbf16, #tpu.memory_space<vmem>>
        %dma_wait3A_471 = arith.constant 0 : i32
        %dma_wait3A_472 = tpu.memref_slice %arg56[%squeeze3A_273, %dma_wait3A_471] : memref<16x128xi32, #tpu.memory_space<vmem>> -> memref<1x128xi32, #tpu.memory_space<vmem>>
        %dma_wait3A_473 = tpu.memref_squeeze %dma_wait3A_472 : memref<1x128xi32, #tpu.memory_space<vmem>> -> memref<128xi32, #tpu.memory_space<vmem>>
        %dma_wait3A_474 = arith.constant 0 : i32
        %dma_wait3A_475 = arith.constant 0 : i32
        %dma_wait3A_476 = tpu.memref_slice %arg2[%dma_wait3A_474, %dma_wait3A_475] : memref<3200000x16xbf16, #tpu.memory_space<hbm>> -> memref<3200000x16xbf16, #tpu.memory_space<hbm>>
        tpu.wait_indirect_dma semaphore(%arg65 : memref<!tpu.dma_semaphore, #tpu.memory_space<semaphore_mem>>) src(%dma_wait3A_476 : memref<3200000x16xbf16, #tpu.memory_space<hbm>>) dst(%dma_wait3A_470 : memref<128x16xbf16, #tpu.memory_space<vmem>>)
        %dma_wait3A_477 = arith.constant 1792 : i32
        %dma_wait3A_478 = arith.constant 0 : i32
        %dma_wait3A_479 = tpu.memref_slice %arg60[%dma_wait3A_477, %dma_wait3A_478] : memref<2048x16xbf16, #tpu.memory_space<vmem>> -> memref<128x16xbf16, #tpu.memory_space<vmem>>
        %dma_wait3A_480 = arith.constant 0 : i32
        %dma_wait3A_481 = tpu.memref_slice %arg56[%squeeze3A_278, %dma_wait3A_480] : memref<16x128xi32, #tpu.memory_space<vmem>> -> memref<1x128xi32, #tpu.memory_space<vmem>>
        %dma_wait3A_482 = tpu.memref_squeeze %dma_wait3A_481 : memref<1x128xi32, #tpu.memory_space<vmem>> -> memref<128xi32, #tpu.memory_space<vmem>>
        %dma_wait3A_483 = arith.constant 0 : i32
        %dma_wait3A_484 = arith.constant 0 : i32
        %dma_wait3A_485 = tpu.memref_slice %arg2[%dma_wait3A_483, %dma_wait3A_484] : memref<3200000x16xbf16, #tpu.memory_space<hbm>> -> memref<3200000x16xbf16, #tpu.memory_space<hbm>>
        tpu.wait_indirect_dma semaphore(%arg65 : memref<!tpu.dma_semaphore, #tpu.memory_space<semaphore_mem>>) src(%dma_wait3A_485 : memref<3200000x16xbf16, #tpu.memory_space<hbm>>) dst(%dma_wait3A_479 : memref<128x16xbf16, #tpu.memory_space<vmem>>)
        %dma_wait3A_486 = arith.constant 1920 : i32
        %dma_wait3A_487 = arith.constant 0 : i32
        %dma_wait3A_488 = tpu.memref_slice %arg60[%dma_wait3A_486, %dma_wait3A_487] : memref<2048x16xbf16, #tpu.memory_space<vmem>> -> memref<128x16xbf16, #tpu.memory_space<vmem>>
        %dma_wait3A_489 = arith.constant 0 : i32
        %dma_wait3A_490 = tpu.memref_slice %arg56[%squeeze3A_283, %dma_wait3A_489] : memref<16x128xi32, #tpu.memory_space<vmem>> -> memref<1x128xi32, #tpu.memory_space<vmem>>
        %dma_wait3A_491 = tpu.memref_squeeze %dma_wait3A_490 : memref<1x128xi32, #tpu.memory_space<vmem>> -> memref<128xi32, #tpu.memory_space<vmem>>
        %dma_wait3A_492 = arith.constant 0 : i32
        %dma_wait3A_493 = arith.constant 0 : i32
        %dma_wait3A_494 = tpu.memref_slice %arg2[%dma_wait3A_492, %dma_wait3A_493] : memref<3200000x16xbf16, #tpu.memory_space<hbm>> -> memref<3200000x16xbf16, #tpu.memory_space<hbm>>
        tpu.wait_indirect_dma semaphore(%arg65 : memref<!tpu.dma_semaphore, #tpu.memory_space<semaphore_mem>>) src(%dma_wait3A_494 : memref<3200000x16xbf16, #tpu.memory_space<hbm>>) dst(%dma_wait3A_488 : memref<128x16xbf16, #tpu.memory_space<vmem>>)
        %dma_start3A = arith.constant 0 : i32
        %dma_start3A_495 = arith.constant 0 : i32
        %dma_start3A_496 = arith.constant 0 : i32
        %dma_start3A_497 = tpu.memref_slice %arg60[%dma_start3A_495, %dma_start3A_496] : memref<2048x16xbf16, #tpu.memory_space<vmem>> -> memref<128x16xbf16, #tpu.memory_space<vmem>>
        %dma_start3A_498 = arith.constant 0 : i32
        %dma_start3A_499 = tpu.memref_slice %arg58[%dma_start3A, %dma_start3A_498] : memref<16x128xi32, #tpu.memory_space<vmem>> -> memref<1x128xi32, #tpu.memory_space<vmem>>
        %dma_start3A_500 = tpu.memref_squeeze %dma_start3A_499 : memref<1x128xi32, #tpu.memory_space<vmem>> -> memref<128xi32, #tpu.memory_space<vmem>>
        %dma_start3A_501 = arith.constant 0 : i32
        %dma_start3A_502 = arith.constant 0 : i32
        %dma_start3A_503 = tpu.memref_slice %arg61[%dma_start3A_501, %dma_start3A_502] : memref<100128x16xbf16, #tpu.memory_space<vmem_shared>> -> memref<100128x16xbf16, #tpu.memory_space<vmem_shared>>
        tpu.enqueue_indirect_dma source(%dma_start3A_497 : memref<128x16xbf16, #tpu.memory_space<vmem>>) target(%dma_start3A_503 : memref<100128x16xbf16, #tpu.memory_space<vmem_shared>>) offsets(%dma_start3A_500 : memref<128xi32, #tpu.memory_space<vmem>>) semaphore(%arg67 : memref<!tpu.dma_semaphore, #tpu.memory_space<semaphore_mem>>) {add = true}
        %dma_start3A_504 = arith.constant 1 : i32
        %dma_start3A_505 = arith.constant 128 : i32
        %dma_start3A_506 = arith.constant 0 : i32
        %dma_start3A_507 = tpu.memref_slice %arg60[%dma_start3A_505, %dma_start3A_506] : memref<2048x16xbf16, #tpu.memory_space<vmem>> -> memref<128x16xbf16, #tpu.memory_space<vmem>>
        %dma_start3A_508 = arith.constant 0 : i32
        %dma_start3A_509 = tpu.memref_slice %arg58[%dma_start3A_504, %dma_start3A_508] : memref<16x128xi32, #tpu.memory_space<vmem>> -> memref<1x128xi32, #tpu.memory_space<vmem>>
        %dma_start3A_510 = tpu.memref_squeeze %dma_start3A_509 : memref<1x128xi32, #tpu.memory_space<vmem>> -> memref<128xi32, #tpu.memory_space<vmem>>
        %dma_start3A_511 = arith.constant 0 : i32
        %dma_start3A_512 = arith.constant 0 : i32
        %dma_start3A_513 = tpu.memref_slice %arg61[%dma_start3A_511, %dma_start3A_512] : memref<100128x16xbf16, #tpu.memory_space<vmem_shared>> -> memref<100128x16xbf16, #tpu.memory_space<vmem_shared>>
        tpu.enqueue_indirect_dma source(%dma_start3A_507 : memref<128x16xbf16, #tpu.memory_space<vmem>>) target(%dma_start3A_513 : memref<100128x16xbf16, #tpu.memory_space<vmem_shared>>) offsets(%dma_start3A_510 : memref<128xi32, #tpu.memory_space<vmem>>) semaphore(%arg67 : memref<!tpu.dma_semaphore, #tpu.memory_space<semaphore_mem>>) {add = true}
        %dma_start3A_514 = arith.constant 2 : i32
        %dma_start3A_515 = arith.constant 256 : i32
        %dma_start3A_516 = arith.constant 0 : i32
        %dma_start3A_517 = tpu.memref_slice %arg60[%dma_start3A_515, %dma_start3A_516] : memref<2048x16xbf16, #tpu.memory_space<vmem>> -> memref<128x16xbf16, #tpu.memory_space<vmem>>
        %dma_start3A_518 = arith.constant 0 : i32
        %dma_start3A_519 = tpu.memref_slice %arg58[%dma_start3A_514, %dma_start3A_518] : memref<16x128xi32, #tpu.memory_space<vmem>> -> memref<1x128xi32, #tpu.memory_space<vmem>>
        %dma_start3A_520 = tpu.memref_squeeze %dma_start3A_519 : memref<1x128xi32, #tpu.memory_space<vmem>> -> memref<128xi32, #tpu.memory_space<vmem>>
        %dma_start3A_521 = arith.constant 0 : i32
        %dma_start3A_522 = arith.constant 0 : i32
        %dma_start3A_523 = tpu.memref_slice %arg61[%dma_start3A_521, %dma_start3A_522] : memref<100128x16xbf16, #tpu.memory_space<vmem_shared>> -> memref<100128x16xbf16, #tpu.memory_space<vmem_shared>>
        tpu.enqueue_indirect_dma source(%dma_start3A_517 : memref<128x16xbf16, #tpu.memory_space<vmem>>) target(%dma_start3A_523 : memref<100128x16xbf16, #tpu.memory_space<vmem_shared>>) offsets(%dma_start3A_520 : memref<128xi32, #tpu.memory_space<vmem>>) semaphore(%arg67 : memref<!tpu.dma_semaphore, #tpu.memory_space<semaphore_mem>>) {add = true}
        %dma_start3A_524 = arith.constant 3 : i32
        %dma_start3A_525 = arith.constant 384 : i32
        %dma_start3A_526 = arith.constant 0 : i32
        %dma_start3A_527 = tpu.memref_slice %arg60[%dma_start3A_525, %dma_start3A_526] : memref<2048x16xbf16, #tpu.memory_space<vmem>> -> memref<128x16xbf16, #tpu.memory_space<vmem>>
        %dma_start3A_528 = arith.constant 0 : i32
        %dma_start3A_529 = tpu.memref_slice %arg58[%dma_start3A_524, %dma_start3A_528] : memref<16x128xi32, #tpu.memory_space<vmem>> -> memref<1x128xi32, #tpu.memory_space<vmem>>
        %dma_start3A_530 = tpu.memref_squeeze %dma_start3A_529 : memref<1x128xi32, #tpu.memory_space<vmem>> -> memref<128xi32, #tpu.memory_space<vmem>>
        %dma_start3A_531 = arith.constant 0 : i32
        %dma_start3A_532 = arith.constant 0 : i32
        %dma_start3A_533 = tpu.memref_slice %arg61[%dma_start3A_531, %dma_start3A_532] : memref<100128x16xbf16, #tpu.memory_space<vmem_shared>> -> memref<100128x16xbf16, #tpu.memory_space<vmem_shared>>
        tpu.enqueue_indirect_dma source(%dma_start3A_527 : memref<128x16xbf16, #tpu.memory_space<vmem>>) target(%dma_start3A_533 : memref<100128x16xbf16, #tpu.memory_space<vmem_shared>>) offsets(%dma_start3A_530 : memref<128xi32, #tpu.memory_space<vmem>>) semaphore(%arg67 : memref<!tpu.dma_semaphore, #tpu.memory_space<semaphore_mem>>) {add = true}
        %dma_start3A_534 = arith.constant 4 : i32
        %dma_start3A_535 = arith.constant 512 : i32
        %dma_start3A_536 = arith.constant 0 : i32
        %dma_start3A_537 = tpu.memref_slice %arg60[%dma_start3A_535, %dma_start3A_536] : memref<2048x16xbf16, #tpu.memory_space<vmem>> -> memref<128x16xbf16, #tpu.memory_space<vmem>>
        %dma_start3A_538 = arith.constant 0 : i32
        %dma_start3A_539 = tpu.memref_slice %arg58[%dma_start3A_534, %dma_start3A_538] : memref<16x128xi32, #tpu.memory_space<vmem>> -> memref<1x128xi32, #tpu.memory_space<vmem>>
        %dma_start3A_540 = tpu.memref_squeeze %dma_start3A_539 : memref<1x128xi32, #tpu.memory_space<vmem>> -> memref<128xi32, #tpu.memory_space<vmem>>
        %dma_start3A_541 = arith.constant 0 : i32
        %dma_start3A_542 = arith.constant 0 : i32
        %dma_start3A_543 = tpu.memref_slice %arg61[%dma_start3A_541, %dma_start3A_542] : memref<100128x16xbf16, #tpu.memory_space<vmem_shared>> -> memref<100128x16xbf16, #tpu.memory_space<vmem_shared>>
        tpu.enqueue_indirect_dma source(%dma_start3A_537 : memref<128x16xbf16, #tpu.memory_space<vmem>>) target(%dma_start3A_543 : memref<100128x16xbf16, #tpu.memory_space<vmem_shared>>) offsets(%dma_start3A_540 : memref<128xi32, #tpu.memory_space<vmem>>) semaphore(%arg67 : memref<!tpu.dma_semaphore, #tpu.memory_space<semaphore_mem>>) {add = true}
        %dma_start3A_544 = arith.constant 5 : i32
        %dma_start3A_545 = arith.constant 640 : i32
        %dma_start3A_546 = arith.constant 0 : i32
        %dma_start3A_547 = tpu.memref_slice %arg60[%dma_start3A_545, %dma_start3A_546] : memref<2048x16xbf16, #tpu.memory_space<vmem>> -> memref<128x16xbf16, #tpu.memory_space<vmem>>
        %dma_start3A_548 = arith.constant 0 : i32
        %dma_start3A_549 = tpu.memref_slice %arg58[%dma_start3A_544, %dma_start3A_548] : memref<16x128xi32, #tpu.memory_space<vmem>> -> memref<1x128xi32, #tpu.memory_space<vmem>>
        %dma_start3A_550 = tpu.memref_squeeze %dma_start3A_549 : memref<1x128xi32, #tpu.memory_space<vmem>> -> memref<128xi32, #tpu.memory_space<vmem>>
        %dma_start3A_551 = arith.constant 0 : i32
        %dma_start3A_552 = arith.constant 0 : i32
        %dma_start3A_553 = tpu.memref_slice %arg61[%dma_start3A_551, %dma_start3A_552] : memref<100128x16xbf16, #tpu.memory_space<vmem_shared>> -> memref<100128x16xbf16, #tpu.memory_space<vmem_shared>>
        tpu.enqueue_indirect_dma source(%dma_start3A_547 : memref<128x16xbf16, #tpu.memory_space<vmem>>) target(%dma_start3A_553 : memref<100128x16xbf16, #tpu.memory_space<vmem_shared>>) offsets(%dma_start3A_550 : memref<128xi32, #tpu.memory_space<vmem>>) semaphore(%arg67 : memref<!tpu.dma_semaphore, #tpu.memory_space<semaphore_mem>>) {add = true}
        %dma_start3A_554 = arith.constant 6 : i32
        %dma_start3A_555 = arith.constant 768 : i32
        %dma_start3A_556 = arith.constant 0 : i32
        %dma_start3A_557 = tpu.memref_slice %arg60[%dma_start3A_555, %dma_start3A_556] : memref<2048x16xbf16, #tpu.memory_space<vmem>> -> memref<128x16xbf16, #tpu.memory_space<vmem>>
        %dma_start3A_558 = arith.constant 0 : i32
        %dma_start3A_559 = tpu.memref_slice %arg58[%dma_start3A_554, %dma_start3A_558] : memref<16x128xi32, #tpu.memory_space<vmem>> -> memref<1x128xi32, #tpu.memory_space<vmem>>
        %dma_start3A_560 = tpu.memref_squeeze %dma_start3A_559 : memref<1x128xi32, #tpu.memory_space<vmem>> -> memref<128xi32, #tpu.memory_space<vmem>>
        %dma_start3A_561 = arith.constant 0 : i32
        %dma_start3A_562 = arith.constant 0 : i32
        %dma_start3A_563 = tpu.memref_slice %arg61[%dma_start3A_561, %dma_start3A_562] : memref<100128x16xbf16, #tpu.memory_space<vmem_shared>> -> memref<100128x16xbf16, #tpu.memory_space<vmem_shared>>
        tpu.enqueue_indirect_dma source(%dma_start3A_557 : memref<128x16xbf16, #tpu.memory_space<vmem>>) target(%dma_start3A_563 : memref<100128x16xbf16, #tpu.memory_space<vmem_shared>>) offsets(%dma_start3A_560 : memref<128xi32, #tpu.memory_space<vmem>>) semaphore(%arg67 : memref<!tpu.dma_semaphore, #tpu.memory_space<semaphore_mem>>) {add = true}
        %dma_start3A_564 = arith.constant 7 : i32
        %dma_start3A_565 = arith.constant 896 : i32
        %dma_start3A_566 = arith.constant 0 : i32
        %dma_start3A_567 = tpu.memref_slice %arg60[%dma_start3A_565, %dma_start3A_566] : memref<2048x16xbf16, #tpu.memory_space<vmem>> -> memref<128x16xbf16, #tpu.memory_space<vmem>>
        %dma_start3A_568 = arith.constant 0 : i32
        %dma_start3A_569 = tpu.memref_slice %arg58[%dma_start3A_564, %dma_start3A_568] : memref<16x128xi32, #tpu.memory_space<vmem>> -> memref<1x128xi32, #tpu.memory_space<vmem>>
        %dma_start3A_570 = tpu.memref_squeeze %dma_start3A_569 : memref<1x128xi32, #tpu.memory_space<vmem>> -> memref<128xi32, #tpu.memory_space<vmem>>
        %dma_start3A_571 = arith.constant 0 : i32
        %dma_start3A_572 = arith.constant 0 : i32
        %dma_start3A_573 = tpu.memref_slice %arg61[%dma_start3A_571, %dma_start3A_572] : memref<100128x16xbf16, #tpu.memory_space<vmem_shared>> -> memref<100128x16xbf16, #tpu.memory_space<vmem_shared>>
        tpu.enqueue_indirect_dma source(%dma_start3A_567 : memref<128x16xbf16, #tpu.memory_space<vmem>>) target(%dma_start3A_573 : memref<100128x16xbf16, #tpu.memory_space<vmem_shared>>) offsets(%dma_start3A_570 : memref<128xi32, #tpu.memory_space<vmem>>) semaphore(%arg67 : memref<!tpu.dma_semaphore, #tpu.memory_space<semaphore_mem>>) {add = true}
        %dma_start3A_574 = arith.constant 8 : i32
        %dma_start3A_575 = arith.constant 1024 : i32
        %dma_start3A_576 = arith.constant 0 : i32
        %dma_start3A_577 = tpu.memref_slice %arg60[%dma_start3A_575, %dma_start3A_576] : memref<2048x16xbf16, #tpu.memory_space<vmem>> -> memref<128x16xbf16, #tpu.memory_space<vmem>>
        %dma_start3A_578 = arith.constant 0 : i32
        %dma_start3A_579 = tpu.memref_slice %arg58[%dma_start3A_574, %dma_start3A_578] : memref<16x128xi32, #tpu.memory_space<vmem>> -> memref<1x128xi32, #tpu.memory_space<vmem>>
        %dma_start3A_580 = tpu.memref_squeeze %dma_start3A_579 : memref<1x128xi32, #tpu.memory_space<vmem>> -> memref<128xi32, #tpu.memory_space<vmem>>
        %dma_start3A_581 = arith.constant 0 : i32
        %dma_start3A_582 = arith.constant 0 : i32
        %dma_start3A_583 = tpu.memref_slice %arg61[%dma_start3A_581, %dma_start3A_582] : memref<100128x16xbf16, #tpu.memory_space<vmem_shared>> -> memref<100128x16xbf16, #tpu.memory_space<vmem_shared>>
        tpu.enqueue_indirect_dma source(%dma_start3A_577 : memref<128x16xbf16, #tpu.memory_space<vmem>>) target(%dma_start3A_583 : memref<100128x16xbf16, #tpu.memory_space<vmem_shared>>) offsets(%dma_start3A_580 : memref<128xi32, #tpu.memory_space<vmem>>) semaphore(%arg67 : memref<!tpu.dma_semaphore, #tpu.memory_space<semaphore_mem>>) {add = true}
        %dma_start3A_584 = arith.constant 9 : i32
        %dma_start3A_585 = arith.constant 1152 : i32
        %dma_start3A_586 = arith.constant 0 : i32
        %dma_start3A_587 = tpu.memref_slice %arg60[%dma_start3A_585, %dma_start3A_586] : memref<2048x16xbf16, #tpu.memory_space<vmem>> -> memref<128x16xbf16, #tpu.memory_space<vmem>>
        %dma_start3A_588 = arith.constant 0 : i32
        %dma_start3A_589 = tpu.memref_slice %arg58[%dma_start3A_584, %dma_start3A_588] : memref<16x128xi32, #tpu.memory_space<vmem>> -> memref<1x128xi32, #tpu.memory_space<vmem>>
        %dma_start3A_590 = tpu.memref_squeeze %dma_start3A_589 : memref<1x128xi32, #tpu.memory_space<vmem>> -> memref<128xi32, #tpu.memory_space<vmem>>
        %dma_start3A_591 = arith.constant 0 : i32
        %dma_start3A_592 = arith.constant 0 : i32
        %dma_start3A_593 = tpu.memref_slice %arg61[%dma_start3A_591, %dma_start3A_592] : memref<100128x16xbf16, #tpu.memory_space<vmem_shared>> -> memref<100128x16xbf16, #tpu.memory_space<vmem_shared>>
        tpu.enqueue_indirect_dma source(%dma_start3A_587 : memref<128x16xbf16, #tpu.memory_space<vmem>>) target(%dma_start3A_593 : memref<100128x16xbf16, #tpu.memory_space<vmem_shared>>) offsets(%dma_start3A_590 : memref<128xi32, #tpu.memory_space<vmem>>) semaphore(%arg67 : memref<!tpu.dma_semaphore, #tpu.memory_space<semaphore_mem>>) {add = true}
        %dma_start3A_594 = arith.constant 10 : i32
        %dma_start3A_595 = arith.constant 1280 : i32
        %dma_start3A_596 = arith.constant 0 : i32
        %dma_start3A_597 = tpu.memref_slice %arg60[%dma_start3A_595, %dma_start3A_596] : memref<2048x16xbf16, #tpu.memory_space<vmem>> -> memref<128x16xbf16, #tpu.memory_space<vmem>>
        %dma_start3A_598 = arith.constant 0 : i32
        %dma_start3A_599 = tpu.memref_slice %arg58[%dma_start3A_594, %dma_start3A_598] : memref<16x128xi32, #tpu.memory_space<vmem>> -> memref<1x128xi32, #tpu.memory_space<vmem>>
        %dma_start3A_600 = tpu.memref_squeeze %dma_start3A_599 : memref<1x128xi32, #tpu.memory_space<vmem>> -> memref<128xi32, #tpu.memory_space<vmem>>
        %dma_start3A_601 = arith.constant 0 : i32
        %dma_start3A_602 = arith.constant 0 : i32
        %dma_start3A_603 = tpu.memref_slice %arg61[%dma_start3A_601, %dma_start3A_602] : memref<100128x16xbf16, #tpu.memory_space<vmem_shared>> -> memref<100128x16xbf16, #tpu.memory_space<vmem_shared>>
        tpu.enqueue_indirect_dma source(%dma_start3A_597 : memref<128x16xbf16, #tpu.memory_space<vmem>>) target(%dma_start3A_603 : memref<100128x16xbf16, #tpu.memory_space<vmem_shared>>) offsets(%dma_start3A_600 : memref<128xi32, #tpu.memory_space<vmem>>) semaphore(%arg67 : memref<!tpu.dma_semaphore, #tpu.memory_space<semaphore_mem>>) {add = true}
        %dma_start3A_604 = arith.constant 11 : i32
        %dma_start3A_605 = arith.constant 1408 : i32
        %dma_start3A_606 = arith.constant 0 : i32
        %dma_start3A_607 = tpu.memref_slice %arg60[%dma_start3A_605, %dma_start3A_606] : memref<2048x16xbf16, #tpu.memory_space<vmem>> -> memref<128x16xbf16, #tpu.memory_space<vmem>>
        %dma_start3A_608 = arith.constant 0 : i32
        %dma_start3A_609 = tpu.memref_slice %arg58[%dma_start3A_604, %dma_start3A_608] : memref<16x128xi32, #tpu.memory_space<vmem>> -> memref<1x128xi32, #tpu.memory_space<vmem>>
        %dma_start3A_610 = tpu.memref_squeeze %dma_start3A_609 : memref<1x128xi32, #tpu.memory_space<vmem>> -> memref<128xi32, #tpu.memory_space<vmem>>
        %dma_start3A_611 = arith.constant 0 : i32
        %dma_start3A_612 = arith.constant 0 : i32
        %dma_start3A_613 = tpu.memref_slice %arg61[%dma_start3A_611, %dma_start3A_612] : memref<100128x16xbf16, #tpu.memory_space<vmem_shared>> -> memref<100128x16xbf16, #tpu.memory_space<vmem_shared>>
        tpu.enqueue_indirect_dma source(%dma_start3A_607 : memref<128x16xbf16, #tpu.memory_space<vmem>>) target(%dma_start3A_613 : memref<100128x16xbf16, #tpu.memory_space<vmem_shared>>) offsets(%dma_start3A_610 : memref<128xi32, #tpu.memory_space<vmem>>) semaphore(%arg67 : memref<!tpu.dma_semaphore, #tpu.memory_space<semaphore_mem>>) {add = true}
        %dma_start3A_614 = arith.constant 12 : i32
        %dma_start3A_615 = arith.constant 1536 : i32
        %dma_start3A_616 = arith.constant 0 : i32
        %dma_start3A_617 = tpu.memref_slice %arg60[%dma_start3A_615, %dma_start3A_616] : memref<2048x16xbf16, #tpu.memory_space<vmem>> -> memref<128x16xbf16, #tpu.memory_space<vmem>>
        %dma_start3A_618 = arith.constant 0 : i32
        %dma_start3A_619 = tpu.memref_slice %arg58[%dma_start3A_614, %dma_start3A_618] : memref<16x128xi32, #tpu.memory_space<vmem>> -> memref<1x128xi32, #tpu.memory_space<vmem>>
        %dma_start3A_620 = tpu.memref_squeeze %dma_start3A_619 : memref<1x128xi32, #tpu.memory_space<vmem>> -> memref<128xi32, #tpu.memory_space<vmem>>
        %dma_start3A_621 = arith.constant 0 : i32
        %dma_start3A_622 = arith.constant 0 : i32
        %dma_start3A_623 = tpu.memref_slice %arg61[%dma_start3A_621, %dma_start3A_622] : memref<100128x16xbf16, #tpu.memory_space<vmem_shared>> -> memref<100128x16xbf16, #tpu.memory_space<vmem_shared>>
        tpu.enqueue_indirect_dma source(%dma_start3A_617 : memref<128x16xbf16, #tpu.memory_space<vmem>>) target(%dma_start3A_623 : memref<100128x16xbf16, #tpu.memory_space<vmem_shared>>) offsets(%dma_start3A_620 : memref<128xi32, #tpu.memory_space<vmem>>) semaphore(%arg67 : memref<!tpu.dma_semaphore, #tpu.memory_space<semaphore_mem>>) {add = true}
        %dma_start3A_624 = arith.constant 13 : i32
        %dma_start3A_625 = arith.constant 1664 : i32
        %dma_start3A_626 = arith.constant 0 : i32
        %dma_start3A_627 = tpu.memref_slice %arg60[%dma_start3A_625, %dma_start3A_626] : memref<2048x16xbf16, #tpu.memory_space<vmem>> -> memref<128x16xbf16, #tpu.memory_space<vmem>>
        %dma_start3A_628 = arith.constant 0 : i32
        %dma_start3A_629 = tpu.memref_slice %arg58[%dma_start3A_624, %dma_start3A_628] : memref<16x128xi32, #tpu.memory_space<vmem>> -> memref<1x128xi32, #tpu.memory_space<vmem>>
        %dma_start3A_630 = tpu.memref_squeeze %dma_start3A_629 : memref<1x128xi32, #tpu.memory_space<vmem>> -> memref<128xi32, #tpu.memory_space<vmem>>
        %dma_start3A_631 = arith.constant 0 : i32
        %dma_start3A_632 = arith.constant 0 : i32
        %dma_start3A_633 = tpu.memref_slice %arg61[%dma_start3A_631, %dma_start3A_632] : memref<100128x16xbf16, #tpu.memory_space<vmem_shared>> -> memref<100128x16xbf16, #tpu.memory_space<vmem_shared>>
        tpu.enqueue_indirect_dma source(%dma_start3A_627 : memref<128x16xbf16, #tpu.memory_space<vmem>>) target(%dma_start3A_633 : memref<100128x16xbf16, #tpu.memory_space<vmem_shared>>) offsets(%dma_start3A_630 : memref<128xi32, #tpu.memory_space<vmem>>) semaphore(%arg67 : memref<!tpu.dma_semaphore, #tpu.memory_space<semaphore_mem>>) {add = true}
        %dma_start3A_634 = arith.constant 14 : i32
        %dma_start3A_635 = arith.constant 1792 : i32
        %dma_start3A_636 = arith.constant 0 : i32
        %dma_start3A_637 = tpu.memref_slice %arg60[%dma_start3A_635, %dma_start3A_636] : memref<2048x16xbf16, #tpu.memory_space<vmem>> -> memref<128x16xbf16, #tpu.memory_space<vmem>>
        %dma_start3A_638 = arith.constant 0 : i32
        %dma_start3A_639 = tpu.memref_slice %arg58[%dma_start3A_634, %dma_start3A_638] : memref<16x128xi32, #tpu.memory_space<vmem>> -> memref<1x128xi32, #tpu.memory_space<vmem>>
        %dma_start3A_640 = tpu.memref_squeeze %dma_start3A_639 : memref<1x128xi32, #tpu.memory_space<vmem>> -> memref<128xi32, #tpu.memory_space<vmem>>
        %dma_start3A_641 = arith.constant 0 : i32
        %dma_start3A_642 = arith.constant 0 : i32
        %dma_start3A_643 = tpu.memref_slice %arg61[%dma_start3A_641, %dma_start3A_642] : memref<100128x16xbf16, #tpu.memory_space<vmem_shared>> -> memref<100128x16xbf16, #tpu.memory_space<vmem_shared>>
        tpu.enqueue_indirect_dma source(%dma_start3A_637 : memref<128x16xbf16, #tpu.memory_space<vmem>>) target(%dma_start3A_643 : memref<100128x16xbf16, #tpu.memory_space<vmem_shared>>) offsets(%dma_start3A_640 : memref<128xi32, #tpu.memory_space<vmem>>) semaphore(%arg67 : memref<!tpu.dma_semaphore, #tpu.memory_space<semaphore_mem>>) {add = true}
        %dma_start3A_644 = arith.constant 15 : i32
        %dma_start3A_645 = arith.constant 1920 : i32
        %dma_start3A_646 = arith.constant 0 : i32
        %dma_start3A_647 = tpu.memref_slice %arg60[%dma_start3A_645, %dma_start3A_646] : memref<2048x16xbf16, #tpu.memory_space<vmem>> -> memref<128x16xbf16, #tpu.memory_space<vmem>>
        %dma_start3A_648 = arith.constant 0 : i32
        %dma_start3A_649 = tpu.memref_slice %arg58[%dma_start3A_644, %dma_start3A_648] : memref<16x128xi32, #tpu.memory_space<vmem>> -> memref<1x128xi32, #tpu.memory_space<vmem>>
        %dma_start3A_650 = tpu.memref_squeeze %dma_start3A_649 : memref<1x128xi32, #tpu.memory_space<vmem>> -> memref<128xi32, #tpu.memory_space<vmem>>
        %dma_start3A_651 = arith.constant 0 : i32
        %dma_start3A_652 = arith.constant 0 : i32
        %dma_start3A_653 = tpu.memref_slice %arg61[%dma_start3A_651, %dma_start3A_652] : memref<100128x16xbf16, #tpu.memory_space<vmem_shared>> -> memref<100128x16xbf16, #tpu.memory_space<vmem_shared>>
        tpu.enqueue_indirect_dma source(%dma_start3A_647 : memref<128x16xbf16, #tpu.memory_space<vmem>>) target(%dma_start3A_653 : memref<100128x16xbf16, #tpu.memory_space<vmem_shared>>) offsets(%dma_start3A_650 : memref<128xi32, #tpu.memory_space<vmem>>) semaphore(%arg67 : memref<!tpu.dma_semaphore, #tpu.memory_space<semaphore_mem>>) {add = true}
        %dma_wait3A_654 = arith.constant 0 : i32
        %dma_wait3A_655 = arith.constant 0 : i32
        %dma_wait3A_656 = arith.constant 0 : i32
        %dma_wait3A_657 = tpu.memref_slice %arg60[%dma_wait3A_655, %dma_wait3A_656] : memref<2048x16xbf16, #tpu.memory_space<vmem>> -> memref<128x16xbf16, #tpu.memory_space<vmem>>
        %dma_wait3A_658 = arith.constant 0 : i32
        %dma_wait3A_659 = tpu.memref_slice %arg58[%dma_wait3A_654, %dma_wait3A_658] : memref<16x128xi32, #tpu.memory_space<vmem>> -> memref<1x128xi32, #tpu.memory_space<vmem>>
        %dma_wait3A_660 = tpu.memref_squeeze %dma_wait3A_659 : memref<1x128xi32, #tpu.memory_space<vmem>> -> memref<128xi32, #tpu.memory_space<vmem>>
        %dma_wait3A_661 = arith.constant 0 : i32
        %dma_wait3A_662 = arith.constant 0 : i32
        %dma_wait3A_663 = tpu.memref_slice %arg61[%dma_wait3A_661, %dma_wait3A_662] : memref<100128x16xbf16, #tpu.memory_space<vmem_shared>> -> memref<100128x16xbf16, #tpu.memory_space<vmem_shared>>
        tpu.wait_indirect_dma semaphore(%arg67 : memref<!tpu.dma_semaphore, #tpu.memory_space<semaphore_mem>>) src(%dma_wait3A_657 : memref<128x16xbf16, #tpu.memory_space<vmem>>) dst(%dma_wait3A_663 : memref<100128x16xbf16, #tpu.memory_space<vmem_shared>>)
        %dma_wait3A_664 = arith.constant 1 : i32
        %dma_wait3A_665 = arith.constant 128 : i32
        %dma_wait3A_666 = arith.constant 0 : i32
        %dma_wait3A_667 = tpu.memref_slice %arg60[%dma_wait3A_665, %dma_wait3A_666] : memref<2048x16xbf16, #tpu.memory_space<vmem>> -> memref<128x16xbf16, #tpu.memory_space<vmem>>
        %dma_wait3A_668 = arith.constant 0 : i32
        %dma_wait3A_669 = tpu.memref_slice %arg58[%dma_wait3A_664, %dma_wait3A_668] : memref<16x128xi32, #tpu.memory_space<vmem>> -> memref<1x128xi32, #tpu.memory_space<vmem>>
        %dma_wait3A_670 = tpu.memref_squeeze %dma_wait3A_669 : memref<1x128xi32, #tpu.memory_space<vmem>> -> memref<128xi32, #tpu.memory_space<vmem>>
        %dma_wait3A_671 = arith.constant 0 : i32
        %dma_wait3A_672 = arith.constant 0 : i32
        %dma_wait3A_673 = tpu.memref_slice %arg61[%dma_wait3A_671, %dma_wait3A_672] : memref<100128x16xbf16, #tpu.memory_space<vmem_shared>> -> memref<100128x16xbf16, #tpu.memory_space<vmem_shared>>
        tpu.wait_indirect_dma semaphore(%arg67 : memref<!tpu.dma_semaphore, #tpu.memory_space<semaphore_mem>>) src(%dma_wait3A_667 : memref<128x16xbf16, #tpu.memory_space<vmem>>) dst(%dma_wait3A_673 : memref<100128x16xbf16, #tpu.memory_space<vmem_shared>>)
        %dma_wait3A_674 = arith.constant 2 : i32
        %dma_wait3A_675 = arith.constant 256 : i32
        %dma_wait3A_676 = arith.constant 0 : i32
        %dma_wait3A_677 = tpu.memref_slice %arg60[%dma_wait3A_675, %dma_wait3A_676] : memref<2048x16xbf16, #tpu.memory_space<vmem>> -> memref<128x16xbf16, #tpu.memory_space<vmem>>
        %dma_wait3A_678 = arith.constant 0 : i32
        %dma_wait3A_679 = tpu.memref_slice %arg58[%dma_wait3A_674, %dma_wait3A_678] : memref<16x128xi32, #tpu.memory_space<vmem>> -> memref<1x128xi32, #tpu.memory_space<vmem>>
        %dma_wait3A_680 = tpu.memref_squeeze %dma_wait3A_679 : memref<1x128xi32, #tpu.memory_space<vmem>> -> memref<128xi32, #tpu.memory_space<vmem>>
        %dma_wait3A_681 = arith.constant 0 : i32
        %dma_wait3A_682 = arith.constant 0 : i32
        %dma_wait3A_683 = tpu.memref_slice %arg61[%dma_wait3A_681, %dma_wait3A_682] : memref<100128x16xbf16, #tpu.memory_space<vmem_shared>> -> memref<100128x16xbf16, #tpu.memory_space<vmem_shared>>
        tpu.wait_indirect_dma semaphore(%arg67 : memref<!tpu.dma_semaphore, #tpu.memory_space<semaphore_mem>>) src(%dma_wait3A_677 : memref<128x16xbf16, #tpu.memory_space<vmem>>) dst(%dma_wait3A_683 : memref<100128x16xbf16, #tpu.memory_space<vmem_shared>>)
        %dma_wait3A_684 = arith.constant 3 : i32
        %dma_wait3A_685 = arith.constant 384 : i32
        %dma_wait3A_686 = arith.constant 0 : i32
        %dma_wait3A_687 = tpu.memref_slice %arg60[%dma_wait3A_685, %dma_wait3A_686] : memref<2048x16xbf16, #tpu.memory_space<vmem>> -> memref<128x16xbf16, #tpu.memory_space<vmem>>
        %dma_wait3A_688 = arith.constant 0 : i32
        %dma_wait3A_689 = tpu.memref_slice %arg58[%dma_wait3A_684, %dma_wait3A_688] : memref<16x128xi32, #tpu.memory_space<vmem>> -> memref<1x128xi32, #tpu.memory_space<vmem>>
        %dma_wait3A_690 = tpu.memref_squeeze %dma_wait3A_689 : memref<1x128xi32, #tpu.memory_space<vmem>> -> memref<128xi32, #tpu.memory_space<vmem>>
        %dma_wait3A_691 = arith.constant 0 : i32
        %dma_wait3A_692 = arith.constant 0 : i32
        %dma_wait3A_693 = tpu.memref_slice %arg61[%dma_wait3A_691, %dma_wait3A_692] : memref<100128x16xbf16, #tpu.memory_space<vmem_shared>> -> memref<100128x16xbf16, #tpu.memory_space<vmem_shared>>
        tpu.wait_indirect_dma semaphore(%arg67 : memref<!tpu.dma_semaphore, #tpu.memory_space<semaphore_mem>>) src(%dma_wait3A_687 : memref<128x16xbf16, #tpu.memory_space<vmem>>) dst(%dma_wait3A_693 : memref<100128x16xbf16, #tpu.memory_space<vmem_shared>>)
        %dma_wait3A_694 = arith.constant 4 : i32
        %dma_wait3A_695 = arith.constant 512 : i32
        %dma_wait3A_696 = arith.constant 0 : i32
        %dma_wait3A_697 = tpu.memref_slice %arg60[%dma_wait3A_695, %dma_wait3A_696] : memref<2048x16xbf16, #tpu.memory_space<vmem>> -> memref<128x16xbf16, #tpu.memory_space<vmem>>
        %dma_wait3A_698 = arith.constant 0 : i32
        %dma_wait3A_699 = tpu.memref_slice %arg58[%dma_wait3A_694, %dma_wait3A_698] : memref<16x128xi32, #tpu.memory_space<vmem>> -> memref<1x128xi32, #tpu.memory_space<vmem>>
        %dma_wait3A_700 = tpu.memref_squeeze %dma_wait3A_699 : memref<1x128xi32, #tpu.memory_space<vmem>> -> memref<128xi32, #tpu.memory_space<vmem>>
        %dma_wait3A_701 = arith.constant 0 : i32
        %dma_wait3A_702 = arith.constant 0 : i32
        %dma_wait3A_703 = tpu.memref_slice %arg61[%dma_wait3A_701, %dma_wait3A_702] : memref<100128x16xbf16, #tpu.memory_space<vmem_shared>> -> memref<100128x16xbf16, #tpu.memory_space<vmem_shared>>
        tpu.wait_indirect_dma semaphore(%arg67 : memref<!tpu.dma_semaphore, #tpu.memory_space<semaphore_mem>>) src(%dma_wait3A_697 : memref<128x16xbf16, #tpu.memory_space<vmem>>) dst(%dma_wait3A_703 : memref<100128x16xbf16, #tpu.memory_space<vmem_shared>>)
        %dma_wait3A_704 = arith.constant 5 : i32
        %dma_wait3A_705 = arith.constant 640 : i32
        %dma_wait3A_706 = arith.constant 0 : i32
        %dma_wait3A_707 = tpu.memref_slice %arg60[%dma_wait3A_705, %dma_wait3A_706] : memref<2048x16xbf16, #tpu.memory_space<vmem>> -> memref<128x16xbf16, #tpu.memory_space<vmem>>
        %dma_wait3A_708 = arith.constant 0 : i32
        %dma_wait3A_709 = tpu.memref_slice %arg58[%dma_wait3A_704, %dma_wait3A_708] : memref<16x128xi32, #tpu.memory_space<vmem>> -> memref<1x128xi32, #tpu.memory_space<vmem>>
        %dma_wait3A_710 = tpu.memref_squeeze %dma_wait3A_709 : memref<1x128xi32, #tpu.memory_space<vmem>> -> memref<128xi32, #tpu.memory_space<vmem>>
        %dma_wait3A_711 = arith.constant 0 : i32
        %dma_wait3A_712 = arith.constant 0 : i32
        %dma_wait3A_713 = tpu.memref_slice %arg61[%dma_wait3A_711, %dma_wait3A_712] : memref<100128x16xbf16, #tpu.memory_space<vmem_shared>> -> memref<100128x16xbf16, #tpu.memory_space<vmem_shared>>
        tpu.wait_indirect_dma semaphore(%arg67 : memref<!tpu.dma_semaphore, #tpu.memory_space<semaphore_mem>>) src(%dma_wait3A_707 : memref<128x16xbf16, #tpu.memory_space<vmem>>) dst(%dma_wait3A_713 : memref<100128x16xbf16, #tpu.memory_space<vmem_shared>>)
        %dma_wait3A_714 = arith.constant 6 : i32
        %dma_wait3A_715 = arith.constant 768 : i32
        %dma_wait3A_716 = arith.constant 0 : i32
        %dma_wait3A_717 = tpu.memref_slice %arg60[%dma_wait3A_715, %dma_wait3A_716] : memref<2048x16xbf16, #tpu.memory_space<vmem>> -> memref<128x16xbf16, #tpu.memory_space<vmem>>
        %dma_wait3A_718 = arith.constant 0 : i32
        %dma_wait3A_719 = tpu.memref_slice %arg58[%dma_wait3A_714, %dma_wait3A_718] : memref<16x128xi32, #tpu.memory_space<vmem>> -> memref<1x128xi32, #tpu.memory_space<vmem>>
        %dma_wait3A_720 = tpu.memref_squeeze %dma_wait3A_719 : memref<1x128xi32, #tpu.memory_space<vmem>> -> memref<128xi32, #tpu.memory_space<vmem>>
        %dma_wait3A_721 = arith.constant 0 : i32
        %dma_wait3A_722 = arith.constant 0 : i32
        %dma_wait3A_723 = tpu.memref_slice %arg61[%dma_wait3A_721, %dma_wait3A_722] : memref<100128x16xbf16, #tpu.memory_space<vmem_shared>> -> memref<100128x16xbf16, #tpu.memory_space<vmem_shared>>
        tpu.wait_indirect_dma semaphore(%arg67 : memref<!tpu.dma_semaphore, #tpu.memory_space<semaphore_mem>>) src(%dma_wait3A_717 : memref<128x16xbf16, #tpu.memory_space<vmem>>) dst(%dma_wait3A_723 : memref<100128x16xbf16, #tpu.memory_space<vmem_shared>>)
        %dma_wait3A_724 = arith.constant 7 : i32
        %dma_wait3A_725 = arith.constant 896 : i32
        %dma_wait3A_726 = arith.constant 0 : i32
        %dma_wait3A_727 = tpu.memref_slice %arg60[%dma_wait3A_725, %dma_wait3A_726] : memref<2048x16xbf16, #tpu.memory_space<vmem>> -> memref<128x16xbf16, #tpu.memory_space<vmem>>
        %dma_wait3A_728 = arith.constant 0 : i32
        %dma_wait3A_729 = tpu.memref_slice %arg58[%dma_wait3A_724, %dma_wait3A_728] : memref<16x128xi32, #tpu.memory_space<vmem>> -> memref<1x128xi32, #tpu.memory_space<vmem>>
        %dma_wait3A_730 = tpu.memref_squeeze %dma_wait3A_729 : memref<1x128xi32, #tpu.memory_space<vmem>> -> memref<128xi32, #tpu.memory_space<vmem>>
        %dma_wait3A_731 = arith.constant 0 : i32
        %dma_wait3A_732 = arith.constant 0 : i32
        %dma_wait3A_733 = tpu.memref_slice %arg61[%dma_wait3A_731, %dma_wait3A_732] : memref<100128x16xbf16, #tpu.memory_space<vmem_shared>> -> memref<100128x16xbf16, #tpu.memory_space<vmem_shared>>
        tpu.wait_indirect_dma semaphore(%arg67 : memref<!tpu.dma_semaphore, #tpu.memory_space<semaphore_mem>>) src(%dma_wait3A_727 : memref<128x16xbf16, #tpu.memory_space<vmem>>) dst(%dma_wait3A_733 : memref<100128x16xbf16, #tpu.memory_space<vmem_shared>>)
        %dma_wait3A_734 = arith.constant 8 : i32
        %dma_wait3A_735 = arith.constant 1024 : i32
        %dma_wait3A_736 = arith.constant 0 : i32
        %dma_wait3A_737 = tpu.memref_slice %arg60[%dma_wait3A_735, %dma_wait3A_736] : memref<2048x16xbf16, #tpu.memory_space<vmem>> -> memref<128x16xbf16, #tpu.memory_space<vmem>>
        %dma_wait3A_738 = arith.constant 0 : i32
        %dma_wait3A_739 = tpu.memref_slice %arg58[%dma_wait3A_734, %dma_wait3A_738] : memref<16x128xi32, #tpu.memory_space<vmem>> -> memref<1x128xi32, #tpu.memory_space<vmem>>
        %dma_wait3A_740 = tpu.memref_squeeze %dma_wait3A_739 : memref<1x128xi32, #tpu.memory_space<vmem>> -> memref<128xi32, #tpu.memory_space<vmem>>
        %dma_wait3A_741 = arith.constant 0 : i32
        %dma_wait3A_742 = arith.constant 0 : i32
        %dma_wait3A_743 = tpu.memref_slice %arg61[%dma_wait3A_741, %dma_wait3A_742] : memref<100128x16xbf16, #tpu.memory_space<vmem_shared>> -> memref<100128x16xbf16, #tpu.memory_space<vmem_shared>>
        tpu.wait_indirect_dma semaphore(%arg67 : memref<!tpu.dma_semaphore, #tpu.memory_space<semaphore_mem>>) src(%dma_wait3A_737 : memref<128x16xbf16, #tpu.memory_space<vmem>>) dst(%dma_wait3A_743 : memref<100128x16xbf16, #tpu.memory_space<vmem_shared>>)
        %dma_wait3A_744 = arith.constant 9 : i32
        %dma_wait3A_745 = arith.constant 1152 : i32
        %dma_wait3A_746 = arith.constant 0 : i32
        %dma_wait3A_747 = tpu.memref_slice %arg60[%dma_wait3A_745, %dma_wait3A_746] : memref<2048x16xbf16, #tpu.memory_space<vmem>> -> memref<128x16xbf16, #tpu.memory_space<vmem>>
        %dma_wait3A_748 = arith.constant 0 : i32
        %dma_wait3A_749 = tpu.memref_slice %arg58[%dma_wait3A_744, %dma_wait3A_748] : memref<16x128xi32, #tpu.memory_space<vmem>> -> memref<1x128xi32, #tpu.memory_space<vmem>>
        %dma_wait3A_750 = tpu.memref_squeeze %dma_wait3A_749 : memref<1x128xi32, #tpu.memory_space<vmem>> -> memref<128xi32, #tpu.memory_space<vmem>>
        %dma_wait3A_751 = arith.constant 0 : i32
        %dma_wait3A_752 = arith.constant 0 : i32
        %dma_wait3A_753 = tpu.memref_slice %arg61[%dma_wait3A_751, %dma_wait3A_752] : memref<100128x16xbf16, #tpu.memory_space<vmem_shared>> -> memref<100128x16xbf16, #tpu.memory_space<vmem_shared>>
        tpu.wait_indirect_dma semaphore(%arg67 : memref<!tpu.dma_semaphore, #tpu.memory_space<semaphore_mem>>) src(%dma_wait3A_747 : memref<128x16xbf16, #tpu.memory_space<vmem>>) dst(%dma_wait3A_753 : memref<100128x16xbf16, #tpu.memory_space<vmem_shared>>)
        %dma_wait3A_754 = arith.constant 10 : i32
        %dma_wait3A_755 = arith.constant 1280 : i32
        %dma_wait3A_756 = arith.constant 0 : i32
        %dma_wait3A_757 = tpu.memref_slice %arg60[%dma_wait3A_755, %dma_wait3A_756] : memref<2048x16xbf16, #tpu.memory_space<vmem>> -> memref<128x16xbf16, #tpu.memory_space<vmem>>
        %dma_wait3A_758 = arith.constant 0 : i32
        %dma_wait3A_759 = tpu.memref_slice %arg58[%dma_wait3A_754, %dma_wait3A_758] : memref<16x128xi32, #tpu.memory_space<vmem>> -> memref<1x128xi32, #tpu.memory_space<vmem>>
        %dma_wait3A_760 = tpu.memref_squeeze %dma_wait3A_759 : memref<1x128xi32, #tpu.memory_space<vmem>> -> memref<128xi32, #tpu.memory_space<vmem>>
        %dma_wait3A_761 = arith.constant 0 : i32
        %dma_wait3A_762 = arith.constant 0 : i32
        %dma_wait3A_763 = tpu.memref_slice %arg61[%dma_wait3A_761, %dma_wait3A_762] : memref<100128x16xbf16, #tpu.memory_space<vmem_shared>> -> memref<100128x16xbf16, #tpu.memory_space<vmem_shared>>
        tpu.wait_indirect_dma semaphore(%arg67 : memref<!tpu.dma_semaphore, #tpu.memory_space<semaphore_mem>>) src(%dma_wait3A_757 : memref<128x16xbf16, #tpu.memory_space<vmem>>) dst(%dma_wait3A_763 : memref<100128x16xbf16, #tpu.memory_space<vmem_shared>>)
        %dma_wait3A_764 = arith.constant 11 : i32
        %dma_wait3A_765 = arith.constant 1408 : i32
        %dma_wait3A_766 = arith.constant 0 : i32
        %dma_wait3A_767 = tpu.memref_slice %arg60[%dma_wait3A_765, %dma_wait3A_766] : memref<2048x16xbf16, #tpu.memory_space<vmem>> -> memref<128x16xbf16, #tpu.memory_space<vmem>>
        %dma_wait3A_768 = arith.constant 0 : i32
        %dma_wait3A_769 = tpu.memref_slice %arg58[%dma_wait3A_764, %dma_wait3A_768] : memref<16x128xi32, #tpu.memory_space<vmem>> -> memref<1x128xi32, #tpu.memory_space<vmem>>
        %dma_wait3A_770 = tpu.memref_squeeze %dma_wait3A_769 : memref<1x128xi32, #tpu.memory_space<vmem>> -> memref<128xi32, #tpu.memory_space<vmem>>
        %dma_wait3A_771 = arith.constant 0 : i32
        %dma_wait3A_772 = arith.constant 0 : i32
        %dma_wait3A_773 = tpu.memref_slice %arg61[%dma_wait3A_771, %dma_wait3A_772] : memref<100128x16xbf16, #tpu.memory_space<vmem_shared>> -> memref<100128x16xbf16, #tpu.memory_space<vmem_shared>>
        tpu.wait_indirect_dma semaphore(%arg67 : memref<!tpu.dma_semaphore, #tpu.memory_space<semaphore_mem>>) src(%dma_wait3A_767 : memref<128x16xbf16, #tpu.memory_space<vmem>>) dst(%dma_wait3A_773 : memref<100128x16xbf16, #tpu.memory_space<vmem_shared>>)
        %dma_wait3A_774 = arith.constant 12 : i32
        %dma_wait3A_775 = arith.constant 1536 : i32
        %dma_wait3A_776 = arith.constant 0 : i32
        %dma_wait3A_777 = tpu.memref_slice %arg60[%dma_wait3A_775, %dma_wait3A_776] : memref<2048x16xbf16, #tpu.memory_space<vmem>> -> memref<128x16xbf16, #tpu.memory_space<vmem>>
        %dma_wait3A_778 = arith.constant 0 : i32
        %dma_wait3A_779 = tpu.memref_slice %arg58[%dma_wait3A_774, %dma_wait3A_778] : memref<16x128xi32, #tpu.memory_space<vmem>> -> memref<1x128xi32, #tpu.memory_space<vmem>>
        %dma_wait3A_780 = tpu.memref_squeeze %dma_wait3A_779 : memref<1x128xi32, #tpu.memory_space<vmem>> -> memref<128xi32, #tpu.memory_space<vmem>>
        %dma_wait3A_781 = arith.constant 0 : i32
        %dma_wait3A_782 = arith.constant 0 : i32
        %dma_wait3A_783 = tpu.memref_slice %arg61[%dma_wait3A_781, %dma_wait3A_782] : memref<100128x16xbf16, #tpu.memory_space<vmem_shared>> -> memref<100128x16xbf16, #tpu.memory_space<vmem_shared>>
        tpu.wait_indirect_dma semaphore(%arg67 : memref<!tpu.dma_semaphore, #tpu.memory_space<semaphore_mem>>) src(%dma_wait3A_777 : memref<128x16xbf16, #tpu.memory_space<vmem>>) dst(%dma_wait3A_783 : memref<100128x16xbf16, #tpu.memory_space<vmem_shared>>)
        %dma_wait3A_784 = arith.constant 13 : i32
        %dma_wait3A_785 = arith.constant 1664 : i32
        %dma_wait3A_786 = arith.constant 0 : i32
        %dma_wait3A_787 = tpu.memref_slice %arg60[%dma_wait3A_785, %dma_wait3A_786] : memref<2048x16xbf16, #tpu.memory_space<vmem>> -> memref<128x16xbf16, #tpu.memory_space<vmem>>
        %dma_wait3A_788 = arith.constant 0 : i32
        %dma_wait3A_789 = tpu.memref_slice %arg58[%dma_wait3A_784, %dma_wait3A_788] : memref<16x128xi32, #tpu.memory_space<vmem>> -> memref<1x128xi32, #tpu.memory_space<vmem>>
        %dma_wait3A_790 = tpu.memref_squeeze %dma_wait3A_789 : memref<1x128xi32, #tpu.memory_space<vmem>> -> memref<128xi32, #tpu.memory_space<vmem>>
        %dma_wait3A_791 = arith.constant 0 : i32
        %dma_wait3A_792 = arith.constant 0 : i32
        %dma_wait3A_793 = tpu.memref_slice %arg61[%dma_wait3A_791, %dma_wait3A_792] : memref<100128x16xbf16, #tpu.memory_space<vmem_shared>> -> memref<100128x16xbf16, #tpu.memory_space<vmem_shared>>
        tpu.wait_indirect_dma semaphore(%arg67 : memref<!tpu.dma_semaphore, #tpu.memory_space<semaphore_mem>>) src(%dma_wait3A_787 : memref<128x16xbf16, #tpu.memory_space<vmem>>) dst(%dma_wait3A_793 : memref<100128x16xbf16, #tpu.memory_space<vmem_shared>>)
        %dma_wait3A_794 = arith.constant 14 : i32
        %dma_wait3A_795 = arith.constant 1792 : i32
        %dma_wait3A_796 = arith.constant 0 : i32
        %dma_wait3A_797 = tpu.memref_slice %arg60[%dma_wait3A_795, %dma_wait3A_796] : memref<2048x16xbf16, #tpu.memory_space<vmem>> -> memref<128x16xbf16, #tpu.memory_space<vmem>>
        %dma_wait3A_798 = arith.constant 0 : i32
        %dma_wait3A_799 = tpu.memref_slice %arg58[%dma_wait3A_794, %dma_wait3A_798] : memref<16x128xi32, #tpu.memory_space<vmem>> -> memref<1x128xi32, #tpu.memory_space<vmem>>
        %dma_wait3A_800 = tpu.memref_squeeze %dma_wait3A_799 : memref<1x128xi32, #tpu.memory_space<vmem>> -> memref<128xi32, #tpu.memory_space<vmem>>
        %dma_wait3A_801 = arith.constant 0 : i32
        %dma_wait3A_802 = arith.constant 0 : i32
        %dma_wait3A_803 = tpu.memref_slice %arg61[%dma_wait3A_801, %dma_wait3A_802] : memref<100128x16xbf16, #tpu.memory_space<vmem_shared>> -> memref<100128x16xbf16, #tpu.memory_space<vmem_shared>>
        tpu.wait_indirect_dma semaphore(%arg67 : memref<!tpu.dma_semaphore, #tpu.memory_space<semaphore_mem>>) src(%dma_wait3A_797 : memref<128x16xbf16, #tpu.memory_space<vmem>>) dst(%dma_wait3A_803 : memref<100128x16xbf16, #tpu.memory_space<vmem_shared>>)
        %dma_wait3A_804 = arith.constant 15 : i32
        %dma_wait3A_805 = arith.constant 1920 : i32
        %dma_wait3A_806 = arith.constant 0 : i32
        %dma_wait3A_807 = tpu.memref_slice %arg60[%dma_wait3A_805, %dma_wait3A_806] : memref<2048x16xbf16, #tpu.memory_space<vmem>> -> memref<128x16xbf16, #tpu.memory_space<vmem>>
        %dma_wait3A_808 = arith.constant 0 : i32
        %dma_wait3A_809 = tpu.memref_slice %arg58[%dma_wait3A_804, %dma_wait3A_808] : memref<16x128xi32, #tpu.memory_space<vmem>> -> memref<1x128xi32, #tpu.memory_space<vmem>>
        %dma_wait3A_810 = tpu.memref_squeeze %dma_wait3A_809 : memref<1x128xi32, #tpu.memory_space<vmem>> -> memref<128xi32, #tpu.memory_space<vmem>>
        %dma_wait3A_811 = arith.constant 0 : i32
        %dma_wait3A_812 = arith.constant 0 : i32
        %dma_wait3A_813 = tpu.memref_slice %arg61[%dma_wait3A_811, %dma_wait3A_812] : memref<100128x16xbf16, #tpu.memory_space<vmem_shared>> -> memref<100128x16xbf16, #tpu.memory_space<vmem_shared>>
        tpu.wait_indirect_dma semaphore(%arg67 : memref<!tpu.dma_semaphore, #tpu.memory_space<semaphore_mem>>) src(%dma_wait3A_807 : memref<128x16xbf16, #tpu.memory_space<vmem>>) dst(%dma_wait3A_813 : memref<100128x16xbf16, #tpu.memory_space<vmem_shared>>)
      } else {
      }
      %scan3A_351 = arith.constant 0 : i32
      scf.yield %scan3A_351 : i32
    }
    %scan3A_300 = arith.constant 22 : i32
    %barrier3A_301 = arith.constant 0 : index
    tpu.barrier barrier_id(%barrier3A_301)
    %mul3A_302 = arith.constant 6258 : i32
    %mul3A_303 = arith.muli %arg1, %mul3A_302 : i32
    %mul3A_304 = arith.constant 6258 : i32
    %mul3A_305 = arith.muli %arg1, %mul3A_304 : i32
    "tpu.region"() ({
      %run_scoped3A = tpu.sem_alloc : memref<!tpu.dma_semaphore, #tpu.memory_space<semaphore_mem>>
      %dma_start3A = arith.constant 0 : i32
      %dma_start3A_306 = tpu.memref_slice %arg54[%arg0, %mul3A_305, %dma_start3A] : memref<2x100128x16xbf16, #tpu.memory_space<hbm>> -> memref<1x6258x16xbf16, #tpu.memory_space<hbm>>
      %dma_start3A_307 = tpu.memref_squeeze %dma_start3A_306 : memref<1x6258x16xbf16, #tpu.memory_space<hbm>> -> memref<6258x16xbf16, #tpu.memory_space<hbm>>
      %dma_start3A_308 = arith.constant 0 : i32
      %dma_start3A_309 = tpu.memref_slice %arg61[%mul3A_303, %dma_start3A_308] : memref<100128x16xbf16, #tpu.memory_space<vmem_shared>> -> memref<6258x16xbf16, #tpu.memory_space<vmem_shared>>
      tpu.enqueue_dma source(%dma_start3A_309 : memref<6258x16xbf16, #tpu.memory_space<vmem_shared>>) target(%dma_start3A_307 : memref<6258x16xbf16, #tpu.memory_space<hbm>>) target_semaphore(%run_scoped3A : memref<!tpu.dma_semaphore, #tpu.memory_space<semaphore_mem>>)
      %dma_wait3A = arith.constant 0 : i32
      %dma_wait3A_310 = tpu.memref_slice %arg54[%arg0, %mul3A_305, %dma_wait3A] : memref<2x100128x16xbf16, #tpu.memory_space<hbm>> -> memref<1x6258x16xbf16, #tpu.memory_space<hbm>>
      %dma_wait3A_311 = tpu.memref_squeeze %dma_wait3A_310 : memref<1x6258x16xbf16, #tpu.memory_space<hbm>> -> memref<6258x16xbf16, #tpu.memory_space<hbm>>
      %dma_wait3A_312 = arith.constant 0 : i32
      %dma_wait3A_313 = tpu.memref_slice %arg61[%mul3A_303, %dma_wait3A_312] : memref<100128x16xbf16, #tpu.memory_space<vmem_shared>> -> memref<6258x16xbf16, #tpu.memory_space<vmem_shared>>
      tpu.wait_dma2 semaphore(%run_scoped3A : memref<!tpu.dma_semaphore, #tpu.memory_space<semaphore_mem>>) src(%dma_wait3A_313 : memref<6258x16xbf16, #tpu.memory_space<vmem_shared>>) dst(%dma_wait3A_311 : memref<6258x16xbf16, #tpu.memory_space<hbm>>)
      tpu.yield
    }) : () -> ()
    return
  }
}

module attributes {stable_mosaic.version = 14 : i64} {
  func.func @body(%arg0: i32, %arg1: memref<2000x16xf32, #tpu.memory_space<vmem>>, %arg2: memref<16x128xf32, #tpu.memory_space<vmem>>, %arg3: memref<1x2000x128xbf16, #tpu.memory_space<vmem>>) attributes {dimension_semantics = [#tpu.dimension_semantics<arbitrary>], iteration_bounds = array<i64: 200>, scalar_prefetch = 0 : i64, scratch_operands = 0 : i64, tpu.core_type = #tpu.core_type<tc>, window_params = [{transform_indices = @transform_0, window_bounds = array<i64: 2000, 16>}, {transform_indices = @transform_1, window_bounds = array<i64: 16, 128>}, {transform_indices = @transform_2, window_bounds = array<i64: 1, 2000, 128>}]} {
    %get3A = arith.constant 0 : index
    %get3A_0 = arith.constant 0 : index
    %get3A_1 = vector.load %arg1[%get3A, %get3A_0] : memref<2000x16xf32, #tpu.memory_space<vmem>>, vector<2000x16xf32>
    %get3A_2 = arith.constant 0 : index
    %get3A_3 = arith.constant 0 : index
    %get3A_4 = vector.load %arg2[%get3A_2, %get3A_3] : memref<16x128xf32, #tpu.memory_space<vmem>>, vector<16x128xf32>
    %dot_general3A = arith.constant dense<0.000000e+00> : vector<2000x128xf32>
    %dot_general3A_5 = tpu.matmul %get3A_1, %get3A_4, %dot_general3A {dimension_numbers = #tpu.dot_dimension_numbers<[1], [0], [0], [1], [0, 0, 1, 1], [], []>, transpose_lhs_hint = false} : vector<2000x16xf32>, vector<16x128xf32>, vector<2000x128xf32> -> vector<2000x128xf32>
    %convert_element_type3A = arith.truncf %dot_general3A_5 : vector<2000x128xf32> to vector<2000x128xbf16>
    %broadcast_in_dim3A = vector.shape_cast %convert_element_type3A : vector<2000x128xbf16> to vector<1x2000x128xbf16>
    %swap3A = arith.constant 0 : index
    %swap3A_6 = arith.constant 0 : index
    %swap3A_7 = arith.constant 0 : index
    %swap3A_8 = vector.load %arg3[%swap3A, %swap3A_6, %swap3A_7] : memref<1x2000x128xbf16, #tpu.memory_space<vmem>>, vector<1x2000x128xbf16>
    tpu.vector_store %arg3[%swap3A, %swap3A_6, %swap3A_7], %broadcast_in_dim3A {strides = array<i32>} : memref<1x2000x128xbf16, #tpu.memory_space<vmem>>, vector<1x2000x128xbf16>,
    return
  }
  func.func @transform_0(%arg0: i32) -> (i32, i32) {
    %jit3A = arith.constant 4 : i32
    %div3A = arith.divsi %arg0, %jit3A : i32
    %sign3A = arith.constant 0 : i32
    %sign3A_0 = arith.cmpi sgt, %arg0, %sign3A : i32
    %sign3A_1 = arith.extui %sign3A_0 : i1 to i32
    %sign3A_2 = arith.constant 0 : i32
    %sign3A_3 = arith.cmpi slt, %arg0, %sign3A_2 : i32
    %sign3A_4 = arith.extui %sign3A_3 : i1 to i32
    %sign3A_5 = arith.subi %sign3A_1, %sign3A_4 : i32
    %sign3A_6 = arith.constant 0 : i32
    %sign3A_7 = arith.cmpi sgt, %jit3A, %sign3A_6 : i32
    %sign3A_8 = arith.extui %sign3A_7 : i1 to i32
    %sign3A_9 = arith.constant 0 : i32
    %sign3A_10 = arith.cmpi slt, %jit3A, %sign3A_9 : i32
    %sign3A_11 = arith.extui %sign3A_10 : i1 to i32
    %sign3A_12 = arith.subi %sign3A_8, %sign3A_11 : i32
    %ne3A = arith.cmpi ne, %sign3A_5, %sign3A_12 : i32
    %rem3A = arith.remsi %arg0, %jit3A : i32
    %ne3A_13 = arith.constant 0 : i32
    %ne3A_14 = arith.cmpi ne, %rem3A, %ne3A_13 : i32
    %and3A = arith.andi %ne3A, %ne3A_14 : i1
    %sub3A = arith.constant 1 : i32
    %sub3A_15 = arith.subi %div3A, %sub3A : i32
    %select_n3A = arith.select %and3A, %sub3A_15, %div3A : i32
    %c0_i32 = arith.constant 0 : i32
    %c0_i32_16 = arith.constant 0 : i32
    return %select_n3A, %c0_i32 : i32, i32
  }
  func.func @transform_1(%arg0: i32) -> (i32, i32) {
    %jit3A = arith.constant 4 : i32
    %eq3A = arith.constant 0 : i32
    %eq3A_0 = arith.cmpi eq, %jit3A, %eq3A : i32
    %jit3A_1 = arith.constant 1 : i32
    %select_n3A = arith.select %eq3A_0, %jit3A_1, %jit3A : i32
    %rem3A = arith.remsi %arg0, %select_n3A : i32
    %ne3A = arith.constant 0 : i32
    %ne3A_2 = arith.cmpi ne, %rem3A, %ne3A : i32
    %lt3A = arith.constant 0 : i32
    %lt3A_3 = arith.cmpi slt, %rem3A, %lt3A : i32
    %lt3A_4 = arith.constant 0 : i32
    %lt3A_5 = arith.cmpi slt, %select_n3A, %lt3A_4 : i32
    %ne3A_6 = arith.xori %lt3A_3, %lt3A_5 : i1
    %and3A = arith.andi %ne3A_6, %ne3A_2 : i1
    %add3A = arith.addi %rem3A, %select_n3A : i32
    %select_n3A_7 = arith.select %and3A, %add3A, %rem3A : i32
    %c0_i32 = arith.constant 0 : i32
    %c0_i32_8 = arith.constant 0 : i32
    return %c0_i32, %select_n3A_7 : i32, i32
  }
  func.func @transform_2(%arg0: i32) -> (i32, i32, i32) {
    %jit3A = arith.constant 4 : i32
    %eq3A = arith.constant 0 : i32
    %eq3A_0 = arith.cmpi eq, %jit3A, %eq3A : i32
    %jit3A_1 = arith.constant 1 : i32
    %select_n3A = arith.select %eq3A_0, %jit3A_1, %jit3A : i32
    %rem3A = arith.remsi %arg0, %select_n3A : i32
    %ne3A = arith.constant 0 : i32
    %ne3A_2 = arith.cmpi ne, %rem3A, %ne3A : i32
    %lt3A = arith.constant 0 : i32
    %lt3A_3 = arith.cmpi slt, %rem3A, %lt3A : i32
    %lt3A_4 = arith.constant 0 : i32
    %lt3A_5 = arith.cmpi slt, %select_n3A, %lt3A_4 : i32
    %ne3A_6 = arith.xori %lt3A_3, %lt3A_5 : i1
    %and3A = arith.andi %ne3A_6, %ne3A_2 : i1
    %add3A = arith.addi %rem3A, %select_n3A : i32
    %select_n3A_7 = arith.select %and3A, %add3A, %rem3A : i32
    %jit3A_8 = arith.constant 4 : i32
    %div3A = arith.divsi %arg0, %jit3A_8 : i32
    %sign3A = arith.constant 0 : i32
    %sign3A_9 = arith.cmpi sgt, %arg0, %sign3A : i32
    %sign3A_10 = arith.extui %sign3A_9 : i1 to i32
    %sign3A_11 = arith.constant 0 : i32
    %sign3A_12 = arith.cmpi slt, %arg0, %sign3A_11 : i32
    %sign3A_13 = arith.extui %sign3A_12 : i1 to i32
    %sign3A_14 = arith.subi %sign3A_10, %sign3A_13 : i32
    %sign3A_15 = arith.constant 0 : i32
    %sign3A_16 = arith.cmpi sgt, %jit3A_8, %sign3A_15 : i32
    %sign3A_17 = arith.extui %sign3A_16 : i1 to i32
    %sign3A_18 = arith.constant 0 : i32
    %sign3A_19 = arith.cmpi slt, %jit3A_8, %sign3A_18 : i32
    %sign3A_20 = arith.extui %sign3A_19 : i1 to i32
    %sign3A_21 = arith.subi %sign3A_17, %sign3A_20 : i32
    %ne3A_22 = arith.cmpi ne, %sign3A_14, %sign3A_21 : i32
    %rem3A_23 = arith.remsi %arg0, %jit3A_8 : i32
    %ne3A_24 = arith.constant 0 : i32
    %ne3A_25 = arith.cmpi ne, %rem3A_23, %ne3A_24 : i32
    %and3A_26 = arith.andi %ne3A_22, %ne3A_25 : i1
    %sub3A = arith.constant 1 : i32
    %sub3A_27 = arith.subi %div3A, %sub3A : i32
    %select_n3A_28 = arith.select %and3A_26, %sub3A_27, %div3A : i32
    %c0_i32 = arith.constant 0 : i32
    %c0_i32_29 = arith.constant 0 : i32
    return %select_n3A_7, %select_n3A_28, %c0_i32 : i32, i32, i32
  }
}

module attributes {stable_mosaic.version = 14 : i64} {
  func.func @body(%arg0: i32, %arg1: memref<2x12516x128xbf16, #tpu.memory_space<vmem>>, %arg2: memref<12500x128xf32, #tpu.memory_space<vmem>>, %arg3: memref<1x128xf32, #tpu.memory_space<vmem>>, %arg4: memref<12500x128xf32, #tpu.memory_space<vmem>>) attributes {dimension_semantics = [#tpu.dimension_semantics<arbitrary>], iteration_bounds = array<i64: 1>, scalar_prefetch = 0 : i64, scratch_operands = 0 : i64, tpu.core_type = #tpu.core_type<tc>, window_params = [{pipeline_mode = #tpu.pipeline_mode<synchronous>, transform_indices = @transform_0, window_bounds = array<i64: 2, 12516, 128>}, {pipeline_mode = #tpu.pipeline_mode<synchronous>, transform_indices = @transform_1, window_bounds = array<i64: 12500, 128>}, {pipeline_mode = #tpu.pipeline_mode<synchronous>, transform_indices = @transform_2, window_bounds = array<i64: 1, 128>}, {pipeline_mode = #tpu.pipeline_mode<synchronous>, transform_indices = @transform_3, window_bounds = array<i64: 12500, 128>}]} {
    %get3A = arith.constant 0 : index
    %get3A_0 = arith.constant 0 : index
    %get3A_1 = arith.constant 0 : index
    %get3A_2 = vector.load %arg1[%get3A, %get3A_0, %get3A_1] : memref<2x12516x128xbf16, #tpu.memory_space<vmem>>, vector<1x12516x128xbf16>
    %get3A_3 = vector.shape_cast %get3A_2 : vector<1x12516x128xbf16> to vector<12516x128xbf16>
    %slice3A = vector.extract_strided_slice %get3A_3 {offsets = [0, 0], sizes = [12500, 128], strides = [1, 1]} : vector<12516x128xbf16> to vector<12500x128xbf16>
    %convert_element_type3A = arith.extf %slice3A : vector<12500x128xbf16> to vector<12500x128xf32>
    %get3A_4 = arith.constant 1 : index
    %get3A_5 = arith.constant 0 : index
    %get3A_6 = arith.constant 0 : index
    %get3A_7 = vector.load %arg1[%get3A_4, %get3A_5, %get3A_6] : memref<2x12516x128xbf16, #tpu.memory_space<vmem>>, vector<1x12516x128xbf16>
    %get3A_8 = vector.shape_cast %get3A_7 : vector<1x12516x128xbf16> to vector<12516x128xbf16>
    %slice3A_9 = vector.extract_strided_slice %get3A_8 {offsets = [0, 0], sizes = [12500, 128], strides = [1, 1]} : vector<12516x128xbf16> to vector<12500x128xbf16>
    %convert_element_type3A_10 = arith.extf %slice3A_9 : vector<12500x128xbf16> to vector<12500x128xf32>
    %add3A = arith.addf %convert_element_type3A, %convert_element_type3A_10 : vector<12500x128xf32>
    %get3A_11 = arith.constant 0 : index
    %get3A_12 = arith.constant 0 : index
    %get3A_13 = vector.load %arg3[%get3A_11, %get3A_12] : memref<1x128xf32, #tpu.memory_space<vmem>>, vector<1x128xf32>
    %add3A_14 = vector.broadcast %get3A_13 : vector<1x128xf32> to vector<12500x128xf32>
    %add3A_15 = arith.addf %add3A, %add3A_14 : vector<12500x128xf32>
    %max3A = arith.constant 0.000000e+00 : f32
    %max3A_16 = vector.broadcast %max3A : f32 to vector<12500x128xf32>
    %max3A_17 = arith.maximumf %add3A_15, %max3A_16 : vector<12500x128xf32>
    %get3A_18 = arith.constant 0 : index
    %get3A_19 = arith.constant 0 : index
    %get3A_20 = vector.load %arg2[%get3A_18, %get3A_19] : memref<12500x128xf32, #tpu.memory_space<vmem>>, vector<12500x128xf32>
    %mul3A = arith.mulf %max3A_17, %get3A_20 : vector<12500x128xf32>
    %swap3A = arith.constant 0 : index
    %swap3A_21 = arith.constant 0 : index
    %swap3A_22 = vector.load %arg4[%swap3A, %swap3A_21] : memref<12500x128xf32, #tpu.memory_space<vmem>>, vector<12500x128xf32>
    tpu.vector_store %arg4[%swap3A, %swap3A_21], %mul3A {strides = array<i32>} : memref<12500x128xf32, #tpu.memory_space<vmem>>, vector<12500x128xf32>,
    return
  }
  func.func @transform_0(%arg0: i32) -> (i32, i32, i32) {
    %c0_i32 = arith.constant 0 : i32
    %c0_i32_0 = arith.constant 0 : i32
    %c0_i32_1 = arith.constant 0 : i32
    %c0_i32_2 = arith.constant 0 : i32
    return %c0_i32, %c0_i32_0, %c0_i32_1 : i32, i32, i32
  }
  func.func @transform_1(%arg0: i32) -> (i32, i32) {
    %c0_i32 = arith.constant 0 : i32
    %c0_i32_0 = arith.constant 0 : i32
    %c0_i32_1 = arith.constant 0 : i32
    return %c0_i32, %c0_i32_0 : i32, i32
  }
  func.func @transform_2(%arg0: i32) -> (i32, i32) {
    %c0_i32 = arith.constant 0 : i32
    %c0_i32_0 = arith.constant 0 : i32
    %c0_i32_1 = arith.constant 0 : i32
    return %c0_i32, %c0_i32_0 : i32, i32
  }
  func.func @transform_3(%arg0: i32) -> (i32, i32) {
    %c0_i32 = arith.constant 0 : i32
    %c0_i32_0 = arith.constant 0 : i32
    %c0_i32_1 = arith.constant 0 : i32
    return %c0_i32, %c0_i32_0 : i32, i32
  }
}

</mosaic_0001>

<sc_bundles>
// kernel: kernel.5.cloned.1.call-start
scs
__scs_entry_jumppad:
0x0: {  	(pc) =	sbr.rel $0x88, $3  }
0x1: {  	(tag) =	ssettag $0x0;
	lr =	simm.s32 $0x1  }
0x2: {  	[smem:$0x3F6C] =	sst lr;
	_ =	strace $0xD0000000  }
0x3: {  	_ = 	snop  }
0x4: {  	_ = 	snop  }
0x5: {  	_ = 	snop  }
0x6: {  	_ = 	snop  }
0x7: {  	_ = 	snop  }
__scs_overlays_trampoline_lowered:
0x8: {  	[smem:$0x3F7B] =	sst s0  }
0x9: {  	[smem:$0x3F7C] =	sst s1  }
0xa: {  	[smem:$0x3F7D] =	sst s2  }
0xb: {  	[smem:$0x3F7E] =	sst s3  }
0xc: {  	[smem:$0x3F7F] =	sst s4  }
0xd: {  	[smem:$0x3F80] =	sst s5  }
0xe: {  	[smem:$0x3F81] =	sst s6  }
0xf: {  	[smem:$0x3F82] =	sst s7  }
0x10: {  	[smem:$0x3F83] =	sst s8  }
0x11: {  	[smem:$0x3F84] =	sst s9;
	s0 =	simm.s32 @!p0 $0x0  }
0x12: {  	s1 =	sld [smem:$0x3F6A];
	s0 =	simm.s32 @p0 $0x1  }
0x13: {  	[smem:$0x3F85] =	sst s0;
	s0 =	simm.s32 @!p1 $0x0  }
0x14: {  	s2 =	sld [smem:$0x3F69];
	s0 =	simm.s32 @p1 $0x1  }
0x15: {  	[smem:$0x3F86] =	sst s0;
	s0 =	simm.s32 @!p2 $0x0  }
0x16: {  	s3 =	sld [smem:$0x3FDB];
	s0 =	simm.s32 @p2 $0x1  }
0x17: {  	s4 =	simm.s32 $0x1BF5;
	[smem:$0x3F88] =	sst s0  }
0x18: {  	s0 =	sld [smem:$0x3F6B];
	_ =	swait.ge [sflag:s4], $0x0  }
0x19: {  	s7 =	sld [smem:$0x3F6C]  }
0x1a: {  	s8 =	sadd.s32 $0xFFFFE003, lr  }
0x1b: {  	s9 =	sadd.s32 $0xFFFFFEF7, lr;
	s5 =	simm.s32 $0xFFFFFFFF;
	p2 =	slt.u32 s8, $0xFFFFF086  }
0x1c: {  	p1 =	slt.u32 s9, $0xF7A;
	s5 =	simm.s32 @!p2 $0x0  }
0x1d: {  	s5 =	simm.s32 @p1 $0x1;
	p0 =	seq.s32 s7, s2  }
0x1e: {  	s7 =	smul.u32 @!p0 $0xF7A, s2;
	p2 =	seq.s32 @!p0 s5, $0x0  }
0x1f: {  	s9 =	smul.u32 $0xF7A, s1;
	s8 =	simm.s32 @!p0 $0x1BF5;
	p2 =	por !p2, p0  }
0x20: {  	[sflag:s8] =	ssyncset.s32 @!p0 $0xFFFFF086;
	s6 =	sadd.s32 @!p0 s3, s7;
	s7 =	simm.s32 @!p0 $0x108  }
0x21: {  	s3 =	sadd.s32 s3, s9;
	s6 =	sadd.s32 @!p0 $0x88, s6;
	s7 =	simm.s32 @p2 $0x1082  }
0x22: {  	[simem:s7], [sflag:s8] =	dma.local @!p0 [hbm:s6], $0xF7A  }
0x23: {  	s9 =	sor.u32 $0xD0000000, s2;
	s6 =	simm.s32 $0x108;
	_ =	swait.ge @!p0 [sflag:s8], $0x0  }
0x24: {  	s3 =	sadd.s32 $0x88, s3;
	s6 =	simm.s32 @!p1 $0x1082;
	[sflag:s4] =	ssyncset.s32 $0xFFFFF086  }
0x25: {  	[simem:s6], [sflag:s4] =	dma.local [hbm:s3], $0xF7A  }
0x26: {  	[smem:$0x3F6C] =	sst s1;
	(tag) =	ssettag s2;
	_ =	strace s9  }
0x27: {  	s1 =	sld [smem:$0x3F7C]  }
0x28: {  	s2 =	sld [smem:$0x3F7D]  }
0x29: {  	s4 =	sld [smem:$0x3F7F]  }
0x2a: {  	p0 =	seq.s32 s5, $0x0;
	s5 =	sld [smem:$0x3F80]  }
0x2b: {  	s6 =	sld [smem:$0x3F81]  }
0x2c: {  	s7 =	sld [smem:$0x3F82]  }
0x2d: {  	s3 =	simm.s32 $0x108;
	s8 =	sld [smem:$0x3F83]  }
0x2e: {  	s3 =	simm.s32 @!p0 $0x1082;
	s9 =	sld [smem:$0x3F84]  }
0x2f: {  	lr =	sadd.s32 s0, s3;
	s0 =	sld [smem:$0x3F7B]  }
0x30: {  	s3 =	sld [smem:$0x3F7E]  }
0x31: {  	[smem:$0x3F87] =	sst s10  }
0x32: {  	s10 =	sld [smem:$0x3F85];
	_ =	sdelay $0x3  }
0x33: {  	p0 =	seq.s32 s10, $0x1;
	s10 =	sld [smem:$0x3F87];
	_ =	sdelay $0x3  }
0x34: {  	[smem:$0x3F87] =	sst s10  }
0x35: {  	s10 =	sld [smem:$0x3F86];
	_ =	sdelay $0x3  }
0x36: {  	p1 =	seq.s32 s10, $0x1;
	s10 =	sld [smem:$0x3F87];
	_ =	sdelay $0x3  }
0x37: {  	[smem:$0x3F87] =	sst s10  }
0x38: {  	s10 =	sld [smem:$0x3F88]  }
0x39: {  	_ = 	snop;
	(pc) =	sbr.ind lr, $3  }
0x3a: {  	_ = 	snop  }
0x3b: {  	_ = 	snop  }
0x3c: {  	p2 =	seq.s32 s10, $0x1;
	s10 =	sld [smem:$0x3F87]  }
0x3d: {  	_ =	shalt  }
0x3e: {  	_ =	shalt  }
0x3f: {  	_ =	shalt  }
0x40: {  	_ =	shalt  }
0x41: {  	_ =	shalt  }
0x42: {  	_ =	shalt  }
0x43: {  	_ =	shalt  }
0x44: {  	_ =	shalt  }
0x45: {  	_ =	shalt  }
0x46: {  	_ =	shalt  }
0x47: {  	_ =	shalt  }
0x48: {  	_ =	shalt  }
0x49: {  	_ =	shalt  }
0x4a: {  	_ =	shalt  }
0x4b: {  	_ =	shalt  }
0x4c: {  	_ =	shalt  }
0x4d: {  	_ =	shalt  }
0x4e: {  	_ =	shalt  }
0x4f: {  	_ =	shalt  }
0x50: {  	_ =	shalt  }
0x51: {  	_ =	shalt  }
0x52: {  	_ =	shalt  }
0x53: {  	_ =	shalt  }
0x54: {  	_ =	shalt  }
0x55: {  	_ =	shalt  }
0x56: {  	_ =	shalt  }
0x57: {  	_ =	shalt  }
0x58: {  	_ =	shalt  }
0x59: {  	_ =	shalt  }
0x5a: {  	_ =	shalt  }
0x5b: {  	_ =	shalt  }
0x5c: {  	_ =	shalt  }
0x5d: {  	_ =	shalt  }
0x5e: {  	_ =	shalt  }
0x5f: {  	_ =	shalt  }
0x60: {  	_ =	shalt  }
0x61: {  	_ =	shalt  }
0x62: {  	_ =	shalt  }
0x63: {  	_ =	shalt  }
0x64: {  	_ =	shalt  }
0x65: {  	_ =	shalt  }
0x66: {  	_ =	shalt  }
0x67: {  	_ =	shalt  }
0x68: {  	_ =	shalt  }
0x69: {  	_ =	shalt  }
0x6a: {  	_ =	shalt  }
0x6b: {  	_ =	shalt  }
0x6c: {  	_ =	shalt  }
0x6d: {  	_ =	shalt  }
0x6e: {  	_ =	shalt  }
0x6f: {  	_ =	shalt  }
0x70: {  	_ =	shalt  }
0x71: {  	_ =	shalt  }
0x72: {  	_ =	shalt  }
0x73: {  	_ =	shalt  }
0x74: {  	_ =	shalt  }
0x75: {  	_ =	shalt  }
0x76: {  	_ =	shalt  }
0x77: {  	_ =	shalt  }
0x78: {  	_ =	shalt  }
0x79: {  	_ =	shalt  }
0x7a: {  	_ =	shalt  }
0x7b: {  	_ =	shalt  }
0x7c: {  	_ =	shalt  }
0x7d: {  	_ =	shalt  }
0x7e: {  	_ =	shalt  }
0x7f: {  	_ =	shalt  }
0x80: {  	_ =	shalt  }
0x81: {  	_ =	shalt  }
0x82: {  	_ =	shalt  }
0x83: {  	_ =	shalt  }
0x84: {  	_ =	shalt  }
0x85: {  	_ =	shalt  }
0x86: {  	_ =	shalt  }
0x87: {  	_ =	shalt  }
.Lfunc_end0:
.L_simem_size_0:
called_computation.1_lowered:
.L_overlay_start_0:
0x88: {  	s1 =	sld [smem:$0x3FD9]  }
0x89: {  	s3 =	sld [smem:$0x3FFE];
	_ =	sdelay $0x1  }
0x8a: {  	s5 =	srdreg.scid  }
0x8b: {  	s4 =	sand.u32 $0x1, s5  }
0x8c: {  	s13 =	sshll.u32 s4, $0xA;
	s1 =	sadd.s32 s3, s1  }
0x8d: {  	s1 =	sadd.s32 s1, s13  }
0x8e: {  	[smem:$0x3F93] =	sst s1  }
0x8f: {  	_ = 	snop  }
0x90: {  	s16 =	sld [smem:$0x3FBD]  }
0x91: {  	s3 =	sld [smem:$0x3FBC]  }
0x92: {  	s17 =	sld [smem:$0x3FBB]  }
0x93: {  	s18 =	sld [smem:$0x3FBA]  }
0x94: {  	s6 =	sld [smem:$0x3FB9]  }
0x95: {  	s7 =	sld [smem:$0x3FB8]  }
0x96: {  	s8 =	sld [smem:$0x3FB7]  }
0x97: {  	s9 =	sld [smem:$0x3FB6]  }
0x98: {  	s10 =	sld [smem:$0x3FB5]  }
0x99: {  	s11 =	sld [smem:$0x3FB4]  }
0x9a: {  	s12 =	sld [smem:$0x3FB3]  }
0x9b: {  	s13 =	sld [smem:$0x3FB2]  }
0x9c: {  	s15 =	sld [smem:$0x3FB1]  }
0x9d: {  	s26 =	sld [smem:$0x3FB0]  }
0x9e: {  	s28 =	sld [smem:$0x3FAF]  }
0x9f: {  	s29 =	sld [smem:$0x3FAE]  }
0xa0: {  	s30 =	sld [smem:$0x3FAD]  }
0xa1: {  	s31 =	sld [smem:$0x3FAC]  }
0xa2: {  	s20 =	sld [smem:$0x3FAA]  }
0xa3: {  	s21 =	sld [smem:$0x3FA9]  }
0xa4: {  	s22 =	sld [smem:$0x3FA8]  }
0xa5: {  	s23 =	sld [smem:$0x3FA7]  }
0xa6: {  	s24 =	sld [smem:$0x3FA6]  }
0xa7: {  	s25 =	sld [smem:$0x3FA5];
	(tm) =	ssettm $0x1  }
0xa8: {  	s14 =	sld [smem:$0x3FFB];
	_ =	sdelay $0x3  }
0xa9: {  	_ =	strace s14  }
0xaa: {  	s1 =	sld [smem:$0x3FFC];
	_ =	sdelay $0x3  }
0xab: {  	_ =	strace s1  }
0xac: {  	s1 =	sld [smem:$0x3FFD];
	_ =	sdelay $0x3  }
0xad: {  	_ =	strace s1  }
0xae: {  	_ =	strace $0x8FFFFFFF  }
0xaf: {  	s2 =	sld [smem:$0x3FDB];
	_ =	sdelay $0x1  }
0xb0: {  	s0 =	simm.s32 $_size__tile_task_arg_handler_lowered  }
0xb1: {  	s19 =	simm.s32 $_tile_task_arg_handler_lowered;
	s14 =	simm.s32 $_scs_section_size  }
0xb2: {  	s0 =	sshll.u32 s0, $0x1;
	s1 =	sshll.u32 s19, $0x1;
	s2 =	sadd.s32 s14, s2  }
0xb3: {  	s19 =	simm.s32 $0x60;
	s14 =	simm.s32 $0x1BFF;
	s1 =	sadd.s32 s1, s2  }
0xb4: {  	[timem:s19], [sflag:s14] =	dma.local [hbm:s1], s0  }
0xb5: {  	_ =	swait.ge [sflag:s14], s0  }
0xb6: {  	s19 =	simm.s32 $_tile_overlayer_lowered;
	s0 =	ssub.s32 $0x0, s0;
	[sflag:s14] =	ssyncset.done $0x0  }
0xb7: {  	[sflag:s14] =	ssyncadd.s32 s0;
	s0 =	sshll.u32 s19, $0x1;
	s19 =	simm.s32 $_size__tile_overlayer_lowered  }
0xb8: {  	s1 =	sshll.u32 s19, $0x1;
	s19 =	sadd.s32 s0, s2;
	s0 =	simm.s32 $0x0  }
0xb9: {  	[timem:s0], [sflag:s14] =	dma.local [hbm:s19], s1  }
0xba: {  	_ =	swait.ge [sflag:s14], s1  }
0xbb: {  	s1 =	ssub.s32 $0x0, s1;
	[sflag:s14] =	ssyncset.done $0x0  }
0xbc: {  	[sflag:s14] =	ssyncadd.s32 s1;
	_ =	sdelay $0x1  }
0xbd: {  	s19 =	simm.s32 $0x1B8B  }
0xbe: {  	_ =	swait.ge [sflag:s19], $0x1  }
0xbf: {  	[sflag:s19] =	ssyncset.done $0x0  }
0xc0: {  	s14 =	simm.s32 $0x1B8E;
	s1 =	sld [smem:$0x3FFE];
	[sflag:s19] =	ssyncadd.s32 $0xFFFFFFFF  }
0xc1: {  	s19 =	simm.s32 $execute0_lowered;
	[smem:$0x3FD2] =	sst s14  }
0xc2: {  	s14 =	sshll.u32 s19, $0x1;
	_ =	strace $0x80000049;
	[dreg:$0x1] =	wrdreg $0xFFFFFFFF  }
0xc3: {  	s19 =	simm.s32 $_size_execute0_lowered;
	s2 =	sadd.s32 s2, s14;
	[dreg:$0x0] =	wrdreg $0x0  }
0xc4: {  	s19 =	sshll.u32 s19, $0x1;
	[dreg:$0x2] =	wrdreg s2  }
0xc5: {  	[dreg:$0x3] =	wrdreg s19  }
0xc6: {  	[dreg:$0x4] =	wrdreg $0xC0  }
0xc7: {  	_ =	task [dreg:s0], $0x5FFFF  }
0xc8: {  	[dreg:$0x1] =	wrdreg $0xFFFFFFFF  }
0xc9: {  	[dreg:$0x0] =	wrdreg $0x30  }
0xca: {  	[dreg:$0x2] =	wrdreg $0x0  }
0xcb: {  	[dreg:$0x3] =	wrdreg s16  }
0xcc: {  	[dreg:$0x4] =	wrdreg s3  }
0xcd: {  	[dreg:$0x5] =	wrdreg s17  }
0xce: {  	[dreg:$0x6] =	wrdreg s18  }
0xcf: {  	[dreg:$0x7] =	wrdreg s6  }
0xd0: {  	[dreg:$0x8] =	wrdreg s7  }
0xd1: {  	[dreg:$0x9] =	wrdreg s8  }
0xd2: {  	[dreg:$0xa] =	wrdreg s9  }
0xd3: {  	[dreg:$0xb] =	wrdreg s10  }
0xd4: {  	[dreg:$0xc] =	wrdreg s11  }
0xd5: {  	[dreg:$0xd] =	wrdreg s12  }
0xd6: {  	[dreg:$0xe] =	wrdreg s13  }
0xd7: {  	[dreg:$0xf] =	wrdreg s15  }
0xd8: {  	_ =	task [dreg:s0], $0x10FFFF  }
0xd9: {  	[dreg:$0x1] =	wrdreg $0xFFFFFFFF  }
0xda: {  	[dreg:$0x0] =	wrdreg $0x30  }
0xdb: {  	[dreg:$0x2] =	wrdreg $0xD  }
0xdc: {  	[dreg:$0x3] =	wrdreg s26  }
0xdd: {  	[dreg:$0x4] =	wrdreg s28  }
0xde: {  	[dreg:$0x5] =	wrdreg s29  }
0xdf: {  	s29 =	sld [smem:$0x3FAB]  }
0xe0: {  	[dreg:$0x6] =	wrdreg s30  }
0xe1: {  	s30 =	sld [smem:$0x3FA4]  }
0xe2: {  	[dreg:$0x7] =	wrdreg s31  }
0xe3: {  	[dreg:$0x8] =	wrdreg s29  }
0xe4: {  	[dreg:$0x9] =	wrdreg s20  }
0xe5: {  	[dreg:$0xa] =	wrdreg s21  }
0xe6: {  	[dreg:$0xb] =	wrdreg s22  }
0xe7: {  	[dreg:$0xc] =	wrdreg s23  }
0xe8: {  	[dreg:$0xd] =	wrdreg s24  }
0xe9: {  	[dreg:$0xe] =	wrdreg s25  }
0xea: {  	[dreg:$0xf] =	wrdreg s30  }
0xeb: {  	_ =	task [dreg:s0], $0x10FFFF  }
0xec: {  	[dreg:$0x1] =	wrdreg $0xFFFFFFFF  }
0xed: {  	s31 =	sld [smem:$0x3FA3]  }
0xee: {  	s3 =	sld [smem:$0x3FA2]  }
0xef: {  	s6 =	sld [smem:$0x3FA1]  }
0xf0: {  	s7 =	sld [smem:$0x3FA0]  }
0xf1: {  	s8 =	sld [smem:$0x3F9F]  }
0xf2: {  	s9 =	sld [smem:$0x3F9E]  }
0xf3: {  	s10 =	sld [smem:$0x3F9D]  }
0xf4: {  	s11 =	sld [smem:$0x3F9C]  }
0xf5: {  	s12 =	sld [smem:$0x3F9B]  }
0xf6: {  	s13 =	sld [smem:$0x3F9A]  }
0xf7: {  	[dreg:$0x0] =	wrdreg $0x30  }
0xf8: {  	[dreg:$0x2] =	wrdreg $0x1A  }
0xf9: {  	[dreg:$0x3] =	wrdreg s31  }
0xfa: {  	[dreg:$0x4] =	wrdreg s3  }
0xfb: {  	[dreg:$0x5] =	wrdreg s6  }
0xfc: {  	[dreg:$0x6] =	wrdreg s7  }
0xfd: {  	[dreg:$0x7] =	wrdreg s8  }
0xfe: {  	[dreg:$0x8] =	wrdreg s9  }
0xff: {  	[dreg:$0x9] =	wrdreg s10  }
0x100: {  	[dreg:$0xa] =	wrdreg s11  }
0x101: {  	[dreg:$0xb] =	wrdreg s12  }
0x102: {  	[dreg:$0xc] =	wrdreg s13  }
0x103: {  	[dreg:$0xd] =	wrdreg $0xA0000  }
0x104: {  	[dreg:$0xe] =	wrdreg $0x9  }
0x105: {  	_ =	task [dreg:s0], $0xFFFFF  }
0x106: {  	[dreg:$0x1] =	wrdreg $0xFFFFFFFF  }
0x107: {  	s14 =	sld [smem:$0x3FD0]  }
0x108: {  	s15 =	sld [smem:$0x3FC9]  }
0x109: {  	s16 =	sld [smem:$0x3FC8]  }
0x10a: {  	s17 =	sld [smem:$0x3FC7]  }
0x10b: {  	s18 =	sld [smem:$0x3FC6]  }
0x10c: {  	s19 =	sld [smem:$0x3FC5]  }
0x10d: {  	s20 =	sld [smem:$0x3FC4]  }
0x10e: {  	s21 =	sld [smem:$0x3FC3]  }
0x10f: {  	s22 =	sld [smem:$0x3FC2]  }
0x110: {  	s23 =	sld [smem:$0x3FC1]  }
0x111: {  	s24 =	sld [smem:$0x3FC0]  }
0x112: {  	s25 =	sld [smem:$0x3FBF]  }
0x113: {  	s26 =	sld [smem:$0x3FBE]  }
0x114: {  	[dreg:$0x0] =	wrdreg $0x60  }
0x115: {  	[dreg:$0x2] =	wrdreg s1  }
0x116: {  	[dreg:$0x3] =	wrdreg s14  }
0x117: {  	[dreg:$0x4] =	wrdreg s15  }
0x118: {  	[dreg:$0x5] =	wrdreg s16  }
0x119: {  	[dreg:$0x6] =	wrdreg s17  }
0x11a: {  	[dreg:$0x7] =	wrdreg s18  }
0x11b: {  	[dreg:$0x8] =	wrdreg s19  }
0x11c: {  	[dreg:$0x9] =	wrdreg s20  }
0x11d: {  	[dreg:$0xa] =	wrdreg s21  }
0x11e: {  	[dreg:$0xb] =	wrdreg s22  }
0x11f: {  	[dreg:$0xc] =	wrdreg s23  }
0x120: {  	[dreg:$0xd] =	wrdreg s24  }
0x121: {  	[dreg:$0xe] =	wrdreg s25  }
0x122: {  	[dreg:$0xf] =	wrdreg s26  }
0x123: {  	_ =	task.clear_ibuf [dreg:s0], $0x10FFFF;
	_ =	strace $0x90000049  }
0x124: {  	s28 =	simm.s32 $0x9;
	_ =	strace $0x8000004B  }
0x125: {  	_ =	swait.ge [sflag:s28], $0x1  }
0x126: {  	[sflag:s28] =	ssyncadd.s32 $0xFFFFFFFF  }
0x127: {  	_ =	strace $0x9000004B  }
0x128: {  	_ =	sfence  }
0x129: {  	s29 =	sld [smem:$0x0];
	_ =	sdelay $0x2  }
0x12a: {  	s30 =	sshll.u32 s5, $0xD;
	s31 =	sshrl.u32 s5, $0x2  }
0x12b: {  	s2 =	sand.u32 $0x4000, s30;
	s1 =	sadd.s32 s31, s29  }
0x12c: {  	s2 =	sor.u32 s2, s4;
	s1 =	sshll.u32 s1, $0x11  }
0x12d: {  	s1 =	sor.u32 s1, s2  }
0x12e: {  	s1 =	sadd.s32 $0x8F2B, s1  }
0x12f: {  	[sflag:s1] =	ssyncadd.remote.s32 $0x1  }
0x130: {  	_ =	sfence.sel $0xFFFF  }
0x131: {  	[dreg:$0x0] =	wrdreg $0xFFFFFFFF;
	(pc) =	sbr.abs _section_cstart, $3  }
0x132: {  	[dreg:$0x1] =	wrdreg $0xFFFFFFFF  }
0x133: {  	_ =	task.clear_ibuf [dreg:s0], $0x2FFFF;
	_ =	strace $0x9FFFFFFF  }
0x134: {  	(tm) =	ssettm $0x7FFFFFFF  }
0x135: {  	_ =	shalt  }
tec
_tile_task_arg_handler_lowered:
.L_overlay_start_1:
0x0: {  	(tag) =	ssettag $0x1  }
0x1: {  	s0 =	rddreg [dreg:$0x0]  }
0x2: {  	s1 =	rddreg [dreg:$0x1]  }
0x3: {  	s2 =	rddreg [dreg:$0x2]  }
0x4: {  	s3 =	rddreg [dreg:$0x3]  }
0x5: {  	s4 =	rddreg [dreg:$0x4]  }
0x6: {  	s5 =	rddreg [dreg:$0x5]  }
0x7: {  	s6 =	rddreg [dreg:$0x6]  }
0x8: {  	s7 =	rddreg [dreg:$0x7]  }
0x9: {  	s8 =	rddreg [dreg:$0x8]  }
0xa: {  	s9 =	rddreg [dreg:$0x9]  }
0xb: {  	s10 =	rddreg [dreg:$0xa]  }
0xc: {  	s11 =	rddreg [dreg:$0xb]  }
0xd: {  	s12 =	rddreg [dreg:$0xc]  }
0xe: {  	s13 =	rddreg [dreg:$0xd]  }
0xf: {  	[smem:s0] =	sst s1  }
0x10: {  	[smem:s0+$0x1] =	sst s2  }
0x11: {  	[smem:s0+$0x2] =	sst s3  }
0x12: {  	[smem:s0+$0x3] =	sst s4  }
0x13: {  	[smem:s0+$0x4] =	sst s5  }
0x14: {  	[smem:s0+$0x5] =	sst s6  }
0x15: {  	[smem:s0+$0x6] =	sst s7  }
0x16: {  	[smem:s0+$0x7] =	sst s8  }
0x17: {  	[smem:s0+$0x8] =	sst s9  }
0x18: {  	[smem:s0+$0x9] =	sst s10  }
0x19: {  	[smem:s0+$0xA] =	sst s11  }
0x1a: {  	[smem:s0+$0xB] =	sst s12  }
0x1b: {  	[smem:s0+$0xC] =	sst s13;
	_ =	shalt  }
.Lfunc_end2:
execute0_lowered:
.L_overlay_start_2:
0x1c: {  	(tag) =	ssettag $0x2  }
0x1d: {  	s0 =	rddreg [dreg:$0x0];
	s13 =	simm.s32 $0x0  }
0x1e: {  	[smem:$0x7FF] =	sst s13  }
0x1f: {  	s1 =	sld [smem:$0x0]  }
0x20: {  	s26 =	sld [smem:$0x1]  }
0x21: {  	s2 =	sld [smem:$0x2]  }
0x22: {  	s3 =	sld [smem:$0x3]  }
0x23: {  	s4 =	sld [smem:$0x4]  }
0x24: {  	s5 =	sld [smem:$0x5]  }
0x25: {  	s6 =	sld [smem:$0x6]  }
0x26: {  	s7 =	sld [smem:$0x7]  }
0x27: {  	s8 =	sld [smem:$0x8]  }
0x28: {  	s9 =	sld [smem:$0x9]  }
0x29: {  	s10 =	sld [smem:$0xA]  }
0x2a: {  	s11 =	sld [smem:$0xB]  }
0x2b: {  	s12 =	sld [smem:$0xC]  }
0x2c: {  	s14 =	sld [smem:$0xD]  }
0x2d: {  	s15 =	sld [smem:$0xE]  }
0x2e: {  	s16 =	sld [smem:$0xF]  }
0x2f: {  	s17 =	sld [smem:$0x10]  }
0x30: {  	s18 =	sld [smem:$0x11]  }
0x31: {  	s19 =	sld [smem:$0x12]  }
0x32: {  	s20 =	sld [smem:$0x13]  }
0x33: {  	s21 =	sld [smem:$0x14]  }
0x34: {  	s22 =	sld [smem:$0x15]  }
0x35: {  	s23 =	sld [smem:$0x16]  }
0x36: {  	s24 =	sld [smem:$0x17]  }
0x37: {  	s25 =	sld [smem:$0x18]  }
0x38: {  	[dreg:$0xe] =	wrdreg s1  }
0x39: {  	[dreg:$0xf] =	wrdreg s26  }
0x3a: {  	[dreg:$0x10] =	wrdreg s2  }
0x3b: {  	[dreg:$0x11] =	wrdreg s3  }
0x3c: {  	[dreg:$0x12] =	wrdreg s4  }
0x3d: {  	[dreg:$0x13] =	wrdreg s5  }
0x3e: {  	[dreg:$0x14] =	wrdreg s6  }
0x3f: {  	[dreg:$0x15] =	wrdreg s7  }
0x40: {  	[dreg:$0x16] =	wrdreg s8  }
0x41: {  	[dreg:$0x17] =	wrdreg s9  }
0x42: {  	[dreg:$0x18] =	wrdreg s10  }
0x43: {  	[dreg:$0x19] =	wrdreg s11  }
0x44: {  	[dreg:$0x1a] =	wrdreg s12  }
0x45: {  	[dreg:$0x1b] =	wrdreg s14  }
0x46: {  	[dreg:$0x1c] =	wrdreg s15  }
0x47: {  	[dreg:$0x1d] =	wrdreg s16  }
0x48: {  	[dreg:$0x1e] =	wrdreg s17  }
0x49: {  	[dreg:$0x1f] =	wrdreg s18  }
0x4a: {  	[smem:$0x7E2] =	sst s19  }
0x4b: {  	[smem:$0x7E3] =	sst s20  }
0x4c: {  	[smem:$0x7E4] =	sst s21  }
0x4d: {  	[smem:$0x7E5] =	sst s22  }
0x4e: {  	[smem:$0x7E6] =	sst s23  }
0x4f: {  	[smem:$0x7E7] =	sst s24  }
0x50: {  	[smem:$0x7E8] =	sst s25  }
0x51: {  	s26 =	sld [smem:$0x19]  }
0x52: {  	s2 =	sld [smem:$0x1A]  }
0x53: {  	s3 =	sld [smem:$0x1B]  }
0x54: {  	s4 =	sld [smem:$0x1C]  }
0x55: {  	s5 =	sld [smem:$0x1D]  }
0x56: {  	s6 =	sld [smem:$0x1E]  }
0x57: {  	s8 =	sld [smem:$0x20]  }
0x58: {  	s11 =	sld [smem:$0x22]  }
0x59: {  	s12 =	sld [smem:$0x23]  }
0x5a: {  	s21 =	sld [smem:$0x24]  }
0x5b: {  	s15 =	sld [smem:$0x25]  }
0x5c: {  	[smem:$0x7E9] =	sst s26  }
0x5d: {  	[smem:$0x7EA] =	sst s2  }
0x5e: {  	[smem:$0x7EB] =	sst s3  }
0x5f: {  	[smem:$0x7EC] =	sst s4  }
0x60: {  	s30 =	simm.s32 $0x3;
	s29 =	simm.s32 $0x3C00;
	[smem:$0x7ED] =	sst s5  }
0x61: {  	s31 =	simm.s32 $0x4000;
	s7 =	srdreg.scid;
	[smem:$0x7EE] =	sst s6  }
0x62: {  	s1 =	sand.u32 $0x1, s7;
	s7 =	stileid.u32;
	s2 =	sld [smem:$0x1F]  }
0x63: {  	s28 =	simm.s32 $0x5C00;
	s9 =	smul.u32 $0x2A300, s1;
	[smem:$0x7F0] =	sst s8  }
0x64: {  	s22 =	sadd.s32 $0x494A00, s0;
	s14 =	smul.u32 $0x18720, s7;
	s4 =	sld [smem:$0x21]  }
0x65: {  	s3 =	ssub.s32 $0x2, s1;
	s1 =	smul.u32 $0x187200, s1;
	[smem:$0x7F2] =	sst s11  }
0x66: {  	[smem:$0x7F3] =	sst s12;
	s5 =	smul.u32 $0x30E40, s7;
	s6 =	sshll.u32 s7, $0x8  }
0x67: {  	[smem:$0x7F4] =	sst s15;
	s26 =	sor.u32 $0x10, s7;
	s8 =	simm.s32 $0x4  }
0x68: {  	s12 =	simm.s32 $0x6;
	s11 =	simm.s32 $0x1000;
	s10 =	sshrl.u32 s3, $0x1  }
0x69: {  	s15 =	simm.s32 $0x4C00;
	s3 =	ssub.s32 s3, s10;
	s1 =	sadd.s32 s14, s1  }
0x6a: {  	s5 =	sshrl.u32 s5, $0x2;
	s10 =	simm.s32 $0x4800;
	[smem:$0x7EF] =	sst s2  }
0x6b: {  	[smem:$0x7F1] =	sst s4;
	s2 =	sadd.s32 s9, s0;
	s1 =	sshrl.u32 s1, $0x4  }
0x6c: {  	s4 =	sshrl.u32 s14, $0x1;
	s5 =	sadd.s32 s5, s21;
	s19 =	smax.u32 s3, $0x1  }
0x6d: {  	s14 =	simm.s32 $0x2800;
	s2 =	sadd.s32 s6, s2;
	_ =	strace $0x8000004A  }
0x6e: {  	s1 =	sadd.s32 s1, s0;
	s16 =	sadd.s32 s4, s21;
	[smem:$0x7F7] =	sst s19  }
0x6f: {  	s17 =	sadd.s32 $0x4000, s5;
	s18 =	sadd.s32 $0x8000, s5;
	[smem:$0x7FD] =	sst s26  }
0x70: {  	s5 =	sadd.s32 $0xC000, s5;
	s19 =	simm.s32 $0x5000;
	[smem:$0x7F5] =	sst s16  }
0x71: {  	s4 =	simm.s32 $0x1;
	s1 =	sadd.s32 $0x187600, s1;
	s20 =	sadd.s32 $0x7A1E00, s2  }
0x72: {  	s26 =	simm.s32 $0x5800;
	s23 =	sadd.s32 $0x7F6400, s2;
	[smem:$0x7F6] =	sst s1  }
0x73: {  	s0 =	sshrl.u32 s17, $0x3;
	s24 =	sshrl.u32 s18, $0x3;
	[smem:$0x7F8] =	sst s20  }
.Ltmp0:
0x74: {  	s25 =	sshrl.u32 s5, $0x3;
	[smem:$0x7F9] =	sst s23;
	(pc) =	sbr.rel .LBB3_1-.Ltmp0, $4  }
0x75: {  	s2 =	simm.s32 $0x7;
	s5 =	simm.s32 $0x80;
	[smem:$0x7FA] =	sst s0  }
0x76: {  	s16 =	simm.s32 $0x2C00;
	s18 =	simm.s32 $0x3000;
	[smem:$0x7FB] =	sst s24  }
0x77: {  	[smem:$0x7FC] =	sst s25;
	s1 =	simm.s32 $0x5;
	s0 =	simm.s32 $0x0  }
0x78: {  	s20 =	simm.s32 $0x3400;
	s24 =	simm.s32 $0x3800;
	s25 =	simm.s32 $0x5400  }
.LBB3_6:
0x79: {  	[bflag:$0x0] =	sbarrier.arrive $0xFFFF  }
0x7a: {  	s3 =	sld [smem:$0x7F6]  }
0x7b: {  	s0 =	sld [smem:$0x7E1]  }
0x7c: {  	s6 =	sld [smem:$0x7E0];
	_ =	sdelay $0x2  }
0x7d: {  	[hbm:s3], [sflag:s0] =	dma.local [spmem:s6], $0x1872  }
0x7e: {  	_ =	swait.ge [sflag:s2], $0x1872  }
0x7f: {  	s17 =	sld [smem:$0x7DF]  }
0x80: {  	s23 =	sld [smem:$0x7F7];
	_ =	sdelay $0x1  }
0x81: {  	s0 =	sadd.s32 $0x1, s17  }
0x82: {  	p0 =	sne.s32 s0, s23  }
.Ltmp1:
0x83: {  	_ = 	snop;
	(pc) =	sbr.rel @!p0 .LBB3_7-.Ltmp1, $3  }
0x84: {  	_ =	sdelay $0x1  }
0x85: {  	[sflag:s2] =	ssyncset.done $0x0  }
0x86: {  	[sflag:s2] =	ssyncadd.s32 $0xFFFFE78E  }
.LBB3_1:
0x87: {  	[smem:$0x7DF] =	sst s0  }
0x88: {  	s3 =	rddreg [dreg:$0x2]  }
0x89: {  	s6 =	simm.s32 $0x16390;
	s23 =	rddreg [dreg:$0x3]  }
0x8a: {  	[tilespmem:s6], [sflag:$0x7] =	stream.linear.gather [hbm4b:s3+s13], $0x1, $0x38;
	[tilespmem:$0x16690] =	vst v63  }
0x8b: {  	s0 =	simm.s32 $0x163A0;
	s9 =	rddreg [dreg:$0x5]  }
0x8c: {  	[tilespmem:s0], [sflag:$0x7] =	stream.linear.gather [hbm4b:s23+s13], $0x1, $0x38;
	[tilespmem:$0x16690] =	vst v63  }
0x8d: {  	s7 =	simm.s32 $0x163B0;
	s6 =	rddreg [dreg:$0x4]  }
0x8e: {  	[tilespmem:s7], [sflag:$0x7] =	stream.linear.gather [hbm4b:s6+s13], $0x1, $0x38;
	[tilespmem:$0x16690] =	vst v63  }
0x8f: {  	s17 =	simm.s32 $0x163C0;
	s23 =	rddreg [dreg:$0x6]  }
0x90: {  	[tilespmem:s17], [sflag:$0x7] =	stream.linear.gather [hbm4b:s9+s13], $0x1, $0x38;
	[tilespmem:$0x16690] =	vst v63  }
0x91: {  	s0 =	simm.s32 $0x163D0;
	s6 =	rddreg [dreg:$0x7]  }
0x92: {  	[tilespmem:s0], [sflag:$0x7] =	stream.linear.gather [hbm4b:s23+s13], $0x1, $0x38;
	[tilespmem:$0x16690] =	vst v63  }
0x93: {  	s7 =	simm.s32 $0x163E0;
	s9 =	rddreg [dreg:$0x8]  }
0x94: {  	[tilespmem:s7], [sflag:$0x7] =	stream.linear.gather [hbm4b:s6+s13], $0x1, $0x38;
	[tilespmem:$0x16690] =	vst v63  }
0x95: {  	s17 =	simm.s32 $0x163F0;
	s23 =	rddreg [dreg:$0x9]  }
0x96: {  	[tilespmem:s17], [sflag:$0x7] =	stream.linear.gather [hbm4b:s9+s13], $0x1, $0x38;
	[tilespmem:$0x16690] =	vst v63  }
0x97: {  	s0 =	simm.s32 $0x16400;
	s6 =	rddreg [dreg:$0xa]  }
0x98: {  	[tilespmem:s0], [sflag:$0x7] =	stream.linear.gather [hbm4b:s23+s13], $0x1, $0x38;
	[tilespmem:$0x16690] =	vst v63  }
0x99: {  	s7 =	simm.s32 $0x16410;
	s9 =	rddreg [dreg:$0xb]  }
0x9a: {  	[tilespmem:s7], [sflag:$0x7] =	stream.linear.gather [hbm4b:s6+s13], $0x1, $0x38;
	[tilespmem:$0x16690] =	vst v63  }
0x9b: {  	s17 =	simm.s32 $0x16420;
	s23 =	rddreg [dreg:$0xc]  }
0x9c: {  	[tilespmem:s17], [sflag:$0x7] =	stream.linear.gather [hbm4b:s9+s13], $0x1, $0x38;
	[tilespmem:$0x16690] =	vst v63  }
0x9d: {  	s0 =	simm.s32 $0x16430;
	s6 =	rddreg [dreg:$0xd]  }
0x9e: {  	[tilespmem:s0], [sflag:$0x7] =	stream.linear.gather [hbm4b:s23+s13], $0x1, $0x38;
	[tilespmem:$0x16690] =	vst v63  }
0x9f: {  	s7 =	simm.s32 $0x16440;
	s9 =	rddreg [dreg:$0xe]  }
0xa0: {  	[tilespmem:s7], [sflag:$0x7] =	stream.linear.gather [hbm4b:s6+s13], $0x1, $0x38;
	[tilespmem:$0x16690] =	vst v63  }
0xa1: {  	s17 =	simm.s32 $0x16450;
	s23 =	rddreg [dreg:$0xf]  }
0xa2: {  	[tilespmem:s17], [sflag:$0x7] =	stream.linear.gather [hbm4b:s9+s13], $0x1, $0x38;
	[tilespmem:$0x16690] =	vst v63  }
0xa3: {  	s0 =	simm.s32 $0x16460;
	s6 =	rddreg [dreg:$0x10]  }
0xa4: {  	[tilespmem:s0], [sflag:$0x7] =	stream.linear.gather [hbm4b:s23+s13], $0x1, $0x38;
	[tilespmem:$0x16690] =	vst v63  }
0xa5: {  	s7 =	simm.s32 $0x16470;
	s9 =	rddreg [dreg:$0x11]  }
0xa6: {  	[tilespmem:s7], [sflag:$0x7] =	stream.linear.gather [hbm4b:s6+s13], $0x1, $0x38;
	[tilespmem:$0x16690] =	vst v63  }
0xa7: {  	s17 =	simm.s32 $0x16480;
	s23 =	rddreg [dreg:$0x12]  }
0xa8: {  	[tilespmem:s17], [sflag:$0x7] =	stream.linear.gather [hbm4b:s9+s13], $0x1, $0x38;
	[tilespmem:$0x16690] =	vst v63  }
0xa9: {  	s0 =	simm.s32 $0x16490;
	s6 =	rddreg [dreg:$0x13]  }
0xaa: {  	[tilespmem:s0], [sflag:$0x7] =	stream.linear.gather [hbm4b:s23+s13], $0x1, $0x38;
	[tilespmem:$0x16690] =	vst v63  }
0xab: {  	s7 =	simm.s32 $0x164A0;
	s9 =	rddreg [dreg:$0x14]  }
0xac: {  	[tilespmem:s7], [sflag:$0x7] =	stream.linear.gather [hbm4b:s6+s13], $0x1, $0x38;
	[tilespmem:$0x16690] =	vst v63  }
0xad: {  	s17 =	simm.s32 $0x164B0;
	s23 =	rddreg [dreg:$0x15]  }
0xae: {  	[tilespmem:s17], [sflag:$0x7] =	stream.linear.gather [hbm4b:s9+s13], $0x1, $0x38;
	[tilespmem:$0x16690] =	vst v63  }
0xaf: {  	s0 =	simm.s32 $0x164C0;
	s6 =	rddreg [dreg:$0x16]  }
0xb0: {  	[tilespmem:s0], [sflag:$0x7] =	stream.linear.gather [hbm4b:s23+s13], $0x1, $0x38;
	[tilespmem:$0x16690] =	vst v63  }
0xb1: {  	s7 =	simm.s32 $0x164D0;
	s9 =	rddreg [dreg:$0x17]  }
0xb2: {  	[tilespmem:s7], [sflag:$0x7] =	stream.linear.gather [hbm4b:s6+s13], $0x1, $0x38;
	[tilespmem:$0x16690] =	vst v63  }
0xb3: {  	s17 =	simm.s32 $0x164E0;
	s23 =	rddreg [dreg:$0x18]  }
0xb4: {  	[tilespmem:s17], [sflag:$0x7] =	stream.linear.gather [hbm4b:s9+s13], $0x1, $0x38;
	[tilespmem:$0x16690] =	vst v63  }
0xb5: {  	s0 =	simm.s32 $0x164F0;
	s6 =	rddreg [dreg:$0x19]  }
0xb6: {  	[tilespmem:s0], [sflag:$0x7] =	stream.linear.gather [hbm4b:s23+s13], $0x1, $0x38;
	[tilespmem:$0x16690] =	vst v63  }
0xb7: {  	s7 =	simm.s32 $0x16500;
	s9 =	rddreg [dreg:$0x1a]  }
0xb8: {  	[tilespmem:s7], [sflag:$0x7] =	stream.linear.gather [hbm4b:s6+s13], $0x1, $0x38;
	[tilespmem:$0x16690] =	vst v63  }
0xb9: {  	s17 =	simm.s32 $0x16510;
	s23 =	rddreg [dreg:$0x1b]  }
0xba: {  	[tilespmem:s17], [sflag:$0x7] =	stream.linear.gather [hbm4b:s9+s13], $0x1, $0x38;
	[tilespmem:$0x16690] =	vst v63  }
0xbb: {  	s0 =	simm.s32 $0x16520;
	s6 =	rddreg [dreg:$0x1c]  }
0xbc: {  	[tilespmem:s0], [sflag:$0x7] =	stream.linear.gather [hbm4b:s23+s13], $0x1, $0x38;
	[tilespmem:$0x16690] =	vst v63  }
0xbd: {  	s7 =	simm.s32 $0x16530;
	s9 =	rddreg [dreg:$0x1d]  }
0xbe: {  	[tilespmem:s7], [sflag:$0x7] =	stream.linear.gather [hbm4b:s6+s13], $0x1, $0x38;
	[tilespmem:$0x16690] =	vst v63  }
0xbf: {  	s17 =	simm.s32 $0x16540;
	s23 =	rddreg [dreg:$0x1e]  }
0xc0: {  	[tilespmem:s17], [sflag:$0x7] =	stream.linear.gather [hbm4b:s9+s13], $0x1, $0x38;
	[tilespmem:$0x16690] =	vst v63  }
0xc1: {  	s0 =	simm.s32 $0x16550;
	s6 =	rddreg [dreg:$0x1f]  }
0xc2: {  	[tilespmem:s0], [sflag:$0x7] =	stream.linear.gather [hbm4b:s23+s13], $0x1, $0x38;
	[tilespmem:$0x16690] =	vst v63  }
0xc3: {  	s7 =	simm.s32 $0x16560;
	s9 =	sld [smem:$0x7E2]  }
0xc4: {  	[tilespmem:s7], [sflag:$0x7] =	stream.linear.gather [hbm4b:s6+s13], $0x1, $0x38;
	[tilespmem:$0x16690] =	vst v63  }
0xc5: {  	s17 =	simm.s32 $0x16570;
	s23 =	sld [smem:$0x7E3]  }
0xc6: {  	[tilespmem:s17], [sflag:$0x7] =	stream.linear.gather [hbm4b:s9+s13], $0x1, $0x38;
	[tilespmem:$0x16690] =	vst v63  }
0xc7: {  	s0 =	simm.s32 $0x16580;
	s6 =	sld [smem:$0x7E4]  }
0xc8: {  	[tilespmem:s0], [sflag:$0x7] =	stream.linear.gather [hbm4b:s23+s13], $0x1, $0x38;
	[tilespmem:$0x16690] =	vst v63  }
0xc9: {  	s7 =	simm.s32 $0x16590;
	s9 =	sld [smem:$0x7E5]  }
0xca: {  	[tilespmem:s7], [sflag:$0x7] =	stream.linear.gather [hbm4b:s6+s13], $0x1, $0x38;
	[tilespmem:$0x16690] =	vst v63  }
0xcb: {  	s17 =	simm.s32 $0x165A0;
	s23 =	sld [smem:$0x7E6]  }
0xcc: {  	[tilespmem:s17], [sflag:$0x7] =	stream.linear.gather [hbm4b:s9+s13], $0x1, $0x38;
	[tilespmem:$0x16690] =	vst v63  }
0xcd: {  	s0 =	simm.s32 $0x165B0;
	s6 =	sld [smem:$0x7E7]  }
0xce: {  	[tilespmem:s0], [sflag:$0x7] =	stream.linear.gather [hbm4b:s23+s13], $0x1, $0x38;
	[tilespmem:$0x16690] =	vst v63  }
0xcf: {  	s7 =	simm.s32 $0x165C0;
	s9 =	sld [smem:$0x7E8]  }
0xd0: {  	[tilespmem:s7], [sflag:$0x7] =	stream.linear.gather [hbm4b:s6+s13], $0x1, $0x38;
	[tilespmem:$0x16690] =	vst v63  }
0xd1: {  	s17 =	simm.s32 $0x165D0;
	s23 =	sld [smem:$0x7E9]  }
0xd2: {  	[tilespmem:s17], [sflag:$0x7] =	stream.linear.gather [hbm4b:s9+s13], $0x1, $0x38;
	[tilespmem:$0x16690] =	vst v63  }
0xd3: {  	s0 =	simm.s32 $0x165E0;
	s6 =	sld [smem:$0x7EA]  }
0xd4: {  	[tilespmem:s0], [sflag:$0x7] =	stream.linear.gather [hbm4b:s23+s13], $0x1, $0x38;
	[tilespmem:$0x16690] =	vst v63  }
0xd5: {  	s7 =	simm.s32 $0x165F0;
	s9 =	sld [smem:$0x7EB]  }
0xd6: {  	[tilespmem:s7], [sflag:$0x7] =	stream.linear.gather [hbm4b:s6+s13], $0x1, $0x38;
	[tilespmem:$0x16690] =	vst v63  }
0xd7: {  	s17 =	simm.s32 $0x16600;
	s23 =	sld [smem:$0x7EC]  }
0xd8: {  	[tilespmem:s17], [sflag:$0x7] =	stream.linear.gather [hbm4b:s9+s13], $0x1, $0x38;
	[tilespmem:$0x16690] =	vst v63  }
0xd9: {  	s0 =	simm.s32 $0x16610;
	s6 =	sld [smem:$0x7ED]  }
0xda: {  	[tilespmem:s0], [sflag:$0x7] =	stream.linear.gather [hbm4b:s23+s13], $0x1, $0x38;
	[tilespmem:$0x16690] =	vst v63  }
0xdb: {  	s7 =	simm.s32 $0x16620;
	s9 =	sld [smem:$0x7EE]  }
0xdc: {  	[tilespmem:s7], [sflag:$0x7] =	stream.linear.gather [hbm4b:s6+s13], $0x1, $0x38;
	[tilespmem:$0x16690] =	vst v63  }
0xdd: {  	s17 =	simm.s32 $0x16630;
	s23 =	sld [smem:$0x7EF]  }
0xde: {  	[tilespmem:s17], [sflag:$0x7] =	stream.linear.gather [hbm4b:s9+s13], $0x1, $0x38;
	[tilespmem:$0x16690] =	vst v63  }
0xdf: {  	s0 =	simm.s32 $0x16640;
	s6 =	sld [smem:$0x7F0]  }
0xe0: {  	[tilespmem:s0], [sflag:$0x7] =	stream.linear.gather [hbm4b:s23+s13], $0x1, $0x38;
	[tilespmem:$0x16690] =	vst v63  }
0xe1: {  	s7 =	simm.s32 $0x16650;
	s9 =	sld [smem:$0x7F1]  }
0xe2: {  	[tilespmem:s7], [sflag:$0x7] =	stream.linear.gather [hbm4b:s6+s13], $0x1, $0x38;
	[tilespmem:$0x16690] =	vst v63  }
0xe3: {  	s17 =	simm.s32 $0x16660;
	s23 =	sld [smem:$0x7F2]  }
0xe4: {  	[tilespmem:s17], [sflag:$0x7] =	stream.linear.gather [hbm4b:s9+s13], $0x1, $0x38;
	[tilespmem:$0x16690] =	vst v63  }
0xe5: {  	s0 =	simm.s32 $0x16670;
	s7 =	sld [smem:$0x7F3]  }
0xe6: {  	[tilespmem:s0], [sflag:$0x7] =	stream.linear.gather [hbm4b:s23+s13], $0x1, $0x38;
	[tilespmem:$0x16690] =	vst v63  }
0xe7: {  	s9 =	simm.s32 $0x16680  }
0xe8: {  	[tilespmem:s9], [sflag:$0x7] =	stream.linear.gather [hbm4b:s7+s13], $0x1, $0x38;
	[tilespmem:$0x16690] =	vst v63  }
0xe9: {  	_ =	swait.ge [sflag:s2], $0x1  }
0xea: {  	[sflag:s2] =	ssyncset.done $0x0  }
0xeb: {  	[sflag:s2] =	ssyncadd.s32 $0xFFFFFFFF  }
0xec: {  	_ =	swait.ge [sflag:s2], $0x1  }
0xed: {  	[sflag:s2] =	ssyncset.done $0x0  }
0xee: {  	[sflag:s2] =	ssyncadd.s32 $0xFFFFFFFF  }
0xef: {  	_ =	swait.ge [sflag:s2], $0x1  }
0xf0: {  	[sflag:s2] =	ssyncset.done $0x0  }
0xf1: {  	[sflag:s2] =	ssyncadd.s32 $0xFFFFFFFF  }
0xf2: {  	_ =	swait.ge [sflag:s2], $0x1  }
0xf3: {  	[sflag:s2] =	ssyncset.done $0x0  }
0xf4: {  	[sflag:s2] =	ssyncadd.s32 $0xFFFFFFFF  }
0xf5: {  	_ =	swait.ge [sflag:s2], $0x1  }
0xf6: {  	[sflag:s2] =	ssyncset.done $0x0  }
0xf7: {  	[sflag:s2] =	ssyncadd.s32 $0xFFFFFFFF  }
0xf8: {  	_ =	swait.ge [sflag:s2], $0x1  }
0xf9: {  	[sflag:s2] =	ssyncset.done $0x0  }
0xfa: {  	[sflag:s2] =	ssyncadd.s32 $0xFFFFFFFF  }
0xfb: {  	_ =	swait.ge [sflag:s2], $0x1  }
0xfc: {  	[sflag:s2] =	ssyncset.done $0x0  }
0xfd: {  	[sflag:s2] =	ssyncadd.s32 $0xFFFFFFFF  }
0xfe: {  	_ =	swait.ge [sflag:s2], $0x1  }
0xff: {  	[sflag:s2] =	ssyncset.done $0x0  }
0x100: {  	[sflag:s2] =	ssyncadd.s32 $0xFFFFFFFF  }
0x101: {  	_ =	swait.ge [sflag:s2], $0x1  }
0x102: {  	[sflag:s2] =	ssyncset.done $0x0  }
0x103: {  	[sflag:s2] =	ssyncadd.s32 $0xFFFFFFFF  }
0x104: {  	_ =	swait.ge [sflag:s2], $0x1  }
0x105: {  	[sflag:s2] =	ssyncset.done $0x0  }
0x106: {  	[sflag:s2] =	ssyncadd.s32 $0xFFFFFFFF  }
0x107: {  	_ =	swait.ge [sflag:s2], $0x1  }
0x108: {  	[sflag:s2] =	ssyncset.done $0x0  }
0x109: {  	[sflag:s2] =	ssyncadd.s32 $0xFFFFFFFF  }
0x10a: {  	_ =	swait.ge [sflag:s2], $0x1  }
0x10b: {  	[sflag:s2] =	ssyncset.done $0x0  }
0x10c: {  	[sflag:s2] =	ssyncadd.s32 $0xFFFFFFFF  }
0x10d: {  	_ =	swait.ge [sflag:s2], $0x1  }
0x10e: {  	[sflag:s2] =	ssyncset.done $0x0  }
0x10f: {  	[sflag:s2] =	ssyncadd.s32 $0xFFFFFFFF  }
0x110: {  	_ =	swait.ge [sflag:s2], $0x1  }
0x111: {  	[sflag:s2] =	ssyncset.done $0x0  }
0x112: {  	[sflag:s2] =	ssyncadd.s32 $0xFFFFFFFF  }
0x113: {  	_ =	swait.ge [sflag:s2], $0x1  }
0x114: {  	[sflag:s2] =	ssyncset.done $0x0  }
0x115: {  	[sflag:s2] =	ssyncadd.s32 $0xFFFFFFFF  }
0x116: {  	_ =	swait.ge [sflag:s2], $0x1  }
0x117: {  	[sflag:s2] =	ssyncset.done $0x0  }
0x118: {  	[sflag:s2] =	ssyncadd.s32 $0xFFFFFFFF  }
0x119: {  	_ =	swait.ge [sflag:s2], $0x1  }
0x11a: {  	[sflag:s2] =	ssyncset.done $0x0  }
0x11b: {  	[sflag:s2] =	ssyncadd.s32 $0xFFFFFFFF  }
0x11c: {  	_ =	swait.ge [sflag:s2], $0x1  }
0x11d: {  	[sflag:s2] =	ssyncset.done $0x0  }
0x11e: {  	[sflag:s2] =	ssyncadd.s32 $0xFFFFFFFF  }
0x11f: {  	_ =	swait.ge [sflag:s2], $0x1  }
0x120: {  	[sflag:s2] =	ssyncset.done $0x0  }
0x121: {  	[sflag:s2] =	ssyncadd.s32 $0xFFFFFFFF  }
0x122: {  	_ =	swait.ge [sflag:s2], $0x1  }
0x123: {  	[sflag:s2] =	ssyncset.done $0x0  }
0x124: {  	[sflag:s2] =	ssyncadd.s32 $0xFFFFFFFF  }
0x125: {  	_ =	swait.ge [sflag:s2], $0x1  }
0x126: {  	[sflag:s2] =	ssyncset.done $0x0  }
0x127: {  	[sflag:s2] =	ssyncadd.s32 $0xFFFFFFFF  }
0x128: {  	_ =	swait.ge [sflag:s2], $0x1  }
0x129: {  	[sflag:s2] =	ssyncset.done $0x0  }
0x12a: {  	[sflag:s2] =	ssyncadd.s32 $0xFFFFFFFF  }
0x12b: {  	_ =	swait.ge [sflag:s2], $0x1  }
0x12c: {  	[sflag:s2] =	ssyncset.done $0x0  }
0x12d: {  	[sflag:s2] =	ssyncadd.s32 $0xFFFFFFFF  }
0x12e: {  	_ =	swait.ge [sflag:s2], $0x1  }
0x12f: {  	[sflag:s2] =	ssyncset.done $0x0  }
0x130: {  	[sflag:s2] =	ssyncadd.s32 $0xFFFFFFFF  }
0x131: {  	_ =	swait.ge [sflag:s2], $0x1  }
0x132: {  	[sflag:s2] =	ssyncset.done $0x0  }
0x133: {  	[sflag:s2] =	ssyncadd.s32 $0xFFFFFFFF  }
0x134: {  	_ =	swait.ge [sflag:s2], $0x1  }
0x135: {  	[sflag:s2] =	ssyncset.done $0x0  }
0x136: {  	[sflag:s2] =	ssyncadd.s32 $0xFFFFFFFF  }
0x137: {  	_ =	swait.ge [sflag:s2], $0x1  }
0x138: {  	[sflag:s2] =	ssyncset.done $0x0  }
0x139: {  	[sflag:s2] =	ssyncadd.s32 $0xFFFFFFFF  }
0x13a: {  	_ =	swait.ge [sflag:s2], $0x1  }
0x13b: {  	[sflag:s2] =	ssyncset.done $0x0  }
0x13c: {  	[sflag:s2] =	ssyncadd.s32 $0xFFFFFFFF  }
0x13d: {  	_ =	swait.ge [sflag:s2], $0x1  }
0x13e: {  	[sflag:s2] =	ssyncset.done $0x0  }
0x13f: {  	[sflag:s2] =	ssyncadd.s32 $0xFFFFFFFF  }
0x140: {  	_ =	swait.ge [sflag:s2], $0x1  }
0x141: {  	[sflag:s2] =	ssyncset.done $0x0  }
0x142: {  	[sflag:s2] =	ssyncadd.s32 $0xFFFFFFFF  }
0x143: {  	_ =	swait.ge [sflag:s2], $0x1  }
0x144: {  	[sflag:s2] =	ssyncset.done $0x0  }
0x145: {  	[sflag:s2] =	ssyncadd.s32 $0xFFFFFFFF  }
0x146: {  	_ =	swait.ge [sflag:s2], $0x1  }
0x147: {  	[sflag:s2] =	ssyncset.done $0x0  }
0x148: {  	[sflag:s2] =	ssyncadd.s32 $0xFFFFFFFF  }
0x149: {  	_ =	swait.ge [sflag:s2], $0x1  }
0x14a: {  	[sflag:s2] =	ssyncset.done $0x0  }
0x14b: {  	[sflag:s2] =	ssyncadd.s32 $0xFFFFFFFF  }
0x14c: {  	_ =	swait.ge [sflag:s2], $0x1  }
0x14d: {  	[sflag:s2] =	ssyncset.done $0x0  }
0x14e: {  	[sflag:s2] =	ssyncadd.s32 $0xFFFFFFFF  }
0x14f: {  	_ =	swait.ge [sflag:s2], $0x1  }
0x150: {  	[sflag:s2] =	ssyncset.done $0x0  }
0x151: {  	[sflag:s2] =	ssyncadd.s32 $0xFFFFFFFF  }
0x152: {  	_ =	swait.ge [sflag:s2], $0x1  }
0x153: {  	[sflag:s2] =	ssyncset.done $0x0  }
0x154: {  	[sflag:s2] =	ssyncadd.s32 $0xFFFFFFFF  }
0x155: {  	_ =	swait.ge [sflag:s2], $0x1  }
0x156: {  	[sflag:s2] =	ssyncset.done $0x0  }
0x157: {  	[sflag:s2] =	ssyncadd.s32 $0xFFFFFFFF  }
0x158: {  	_ =	swait.ge [sflag:s2], $0x1  }
0x159: {  	[sflag:s2] =	ssyncset.done $0x0  }
0x15a: {  	[sflag:s2] =	ssyncadd.s32 $0xFFFFFFFF  }
0x15b: {  	_ =	swait.ge [sflag:s2], $0x1  }
0x15c: {  	[sflag:s2] =	ssyncset.done $0x0  }
0x15d: {  	[sflag:s2] =	ssyncadd.s32 $0xFFFFFFFF  }
0x15e: {  	_ =	swait.ge [sflag:s2], $0x1  }
0x15f: {  	[sflag:s2] =	ssyncset.done $0x0  }
0x160: {  	[sflag:s2] =	ssyncadd.s32 $0xFFFFFFFF  }
0x161: {  	_ =	swait.ge [sflag:s2], $0x1  }
0x162: {  	[sflag:s2] =	ssyncset.done $0x0  }
0x163: {  	[sflag:s2] =	ssyncadd.s32 $0xFFFFFFFF  }
0x164: {  	_ =	swait.ge [sflag:s2], $0x1  }
0x165: {  	[sflag:s2] =	ssyncset.done $0x0  }
0x166: {  	[sflag:s2] =	ssyncadd.s32 $0xFFFFFFFF  }
0x167: {  	_ =	swait.ge [sflag:s2], $0x1  }
0x168: {  	[sflag:s2] =	ssyncset.done $0x0  }
0x169: {  	[sflag:s2] =	ssyncadd.s32 $0xFFFFFFFF  }
0x16a: {  	_ =	swait.ge [sflag:s2], $0x1  }
0x16b: {  	[sflag:s2] =	ssyncset.done $0x0  }
0x16c: {  	[sflag:s2] =	ssyncadd.s32 $0xFFFFFFFF  }
0x16d: {  	_ =	swait.ge [sflag:s2], $0x1  }
0x16e: {  	[sflag:s2] =	ssyncset.done $0x0  }
0x16f: {  	[sflag:s2] =	ssyncadd.s32 $0xFFFFFFFF  }
0x170: {  	_ =	swait.ge [sflag:s2], $0x1  }
0x171: {  	[sflag:s2] =	ssyncset.done $0x0  }
0x172: {  	[sflag:s2] =	ssyncadd.s32 $0xFFFFFFFF  }
0x173: {  	_ =	swait.ge [sflag:s2], $0x1  }
0x174: {  	[sflag:s2] =	ssyncset.done $0x0  }
0x175: {  	[sflag:s2] =	ssyncadd.s32 $0xFFFFFFFF  }
0x176: {  	_ =	swait.ge [sflag:s2], $0x1  }
0x177: {  	s23 =	sld [smem:$0x7F5]  }
0x178: {  	s17 =	stileid.u32;
	[sflag:s2] =	ssyncset.done $0x0  }
0x179: {  	s3 =	sshll.u32 s17, $0x6;
	[sflag:s2] =	ssyncadd.s32 $0xFFFFFFFF  }
0x17a: {  	s0 =	sor.u32 $0x1C07, s3;
	s7 =	rddreg [dreg:$0x1];
	s3 =	sshrl.u32 s23, $0x3  }
0x17b: {  	[smem:$0x7E0] =	sst s3  }
0x17c: {  	[spmem:s3], [sflag:s0] =	dma.local [hbm:s7], $0x800  }
0x17d: {  	_ =	swait.ge [sflag:s2], $0x800  }
0x17e: {  	s9 =	sld [smem:$0x7FA]  }
0x17f: {  	[sflag:s2] =	ssyncset.done $0x0  }
0x180: {  	[sflag:s2] =	ssyncadd.s32 $0xFFFFF800  }
0x181: {  	[spmem:s9], [sflag:s0] =	dma.local [hbm:s7], $0x800  }
0x182: {  	_ =	swait.ge [sflag:s2], $0x800  }
0x183: {  	s17 =	sld [smem:$0x7FB]  }
0x184: {  	[sflag:s2] =	ssyncset.done $0x0  }
0x185: {  	[sflag:s2] =	ssyncadd.s32 $0xFFFFF800  }
0x186: {  	[spmem:s17], [sflag:s0] =	dma.local [hbm:s7], $0x800  }
0x187: {  	_ =	swait.ge [sflag:s2], $0x800  }
0x188: {  	s23 =	sld [smem:$0x7FC]  }
0x189: {  	[sflag:s2] =	ssyncset.done $0x0  }
0x18a: {  	[smem:$0x7E1] =	sst s0;
	[sflag:s2] =	ssyncadd.s32 $0xFFFFF800  }
0x18b: {  	[spmem:s23], [sflag:s0] =	dma.local [hbm:s7], $0x72  }
.Ltmp2:
0x18c: {  	_ =	swait.ge [sflag:s2], $0x72;
	(pc) =	sbr.rel .LBB3_2-.Ltmp2, $4  }
0x18d: {  	[sflag:s2] =	ssyncset.done $0x0  }
0x18e: {  	[sflag:s2] =	ssyncadd.s32 $0xFFFFFF8E  }
0x18f: {  	[bflag:$0x0] =	sbarrier.arrive $0xFFFF  }
0x190: {  	s17 =	simm.s32 $0x0;
	s23 =	sld [smem:$0x7FD]  }
.LBB3_5:
0x191: {  	s17 =	sadd.s32 $0x2000, s17  }
0x192: {  	p0 =	sne.s32 s17, $0x2C000  }
.Ltmp3:
0x193: {  	_ = 	snop;
	(pc) =	sbr.rel @!p0 .LBB3_6-.Ltmp3, $2  }
0x194: {  	_ =	sdelay $0x2  }
0x195: {  	s23 =	sadd.s32 $0x20, s23  }
.LBB3_2:
0x196: {  	_ =	sdelay $0x1  }
0x197: {  	s3 =	sadd.s32 $0xFFFFFFF0, s23  }
0x198: {  	p0 =	sgt.u32 s3, $0x2A2  }
.Ltmp4:
0x199: {  	_ = 	snop;
	(pc) =	sbr.rel @p0 .LBB3_5-.Ltmp4, $1  }
0x19a: {  	_ =	sdelay $0x3  }
0x19b: {  	s6 =	sld [smem:$0x7F9];
	_ =	sdelay $0x1  }
0x19c: {  	s0 =	sld [smem:$0x7F8]  }
0x19d: {  	p0 =	sgt.u32 s23, $0x2A2;
	s3 =	sadd.s32 s17, s6  }
0x19e: {  	[tilespmem:s13], [sflag:$0x1] =	stream.linear.gather [hbm4b:s3+s13], $0x800, $0x38;
	[tilespmem:$0x16690] =	vst v63  }
0x19f: {  	s9 =	sadd.s32 s17, s0;
	s3 =	sadd.s32 @!p0 s17, s6  }
0x1a0: {  	[tilespmem:s11], [sflag:$0x1] =	stream.linear.gather [hbm4b:s9+s13], $0x800, $0x38;
	[tilespmem:$0x16690] =	vst v63  }
0x1a1: {  	s7 =	simm.s32 @!p0 $0x0;
	s6 =	sadd.s32 @!p0 $0x1000, s3;
	s3 =	simm.s32 @!p0 $0x800  }
0x1a2: {  	[tilespmem:s3], [sflag:$0x2] =	stream.linear.gather @!p0 [hbm4b:s6+s7], $0x800, $0x38;
	[tilespmem:$0x16690] =	vst v63  }
0x1a3: {  	s6 =	sadd.s32 @!p0 s17, s0  }
0x1a4: {  	s9 =	simm.s32 @!p0 $0x1800;
	s6 =	sadd.s32 @!p0 $0x1000, s6  }
0x1a5: {  	[tilespmem:s9], [sflag:$0x2] =	stream.linear.gather @!p0 [hbm4b:s6+s7], $0x800, $0x38;
	[tilespmem:$0x16690] =	vst v63  }
0x1a6: {  	_ =	swait.ge [sflag:s4], $0x800  }
0x1a7: {  	[sflag:s4] =	ssyncset.done $0x0  }
0x1a8: {  	[sflag:s4] =	ssyncadd.s32 $0xFFFFF800  }
0x1a9: {  	_ =	swait.ge [sflag:s4], $0x800  }
0x1aa: {  	[sflag:s4] =	ssyncset.done $0x0  }
0x1ab: {  	s7 =	simm.s32 $0x2000;
	[sflag:s4] =	ssyncadd.s32 $0xFFFFF800  }
0x1ac: {  	[tilespmem:s7], [sflag:$0x3] =	stream.indirect.gather [hbm4b:s22+s5], $0x8, s13, s5, $0xb8;
	[tilespmem:$0x16690] =	vst v63  }
0x1ad: {  	s9 =	simm.s32 $0x2400  }
0x1ae: {  	[tilespmem:s9], [sflag:$0x3] =	stream.indirect.gather [hbm4b:s22+s5], $0x8, s5, s5, $0xb8;
	[tilespmem:$0x16690] =	vst v63  }
0x1af: {  	s0 =	simm.s32 $0x100  }
0x1b0: {  	[tilespmem:s14], [sflag:$0x3] =	stream.indirect.gather [hbm4b:s22+s5], $0x8, s0, s5, $0xb8;
	[tilespmem:$0x16690] =	vst v63  }
0x1b1: {  	s0 =	simm.s32 $0x180  }
0x1b2: {  	[tilespmem:s16], [sflag:$0x3] =	stream.indirect.gather [hbm4b:s22+s5], $0x8, s0, s5, $0xb8;
	[tilespmem:$0x16690] =	vst v63  }
0x1b3: {  	s0 =	simm.s32 $0x200  }
0x1b4: {  	[tilespmem:s18], [sflag:$0x3] =	stream.indirect.gather [hbm4b:s22+s5], $0x8, s0, s5, $0xb8;
	[tilespmem:$0x16690] =	vst v63  }
0x1b5: {  	s0 =	simm.s32 $0x280  }
0x1b6: {  	[tilespmem:s20], [sflag:$0x3] =	stream.indirect.gather [hbm4b:s22+s5], $0x8, s0, s5, $0xb8;
	[tilespmem:$0x16690] =	vst v63  }
0x1b7: {  	s0 =	simm.s32 $0x300  }
0x1b8: {  	[tilespmem:s24], [sflag:$0x3] =	stream.indirect.gather [hbm4b:s22+s5], $0x8, s0, s5, $0xb8;
	[tilespmem:$0x16690] =	vst v63  }
0x1b9: {  	s0 =	simm.s32 $0x380  }
0x1ba: {  	[tilespmem:s29], [sflag:$0x3] =	stream.indirect.gather [hbm4b:s22+s5], $0x8, s0, s5, $0xb8;
	[tilespmem:$0x16690] =	vst v63  }
0x1bb: {  	s0 =	simm.s32 $0x400  }
0x1bc: {  	[tilespmem:s31], [sflag:$0x3] =	stream.indirect.gather [hbm4b:s22+s5], $0x8, s0, s5, $0xb8;
	[tilespmem:$0x16690] =	vst v63  }
0x1bd: {  	s6 =	simm.s32 $0x480;
	s0 =	simm.s32 $0x4400  }
0x1be: {  	[tilespmem:s0], [sflag:$0x3] =	stream.indirect.gather [hbm4b:s22+s5], $0x8, s6, s5, $0xb8;
	[tilespmem:$0x16690] =	vst v63  }
0x1bf: {  	s6 =	simm.s32 $0x500  }
0x1c0: {  	[tilespmem:s10], [sflag:$0x3] =	stream.indirect.gather [hbm4b:s22+s5], $0x8, s6, s5, $0xb8;
	[tilespmem:$0x16690] =	vst v63  }
0x1c1: {  	s6 =	simm.s32 $0x580  }
0x1c2: {  	[tilespmem:s15], [sflag:$0x3] =	stream.indirect.gather [hbm4b:s22+s5], $0x8, s6, s5, $0xb8;
	[tilespmem:$0x16690] =	vst v63  }
0x1c3: {  	s6 =	simm.s32 $0x600  }
0x1c4: {  	[tilespmem:s19], [sflag:$0x3] =	stream.indirect.gather [hbm4b:s22+s5], $0x8, s6, s5, $0xb8;
	[tilespmem:$0x16690] =	vst v63  }
0x1c5: {  	s6 =	simm.s32 $0x680  }
0x1c6: {  	[tilespmem:s25], [sflag:$0x3] =	stream.indirect.gather [hbm4b:s22+s5], $0x8, s6, s5, $0xb8;
	[tilespmem:$0x16690] =	vst v63  }
0x1c7: {  	s6 =	simm.s32 $0x700  }
0x1c8: {  	[tilespmem:s26], [sflag:$0x3] =	stream.indirect.gather [hbm4b:s22+s5], $0x8, s6, s5, $0xb8;
	[tilespmem:$0x16690] =	vst v63  }
0x1c9: {  	s6 =	simm.s32 $0x780  }
0x1ca: {  	[tilespmem:s28], [sflag:$0x3] =	stream.indirect.gather [hbm4b:s22+s5], $0x8, s6, s5, $0xb8;
	[tilespmem:$0x16690] =	vst v63  }
0x1cb: {  	s6 =	simm.s32 @!p0 $0x2  }
0x1cc: {  	_ =	swait.ge @!p0 [sflag:s6], $0x800  }
0x1cd: {  	[sflag:s6] =	ssyncset.done @!p0 $0x0  }
0x1ce: {  	[sflag:s6] =	ssyncadd.s32 @!p0 $0xFFFFF800  }
0x1cf: {  	_ =	swait.ge @!p0 [sflag:s6], $0x800  }
0x1d0: {  	[sflag:s6] =	ssyncset.done @!p0 $0x0  }
0x1d1: {  	[sflag:s6] =	ssyncadd.s32 @!p0 $0xFFFFF800  }
0x1d2: {  	_ =	swait.ge [sflag:s30], $0x400  }
0x1d3: {  	[sflag:s30] =	ssyncset.done $0x0  }
0x1d4: {  	[sflag:s30] =	ssyncadd.s32 $0xFFFFFC00  }
0x1d5: {  	_ =	swait.ge [sflag:s30], $0x400  }
0x1d6: {  	[sflag:s30] =	ssyncset.done $0x0  }
0x1d7: {  	[sflag:s30] =	ssyncadd.s32 $0xFFFFFC00  }
0x1d8: {  	_ =	swait.ge [sflag:s30], $0x400  }
0x1d9: {  	[sflag:s30] =	ssyncset.done $0x0  }
0x1da: {  	[sflag:s30] =	ssyncadd.s32 $0xFFFFFC00  }
0x1db: {  	_ =	swait.ge [sflag:s30], $0x400  }
0x1dc: {  	[sflag:s30] =	ssyncset.done $0x0  }
0x1dd: {  	[sflag:s30] =	ssyncadd.s32 $0xFFFFFC00  }
0x1de: {  	_ =	swait.ge [sflag:s30], $0x400  }
0x1df: {  	[sflag:s30] =	ssyncset.done $0x0  }
0x1e0: {  	[sflag:s30] =	ssyncadd.s32 $0xFFFFFC00  }
0x1e1: {  	_ =	swait.ge [sflag:s30], $0x400  }
0x1e2: {  	[sflag:s30] =	ssyncset.done $0x0  }
0x1e3: {  	[sflag:s30] =	ssyncadd.s32 $0xFFFFFC00  }
0x1e4: {  	_ =	swait.ge [sflag:s30], $0x400  }
0x1e5: {  	[sflag:s30] =	ssyncset.done $0x0  }
0x1e6: {  	[sflag:s30] =	ssyncadd.s32 $0xFFFFFC00  }
0x1e7: {  	_ =	swait.ge [sflag:s30], $0x400  }
0x1e8: {  	[sflag:s30] =	ssyncset.done $0x0  }
0x1e9: {  	[sflag:s30] =	ssyncadd.s32 $0xFFFFFC00  }
0x1ea: {  	_ =	swait.ge [sflag:s30], $0x400  }
0x1eb: {  	[sflag:s30] =	ssyncset.done $0x0  }
0x1ec: {  	[sflag:s30] =	ssyncadd.s32 $0xFFFFFC00  }
0x1ed: {  	_ =	swait.ge [sflag:s30], $0x400  }
0x1ee: {  	[sflag:s30] =	ssyncset.done $0x0  }
0x1ef: {  	[sflag:s30] =	ssyncadd.s32 $0xFFFFFC00  }
0x1f0: {  	_ =	swait.ge [sflag:s30], $0x400  }
0x1f1: {  	[sflag:s30] =	ssyncset.done $0x0  }
0x1f2: {  	[sflag:s30] =	ssyncadd.s32 $0xFFFFFC00  }
0x1f3: {  	_ =	swait.ge [sflag:s30], $0x400  }
0x1f4: {  	[sflag:s30] =	ssyncset.done $0x0  }
0x1f5: {  	[sflag:s30] =	ssyncadd.s32 $0xFFFFFC00  }
0x1f6: {  	_ =	swait.ge [sflag:s30], $0x400  }
0x1f7: {  	[sflag:s30] =	ssyncset.done $0x0  }
0x1f8: {  	[sflag:s30] =	ssyncadd.s32 $0xFFFFFC00  }
0x1f9: {  	_ =	swait.ge [sflag:s30], $0x400  }
0x1fa: {  	[sflag:s30] =	ssyncset.done $0x0  }
0x1fb: {  	[sflag:s30] =	ssyncadd.s32 $0xFFFFFC00  }
0x1fc: {  	_ =	swait.ge [sflag:s30], $0x400  }
0x1fd: {  	[sflag:s30] =	ssyncset.done $0x0  }
0x1fe: {  	[sflag:s30] =	ssyncadd.s32 $0xFFFFFC00  }
0x1ff: {  	_ =	swait.ge [sflag:s30], $0x400  }
0x200: {  	[sflag:s30] =	ssyncset.done $0x0  }
0x201: {  	[sflag:s30] =	ssyncadd.s32 $0xFFFFFC00  }
0x202: {  	[spmem:s21] =	stream.indirect.scatter.add.bf16 [tilespmem:s7], [sflag:$0x5], $0x8, s11, s5, $0xb8;
	[tilespmem:$0x16690] =	vst v63  }
0x203: {  	s7 =	simm.s32 $0x1080  }
0x204: {  	[spmem:s21] =	stream.indirect.scatter.add.bf16 [tilespmem:s9], [sflag:$0x5], $0x8, s7, s5, $0xb8;
	[tilespmem:$0x16690] =	vst v63  }
0x205: {  	s7 =	simm.s32 $0x1100  }
0x206: {  	[spmem:s21] =	stream.indirect.scatter.add.bf16 [tilespmem:s14], [sflag:$0x5], $0x8, s7, s5, $0xb8;
	[tilespmem:$0x16690] =	vst v63  }
0x207: {  	s9 =	simm.s32 $0x1180  }
0x208: {  	[spmem:s21] =	stream.indirect.scatter.add.bf16 [tilespmem:s16], [sflag:$0x5], $0x8, s9, s5, $0xb8;
	[tilespmem:$0x16690] =	vst v63  }
0x209: {  	s7 =	simm.s32 $0x1200  }
0x20a: {  	[spmem:s21] =	stream.indirect.scatter.add.bf16 [tilespmem:s18], [sflag:$0x5], $0x8, s7, s5, $0xb8;
	[tilespmem:$0x16690] =	vst v63  }
0x20b: {  	s9 =	simm.s32 $0x1280  }
0x20c: {  	[spmem:s21] =	stream.indirect.scatter.add.bf16 [tilespmem:s20], [sflag:$0x5], $0x8, s9, s5, $0xb8;
	[tilespmem:$0x16690] =	vst v63  }
0x20d: {  	s7 =	simm.s32 $0x1300  }
0x20e: {  	[spmem:s21] =	stream.indirect.scatter.add.bf16 [tilespmem:s24], [sflag:$0x5], $0x8, s7, s5, $0xb8;
	[tilespmem:$0x16690] =	vst v63  }
0x20f: {  	s9 =	simm.s32 $0x1380  }
0x210: {  	[spmem:s21] =	stream.indirect.scatter.add.bf16 [tilespmem:s29], [sflag:$0x5], $0x8, s9, s5, $0xb8;
	[tilespmem:$0x16690] =	vst v63  }
0x211: {  	s7 =	simm.s32 $0x1400  }
0x212: {  	[spmem:s21] =	stream.indirect.scatter.add.bf16 [tilespmem:s31], [sflag:$0x5], $0x8, s7, s5, $0xb8;
	[tilespmem:$0x16690] =	vst v63  }
0x213: {  	s9 =	simm.s32 $0x1480  }
0x214: {  	[spmem:s21] =	stream.indirect.scatter.add.bf16 [tilespmem:s0], [sflag:$0x5], $0x8, s9, s5, $0xb8;
	[tilespmem:$0x16690] =	vst v63  }
0x215: {  	s6 =	simm.s32 $0x1500  }
0x216: {  	[spmem:s21] =	stream.indirect.scatter.add.bf16 [tilespmem:s10], [sflag:$0x5], $0x8, s6, s5, $0xb8;
	[tilespmem:$0x16690] =	vst v63  }
0x217: {  	s7 =	simm.s32 $0x1580  }
0x218: {  	[spmem:s21] =	stream.indirect.scatter.add.bf16 [tilespmem:s15], [sflag:$0x5], $0x8, s7, s5, $0xb8;
	[tilespmem:$0x16690] =	vst v63  }
0x219: {  	s9 =	simm.s32 $0x1600  }
0x21a: {  	[spmem:s21] =	stream.indirect.scatter.add.bf16 [tilespmem:s19], [sflag:$0x5], $0x8, s9, s5, $0xb8;
	[tilespmem:$0x16690] =	vst v63  }
0x21b: {  	s6 =	simm.s32 $0x1680  }
0x21c: {  	[spmem:s21] =	stream.indirect.scatter.add.bf16 [tilespmem:s25], [sflag:$0x5], $0x8, s6, s5, $0xb8;
	[tilespmem:$0x16690] =	vst v63  }
0x21d: {  	s7 =	simm.s32 $0x1700  }
0x21e: {  	[spmem:s21] =	stream.indirect.scatter.add.bf16 [tilespmem:s26], [sflag:$0x5], $0x8, s7, s5, $0xb8;
	[tilespmem:$0x16690] =	vst v63  }
0x21f: {  	s9 =	simm.s32 $0x1780  }
0x220: {  	[spmem:s21] =	stream.indirect.scatter.add.bf16 [tilespmem:s28], [sflag:$0x5], $0x8, s9, s5, $0xb8;
	[tilespmem:$0x16690] =	vst v63  }
0x221: {  	s6 =	simm.s32 @!p0 $0x80;
	s7 =	simm.s32 @!p0 $0x6000  }
0x222: {  	[tilespmem:s7], [sflag:$0x4] =	stream.indirect.gather @!p0 [hbm4b:s22+s6], $0x8, s3, s6, $0xb8;
	[tilespmem:$0x16690] =	vst v63  }
0x223: {  	s3 =	simm.s32 @!p0 $0x880;
	s7 =	simm.s32 @!p0 $0x6400  }
0x224: {  	[tilespmem:s7], [sflag:$0x4] =	stream.indirect.gather @!p0 [hbm4b:s22+s6], $0x8, s3, s6, $0xb8;
	[tilespmem:$0x16690] =	vst v63  }
0x225: {  	s3 =	simm.s32 @!p0 $0x900;
	s7 =	simm.s32 @!p0 $0x6800  }
0x226: {  	[tilespmem:s7], [sflag:$0x4] =	stream.indirect.gather @!p0 [hbm4b:s22+s6], $0x8, s3, s6, $0xb8;
	[tilespmem:$0x16690] =	vst v63  }
0x227: {  	s3 =	simm.s32 @!p0 $0x980;
	s7 =	simm.s32 @!p0 $0x6C00  }
0x228: {  	[tilespmem:s7], [sflag:$0x4] =	stream.indirect.gather @!p0 [hbm4b:s22+s6], $0x8, s3, s6, $0xb8;
	[tilespmem:$0x16690] =	vst v63  }
0x229: {  	s3 =	simm.s32 @!p0 $0xA00;
	s7 =	simm.s32 @!p0 $0x7000  }
0x22a: {  	[tilespmem:s7], [sflag:$0x4] =	stream.indirect.gather @!p0 [hbm4b:s22+s6], $0x8, s3, s6, $0xb8;
	[tilespmem:$0x16690] =	vst v63  }
0x22b: {  	s3 =	simm.s32 @!p0 $0xA80;
	s7 =	simm.s32 @!p0 $0x7400  }
0x22c: {  	[tilespmem:s7], [sflag:$0x4] =	stream.indirect.gather @!p0 [hbm4b:s22+s6], $0x8, s3, s6, $0xb8;
	[tilespmem:$0x16690] =	vst v63  }
0x22d: {  	s3 =	simm.s32 @!p0 $0xB00;
	s7 =	simm.s32 @!p0 $0x7800  }
0x22e: {  	[tilespmem:s7], [sflag:$0x4] =	stream.indirect.gather @!p0 [hbm4b:s22+s6], $0x8, s3, s6, $0xb8;
	[tilespmem:$0x16690] =	vst v63  }
0x22f: {  	s3 =	simm.s32 @!p0 $0xB80;
	s7 =	simm.s32 @!p0 $0x7C00  }
0x230: {  	[tilespmem:s7], [sflag:$0x4] =	stream.indirect.gather @!p0 [hbm4b:s22+s6], $0x8, s3, s6, $0xb8;
	[tilespmem:$0x16690] =	vst v63  }
0x231: {  	s3 =	simm.s32 @!p0 $0xC00;
	s7 =	simm.s32 @!p0 $0x8000  }
0x232: {  	[tilespmem:s7], [sflag:$0x4] =	stream.indirect.gather @!p0 [hbm4b:s22+s6], $0x8, s3, s6, $0xb8;
	[tilespmem:$0x16690] =	vst v63  }
0x233: {  	s3 =	simm.s32 @!p0 $0xC80;
	s7 =	simm.s32 @!p0 $0x8400  }
0x234: {  	[tilespmem:s7], [sflag:$0x4] =	stream.indirect.gather @!p0 [hbm4b:s22+s6], $0x8, s3, s6, $0xb8;
	[tilespmem:$0x16690] =	vst v63  }
0x235: {  	s3 =	simm.s32 @!p0 $0xD00;
	s7 =	simm.s32 @!p0 $0x8800  }
0x236: {  	[tilespmem:s7], [sflag:$0x4] =	stream.indirect.gather @!p0 [hbm4b:s22+s6], $0x8, s3, s6, $0xb8;
	[tilespmem:$0x16690] =	vst v63  }
0x237: {  	s3 =	simm.s32 @!p0 $0xD80;
	s7 =	simm.s32 @!p0 $0x8C00  }
0x238: {  	[tilespmem:s7], [sflag:$0x4] =	stream.indirect.gather @!p0 [hbm4b:s22+s6], $0x8, s3, s6, $0xb8;
	[tilespmem:$0x16690] =	vst v63  }
0x239: {  	s3 =	simm.s32 @!p0 $0xE00;
	s7 =	simm.s32 @!p0 $0x9000  }
0x23a: {  	[tilespmem:s7], [sflag:$0x4] =	stream.indirect.gather @!p0 [hbm4b:s22+s6], $0x8, s3, s6, $0xb8;
	[tilespmem:$0x16690] =	vst v63  }
0x23b: {  	s3 =	simm.s32 @!p0 $0xE80;
	s7 =	simm.s32 @!p0 $0x9400  }
0x23c: {  	[tilespmem:s7], [sflag:$0x4] =	stream.indirect.gather @!p0 [hbm4b:s22+s6], $0x8, s3, s6, $0xb8;
	[tilespmem:$0x16690] =	vst v63  }
0x23d: {  	s3 =	simm.s32 @!p0 $0xF00;
	s7 =	simm.s32 @!p0 $0x9800  }
0x23e: {  	[tilespmem:s7], [sflag:$0x4] =	stream.indirect.gather @!p0 [hbm4b:s22+s6], $0x8, s3, s6, $0xb8;
	[tilespmem:$0x16690] =	vst v63  }
0x23f: {  	s3 =	simm.s32 @!p0 $0xF80;
	s7 =	simm.s32 @!p0 $0x9C00  }
0x240: {  	[tilespmem:s7], [sflag:$0x4] =	stream.indirect.gather @!p0 [hbm4b:s22+s6], $0x8, s3, s6, $0xb8;
	[tilespmem:$0x16690] =	vst v63  }
0x241: {  	_ =	swait.ge [sflag:s1], $0x400  }
0x242: {  	[sflag:s1] =	ssyncset.done $0x0  }
0x243: {  	[sflag:s1] =	ssyncadd.s32 $0xFFFFFC00  }
0x244: {  	_ =	swait.ge [sflag:s1], $0x400  }
0x245: {  	[sflag:s1] =	ssyncset.done $0x0  }
0x246: {  	[sflag:s1] =	ssyncadd.s32 $0xFFFFFC00  }
0x247: {  	_ =	swait.ge [sflag:s1], $0x400  }
0x248: {  	[sflag:s1] =	ssyncset.done $0x0  }
0x249: {  	[sflag:s1] =	ssyncadd.s32 $0xFFFFFC00  }
0x24a: {  	_ =	swait.ge [sflag:s1], $0x400  }
0x24b: {  	[sflag:s1] =	ssyncset.done $0x0  }
0x24c: {  	[sflag:s1] =	ssyncadd.s32 $0xFFFFFC00  }
0x24d: {  	_ =	swait.ge [sflag:s1], $0x400  }
0x24e: {  	[sflag:s1] =	ssyncset.done $0x0  }
0x24f: {  	[sflag:s1] =	ssyncadd.s32 $0xFFFFFC00  }
0x250: {  	_ =	swait.ge [sflag:s1], $0x400  }
0x251: {  	[sflag:s1] =	ssyncset.done $0x0  }
0x252: {  	[sflag:s1] =	ssyncadd.s32 $0xFFFFFC00  }
0x253: {  	_ =	swait.ge [sflag:s1], $0x400  }
0x254: {  	[sflag:s1] =	ssyncset.done $0x0  }
0x255: {  	[sflag:s1] =	ssyncadd.s32 $0xFFFFFC00  }
0x256: {  	_ =	swait.ge [sflag:s1], $0x400  }
0x257: {  	[sflag:s1] =	ssyncset.done $0x0  }
0x258: {  	[sflag:s1] =	ssyncadd.s32 $0xFFFFFC00  }
0x259: {  	_ =	swait.ge [sflag:s1], $0x400  }
0x25a: {  	[sflag:s1] =	ssyncset.done $0x0  }
0x25b: {  	[sflag:s1] =	ssyncadd.s32 $0xFFFFFC00  }
0x25c: {  	_ =	swait.ge [sflag:s1], $0x400  }
0x25d: {  	[sflag:s1] =	ssyncset.done $0x0  }
0x25e: {  	[sflag:s1] =	ssyncadd.s32 $0xFFFFFC00  }
0x25f: {  	_ =	swait.ge [sflag:s1], $0x400  }
0x260: {  	[sflag:s1] =	ssyncset.done $0x0  }
0x261: {  	[sflag:s1] =	ssyncadd.s32 $0xFFFFFC00  }
0x262: {  	_ =	swait.ge [sflag:s1], $0x400  }
0x263: {  	[sflag:s1] =	ssyncset.done $0x0  }
0x264: {  	[sflag:s1] =	ssyncadd.s32 $0xFFFFFC00  }
0x265: {  	_ =	swait.ge [sflag:s1], $0x400  }
0x266: {  	[sflag:s1] =	ssyncset.done $0x0  }
0x267: {  	[sflag:s1] =	ssyncadd.s32 $0xFFFFFC00  }
0x268: {  	_ =	swait.ge [sflag:s1], $0x400  }
0x269: {  	[sflag:s1] =	ssyncset.done $0x0  }
0x26a: {  	[sflag:s1] =	ssyncadd.s32 $0xFFFFFC00  }
0x26b: {  	_ =	swait.ge [sflag:s1], $0x400  }
.Ltmp5:
0x26c: {  	[sflag:s1] =	ssyncset.done $0x0;
	(pc) =	sbr.rel @p0 .LBB3_5-.Ltmp5, $4  }
0x26d: {  	[sflag:s1] =	ssyncadd.s32 $0xFFFFFC00  }
0x26e: {  	_ =	swait.ge [sflag:s1], $0x400  }
0x26f: {  	[sflag:s1] =	ssyncset.done $0x0  }
0x270: {  	[sflag:s1] =	ssyncadd.s32 $0xFFFFFC00  }
0x271: {  	_ =	swait.ge [sflag:s8], $0x400  }
0x272: {  	[sflag:s8] =	ssyncset.done $0x0  }
0x273: {  	[sflag:s8] =	ssyncadd.s32 $0xFFFFFC00  }
0x274: {  	_ =	swait.ge [sflag:s8], $0x400  }
0x275: {  	[sflag:s8] =	ssyncset.done $0x0  }
0x276: {  	[sflag:s8] =	ssyncadd.s32 $0xFFFFFC00  }
0x277: {  	_ =	swait.ge [sflag:s8], $0x400  }
0x278: {  	[sflag:s8] =	ssyncset.done $0x0  }
0x279: {  	[sflag:s8] =	ssyncadd.s32 $0xFFFFFC00  }
0x27a: {  	_ =	swait.ge [sflag:s8], $0x400  }
0x27b: {  	[sflag:s8] =	ssyncset.done $0x0  }
0x27c: {  	[sflag:s8] =	ssyncadd.s32 $0xFFFFFC00  }
0x27d: {  	_ =	swait.ge [sflag:s8], $0x400  }
0x27e: {  	[sflag:s8] =	ssyncset.done $0x0  }
0x27f: {  	[sflag:s8] =	ssyncadd.s32 $0xFFFFFC00  }
0x280: {  	_ =	swait.ge [sflag:s8], $0x400  }
0x281: {  	[sflag:s8] =	ssyncset.done $0x0  }
0x282: {  	[sflag:s8] =	ssyncadd.s32 $0xFFFFFC00  }
0x283: {  	_ =	swait.ge [sflag:s8], $0x400  }
0x284: {  	[sflag:s8] =	ssyncset.done $0x0  }
0x285: {  	[sflag:s8] =	ssyncadd.s32 $0xFFFFFC00  }
0x286: {  	_ =	swait.ge [sflag:s8], $0x400  }
0x287: {  	[sflag:s8] =	ssyncset.done $0x0  }
0x288: {  	[sflag:s8] =	ssyncadd.s32 $0xFFFFFC00  }
0x289: {  	_ =	swait.ge [sflag:s8], $0x400  }
0x28a: {  	[sflag:s8] =	ssyncset.done $0x0  }
0x28b: {  	[sflag:s8] =	ssyncadd.s32 $0xFFFFFC00  }
0x28c: {  	_ =	swait.ge [sflag:s8], $0x400  }
0x28d: {  	[sflag:s8] =	ssyncset.done $0x0  }
0x28e: {  	[sflag:s8] =	ssyncadd.s32 $0xFFFFFC00  }
0x28f: {  	_ =	swait.ge [sflag:s8], $0x400  }
0x290: {  	[sflag:s8] =	ssyncset.done $0x0  }
0x291: {  	[sflag:s8] =	ssyncadd.s32 $0xFFFFFC00  }
0x292: {  	_ =	swait.ge [sflag:s8], $0x400  }
0x293: {  	[sflag:s8] =	ssyncset.done $0x0  }
0x294: {  	[sflag:s8] =	ssyncadd.s32 $0xFFFFFC00  }
0x295: {  	_ =	swait.ge [sflag:s8], $0x400  }
0x296: {  	[sflag:s8] =	ssyncset.done $0x0  }
0x297: {  	[sflag:s8] =	ssyncadd.s32 $0xFFFFFC00  }
0x298: {  	_ =	swait.ge [sflag:s8], $0x400  }
0x299: {  	[sflag:s8] =	ssyncset.done $0x0  }
0x29a: {  	[sflag:s8] =	ssyncadd.s32 $0xFFFFFC00  }
0x29b: {  	_ =	swait.ge [sflag:s8], $0x400  }
0x29c: {  	[sflag:s8] =	ssyncset.done $0x0  }
0x29d: {  	[sflag:s8] =	ssyncadd.s32 $0xFFFFFC00  }
0x29e: {  	_ =	swait.ge [sflag:s8], $0x400  }
0x29f: {  	[sflag:s8] =	ssyncset.done $0x0  }
0x2a0: {  	s0 =	simm.s32 $0x1800;
	s3 =	simm.s32 $0x6000;
	[sflag:s8] =	ssyncadd.s32 $0xFFFFFC00  }
0x2a1: {  	[spmem:s21] =	stream.indirect.scatter.add.bf16 [tilespmem:s3], [sflag:$0x6], $0x8, s0, s5, $0xb8;
	[tilespmem:$0x16690] =	vst v63  }
0x2a2: {  	s7 =	simm.s32 $0x1880;
	s9 =	simm.s32 $0x6400  }
0x2a3: {  	[spmem:s21] =	stream.indirect.scatter.add.bf16 [tilespmem:s9], [sflag:$0x6], $0x8, s7, s5, $0xb8;
	[tilespmem:$0x16690] =	vst v63  }
0x2a4: {  	s6 =	simm.s32 $0x6800;
	s3 =	simm.s32 $0x1900  }
0x2a5: {  	[spmem:s21] =	stream.indirect.scatter.add.bf16 [tilespmem:s6], [sflag:$0x6], $0x8, s3, s5, $0xb8;
	[tilespmem:$0x16690] =	vst v63  }
0x2a6: {  	s7 =	simm.s32 $0x1980;
	s9 =	simm.s32 $0x6C00  }
0x2a7: {  	[spmem:s21] =	stream.indirect.scatter.add.bf16 [tilespmem:s9], [sflag:$0x6], $0x8, s7, s5, $0xb8;
	[tilespmem:$0x16690] =	vst v63  }
0x2a8: {  	s3 =	simm.s32 $0x1A00;
	s6 =	simm.s32 $0x7000  }
0x2a9: {  	[spmem:s21] =	stream.indirect.scatter.add.bf16 [tilespmem:s6], [sflag:$0x6], $0x8, s3, s5, $0xb8;
	[tilespmem:$0x16690] =	vst v63  }
0x2aa: {  	s7 =	simm.s32 $0x1A80;
	s9 =	simm.s32 $0x7400  }
0x2ab: {  	[spmem:s21] =	stream.indirect.scatter.add.bf16 [tilespmem:s9], [sflag:$0x6], $0x8, s7, s5, $0xb8;
	[tilespmem:$0x16690] =	vst v63  }
0x2ac: {  	s3 =	simm.s32 $0x1B00;
	s6 =	simm.s32 $0x7800  }
0x2ad: {  	[spmem:s21] =	stream.indirect.scatter.add.bf16 [tilespmem:s6], [sflag:$0x6], $0x8, s3, s5, $0xb8;
	[tilespmem:$0x16690] =	vst v63  }
0x2ae: {  	s7 =	simm.s32 $0x1B80;
	s9 =	simm.s32 $0x7C00  }
0x2af: {  	[spmem:s21] =	stream.indirect.scatter.add.bf16 [tilespmem:s9], [sflag:$0x6], $0x8, s7, s5, $0xb8;
	[tilespmem:$0x16690] =	vst v63  }
0x2b0: {  	s3 =	simm.s32 $0x1C00;
	s6 =	simm.s32 $0x8000  }
0x2b1: {  	[spmem:s21] =	stream.indirect.scatter.add.bf16 [tilespmem:s6], [sflag:$0x6], $0x8, s3, s5, $0xb8;
	[tilespmem:$0x16690] =	vst v63  }
0x2b2: {  	s7 =	simm.s32 $0x1C80;
	s9 =	simm.s32 $0x8400  }
0x2b3: {  	[spmem:s21] =	stream.indirect.scatter.add.bf16 [tilespmem:s9], [sflag:$0x6], $0x8, s7, s5, $0xb8;
	[tilespmem:$0x16690] =	vst v63  }
0x2b4: {  	s3 =	simm.s32 $0x1D00;
	s6 =	simm.s32 $0x8800  }
0x2b5: {  	[spmem:s21] =	stream.indirect.scatter.add.bf16 [tilespmem:s6], [sflag:$0x6], $0x8, s3, s5, $0xb8;
	[tilespmem:$0x16690] =	vst v63  }
0x2b6: {  	s7 =	simm.s32 $0x1D80;
	s9 =	simm.s32 $0x8C00  }
0x2b7: {  	[spmem:s21] =	stream.indirect.scatter.add.bf16 [tilespmem:s9], [sflag:$0x6], $0x8, s7, s5, $0xb8;
	[tilespmem:$0x16690] =	vst v63  }
0x2b8: {  	s3 =	simm.s32 $0x1E00;
	s6 =	simm.s32 $0x9000  }
0x2b9: {  	[spmem:s21] =	stream.indirect.scatter.add.bf16 [tilespmem:s6], [sflag:$0x6], $0x8, s3, s5, $0xb8;
	[tilespmem:$0x16690] =	vst v63  }
0x2ba: {  	s7 =	simm.s32 $0x1E80;
	s9 =	simm.s32 $0x9400  }
0x2bb: {  	[spmem:s21] =	stream.indirect.scatter.add.bf16 [tilespmem:s9], [sflag:$0x6], $0x8, s7, s5, $0xb8;
	[tilespmem:$0x16690] =	vst v63  }
0x2bc: {  	s3 =	simm.s32 $0x1F00;
	s6 =	simm.s32 $0x9800  }
0x2bd: {  	[spmem:s21] =	stream.indirect.scatter.add.bf16 [tilespmem:s6], [sflag:$0x6], $0x8, s3, s5, $0xb8;
	[tilespmem:$0x16690] =	vst v63  }
0x2be: {  	s7 =	simm.s32 $0x1F80;
	s9 =	simm.s32 $0x9C00  }
0x2bf: {  	[spmem:s21] =	stream.indirect.scatter.add.bf16 [tilespmem:s9], [sflag:$0x6], $0x8, s7, s5, $0xb8;
	[tilespmem:$0x16690] =	vst v63  }
0x2c0: {  	_ =	swait.ge [sflag:s12], $0x400  }
0x2c1: {  	[sflag:s12] =	ssyncset.done $0x0  }
0x2c2: {  	[sflag:s12] =	ssyncadd.s32 $0xFFFFFC00  }
0x2c3: {  	_ =	swait.ge [sflag:s12], $0x400  }
0x2c4: {  	[sflag:s12] =	ssyncset.done $0x0  }
0x2c5: {  	[sflag:s12] =	ssyncadd.s32 $0xFFFFFC00  }
0x2c6: {  	_ =	swait.ge [sflag:s12], $0x400  }
0x2c7: {  	[sflag:s12] =	ssyncset.done $0x0  }
0x2c8: {  	[sflag:s12] =	ssyncadd.s32 $0xFFFFFC00  }
0x2c9: {  	_ =	swait.ge [sflag:s12], $0x400  }
0x2ca: {  	[sflag:s12] =	ssyncset.done $0x0  }
0x2cb: {  	[sflag:s12] =	ssyncadd.s32 $0xFFFFFC00  }
0x2cc: {  	_ =	swait.ge [sflag:s12], $0x400  }
0x2cd: {  	[sflag:s12] =	ssyncset.done $0x0  }
0x2ce: {  	[sflag:s12] =	ssyncadd.s32 $0xFFFFFC00  }
0x2cf: {  	_ =	swait.ge [sflag:s12], $0x400  }
0x2d0: {  	[sflag:s12] =	ssyncset.done $0x0  }
0x2d1: {  	[sflag:s12] =	ssyncadd.s32 $0xFFFFFC00  }
0x2d2: {  	_ =	swait.ge [sflag:s12], $0x400  }
0x2d3: {  	[sflag:s12] =	ssyncset.done $0x0  }
0x2d4: {  	[sflag:s12] =	ssyncadd.s32 $0xFFFFFC00  }
0x2d5: {  	_ =	swait.ge [sflag:s12], $0x400  }
0x2d6: {  	[sflag:s12] =	ssyncset.done $0x0  }
0x2d7: {  	[sflag:s12] =	ssyncadd.s32 $0xFFFFFC00  }
0x2d8: {  	_ =	swait.ge [sflag:s12], $0x400  }
0x2d9: {  	[sflag:s12] =	ssyncset.done $0x0  }
0x2da: {  	[sflag:s12] =	ssyncadd.s32 $0xFFFFFC00  }
0x2db: {  	_ =	swait.ge [sflag:s12], $0x400  }
0x2dc: {  	[sflag:s12] =	ssyncset.done $0x0  }
0x2dd: {  	[sflag:s12] =	ssyncadd.s32 $0xFFFFFC00  }
0x2de: {  	_ =	swait.ge [sflag:s12], $0x400  }
0x2df: {  	[sflag:s12] =	ssyncset.done $0x0  }
0x2e0: {  	[sflag:s12] =	ssyncadd.s32 $0xFFFFFC00  }
0x2e1: {  	_ =	swait.ge [sflag:s12], $0x400  }
0x2e2: {  	[sflag:s12] =	ssyncset.done $0x0  }
0x2e3: {  	[sflag:s12] =	ssyncadd.s32 $0xFFFFFC00  }
0x2e4: {  	_ =	swait.ge [sflag:s12], $0x400  }
0x2e5: {  	[sflag:s12] =	ssyncset.done $0x0  }
0x2e6: {  	[sflag:s12] =	ssyncadd.s32 $0xFFFFFC00  }
0x2e7: {  	_ =	swait.ge [sflag:s12], $0x400  }
0x2e8: {  	[sflag:s12] =	ssyncset.done $0x0  }
0x2e9: {  	[sflag:s12] =	ssyncadd.s32 $0xFFFFFC00  }
0x2ea: {  	_ =	swait.ge [sflag:s12], $0x400  }
.Ltmp6:
0x2eb: {  	[sflag:s12] =	ssyncset.done $0x0;
	(pc) =	sbr.rel .LBB3_5-.Ltmp6, $4  }
0x2ec: {  	[sflag:s12] =	ssyncadd.s32 $0xFFFFFC00  }
0x2ed: {  	_ =	swait.ge [sflag:s12], $0x400  }
0x2ee: {  	[sflag:s12] =	ssyncset.done $0x0  }
0x2ef: {  	[sflag:s12] =	ssyncadd.s32 $0xFFFFFC00  }
.LBB3_7:
0x2f0: {  	_ =	sfence.sel $0x180000  }
0x2f1: {  	[bflag:$0x0] =	sbarrier.arrive $0xFFFF  }
0x2f2: {  	_ =	strace $0x9000004A  }
0x2f3: {  	s0 =	stileid.u32;
	[bflag:$0x2] =	sbarrier.arrive $0xFFFF  }
0x2f4: {  	p0 =	sne.s32 s0, $0x0;
	s0 =	sld [smem:$0x7F4];
	_ =	sdelay $0x2  }
0x2f5: {  	s0 =	sadd.s32 @!p0 $0x100000, s0  }
0x2f6: {  	[sflag:s0] =	ssyncadd.tile.s32 @!p0 $0x1;
	_ =	shalt  }
.Lfunc_end3:
_tile_overlayer_lowered:
.L_overlay_start_3:
0x2f7: {  	(tag) =	ssettag $0x3  }
0x2f8: {  	s0 =	rddreg [dreg:$0x0];
	s2 =	stileid.u32  }
0x2f9: {  	s1 =	rddreg [dreg:$0x1];
	p0 =	sne.s32 s2, $0x0  }
0x2fa: {  	s3 =	rddreg [dreg:$0x2];
	[bflag:$0x3] =	sbarrier.arrive $0xFFFF;
	s2 =	simm.s32 @!p0 $0x1C07  }
0x2fb: {  	[timem:s3], [sflag:s2] =	dma.local @!p0 [hbm:s0], s1  }
0x2fc: {  	s0 =	simm.s32 @!p0 $0x7  }
0x2fd: {  	_ =	swait.ge @!p0 [sflag:s0], s1  }
0x2fe: {  	s1 =	ssub.s32 @!p0 $0x0, s1;
	[sflag:s0] =	ssyncset.done @!p0 $0x0  }
0x2ff: {  	[sflag:s0] =	ssyncadd.s32 @!p0 s1  }
0x300: {  	[bflag:$0x3] =	sbarrier.arrive $0xFFFF  }
0x301: {  	_ =	shalt  }

// kernel: sparse-core-data-format-call.cloned.1.call-start
scs
called_computation_lowered:
.L_overlay_start_0:
0x0: {  	s1 =	sld [smem:$0x3FD9]  }
0x1: {  	s2 =	sld [smem:$0x3FFE];
	_ =	sdelay $0x1  }
0x2: {  	s3 =	srdreg.scid  }
0x3: {  	s0 =	sand.u32 $0x1, s3  }
0x4: {  	s17 =	sshll.u32 s0, $0xA;
	s1 =	sadd.s32 s2, s1  }
0x5: {  	s1 =	sadd.s32 s1, s17  }
0x6: {  	[smem:$0x3F93] =	sst s1  }
0x7: {  	_ = 	snop  }
0x8: {  	(tm) =	ssettm $0x1  }
0x9: {  	s18 =	sld [smem:$0x3FFB];
	_ =	sdelay $0x3  }
0xa: {  	_ =	strace s18  }
0xb: {  	s1 =	sld [smem:$0x3FFC];
	_ =	sdelay $0x3  }
0xc: {  	_ =	strace s1  }
0xd: {  	s1 =	sld [smem:$0x3FFD];
	_ =	sdelay $0x3  }
0xe: {  	_ =	strace s1  }
0xf: {  	_ =	strace $0x8FFFFFFF  }
0x10: {  	s19 =	sld [smem:$0x3FDB];
	_ =	sdelay $0x1  }
0x11: {  	s20 =	simm.s32 $_scs_section_size  }
0x12: {  	s4 =	simm.s32 $_size__tile_overlayer_lowered;
	s5 =	simm.s32 $_tile_overlayer_lowered  }
0x13: {  	s23 =	simm.s32 $0x1BFF;
	s22 =	sshll.u32 s5, $0x1;
	s1 =	sadd.s32 s20, s19  }
0x14: {  	s6 =	simm.s32 $0x0;
	s21 =	sshll.u32 s4, $0x1;
	s4 =	sadd.s32 s22, s1  }
0x15: {  	[timem:s6], [sflag:s23] =	dma.local [hbm:s4], s21  }
0x16: {  	_ =	swait.ge [sflag:s23], s21  }
0x17: {  	s2 =	ssub.s32 $0x0, s21;
	[sflag:s23] =	ssyncset.done $0x0  }
0x18: {  	[sflag:s23] =	ssyncadd.s32 s2;
	_ =	sdelay $0x1  }
0x19: {  	s24 =	simm.s32 $0x1B8B  }
0x1a: {  	_ =	swait.ge [sflag:s24], $0x1  }
0x1b: {  	[sflag:s24] =	ssyncset.done $0x0  }
0x1c: {  	s26 =	simm.s32 $0x1B8E;
	s25 =	sld [smem:$0x3FFE];
	[sflag:s24] =	ssyncadd.s32 $0xFFFFFFFF  }
0x1d: {  	s27 =	simm.s32 $execute0_lowered;
	[smem:$0x3FD2] =	sst s26  }
0x1e: {  	s4 =	sshll.u32 s27, $0x1;
	_ =	strace $0x80000046;
	[dreg:$0x1] =	wrdreg $0xFFFFFFFF  }
0x1f: {  	s28 =	simm.s32 $_size_execute0_lowered;
	s1 =	sadd.s32 s1, s4;
	[dreg:$0x0] =	wrdreg $0x0  }
0x20: {  	s4 =	sshll.u32 s28, $0x1;
	[dreg:$0x2] =	wrdreg s1  }
0x21: {  	[dreg:$0x3] =	wrdreg s4  }
0x22: {  	[dreg:$0x4] =	wrdreg $0xC0  }
0x23: {  	_ =	task [dreg:s6], $0x5FFFF  }
0x24: {  	[dreg:$0x1] =	wrdreg $0xFFFFFFFF  }
0x25: {  	[dreg:$0x0] =	wrdreg $0x60  }
0x26: {  	[dreg:$0x2] =	wrdreg s25  }
0x27: {  	[dreg:$0x3] =	wrdreg $0x9  }
0x28: {  	_ =	task.clear_ibuf [dreg:s6], $0x4FFFF;
	_ =	strace $0x90000046  }
0x29: {  	s29 =	simm.s32 $0x9;
	_ =	strace $0x80000048  }
0x2a: {  	_ =	swait.ge [sflag:s29], $0x1  }
0x2b: {  	[sflag:s29] =	ssyncadd.s32 $0xFFFFFFFF  }
0x2c: {  	_ =	strace $0x90000048  }
0x2d: {  	_ =	sfence  }
0x2e: {  	s30 =	sld [smem:$0x0];
	_ =	sdelay $0x2  }
0x2f: {  	s31 =	sshll.u32 s3, $0xD;
	s3 =	sshrl.u32 s3, $0x2  }
0x30: {  	s2 =	sand.u32 $0x4000, s31;
	s1 =	sadd.s32 s3, s30  }
0x31: {  	s0 =	sor.u32 s2, s0;
	s1 =	sshll.u32 s1, $0x11  }
0x32: {  	s0 =	sor.u32 s1, s0  }
0x33: {  	s0 =	sadd.s32 $0x8F2B, s0  }
0x34: {  	[sflag:s0] =	ssyncadd.remote.s32 $0x1  }
0x35: {  	_ =	sfence.sel $0xFFFF  }
0x36: {  	[dreg:$0x0] =	wrdreg $0xFFFFFFFF;
	(pc) =	sbr.abs _section_cstart, $3  }
0x37: {  	[dreg:$0x1] =	wrdreg $0xFFFFFFFF  }
0x38: {  	_ =	task.clear_ibuf [dreg:s6], $0x2FFFF;
	_ =	strace $0x9FFFFFFF  }
0x39: {  	(tm) =	ssettm $0x7FFFFFFF  }
tec
execute0_lowered:
.L_overlay_start_1:
0x0: {  	(tag) =	ssettag $0x1  }
0x1: {  	s0 =	srdreg.scid  }
0x2: {  	s5 =	rddreg [dreg:$0x0];
	s1 =	stileid.u32;
	s4 =	simm.s32 $0x1  }
0x3: {  	s6 =	simm.s32 $0x2;
	s8 =	simm.s32 $0x0;
	s2 =	sshll.u32 s0, $0x4  }
0x4: {  	s9 =	simm.s32 $0x0;
	s13 =	simm.s32 $0x0;
	s2 =	sand.u32 $0x10, s2  }
.Ltmp0:
0x5: {  	s10 =	simm.s32 $0x0;
	s3 =	sor.u32 s1, s2;
	(pc) =	sbr.rel .LBB1_1-.Ltmp0, $4  }
0x6: {  	s0 =	rddreg [dreg:$0x1];
	_ =	strace $0x80000047;
	s3 =	sshll.u32 s3, $0x4  }
0x7: {  	s12 =	simm.s32 $0x0;
	[sflag:s4] =	ssyncpa.u1 $0x0;
	s7 =	ssub.s32 $0x61A0, s3  }
0x8: {  	s2 =	sadd.s32 $0x187600, s5;
	[sflag:s6] =	ssyncpa.u1 $0x0;
	s6 =	sshrl.u32 s7, $0x9  }
0x9: {  	s5 =	sadd.s32 $0x494A00, s5;
	s11 =	smov.u32 s3;
	s7 =	sadd.s32 $0x2, s6  }
.LBB1_7:
0xa: {  	s15 =	sshll.u32 s12, $0xF  }
0xb: {  	s15 =	sand.u32 $0x8000, s15  }
0xc: {  	s16 =	sshll.u32 s10, $0x7;
	s15 =	sshrl.u32 s15, $0x1  }
0xd: {  	s16 =	sadd.s32 s5, s16;
	s15 =	sor.u32 $0x8000, s15  }
0xe: {  	[hbm4b:s16+s8] =	stream.linear.scatter [tilespmem:s15], [sflag:$0x2], s14, $0x38;
	[tilespmem:$0x10000] =	vst v63  }
.LBB1_8:
0xf: {  	p0 =	slt.u32 s12, $0x2  }
0x10: {  	p1 =	sgt.s32 @!p0 s13, $0x6198  }
0x11: {  	s14 =	smov.u32 s13;
	s15 =	sshra.s32 @!p0 s13, $0x1F;
	p1 =	por !p1, p0  }
0x12: {  	s13 =	sand.u32 @!p0 s15, s13;
	s14 =	simm.s32 @p1 $0x6198  }
0x13: {  	s13 =	ssub.s32 @!p0 s14, s13  }
0x14: {  	s13 =	sadd.s32 @!p0 $0xFFFF9E68, s13  }
0x15: {  	s14 =	sshll.u32 @!p0 s13, $0xC  }
0x16: {  	p1 =	sgt.s32 @!p0 s13, $0xF;
	s13 =	ssub.s32 @!p0 $0x10000, s14  }
0x17: {  	s15 =	sadd.s32 $0x200, s11;
	p1 =	por !p1, p0;
	s13 =	sshrl.u32 @!p0 s13, $0x2  }
0x18: {  	s13 =	simm.s32 @!p1 $0x0;
	p1 =	sgt.s32 s15, $0x61A7  }
0x19: {  	s15 =	smov.u32 @p1 s3;
	p1 =	sne.s32 s12, s7  }
.Ltmp1:
0x1a: {  	_ = 	snop;
	(pc) =	sbr.rel @!p1 .LBB1_9-.Ltmp1, $4  }
0x1b: {  	s14 =	simm.s32 @!p0 $0x2  }
0x1c: {  	s9 =	sadd.s32 $0x8000, s9;
	_ =	swait.ge @!p0 [sflag:s14], s13;
	s16 =	ssub.s32 @!p0 $0x0, s13  }
0x1d: {  	s13 =	smov.u32 s10;
	s12 =	sadd.s32 $0x1, s12;
	[sflag:s14] =	ssyncset.done @!p0 $0x0  }
0x1e: {  	s10 =	smov.u32 s11;
	s11 =	smov.u32 s15;
	[sflag:s14] =	ssyncadd.s32 @!p0 s16  }
.LBB1_1:
0x1f: {  	p0 =	sgt.u32 s12, s6  }
0x20: {  	p1 =	sgt.s32 @!p0 s11, $0x6198  }
0x21: {  	s14 =	smov.u32 s11;
	s15 =	sshra.s32 @!p0 s11, $0x1F;
	p1 =	por !p1, p0  }
0x22: {  	s15 =	sand.u32 @!p0 s15, s11;
	s14 =	simm.s32 @p1 $0x6198  }
0x23: {  	s14 =	ssub.s32 @!p0 s14, s15  }
0x24: {  	s14 =	sadd.s32 @!p0 $0xFFFF9E68, s14  }
0x25: {  	s16 =	sshll.u32 @!p0 s11, $0x7;
	s17 =	simm.s32 @!p0 $0x0;
	s15 =	sshll.u32 @!p0 s14, $0xC  }
0x26: {  	p1 =	sgt.s32 @!p0 s14, $0xF;
	s14 =	ssub.s32 @!p0 $0x10000, s15;
	s15 =	sxor.u32 @!p0 $0xFFFFFFFF, s12  }
0x27: {  	p1 =	por !p1, p0;
	s14 =	sshrl.u32 @!p0 s14, $0x2;
	s15 =	sshll.u32 @!p0 s15, $0xE  }
0x28: {  	s16 =	sadd.s32 @!p0 s2, s16;
	s14 =	simm.s32 @!p1 $0x0;
	s15 =	sand.u32 @!p0 $0x4000, s15  }
0x29: {  	[tilespmem:s15], [sflag:$0x1] =	stream.linear.gather @!p0 [hbm4b:s16+s17], s14, $0x38;
	[tilespmem:$0x10000] =	vst v63  }
0x2a: {  	p0 =	seq.s32 s12, $0x0  }
0x2b: {  	p1 =	sge.u32 @!p0 s12, s7  }
0x2c: {  	p0 =	por p0, p1  }
.Ltmp2:
0x2d: {  	_ = 	snop;
	(pc) =	sbr.rel @p0 .LBB1_8-.Ltmp2, $1  }
0x2e: {  	_ =	sdelay $0x3  }
0x2f: {  	p0 =	sgt.s32 s10, $0x6198;
	s14 =	smov.u32 s10;
	s15 =	sshra.s32 s10, $0x1F  }
0x30: {  	s14 =	simm.s32 @!p0 $0x6198;
	s15 =	sand.u32 s15, s10  }
0x31: {  	s14 =	ssub.s32 s14, s15  }
0x32: {  	s16 =	sadd.s32 $0x10, s10;
	s14 =	sadd.s32 $0xFFFF9E68, s14  }
0x33: {  	p1 =	slt.s32 s16, $0x61A8;
	s30 =	sshll.u32 s14, $0xC  }
0x34: {  	s16 =	simm.s32 @!p1 $0x61A8;
	s15 =	ssub.s32 $0x10000, s30  }
0x35: {  	p0 =	sgt.s32 s14, $0xF;
	s14 =	sshrl.u32 s15, $0x2;
	s15 =	ssub.s32 s16, s10  }
0x36: {  	s14 =	simm.s32 @p0 $0x0;
	p0 =	slt.s32 s15, $0x1  }
.Ltmp3:
0x37: {  	_ = 	snop;
	(pc) =	sbr.rel @p0 .LBB1_7-.Ltmp3, $4  }
0x38: {  	_ = 	snop  }
0x39: {  	_ =	swait.ge [sflag:s4], s14  }
0x3a: {  	s31 =	ssub.s32 $0x0, s14;
	[sflag:s4] =	ssyncset.done $0x0  }
0x3b: {  	[sflag:s4] =	ssyncadd.s32 s31  }
0x3c: {  	s16 =	sshrl.u32 s9, $0x1  }
0x3d: {  	s17 =	sand.u32 $0x4000, s16  }
0x3e: {  	s18 =	simm.s32 $0x0;
	s16 =	sor.u32 $0x200, s17;
	s17 =	sor.u32 $0x8080, s17  }
.LBB1_4:
0x3f: {  	v0 =	vld [tilespmem:s16+$0xFFFFFE70]  }
0x40: {  	v1 =	vld [tilespmem:s16+$0x70]  }
0x41: {  	v2 =	vld [tilespmem:s16+$0x0]  }
0x42: {  	v3 =	vld [tilespmem:s16+$0xFFFFFE10]  }
0x43: {  	v4 =	vld [tilespmem:s16+$0x10]  }
0x44: {  	v5 =	vld [tilespmem:s16+$0xFFFFFE20]  }
0x45: {  	v7 =	vld [tilespmem:s16+$0x20]  }
0x46: {  	v11 =	vld [tilespmem:s16+$0x30];
	v6 =	vunpack.i.l.s16.s32 v0;
	v8 =	vunpack.i.u.s16.s32 v0;
	v9 =	vunpack.i.u.s16.s32 v1  }
0x47: {  	v10 =	vunpack.i.l.s16.s32 v1;
	v0 =	vunpack.i.u.s16.s32 v2;
	v1 =	vunpack.i.l.s16.s32 v2;
	v2 =	vld [tilespmem:s16+$0xFFFFFE30]  }
0x48: {  	v8 =	vpack.i.b32.b16 v9, v8;
	v9 =	vunpack.i.u.s16.s32 v3;
	v3 =	vunpack.i.l.s16.s32 v3  }
0x49: {  	v12 =	vld [tilespmem:s16+$0xFFFFFE40];
	v6 =	vpack.i.b32.b16 v10, v6;
	[tilespmem:s17+$0x70] =	vst v8;
	v8 =	vunpack.i.u.s16.s32 v4;
	v4 =	vunpack.i.l.s16.s32 v4  }
0x4a: {  	v13 =	vld [tilespmem:s16+$0x40];
	v10 =	vunpack.i.u.s16.s32 v5;
	v5 =	vunpack.i.l.s16.s32 v5;
	[tilespmem:s17+$0xFFFFFFF0] =	vst v6;
	v3 =	vpack.i.b32.b16 v4, v3  }
0x4b: {  	v6 =	vunpack.i.l.s16.s32 v7;
	v4 =	vld [tilespmem:s16+$0xFFFFFE50];
	[tilespmem:s17+$0xFFFFFF90] =	vst v3;
	v3 =	vpack.i.b32.b16 v8, v9;
	v8 =	vunpack.i.u.s16.s32 v7  }
0x4c: {  	v7 =	vunpack.i.l.s16.s32 v11;
	[tilespmem:s17+$0x10] =	vst v3;
	v3 =	vpack.i.b32.b16 v6, v5;
	v9 =	vunpack.i.u.s16.s32 v2;
	v6 =	vld [tilespmem:s16+$0x50]  }
0x4d: {  	v5 =	vunpack.i.l.s16.s32 v2;
	v2 =	vld [tilespmem:s16+$0xFFFFFE60];
	[tilespmem:s17+$0xFFFFFFA0] =	vst v3;
	v3 =	vpack.i.b32.b16 v8, v10;
	v10 =	vunpack.i.u.s16.s32 v11  }
0x4e: {  	s21 =	simm.s32 $0x0;
	v11 =	vpack.i.b32.b16 v7, v5;
	v7 =	vunpack.i.u.s16.s32 v12;
	v8 =	vunpack.i.l.s16.s32 v12;
	[tilespmem:s17+$0x20] =	vst v3;
	v3 =	vld [tilespmem:s16+$0x60]  }
0x4f: {  	s22 =	sadd.s32 $0x80, s16;
	s20 =	smov.u32 s17;
	s19 =	smov.u32 s17;
	v5 =	vld [tilespmem:s16+$0xFFFFFE00];
	[tilespmem:s17+$0xFFFFFFB0] =	vst v11;
	v10 =	vpack.i.b32.b16 v10, v9;
	v9 =	vunpack.i.u.s16.s32 v13;
	v11 =	vunpack.i.l.s16.s32 v13  }
.LBB1_5:
0x50: {  	v12 =	vld [tilespmem:s22+$0xFFFFFE70];
	[tilespmem:s20+$0x30] =	vst v10;
	v8 =	vpack.i.b32.b16 v11, v8;
	v10 =	vunpack.i.u.s16.s32 v4;
	v4 =	vunpack.i.l.s16.s32 v4  }
0x51: {  	s21 =	sadd.s32 $0x2, s21;
	v7 =	vpack.i.b32.b16 v9, v7;
	v11 =	vld [tilespmem:s22+$0x70];
	[tilespmem:s20+$0xFFFFFFC0] =	vst v8;
	v8 =	vunpack.i.u.s16.s32 v6;
	v6 =	vunpack.i.l.s16.s32 v6  }
0x52: {  	p0 =	slt.u32 s21, $0x6;
	v9 =	vld [tilespmem:s22+$0x0];
	[tilespmem:s20+$0x40] =	vst v7;
	v4 =	vpack.i.b32.b16 v6, v4;
	v6 =	vunpack.i.u.s16.s32 v2;
	v2 =	vunpack.i.l.s16.s32 v2  }
0x53: {  	v7 =	vld [tilespmem:s22+$0xFFFFFE10];
	[tilespmem:s20+$0xFFFFFFD0] =	vst v4;
	v4 =	vpack.i.b32.b16 v8, v10;
	v8 =	vunpack.i.u.s16.s32 v3;
	v3 =	vunpack.i.l.s16.s32 v3  }
0x54: {  	v10 =	vld [tilespmem:s22+$0x10];
	v13 =	vunpack.i.u.s16.s32 v5;
	v5 =	vunpack.i.l.s16.s32 v5;
	[tilespmem:s20+$0x50] =	vst v4;
	v2 =	vpack.i.b32.b16 v3, v2  }
0x55: {  	v3 =	vld [tilespmem:s22+$0xFFFFFE20];
	v4 =	vunpack.i.l.s16.s32 v12;
	v1 =	vpack.i.b32.b16 v1, v5;
	v5 =	vpack.i.b32.b16 v0, v13;
	[tilespmem:s20+$0xFFFFFFE0] =	vst v2  }
0x56: {  	v12 =	vunpack.i.u.s16.s32 v12;
	v2 =	vld [tilespmem:s22+$0x20];
	v13 =	vunpack.i.u.s16.s32 v11;
	v11 =	vunpack.i.l.s16.s32 v11;
	[tilespmem:s20+$0xFFFFFF80] =	vst v1  }
0x57: {  	s20 =	sadd.s32 $0x100, s20;
	v0 =	vunpack.i.u.s16.s32 v9;
	v1 =	vunpack.i.l.s16.s32 v9;
	v9 =	vld [tilespmem:s22+$0xFFFFFE30];
	v12 =	vpack.i.b32.b16 v13, v12;
	[tilespmem:s19+$0x0] =	vst v5  }
0x58: {  	v6 =	vpack.i.b32.b16 v8, v6;
	v5 =	vunpack.i.u.s16.s32 v7;
	v7 =	vunpack.i.l.s16.s32 v7;
	v13 =	vld [tilespmem:s22+$0x30];
	[tilespmem:s20+$0x70] =	vst v12  }
0x59: {  	v4 =	vpack.i.b32.b16 v11, v4;
	v8 =	vunpack.i.u.s16.s32 v10;
	v10 =	vunpack.i.l.s16.s32 v10;
	v12 =	vld [tilespmem:s22+$0xFFFFFE40];
	[tilespmem:s19+$0x60] =	vst v6;
	s19 =	smov.u32 s20  }
0x5a: {  	v6 =	vpack.i.b32.b16 v10, v7;
	v7 =	vunpack.i.u.s16.s32 v3;
	v3 =	vunpack.i.l.s16.s32 v3;
	v11 =	vld [tilespmem:s22+$0x40];
	[tilespmem:s20+$0xFFFFFFF0] =	vst v4  }
.Ltmp4:
0x5b: {  	v5 =	vpack.i.b32.b16 v8, v5;
	[tilespmem:s20+$0xFFFFFF90] =	vst v6;
	v8 =	vunpack.i.u.s16.s32 v2;
	v2 =	vunpack.i.l.s16.s32 v2;
	v4 =	vld [tilespmem:s22+$0xFFFFFE50];
	(pc) =	sbr.rel @p0 .LBB1_5-.Ltmp4, $4  }
0x5c: {  	[tilespmem:s20+$0x10] =	vst v5;
	v2 =	vpack.i.b32.b16 v2, v3;
	v10 =	vunpack.i.u.s16.s32 v9;
	v3 =	vunpack.i.l.s16.s32 v9;
	v6 =	vld [tilespmem:s22+$0x50]  }
0x5d: {  	v5 =	vpack.i.b32.b16 v8, v7;
	[tilespmem:s20+$0xFFFFFFA0] =	vst v2;
	v9 =	vunpack.i.u.s16.s32 v13;
	v7 =	vunpack.i.l.s16.s32 v13;
	v2 =	vld [tilespmem:s22+$0xFFFFFE60]  }
0x5e: {  	[tilespmem:s20+$0x20] =	vst v5;
	v13 =	vpack.i.b32.b16 v7, v3;
	v7 =	vunpack.i.u.s16.s32 v12;
	v8 =	vunpack.i.l.s16.s32 v12;
	v3 =	vld [tilespmem:s22+$0x60]  }
0x5f: {  	v10 =	vpack.i.b32.b16 v9, v10;
	v5 =	vld [tilespmem:s22+$0xFFFFFE00];
	[tilespmem:s20+$0xFFFFFFB0] =	vst v13;
	v9 =	vunpack.i.u.s16.s32 v11;
	v11 =	vunpack.i.l.s16.s32 v11;
	s22 =	sadd.s32 $0x80, s22  }
0x60: {  	[tilespmem:s20+$0x30] =	vst v10;
	v8 =	vpack.i.b32.b16 v11, v8  }
0x61: {  	v51 =	vunpack.i.l.s16.s32 v4;
	v7 =	vpack.i.b32.b16 v9, v7;
	[tilespmem:s20+$0xFFFFFFC0] =	vst v8;
	v52 =	vunpack.i.l.s16.s32 v6  }
0x62: {  	v53 =	vunpack.i.u.s16.s32 v4;
	s18 =	sadd.s32 $0x1, s18;
	v54 =	vunpack.i.u.s16.s32 v6;
	[tilespmem:s20+$0x40] =	vst v7;
	v55 =	vpack.i.b32.b16 v52, v51  }
0x63: {  	p0 =	sne.s32 s18, s15;
	v56 =	vunpack.i.l.s16.s32 v2;
	v4 =	vpack.i.b32.b16 v54, v53;
	[tilespmem:s20+$0xFFFFFFD0] =	vst v55;
	v57 =	vunpack.i.l.s16.s32 v3  }
.Ltmp5:
0x64: {  	[tilespmem:s20+$0x50] =	vst v4;
	v58 =	vunpack.i.l.s16.s32 v5;
	v59 =	vpack.i.b32.b16 v57, v56;
	(pc) =	sbr.rel @p0 .LBB1_4-.Ltmp5, $4  }
.Ltmp6:
0x65: {  	v61 =	vunpack.i.u.s16.s32 v2;
	v62 =	vunpack.i.u.s16.s32 v3;
	v1 =	vpack.i.b32.b16 v1, v58;
	[tilespmem:s20+$0xFFFFFFE0] =	vst v59;
	(pc) =	sbr.rel @!p0 .LBB1_7-.Ltmp6, $4  }
0x66: {  	v60 =	vunpack.i.u.s16.s32 v5;
	v63 =	vpack.i.b32.b16 v62, v61;
	[tilespmem:s20+$0xFFFFFF80] =	vst v1  }
0x67: {  	v0 =	vpack.i.b32.b16 v0, v60;
	[tilespmem:s19+$0x60] =	vst v63  }
0x68: {  	s16 =	sadd.s32 $0x400, s16;
	s17 =	sadd.s32 $0x400, s17;
	[tilespmem:s19+$0x0] =	vst v0  }
0x69: {  	_ = 	snop  }
.LBB1_9:
0x6a: {  	_ =	sfence.sel $0x180000  }
0x6b: {  	s2 =	simm.s32 $0x1;
	[bflag:$0x0] =	sbarrier.arrive $0xFFFF  }
0x6c: {  	s31 =	simm.s32 $0x2;
	[sflag:s2] =	ssyncpa.u1 $0x1  }
0x6d: {  	[sflag:s31] =	ssyncpa.u1 $0x1  }
0x6e: {  	p0 =	sne.s32 s1, $0x0;
	_ =	strace $0x90000047  }
0x6f: {  	s0 =	sadd.s32 @!p0 $0x100000, s0;
	[bflag:$0x2] =	sbarrier.arrive $0xFFFF  }
0x70: {  	[sflag:s0] =	ssyncadd.tile.s32 @!p0 $0x1;
	_ =	shalt  }
.Lfunc_end1:
_tile_overlayer_lowered:
.L_overlay_start_2:
0x71: {  	(tag) =	ssettag $0x2  }
0x72: {  	s0 =	rddreg [dreg:$0x0];
	s2 =	stileid.u32  }
0x73: {  	s1 =	rddreg [dreg:$0x1];
	p0 =	sne.s32 s2, $0x0  }
0x74: {  	s3 =	rddreg [dreg:$0x2];
	[bflag:$0x3] =	sbarrier.arrive $0xFFFF;
	s2 =	simm.s32 @!p0 $0x1C01  }
0x75: {  	[timem:s3], [sflag:s2] =	dma.local @!p0 [hbm:s0], s1  }
0x76: {  	s0 =	simm.s32 @!p0 $0x1  }
0x77: {  	_ =	swait.ge @!p0 [sflag:s0], s1  }
0x78: {  	s1 =	ssub.s32 @!p0 $0x0, s1;
	[sflag:s0] =	ssyncset.done @!p0 $0x0  }
0x79: {  	[sflag:s0] =	ssyncadd.s32 @!p0 s1  }
0x7a: {  	[bflag:$0x3] =	sbarrier.arrive $0xFFFF  }
0x7b: {  	_ =	shalt  }

</sc_bundles>
